<compile_context>
chip_gen: v7x
topology: tpu7x:2x2x1
jax: 0.10.2.dev20260603
libtpu: 0.0.44.dev20260713+nightly
codegen_flags: <defaults>
</compile_context>

<pallas_src>
import functools

import jax
import jax.numpy as jnp
from jax import lax
from jax.experimental import pallas as pl
from jax.experimental.pallas import tpu as pltpu
from jax.experimental.pallas import tpu_sc as plsc

N = 10000
E = 320000
D = 128
NG = 64
NC = 2
NS = 16
NW = NC * NS
EW = E // NW
CH = 80
NCH = EW // CH
BE = 4000
EH = E // 2
CHH = 40
NBH = EH // BE

_SELU_L = 1.0507009873554804934193349852946
_SELU_A = 1.6732632423543772848170429916717


def _selu(z):
    return _SELU_L * jnp.where(z > 0, z, _SELU_A * (jnp.exp(z) - 1.0))



def _mesh():
    return plsc.VectorSubcoreMesh(core_axis_name="c", subcore_axis_name="s")


@functools.cache
def _build_sc_gather(n_e, CH):
    NCH = n_e // NW // CH
    TB = (CH, 2 * D)
    PB = (CH, D)

    @functools.partial(
        pl.kernel,
        out_type=(jax.ShapeDtypeStruct((n_e, 2 * D), jnp.float32),
                  jax.ShapeDtypeStruct((n_e, D), jnp.float32)),
        mesh=_mesh(),
        scratch_types=[
            pltpu.VMEM((NCH, CH), jnp.int32),
            pltpu.VMEM((NCH, CH), jnp.int32),
            pltpu.VMEM(TB, jnp.float32),
            pltpu.VMEM(TB, jnp.float32),
            pltpu.VMEM(PB, jnp.float32),
            pltpu.VMEM(PB, jnp.float32),
            pltpu.SemaphoreType.DMA,
            pltpu.SemaphoreType.DMA,
            pltpu.SemaphoreType.DMA,
            pltpu.SemaphoreType.DMA,
        ],
    )
    def k(t_hbm, p_hbm, row_hbm, col_hbm, gr_hbm, gc_hbm,
          rbuf, cbuf, tbuf0, tbuf1, pbuf0, pbuf1, gsem0, gsem1, wsem0, wsem1):
        c = lax.axis_index("c")
        s = lax.axis_index("s")
        wid = s * NC + c
        pltpu.sync_copy(row_hbm.at[wid], rbuf)
        pltpu.sync_copy(col_hbm.at[wid], cbuf)

        def gath(j, tb, pb, gsem):
            pltpu.async_copy(t_hbm.at[rbuf.at[j]], tb, gsem)
            pltpu.async_copy(p_hbm.at[cbuf.at[j]], pb, gsem)

        def wait_g(tb, pb, gsem):
            pltpu.make_async_copy(t_hbm.at[rbuf.at[0]], tb, gsem).wait()
            pltpu.make_async_copy(p_hbm.at[cbuf.at[0]], pb, gsem).wait()

        def wait_w(tb, pb, wsem):
            pltpu.make_async_copy(tb, gr_hbm.at[pl.ds(0, CH)], wsem).wait()
            pltpu.make_async_copy(pb, gc_hbm.at[pl.ds(0, CH)], wsem).wait()

        def do_iter(j, tb, pb, gsem, wsem, tbo, pbo, gsemo, wsemo):
            @pl.when(j + 1 < NCH)
            def _():
                @pl.when(j >= 1)
                def _():
                    wait_w(tbo, pbo, wsemo)
                gath(j + 1, tbo, pbo, gsemo)
            wait_g(tb, pb, gsem)
            e0 = (wid * NCH + j) * CH
            pltpu.async_copy(tb, gr_hbm.at[pl.ds(e0, CH)], wsem)
            pltpu.async_copy(pb, gc_hbm.at[pl.ds(e0, CH)], wsem)

        gath(0, tbuf0, pbuf0, gsem0)

        def body(j, carry):
            @pl.when(j % 2 == 0)
            def _():
                do_iter(j, tbuf0, pbuf0, gsem0, wsem0,
                        tbuf1, pbuf1, gsem1, wsem1)

            @pl.when(j % 2 == 1)
            def _():
                do_iter(j, tbuf1, pbuf1, gsem1, wsem1,
                        tbuf0, pbuf0, gsem0, wsem0)
            return carry

        lax.fori_loop(0, NCH, body, 0)
        wait_w(tbuf0, pbuf0, wsem0)
        wait_w(tbuf1, pbuf1, wsem1)

    return k


@functools.cache
def _build_sc_scatter(ds_, read_vals, n_e, CH):
    NCH = n_e // NW // CH
    scratch = [
        pltpu.VMEM((NCH, CH), jnp.int32),
        pltpu.VMEM((CH, ds_), jnp.float32),
        pltpu.VMEM((CH, ds_), jnp.float32),
        pltpu.VMEM_SHARED((N, ds_), jnp.float32),
        pltpu.SemaphoreType.DMA,
        pltpu.SemaphoreType.DMA,
    ]

    def body(vals_hbm, col_hbm, zeros_hbm, out_hbm, cbuf, vbuf0, vbuf1, acc,
             lsem0, lsem1):
        c = lax.axis_index("c")
        s = lax.axis_index("s")
        wid = s * NC + c

        @pl.when(s == 0)
        def _():
            pltpu.sync_copy(zeros_hbm, acc)

        if not read_vals:
            def fill(i, carry):
                vbuf0[i] = jnp.full((ds_,), 1.0, jnp.float32)
                return carry
            lax.fori_loop(0, CH, fill, 0)

        plsc.subcore_barrier()
        pltpu.sync_copy(col_hbm.at[wid], cbuf)

        if read_vals:
            def load(j, vb, lsem):
                e0 = (wid * NCH + j) * CH
                pltpu.async_copy(vals_hbm.at[pl.ds(e0, CH)], vb, lsem)

            def wait_l(vb, lsem):
                pltpu.make_async_copy(vals_hbm.at[pl.ds(0, CH)], vb, lsem
                                      ).wait()

            def do_iter(j, vb, lsem, vbo, lsemo):
                @pl.when(j + 1 < NCH)
                def _():
                    load(j + 1, vbo, lsemo)
                wait_l(vb, lsem)
                pltpu.sync_copy(vb, acc.at[cbuf.at[j]], add=True)

            load(0, vbuf0, lsem0)

            def chunk(j, carry):
                @pl.when(j % 2 == 0)
                def _():
                    do_iter(j, vbuf0, lsem0, vbuf1, lsem1)

                @pl.when(j % 2 == 1)
                def _():
                    do_iter(j, vbuf1, lsem1, vbuf0, lsem0)
                return carry
        else:
            def chunk(j, carry):
                pltpu.sync_copy(vbuf0, acc.at[cbuf.at[j]], add=True)
                return carry

        lax.fori_loop(0, NCH, chunk, 0)
        plsc.subcore_barrier()

        @pl.when(s == 0)
        def _():
            pltpu.sync_copy(acc, out_hbm.at[c])

    if read_vals:
        def k(vals_hbm, col_hbm, zeros_hbm, out_hbm, cbuf, vbuf0, vbuf1, acc,
              lsem0, lsem1):
            body(vals_hbm, col_hbm, zeros_hbm, out_hbm, cbuf, vbuf0, vbuf1,
                 acc, lsem0, lsem1)
    else:
        def k(col_hbm, zeros_hbm, out_hbm, cbuf, vbuf0, vbuf1, acc, lsem0,
              lsem1):
            body(None, col_hbm, zeros_hbm, out_hbm, cbuf, vbuf0, vbuf1, acc,
                 lsem0, lsem1)

    return pl.kernel(
        k,
        out_type=jax.ShapeDtypeStruct((NC, N, ds_), jnp.float32),
        mesh=_mesh(),
        scratch_types=scratch,
    )



def _dot(a, b):
    return jnp.dot(a, b, preferred_element_type=jnp.float32)


@functools.cache
def _build_prep(dea):
    def body(x, u, b2, we1, wn1, be1, bn1, t_out, p_out):
        onehot = (b2[...] == lax.broadcasted_iota(jnp.int32, (1, NG), 1)
                  ).astype(jnp.float32)
        uw = _dot(u[...], we1[2 * D + dea:3 * D + dea, :])
        q = _dot(x[...], we1[0:D, :]) + _dot(onehot, uw) + be1[...]
        pn = _dot(x[...], wn1[0:D, :]) + bn1[...]
        t_out[...] = jnp.concatenate([q, pn], axis=1)
        p_out[...] = _dot(x[...], we1[D:2 * D, :])

    return pl.pallas_call(
        body,
        out_shape=(jax.ShapeDtypeStruct((N, 2 * D), jnp.float32),
                   jax.ShapeDtypeStruct((N, D), jnp.float32)),
    )


def _affine_step0(st_refs, g_ref, bb_ref, scr_ref):
    @pl.when(pl.program_id(0) == 0)
    def _():
        ssum = sum(jnp.sum(r[...], axis=0) for r in st_refs)
        mean = ssum[0:1] * (1.0 / E)
        var = ssum[1:2] * (1.0 / E) - mean * mean
        a = g_ref[...] * lax.rsqrt(var + 1e-5)
        scr_ref[...] = jnp.concatenate([a, bb_ref[...] - mean * a], axis=0)


def _pre_apply(x, scr_ref):
    return _selu(x * scr_ref[0:1] + scr_ref[1:2])


@functools.cache
def _build_pass(d_x, w_row0, pst_nblks, adds_cols, stats, n_e, nblk):
    npst = len(pst_nblks)
    """Z = [selu(bn(X)) if npst else X] @ W + b + sum(adds); optional stats.

    The BN affine (a, c) is derived in-kernel from npst raw block-stats
    inputs (one per edge-stream half). W is sliced from the passed weight
    ref at row w_row0. adds_cols: tuple of column-block indices; each add
    input is an (n_e, >=128) array whose column block `cb` is added.
    """
    nadds = len(adds_cols)

    def body(*refs):
        i = 0
        x_ref = refs[i]; i += 1
        w_ref = refs[i]; i += 1
        b_ref = refs[i]; i += 1
        pst_refs = refs[i:i + npst]; i += npst
        if npst:
            g_ref = refs[i]; i += 1
            bb_ref = refs[i]; i += 1
        add_refs = refs[i:i + nadds]; i += nadds
        z_ref = refs[i]; i += 1
        st_ref = refs[i] if stats else None
        scr_ref = refs[-1]

        xb = x_ref[...]
        if npst:
            _affine_step0(pst_refs, g_ref, bb_ref, scr_ref)
            xb = _pre_apply(xb, scr_ref)
        z = _dot(xb, w_ref[w_row0:w_row0 + d_x, :]) + b_ref[...]
        for ad in add_refs:
            z = z + ad[...]
        z_ref[...] = z
        if stats:
            st_ref[...] = jnp.stack(
                [jnp.sum(z, axis=0), jnp.sum(z * z, axis=0)])[None]

    def wspec(nrows):
        return pl.BlockSpec((nrows, D), lambda i: (0, 0))

    in_specs = [
        pl.BlockSpec((BE, d_x), lambda i: (i, 0)),
        wspec(w_row0 + d_x),
        wspec(1),
    ]
    in_specs += [pl.BlockSpec((nbk, 2, D), lambda i: (0, 0, 0))
                 for nbk in pst_nblks]
    if npst:
        in_specs += [wspec(1), wspec(1)]
    for cb in adds_cols:
        in_specs.append(pl.BlockSpec((BE, D), lambda i, cb=cb: (i, cb)))
    out_shape = [jax.ShapeDtypeStruct((n_e, D), jnp.float32)]
    out_specs = [pl.BlockSpec((BE, D), lambda i: (i, 0))]
    if stats:
        out_shape.append(jax.ShapeDtypeStruct((nblk, 2, D), jnp.float32))
        out_specs.append(pl.BlockSpec((1, 2, D), lambda i: (i, 0, 0)))

    return pl.pallas_call(
        body,
        grid=(n_e // BE,),
        in_specs=in_specs,
        out_specs=out_specs,
        out_shape=out_shape,
        scratch_shapes=[pltpu.VMEM((2, D), jnp.float32)],
    )


@functools.cache
def _build_pass_e3(pst_nblks, n_e, nblk):
    npst = len(pst_nblks)
    def body(*refs):
        i = 0
        z2 = refs[i]; i += 1
        pst_refs = refs[i:i + npst]; i += npst
        g2, bb2, w3, b3, wn, g = refs[i:i + 6]; i += 6
        eo_ref, nz_ref, st_ref, scr = refs[i:i + 4]
        _affine_step0(pst_refs, g2, bb2, scr)
        a2 = _pre_apply(z2[...], scr)
        eo = _dot(a2, w3[...]) + b3[...]
        eo_ref[...] = eo
        nz = _dot(eo, wn[D:2 * D, :]) + g[...]
        nz_ref[...] = nz
        st_ref[...] = jnp.stack(
            [jnp.sum(nz, axis=0), jnp.sum(nz * nz, axis=0)])[None]

    return pl.pallas_call(
        body,
        grid=(n_e // BE,),
        in_specs=[
            pl.BlockSpec((BE, D), lambda i: (i, 0)),
        ] + [pl.BlockSpec((nbk, 2, D), lambda i: (0, 0, 0))
             for nbk in pst_nblks] + [
            pl.BlockSpec((1, D), lambda i: (0, 0)),
            pl.BlockSpec((1, D), lambda i: (0, 0)),
            pl.BlockSpec((D, D), lambda i: (0, 0)),
            pl.BlockSpec((1, D), lambda i: (0, 0)),
            pl.BlockSpec((2 * D, D), lambda i: (0, 0)),
            pl.BlockSpec((BE, D), lambda i: (i, 1)),
        ],
        out_specs=[
            pl.BlockSpec((BE, D), lambda i: (i, 0)),
            pl.BlockSpec((BE, D), lambda i: (i, 0)),
            pl.BlockSpec((1, 2, D), lambda i: (i, 0, 0)),
        ],
        out_shape=[
            jax.ShapeDtypeStruct((n_e, D), jnp.float32),
            jax.ShapeDtypeStruct((n_e, D), jnp.float32),
            jax.ShapeDtypeStruct((nblk, 2, D), jnp.float32),
        ],
        scratch_shapes=[pltpu.VMEM((2, D), jnp.float32)],
    )


def _bn(z, g, bb):
    mean = jnp.mean(z, axis=0, keepdims=True)
    var = jnp.var(z, axis=0, keepdims=True)
    return (z - mean) * lax.rsqrt(var + 1e-5) * g + bb


@functools.cache
def _build_node_fused(nseg):
    def body(*refs):
        x = refs[0]
        accs = refs[1:1 + nseg]
        (cinv, u, b2,
         wm1, bm1, gm1, gmb1, wm2, bm2, gm2, gmb2, wm3, bm3,
         wg1, bg1, gg1, ggb1, wg2, bg2, gg2, ggb2, wg3, bg3,
         xn_ref, un_ref) = refs[1 + nseg:]
        agg = sum(a[0] + a[1] for a in accs) * cinv[...]
        onehot = (b2[...] == lax.broadcasted_iota(jnp.int32, (1, NG), 1)
                  ).astype(jnp.float32)
        ub = _dot(onehot, _dot(u[...], wm1[2 * D:3 * D, :]))
        z = (_dot(x[...], wm1[0:D, :]) + _dot(agg, wm1[D:2 * D, :])
             + ub + bm1[...])
        h1 = _selu(_bn(z, gm1[...], gmb1[...]))
        z2 = _dot(h1, wm2[...]) + bm2[...]
        h2 = _selu(_bn(z2, gm2[...], gmb2[...]))
        xn = _dot(h2, wm3[...]) + bm3[...]
        xn_ref[...] = xn

        nc = jnp.sum(onehot, axis=0)
        nmean = lax.dot_general(onehot, xn, (((0,), (0,)), ((), ()))
                                ) / jnp.maximum(nc, 1.0)[:, None]
        gz = (_dot(u[...], wg1[0:D, :]) + _dot(nmean, wg1[D:2 * D, :])
              + bg1[...])
        d1 = _selu(_bn(gz, gg1[...], ggb1[...]))
        gz2 = _dot(d1, wg2[...]) + bg2[...]
        d2 = _selu(_bn(gz2, gg2[...], ggb2[...]))
        un_ref[...] = _dot(d2, wg3[...]) + bg3[...]

    return pl.pallas_call(
        body,
        out_shape=(jax.ShapeDtypeStruct((N, D), jnp.float32),
                   jax.ShapeDtypeStruct((NG, D), jnp.float32)),
    )



def _r(v):
    return v.reshape(1, D)


SPLITS = ((0, E),)


def kernel(x, edge_attr, u, params, edge_index, batch):
    row = edge_index[0]
    col = edge_index[1]
    col2_full = col.reshape(NW, E // NW // CH, CH)
    row2 = [row[s:s + n].reshape(NW, n // NW // CH, CH) for s, n in SPLITS]
    col2 = [col[s:s + n].reshape(NW, n // NW // CH, CH) for s, n in SPLITS]
    batch2 = batch.reshape(N, 1)
    zeros128 = jnp.zeros((N, D), jnp.float32)

    counts = _build_sc_scatter(D, False, E, CH)(col2_full, zeros128)
    c = counts[0, :, 0] + counts[1, :, 0]
    cinv = (1.0 / jnp.maximum(c, 1.0)).reshape(N, 1)

    nseg = len(SPLITS)
    ea = [edge_attr[s:s + n] if nseg > 1 else edge_attr for s, n in SPLITS]
    H = range(nseg)
    for lp in params:
        (We1, be1, g1, bb1), (We2, be2, g2, bb2), (We3, be3) = lp['edge']
        (Wn1, bn1, gn1, bnb1), (Wn2, bn2, gn2, bnb2), (Wn3, bn3) = lp['node1']
        (Wm1, bm1, gm1, gmb1), (Wm2, bm2, gm2, gmb2), (Wm3, bm3) = lp['node2']
        (Wg1, bg1, gg1, ggb1), (Wg2, bg2, gg2, ggb2), (Wg3, bg3) = lp['global']
        dea = We1.shape[0] - (2 * D + D)

        T, P = _build_prep(dea)(
            x, u, batch2, We1, Wn1, _r(be1), _r(bn1))
        G = [_build_sc_gather(SPLITS[h][1], CH)(T, P, row2[h], col2[h])
             for h in H]

        zb = jnp.zeros((1, D), jnp.float32)

        def nb(h):
            return SPLITS[h][1] // BE

        nbs = tuple(nb(h) for h in H)
        e1 = [_build_pass(dea, 2 * D, (), (0, 0), True, SPLITS[h][1], nb(h))(
            ea[h], We1, zb, G[h][0], G[h][1]) for h in H]
        st1 = [e1[h][1] for h in H]
        e2 = [_build_pass(D, 0, nbs, (), True, SPLITS[h][1], nb(h))(
            e1[h][0], We2, _r(be2), *st1, _r(g1), _r(bb1))
            for h in H]
        st2 = [e2[h][1] for h in H]
        e3 = [_build_pass_e3(nbs, SPLITS[h][1], nb(h))(
            e2[h][0], *st2, _r(g2), _r(bb2), We3, _r(be3), Wn1,
            G[h][0]) for h in H]
        st3 = [e3[h][2] for h in H]
        n2 = [_build_pass(D, 0, nbs, (), True, SPLITS[h][1], nb(h))(
            e3[h][1], Wn2, _r(bn2), *st3, _r(gn1), _r(bnb1))
            for h in H]
        st4 = [n2[h][1] for h in H]
        hh = [_build_pass(D, 0, nbs, (), False, SPLITS[h][1], nb(h))(
            n2[h][0], Wn3, _r(bn3), *st4, _r(gn2), _r(bnb2))[0]
            for h in H]

        acc = [_build_sc_scatter(D, True, SPLITS[h][1], CH)(
            hh[h], col2[h], zeros128) for h in H]

        x, u = _build_node_fused(nseg)(
            x, *acc, cinv, u, batch2,
            Wm1, _r(bm1), _r(gm1), _r(gmb1),
            Wm2, _r(bm2), _r(gm2), _r(gmb2), Wm3, _r(bm3),
            Wg1, _r(bg1), _r(gg1), _r(ggb1),
            Wg2, _r(bg2), _r(gg2), _r(ggb2), Wg3, _r(bg3))
        ea = [e3[h][0] for h in H]
    return u

# --- scband reference (transcript-rebuilt; emitter-appended) ---
"""Pipeline reference for scband-graph-nets-15745350107783 (READ-ONLY COPY).

The authoritative reference and input builder live on the scoring server;
editing this copy changes nothing except your own understanding.
"""

import jax, jax.numpy as jnp
import numpy as np

N_NODES = 10000
N_EDGES = 320000
NODE_DIM = 128
EDGE_DIM = 128
GLOBAL_DIM = 128
D_EDGE_ATTR = 16
N_GRAPHS = 64
DEPTH = 3
NUM_MLP_LAYERS = 2


def _make_mlp(key, d_in, hidden, num_layers=NUM_MLP_LAYERS):
    # mirrors get_mlp_module: [Linear, BN, SELU] * num_layers + Linear (lazy in-dims resolved here)
    layers = []
    d = d_in
    for i in range(num_layers):
        key, k1 = jax.random.split(key)
        W = jax.random.normal(k1, (d, hidden), dtype=jnp.float32) / np.sqrt(d)
        layers.append((W, jnp.zeros((hidden,), jnp.float32), jnp.ones((hidden,), jnp.float32), jnp.zeros((hidden,), jnp.float32)))
        d = hidden
    key, k1 = jax.random.split(key)
    W = jax.random.normal(k1, (d, hidden), dtype=jnp.float32) / np.sqrt(d)
    layers.append((W, jnp.zeros((hidden,), jnp.float32)))
    return layers


def _mlp_apply(params, x):
    for p in params:
        if len(p) == 4:
            W, b, g, be = p
            x = x @ W + b
            mean = jnp.mean(x, axis=0, keepdims=True)
            var = jnp.var(x, axis=0, keepdims=True)
            x = (x - mean) / jnp.sqrt(var + 1e-5) * g + be
            x = jax.nn.selu(x)
        else:
            W, b = p
            x = x @ W + b
    return x


def _forward(x, edge_attr, u, params, edge_index, batch):
    row = edge_index[0]
    col = edge_index[1]
    n = x.shape[0]
    ng = u.shape[0]
    for lp in params:
        # EdgeMLPModel: cat([src, dst, edge_attr, u[batch[row]]]) -> edge_mlp
        src = x[row]
        dst = x[col]
        e_in = jnp.concatenate([src, dst, edge_attr, u[batch[row]]], axis=1)
        edge_attr = _mlp_apply(lp['edge'], e_in)
        # NodeMLPModel: cat([x[row], edge_attr]) -> mlp1 -> scatter-mean over col -> cat([x, agg, u[batch]]) -> mlp2
        h = jnp.concatenate([x[row], edge_attr], axis=1)
        h = _mlp_apply(lp['node1'], h)
        s = jax.ops.segment_sum(h, col, num_segments=n)
        c = jax.ops.segment_sum(jnp.ones((h.shape[0],), jnp.float32), col, num_segments=n)
        agg = s / jnp.clip(c, 1.0)[:, None]
        x = _mlp_apply(lp['node2'], jnp.concatenate([x, agg, u[batch]], axis=1))
        # GlobalMLPModel: cat([u, scatter-mean(x, batch)]) -> global_mlp
        ns = jax.ops.segment_sum(x, batch, num_segments=ng)
        nc = jax.ops.segment_sum(jnp.ones((n,), jnp.float32), batch, num_segments=ng)
        nmean = ns / jnp.clip(nc, 1.0)[:, None]
        u = _mlp_apply(lp['global'], jnp.concatenate([u, nmean], axis=1))
    return u


def setup_inputs(seed: int = 0):
    key = jax.random.key(seed)
    x = jax.random.normal(jax.random.fold_in(key, 0), (N_NODES, NODE_DIM), dtype=jnp.float32)
    edge_index = jax.random.randint(jax.random.fold_in(key, 1), (2, N_EDGES), 0, N_NODES, dtype=jnp.int32)
    edge_attr = jax.random.normal(jax.random.fold_in(key, 2), (N_EDGES, D_EDGE_ATTR), dtype=jnp.float32)
    u = jax.random.normal(jax.random.fold_in(key, 3), (N_GRAPHS, GLOBAL_DIM), dtype=jnp.float32)
    batch = jnp.sort(jax.random.randint(jax.random.fold_in(key, 4), (N_NODES,), 0, N_GRAPHS, dtype=jnp.int32))
    params = []
    for l in range(DEPTH):
        kl = jax.random.fold_in(key, 100 + l)
        e_in = 2 * NODE_DIM + (D_EDGE_ATTR if l == 0 else EDGE_DIM) + GLOBAL_DIM
        lp = {
            'edge': _make_mlp(jax.random.fold_in(kl, 0), e_in, EDGE_DIM),
            'node1': _make_mlp(jax.random.fold_in(kl, 1), NODE_DIM + EDGE_DIM, NODE_DIM),
            'node2': _make_mlp(jax.random.fold_in(kl, 2), 2 * NODE_DIM + GLOBAL_DIM, NODE_DIM),
            'global': _make_mlp(jax.random.fold_in(kl, 3), GLOBAL_DIM + NODE_DIM, GLOBAL_DIM),
        }
        params.append(lp)
    return {'x': x, 'edge_attr': edge_attr, 'u': u, 'params': params, 'edge_index': edge_index, 'batch': batch}


def reference(x, edge_attr, u, params, edge_index, batch):
    return _forward(x, edge_attr, u, params, edge_index, batch)

if __name__ == "__main__":
    import jax
    _d = setup_inputs()
    print(jax.jit(kernel)(*tuple(_d.values())))

</pallas_src>

<mosaic_0001>
#map = affine_map<(d0, d1) -> (0, 0, 0)>
#map1 = affine_map<(d0, d1) -> (0, 0)>
module attributes {stable_mosaic.version = 14 : i64} {
  func.func @k(%arg0: i32, %arg1: i32, %arg2: memref<32x125x80xi32, #tpu.memory_space<hbm>>, %arg3: memref<10000x128xf32, #tpu.memory_space<hbm>>, %arg4: memref<2x10000x128xf32, #tpu.memory_space<hbm>>, %arg5: memref<125x80xi32, #tpu.memory_space<vmem>>, %arg6: memref<80x128xf32, #tpu.memory_space<vmem>>, %arg7: memref<80x128xf32, #tpu.memory_space<vmem>>, %arg8: memref<10000x128xf32, #tpu.memory_space<vmem_shared>>, %arg9: memref<!tpu.dma_semaphore, #tpu.memory_space<semaphore_mem>>, %arg10: memref<!tpu.dma_semaphore, #tpu.memory_space<semaphore_mem>>) attributes {dimension_semantics = [#tpu.dimension_semantics<core_parallel>, #tpu.dimension_semantics<subcore_parallel>], iteration_bounds = array<i64: 2, 16>, scalar_prefetch = 0 : i64, scratch_operands = 6 : i64, tpu.core_type = #tpu.core_type<sc_vector_subcore>, window_params = [{transform_indices = #map}, {transform_indices = #map1}, {transform_indices = #map}]} {
    %mul3A = arith.constant 2 : i32
    %mul3A_0 = arith.muli %arg1, %mul3A : i32
    %add3A = arith.addi %mul3A_0, %arg0 : i32
    %eq3A = arith.constant 0 : i32
    %eq3A_1 = arith.cmpi eq, %arg1, %eq3A : i32
    %convert_element_type3A = arith.extui %eq3A_1 : i1 to i32
    %cond3A = arith.constant 0 : i32
    %cond3A_2 = arith.cmpi ne, %convert_element_type3A, %cond3A : i32
    scf.if %cond3A_2 {
      "tpu.region"() ({
        %run_scoped3A = tpu.sem_alloc : memref<!tpu.dma_semaphore, #tpu.memory_space<semaphore_mem>>
        tpu.enqueue_dma source(%arg3 : memref<10000x128xf32, #tpu.memory_space<hbm>>) target(%arg8 : memref<10000x128xf32, #tpu.memory_space<vmem_shared>>) target_semaphore(%run_scoped3A : memref<!tpu.dma_semaphore, #tpu.memory_space<semaphore_mem>>)
        tpu.wait_dma2 semaphore(%run_scoped3A : memref<!tpu.dma_semaphore, #tpu.memory_space<semaphore_mem>>) src(%arg3 : memref<10000x128xf32, #tpu.memory_space<hbm>>) dst(%arg8 : memref<10000x128xf32, #tpu.memory_space<vmem_shared>>)
        tpu.yield
      }) : () -> ()
    } else {
    }
    %scan3A = arith.constant 0 : i32
    %scan3A_3 = arith.constant 0 : i32
    %scan3A_4 = arith.constant 80 : i32
    %scan3A_5 = arith.addi %scan3A_3, %scan3A_4 : i32
    %scan3A_6 = arith.constant 1 : i32
    scf.for %scan3A_20 = %scan3A_3 to %scan3A_5 step %scan3A_6  : i32 {
      %broadcast_in_dim3A = arith.constant 1.000000e+00 : f32
      %broadcast_in_dim3A_21 = vector.broadcast %broadcast_in_dim3A : f32 to vector<128xf32>
      %swap3A = arith.index_cast %scan3A_20 : i32 to index
      %swap3A_22 = arith.constant 0 : index
      %swap3A_23 = tpu.vector_load %arg6[%swap3A, %swap3A_22] {strides = array<i32>} : memref<80x128xf32, #tpu.memory_space<vmem>>, vector<1x128xf32>,
      %swap3A_24 = vector.shape_cast %swap3A_23 : vector<1x128xf32> to vector<128xf32>
      %swap3A_25 = vector.shape_cast %broadcast_in_dim3A_21 : vector<128xf32> to vector<1x128xf32>
      tpu.vector_store %arg6[%swap3A, %swap3A_22], %swap3A_25 {strides = array<i32>} : memref<80x128xf32, #tpu.memory_space<vmem>>, vector<1x128xf32>,
    }
    %scan3A_7 = arith.constant 80 : i32
    %barrier3A = arith.constant 0 : index
    tpu.barrier barrier_id(%barrier3A)
    "tpu.region"() ({
      %run_scoped3A = tpu.sem_alloc : memref<!tpu.dma_semaphore, #tpu.memory_space<semaphore_mem>>
      %dma_start3A = arith.constant 0 : i32
      %dma_start3A_20 = arith.constant 0 : i32
      %dma_start3A_21 = tpu.memref_slice %arg2[%add3A, %dma_start3A, %dma_start3A_20] : memref<32x125x80xi32, #tpu.memory_space<hbm>> -> memref<1x125x80xi32, #tpu.memory_space<hbm>>
      %dma_start3A_22 = tpu.memref_squeeze %dma_start3A_21 : memref<1x125x80xi32, #tpu.memory_space<hbm>> -> memref<125x80xi32, #tpu.memory_space<hbm>>
      %dma_start3A_23 = arith.constant 0 : i32
      %dma_start3A_24 = arith.constant 0 : i32
      %dma_start3A_25 = tpu.memref_slice %arg2[%add3A, %dma_start3A_23, %dma_start3A_24] : memref<32x125x80xi32, #tpu.memory_space<hbm>> -> memref<1x125x80xi32, #tpu.memory_space<hbm>>
      %dma_start3A_26 = tpu.memref_squeeze %dma_start3A_25 : memref<1x125x80xi32, #tpu.memory_space<hbm>> -> memref<125x80xi32, #tpu.memory_space<hbm>>
      tpu.enqueue_dma source(%dma_start3A_26 : memref<125x80xi32, #tpu.memory_space<hbm>>) target(%arg5 : memref<125x80xi32, #tpu.memory_space<vmem>>) target_semaphore(%run_scoped3A : memref<!tpu.dma_semaphore, #tpu.memory_space<semaphore_mem>>)
      %dma_wait3A = arith.constant 0 : i32
      %dma_wait3A_27 = arith.constant 0 : i32
      %dma_wait3A_28 = tpu.memref_slice %arg2[%add3A, %dma_wait3A, %dma_wait3A_27] : memref<32x125x80xi32, #tpu.memory_space<hbm>> -> memref<1x125x80xi32, #tpu.memory_space<hbm>>
      %dma_wait3A_29 = tpu.memref_squeeze %dma_wait3A_28 : memref<1x125x80xi32, #tpu.memory_space<hbm>> -> memref<125x80xi32, #tpu.memory_space<hbm>>
      %dma_wait3A_30 = arith.constant 0 : i32
      %dma_wait3A_31 = arith.constant 0 : i32
      %dma_wait3A_32 = tpu.memref_slice %arg2[%add3A, %dma_wait3A_30, %dma_wait3A_31] : memref<32x125x80xi32, #tpu.memory_space<hbm>> -> memref<1x125x80xi32, #tpu.memory_space<hbm>>
      %dma_wait3A_33 = tpu.memref_squeeze %dma_wait3A_32 : memref<1x125x80xi32, #tpu.memory_space<hbm>> -> memref<125x80xi32, #tpu.memory_space<hbm>>
      tpu.wait_dma2 semaphore(%run_scoped3A : memref<!tpu.dma_semaphore, #tpu.memory_space<semaphore_mem>>) src(%dma_wait3A_33 : memref<125x80xi32, #tpu.memory_space<hbm>>) dst(%arg5 : memref<125x80xi32, #tpu.memory_space<vmem>>)
      tpu.yield
    }) : () -> ()
    %scan3A_8 = arith.constant 0 : i32
    %scan3A_9 = arith.constant 0 : i32
    %scan3A_10 = arith.constant 125 : i32
    %scan3A_11 = arith.addi %scan3A_9, %scan3A_10 : i32
    %scan3A_12 = arith.constant 1 : i32
    scf.for %scan3A_20 = %scan3A_9 to %scan3A_11 step %scan3A_12  : i32 {
      "tpu.region"() ({
        %run_scoped3A = tpu.sem_alloc : memref<!tpu.dma_semaphore, #tpu.memory_space<semaphore_mem>>
        %dma_start3A = arith.constant 0 : i32
        %dma_start3A_21 = tpu.memref_slice %arg5[%scan3A_20, %dma_start3A] : memref<125x80xi32, #tpu.memory_space<vmem>> -> memref<1x80xi32, #tpu.memory_space<vmem>>
        %dma_start3A_22 = tpu.memref_squeeze %dma_start3A_21 : memref<1x80xi32, #tpu.memory_space<vmem>> -> memref<80xi32, #tpu.memory_space<vmem>>
        %dma_start3A_23 = arith.constant 0 : i32
        %dma_start3A_24 = arith.constant 0 : i32
        %dma_start3A_25 = tpu.memref_slice %arg8[%dma_start3A_23, %dma_start3A_24] : memref<10000x128xf32, #tpu.memory_space<vmem_shared>> -> memref<10000x128xf32, #tpu.memory_space<vmem_shared>>
        tpu.enqueue_indirect_dma source(%arg6 : memref<80x128xf32, #tpu.memory_space<vmem>>) target(%dma_start3A_25 : memref<10000x128xf32, #tpu.memory_space<vmem_shared>>) offsets(%dma_start3A_22 : memref<80xi32, #tpu.memory_space<vmem>>) semaphore(%run_scoped3A : memref<!tpu.dma_semaphore, #tpu.memory_space<semaphore_mem>>) {add = true}
        %dma_wait3A = arith.constant 0 : i32
        %dma_wait3A_26 = tpu.memref_slice %arg5[%scan3A_20, %dma_wait3A] : memref<125x80xi32, #tpu.memory_space<vmem>> -> memref<1x80xi32, #tpu.memory_space<vmem>>
        %dma_wait3A_27 = tpu.memref_squeeze %dma_wait3A_26 : memref<1x80xi32, #tpu.memory_space<vmem>> -> memref<80xi32, #tpu.memory_space<vmem>>
        %dma_wait3A_28 = arith.constant 0 : i32
        %dma_wait3A_29 = arith.constant 0 : i32
        %dma_wait3A_30 = tpu.memref_slice %arg8[%dma_wait3A_28, %dma_wait3A_29] : memref<10000x128xf32, #tpu.memory_space<vmem_shared>> -> memref<10000x128xf32, #tpu.memory_space<vmem_shared>>
        tpu.wait_indirect_dma semaphore(%run_scoped3A : memref<!tpu.dma_semaphore, #tpu.memory_space<semaphore_mem>>) src(%arg6 : memref<80x128xf32, #tpu.memory_space<vmem>>) dst(%dma_wait3A_30 : memref<10000x128xf32, #tpu.memory_space<vmem_shared>>)
        tpu.yield
      }) : () -> ()
    }
    %scan3A_13 = arith.constant 125 : i32
    %barrier3A_14 = arith.constant 0 : index
    tpu.barrier barrier_id(%barrier3A_14)
    %eq3A_15 = arith.constant 0 : i32
    %eq3A_16 = arith.cmpi eq, %arg1, %eq3A_15 : i32
    %convert_element_type3A_17 = arith.extui %eq3A_16 : i1 to i32
    %cond3A_18 = arith.constant 0 : i32
    %cond3A_19 = arith.cmpi ne, %convert_element_type3A_17, %cond3A_18 : i32
    scf.if %cond3A_19 {
      "tpu.region"() ({
        %run_scoped3A = tpu.sem_alloc : memref<!tpu.dma_semaphore, #tpu.memory_space<semaphore_mem>>
        %dma_start3A = arith.constant 0 : i32
        %dma_start3A_20 = arith.constant 0 : i32
        %dma_start3A_21 = tpu.memref_slice %arg4[%arg0, %dma_start3A, %dma_start3A_20] : memref<2x10000x128xf32, #tpu.memory_space<hbm>> -> memref<1x10000x128xf32, #tpu.memory_space<hbm>>
        %dma_start3A_22 = tpu.memref_squeeze %dma_start3A_21 : memref<1x10000x128xf32, #tpu.memory_space<hbm>> -> memref<10000x128xf32, #tpu.memory_space<hbm>>
        tpu.enqueue_dma source(%arg8 : memref<10000x128xf32, #tpu.memory_space<vmem_shared>>) target(%dma_start3A_22 : memref<10000x128xf32, #tpu.memory_space<hbm>>) target_semaphore(%run_scoped3A : memref<!tpu.dma_semaphore, #tpu.memory_space<semaphore_mem>>)
        %dma_wait3A = arith.constant 0 : i32
        %dma_wait3A_23 = arith.constant 0 : i32
        %dma_wait3A_24 = tpu.memref_slice %arg4[%arg0, %dma_wait3A, %dma_wait3A_23] : memref<2x10000x128xf32, #tpu.memory_space<hbm>> -> memref<1x10000x128xf32, #tpu.memory_space<hbm>>
        %dma_wait3A_25 = tpu.memref_squeeze %dma_wait3A_24 : memref<1x10000x128xf32, #tpu.memory_space<hbm>> -> memref<10000x128xf32, #tpu.memory_space<hbm>>
        tpu.wait_dma2 semaphore(%run_scoped3A : memref<!tpu.dma_semaphore, #tpu.memory_space<semaphore_mem>>) src(%arg8 : memref<10000x128xf32, #tpu.memory_space<vmem_shared>>) dst(%dma_wait3A_25 : memref<10000x128xf32, #tpu.memory_space<hbm>>)
        tpu.yield
      }) : () -> ()
    } else {
    }
    return
  }
}

#map = affine_map<(d0, d1) -> (0, 0)>
#map1 = affine_map<(d0, d1) -> (0, 0, 0)>
module attributes {stable_mosaic.version = 14 : i64} {
  func.func @k(%arg0: i32, %arg1: i32, %arg2: memref<10000x256xf32, #tpu.memory_space<hbm>>, %arg3: memref<10000x128xf32, #tpu.memory_space<hbm>>, %arg4: memref<32x125x80xi32, #tpu.memory_space<hbm>>, %arg5: memref<32x125x80xi32, #tpu.memory_space<hbm>>, %arg6: memref<320000x256xf32, #tpu.memory_space<hbm>>, %arg7: memref<320000x128xf32, #tpu.memory_space<hbm>>, %arg8: memref<125x80xi32, #tpu.memory_space<vmem>>, %arg9: memref<125x80xi32, #tpu.memory_space<vmem>>, %arg10: memref<80x256xf32, #tpu.memory_space<vmem>>, %arg11: memref<80x256xf32, #tpu.memory_space<vmem>>, %arg12: memref<80x128xf32, #tpu.memory_space<vmem>>, %arg13: memref<80x128xf32, #tpu.memory_space<vmem>>, %arg14: memref<!tpu.dma_semaphore, #tpu.memory_space<semaphore_mem>>, %arg15: memref<!tpu.dma_semaphore, #tpu.memory_space<semaphore_mem>>, %arg16: memref<!tpu.dma_semaphore, #tpu.memory_space<semaphore_mem>>, %arg17: memref<!tpu.dma_semaphore, #tpu.memory_space<semaphore_mem>>) attributes {dimension_semantics = [#tpu.dimension_semantics<core_parallel>, #tpu.dimension_semantics<subcore_parallel>], iteration_bounds = array<i64: 2, 16>, scalar_prefetch = 0 : i64, scratch_operands = 10 : i64, tpu.core_type = #tpu.core_type<sc_vector_subcore>, window_params = [{transform_indices = #map}, {transform_indices = #map}, {transform_indices = #map1}, {transform_indices = #map1}, {transform_indices = #map}, {transform_indices = #map}]} {
    %mul3A = arith.constant 2 : i32
    %mul3A_0 = arith.muli %arg1, %mul3A : i32
    %add3A = arith.addi %mul3A_0, %arg0 : i32
    "tpu.region"() ({
      %run_scoped3A = tpu.sem_alloc : memref<!tpu.dma_semaphore, #tpu.memory_space<semaphore_mem>>
      %dma_start3A_42 = arith.constant 0 : i32
      %dma_start3A_43 = arith.constant 0 : i32
      %dma_start3A_44 = tpu.memref_slice %arg4[%add3A, %dma_start3A_42, %dma_start3A_43] : memref<32x125x80xi32, #tpu.memory_space<hbm>> -> memref<1x125x80xi32, #tpu.memory_space<hbm>>
      %dma_start3A_45 = tpu.memref_squeeze %dma_start3A_44 : memref<1x125x80xi32, #tpu.memory_space<hbm>> -> memref<125x80xi32, #tpu.memory_space<hbm>>
      %dma_start3A_46 = arith.constant 0 : i32
      %dma_start3A_47 = arith.constant 0 : i32
      %dma_start3A_48 = tpu.memref_slice %arg4[%add3A, %dma_start3A_46, %dma_start3A_47] : memref<32x125x80xi32, #tpu.memory_space<hbm>> -> memref<1x125x80xi32, #tpu.memory_space<hbm>>
      %dma_start3A_49 = tpu.memref_squeeze %dma_start3A_48 : memref<1x125x80xi32, #tpu.memory_space<hbm>> -> memref<125x80xi32, #tpu.memory_space<hbm>>
      tpu.enqueue_dma source(%dma_start3A_49 : memref<125x80xi32, #tpu.memory_space<hbm>>) target(%arg8 : memref<125x80xi32, #tpu.memory_space<vmem>>) target_semaphore(%run_scoped3A : memref<!tpu.dma_semaphore, #tpu.memory_space<semaphore_mem>>)
      %dma_wait3A_50 = arith.constant 0 : i32
      %dma_wait3A_51 = arith.constant 0 : i32
      %dma_wait3A_52 = tpu.memref_slice %arg4[%add3A, %dma_wait3A_50, %dma_wait3A_51] : memref<32x125x80xi32, #tpu.memory_space<hbm>> -> memref<1x125x80xi32, #tpu.memory_space<hbm>>
      %dma_wait3A_53 = tpu.memref_squeeze %dma_wait3A_52 : memref<1x125x80xi32, #tpu.memory_space<hbm>> -> memref<125x80xi32, #tpu.memory_space<hbm>>
      %dma_wait3A_54 = arith.constant 0 : i32
      %dma_wait3A_55 = arith.constant 0 : i32
      %dma_wait3A_56 = tpu.memref_slice %arg4[%add3A, %dma_wait3A_54, %dma_wait3A_55] : memref<32x125x80xi32, #tpu.memory_space<hbm>> -> memref<1x125x80xi32, #tpu.memory_space<hbm>>
      %dma_wait3A_57 = tpu.memref_squeeze %dma_wait3A_56 : memref<1x125x80xi32, #tpu.memory_space<hbm>> -> memref<125x80xi32, #tpu.memory_space<hbm>>
      tpu.wait_dma2 semaphore(%run_scoped3A : memref<!tpu.dma_semaphore, #tpu.memory_space<semaphore_mem>>) src(%dma_wait3A_57 : memref<125x80xi32, #tpu.memory_space<hbm>>) dst(%arg8 : memref<125x80xi32, #tpu.memory_space<vmem>>)
      tpu.yield
    }) : () -> ()
    "tpu.region"() ({
      %run_scoped3A = tpu.sem_alloc : memref<!tpu.dma_semaphore, #tpu.memory_space<semaphore_mem>>
      %dma_start3A_42 = arith.constant 0 : i32
      %dma_start3A_43 = arith.constant 0 : i32
      %dma_start3A_44 = tpu.memref_slice %arg5[%add3A, %dma_start3A_42, %dma_start3A_43] : memref<32x125x80xi32, #tpu.memory_space<hbm>> -> memref<1x125x80xi32, #tpu.memory_space<hbm>>
      %dma_start3A_45 = tpu.memref_squeeze %dma_start3A_44 : memref<1x125x80xi32, #tpu.memory_space<hbm>> -> memref<125x80xi32, #tpu.memory_space<hbm>>
      %dma_start3A_46 = arith.constant 0 : i32
      %dma_start3A_47 = arith.constant 0 : i32
      %dma_start3A_48 = tpu.memref_slice %arg5[%add3A, %dma_start3A_46, %dma_start3A_47] : memref<32x125x80xi32, #tpu.memory_space<hbm>> -> memref<1x125x80xi32, #tpu.memory_space<hbm>>
      %dma_start3A_49 = tpu.memref_squeeze %dma_start3A_48 : memref<1x125x80xi32, #tpu.memory_space<hbm>> -> memref<125x80xi32, #tpu.memory_space<hbm>>
      tpu.enqueue_dma source(%dma_start3A_49 : memref<125x80xi32, #tpu.memory_space<hbm>>) target(%arg9 : memref<125x80xi32, #tpu.memory_space<vmem>>) target_semaphore(%run_scoped3A : memref<!tpu.dma_semaphore, #tpu.memory_space<semaphore_mem>>)
      %dma_wait3A_50 = arith.constant 0 : i32
      %dma_wait3A_51 = arith.constant 0 : i32
      %dma_wait3A_52 = tpu.memref_slice %arg5[%add3A, %dma_wait3A_50, %dma_wait3A_51] : memref<32x125x80xi32, #tpu.memory_space<hbm>> -> memref<1x125x80xi32, #tpu.memory_space<hbm>>
      %dma_wait3A_53 = tpu.memref_squeeze %dma_wait3A_52 : memref<1x125x80xi32, #tpu.memory_space<hbm>> -> memref<125x80xi32, #tpu.memory_space<hbm>>
      %dma_wait3A_54 = arith.constant 0 : i32
      %dma_wait3A_55 = arith.constant 0 : i32
      %dma_wait3A_56 = tpu.memref_slice %arg5[%add3A, %dma_wait3A_54, %dma_wait3A_55] : memref<32x125x80xi32, #tpu.memory_space<hbm>> -> memref<1x125x80xi32, #tpu.memory_space<hbm>>
      %dma_wait3A_57 = tpu.memref_squeeze %dma_wait3A_56 : memref<1x125x80xi32, #tpu.memory_space<hbm>> -> memref<125x80xi32, #tpu.memory_space<hbm>>
      tpu.wait_dma2 semaphore(%run_scoped3A : memref<!tpu.dma_semaphore, #tpu.memory_space<semaphore_mem>>) src(%dma_wait3A_57 : memref<125x80xi32, #tpu.memory_space<hbm>>) dst(%arg9 : memref<125x80xi32, #tpu.memory_space<vmem>>)
      tpu.yield
    }) : () -> ()
    %dma_start3A = arith.constant 0 : i32
    %dma_start3A_1 = arith.constant 0 : i32
    %dma_start3A_2 = tpu.memref_slice %arg8[%dma_start3A, %dma_start3A_1] : memref<125x80xi32, #tpu.memory_space<vmem>> -> memref<1x80xi32, #tpu.memory_space<vmem>>
    %dma_start3A_3 = tpu.memref_squeeze %dma_start3A_2 : memref<1x80xi32, #tpu.memory_space<vmem>> -> memref<80xi32, #tpu.memory_space<vmem>>
    %dma_start3A_4 = arith.constant 0 : i32
    %dma_start3A_5 = arith.constant 0 : i32
    %dma_start3A_6 = tpu.memref_slice %arg2[%dma_start3A_4, %dma_start3A_5] : memref<10000x256xf32, #tpu.memory_space<hbm>> -> memref<10000x256xf32, #tpu.memory_space<hbm>>
    tpu.enqueue_indirect_dma source(%dma_start3A_6 : memref<10000x256xf32, #tpu.memory_space<hbm>>) target(%arg10 : memref<80x256xf32, #tpu.memory_space<vmem>>) offsets(%dma_start3A_3 : memref<80xi32, #tpu.memory_space<vmem>>) semaphore(%arg14 : memref<!tpu.dma_semaphore, #tpu.memory_space<semaphore_mem>>)
    %dma_start3A_7 = arith.constant 0 : i32
    %dma_start3A_8 = arith.constant 0 : i32
    %dma_start3A_9 = tpu.memref_slice %arg9[%dma_start3A_7, %dma_start3A_8] : memref<125x80xi32, #tpu.memory_space<vmem>> -> memref<1x80xi32, #tpu.memory_space<vmem>>
    %dma_start3A_10 = tpu.memref_squeeze %dma_start3A_9 : memref<1x80xi32, #tpu.memory_space<vmem>> -> memref<80xi32, #tpu.memory_space<vmem>>
    %dma_start3A_11 = arith.constant 0 : i32
    %dma_start3A_12 = arith.constant 0 : i32
    %dma_start3A_13 = tpu.memref_slice %arg3[%dma_start3A_11, %dma_start3A_12] : memref<10000x128xf32, #tpu.memory_space<hbm>> -> memref<10000x128xf32, #tpu.memory_space<hbm>>
    tpu.enqueue_indirect_dma source(%dma_start3A_13 : memref<10000x128xf32, #tpu.memory_space<hbm>>) target(%arg12 : memref<80x128xf32, #tpu.memory_space<vmem>>) offsets(%dma_start3A_10 : memref<80xi32, #tpu.memory_space<vmem>>) semaphore(%arg14 : memref<!tpu.dma_semaphore, #tpu.memory_space<semaphore_mem>>)
    %scan3A = arith.constant 0 : i32
    %scan3A_14 = arith.constant 0 : i32
    %scan3A_15 = arith.constant 125 : i32
    %scan3A_16 = arith.addi %scan3A_14, %scan3A_15 : i32
    %scan3A_17 = arith.constant 1 : i32
    scf.for %scan3A_42 = %scan3A_14 to %scan3A_16 step %scan3A_17  : i32 {
      %jit3A = arith.constant 2 : i32
      %eq3A = arith.constant 0 : i32
      %eq3A_43 = arith.cmpi eq, %jit3A, %eq3A : i32
      %jit3A_44 = arith.constant 1 : i32
      %select_n3A = arith.select %eq3A_43, %jit3A_44, %jit3A : i32
      %rem3A = arith.remsi %scan3A_42, %select_n3A : i32
      %ne3A = arith.constant 0 : i32
      %ne3A_45 = arith.cmpi ne, %rem3A, %ne3A : i32
      %lt3A = arith.constant 0 : i32
      %lt3A_46 = arith.cmpi slt, %rem3A, %lt3A : i32
      %lt3A_47 = arith.constant 0 : i32
      %lt3A_48 = arith.cmpi slt, %select_n3A, %lt3A_47 : i32
      %ne3A_49 = arith.xori %lt3A_46, %lt3A_48 : i1
      %and3A = arith.andi %ne3A_49, %ne3A_45 : i1
      %add3A_50 = arith.addi %rem3A, %select_n3A : i32
      %select_n3A_51 = arith.select %and3A, %add3A_50, %rem3A : i32
      %eq3A_52 = arith.constant 0 : i32
      %eq3A_53 = arith.cmpi eq, %select_n3A_51, %eq3A_52 : i32
      %convert_element_type3A = arith.extui %eq3A_53 : i1 to i32
      %cond3A = arith.constant 0 : i32
      %cond3A_54 = arith.cmpi ne, %convert_element_type3A, %cond3A : i32
      scf.if %cond3A_54 {
        %add3A_76 = arith.constant 1 : i32
        %add3A_77 = arith.addi %scan3A_42, %add3A_76 : i32
        %lt3A_78 = arith.constant 125 : i32
        %lt3A_79 = arith.cmpi slt, %add3A_77, %lt3A_78 : i32
        %convert_element_type3A_80 = arith.extui %lt3A_79 : i1 to i32
        %cond3A_81 = arith.constant 0 : i32
        %cond3A_82 = arith.cmpi ne, %convert_element_type3A_80, %cond3A_81 : i32
        scf.if %cond3A_82 {
          %ge3A = arith.constant 1 : i32
          %ge3A_110 = arith.cmpi sge, %scan3A_42, %ge3A : i32
          %convert_element_type3A_111 = arith.extui %ge3A_110 : i1 to i32
          %cond3A_112 = arith.constant 0 : i32
          %cond3A_113 = arith.cmpi ne, %convert_element_type3A_111, %cond3A_112 : i32
          scf.if %cond3A_113 {
            %dma_wait3A_128 = arith.constant 0 : i32
            %dma_wait3A_129 = arith.constant 0 : i32
            %dma_wait3A_130 = tpu.memref_slice %arg6[%dma_wait3A_128, %dma_wait3A_129] : memref<320000x256xf32, #tpu.memory_space<hbm>> -> memref<80x256xf32, #tpu.memory_space<hbm>>
            %dma_wait3A_131 = arith.constant 0 : i32
            %dma_wait3A_132 = arith.constant 0 : i32
            %dma_wait3A_133 = tpu.memref_slice %arg6[%dma_wait3A_131, %dma_wait3A_132] : memref<320000x256xf32, #tpu.memory_space<hbm>> -> memref<80x256xf32, #tpu.memory_space<hbm>>
            tpu.wait_dma2 semaphore(%arg17 : memref<!tpu.dma_semaphore, #tpu.memory_space<semaphore_mem>>) src(%arg11 : memref<80x256xf32, #tpu.memory_space<vmem>>) dst(%dma_wait3A_133 : memref<80x256xf32, #tpu.memory_space<hbm>>)
            %dma_wait3A_134 = arith.constant 0 : i32
            %dma_wait3A_135 = arith.constant 0 : i32
            %dma_wait3A_136 = tpu.memref_slice %arg7[%dma_wait3A_134, %dma_wait3A_135] : memref<320000x128xf32, #tpu.memory_space<hbm>> -> memref<80x128xf32, #tpu.memory_space<hbm>>
            %dma_wait3A_137 = arith.constant 0 : i32
            %dma_wait3A_138 = arith.constant 0 : i32
            %dma_wait3A_139 = tpu.memref_slice %arg7[%dma_wait3A_137, %dma_wait3A_138] : memref<320000x128xf32, #tpu.memory_space<hbm>> -> memref<80x128xf32, #tpu.memory_space<hbm>>
            tpu.wait_dma2 semaphore(%arg17 : memref<!tpu.dma_semaphore, #tpu.memory_space<semaphore_mem>>) src(%arg13 : memref<80x128xf32, #tpu.memory_space<vmem>>) dst(%dma_wait3A_139 : memref<80x128xf32, #tpu.memory_space<hbm>>)
          } else {
          }
          %add3A_114 = arith.constant 1 : i32
          %add3A_115 = arith.addi %scan3A_42, %add3A_114 : i32
          %dma_start3A_116 = arith.constant 0 : i32
          %dma_start3A_117 = tpu.memref_slice %arg8[%add3A_115, %dma_start3A_116] : memref<125x80xi32, #tpu.memory_space<vmem>> -> memref<1x80xi32, #tpu.memory_space<vmem>>
          %dma_start3A_118 = tpu.memref_squeeze %dma_start3A_117 : memref<1x80xi32, #tpu.memory_space<vmem>> -> memref<80xi32, #tpu.memory_space<vmem>>
          %dma_start3A_119 = arith.constant 0 : i32
          %dma_start3A_120 = arith.constant 0 : i32
          %dma_start3A_121 = tpu.memref_slice %arg2[%dma_start3A_119, %dma_start3A_120] : memref<10000x256xf32, #tpu.memory_space<hbm>> -> memref<10000x256xf32, #tpu.memory_space<hbm>>
          tpu.enqueue_indirect_dma source(%dma_start3A_121 : memref<10000x256xf32, #tpu.memory_space<hbm>>) target(%arg11 : memref<80x256xf32, #tpu.memory_space<vmem>>) offsets(%dma_start3A_118 : memref<80xi32, #tpu.memory_space<vmem>>) semaphore(%arg15 : memref<!tpu.dma_semaphore, #tpu.memory_space<semaphore_mem>>)
          %dma_start3A_122 = arith.constant 0 : i32
          %dma_start3A_123 = tpu.memref_slice %arg9[%add3A_115, %dma_start3A_122] : memref<125x80xi32, #tpu.memory_space<vmem>> -> memref<1x80xi32, #tpu.memory_space<vmem>>
          %dma_start3A_124 = tpu.memref_squeeze %dma_start3A_123 : memref<1x80xi32, #tpu.memory_space<vmem>> -> memref<80xi32, #tpu.memory_space<vmem>>
          %dma_start3A_125 = arith.constant 0 : i32
          %dma_start3A_126 = arith.constant 0 : i32
          %dma_start3A_127 = tpu.memref_slice %arg3[%dma_start3A_125, %dma_start3A_126] : memref<10000x128xf32, #tpu.memory_space<hbm>> -> memref<10000x128xf32, #tpu.memory_space<hbm>>
          tpu.enqueue_indirect_dma source(%dma_start3A_127 : memref<10000x128xf32, #tpu.memory_space<hbm>>) target(%arg13 : memref<80x128xf32, #tpu.memory_space<vmem>>) offsets(%dma_start3A_124 : memref<80xi32, #tpu.memory_space<vmem>>) semaphore(%arg15 : memref<!tpu.dma_semaphore, #tpu.memory_space<semaphore_mem>>)
        } else {
        }
        %dma_wait3A_83 = arith.constant 0 : i32
        %dma_wait3A_84 = arith.constant 0 : i32
        %dma_wait3A_85 = tpu.memref_slice %arg8[%dma_wait3A_83, %dma_wait3A_84] : memref<125x80xi32, #tpu.memory_space<vmem>> -> memref<1x80xi32, #tpu.memory_space<vmem>>
        %dma_wait3A_86 = tpu.memref_squeeze %dma_wait3A_85 : memref<1x80xi32, #tpu.memory_space<vmem>> -> memref<80xi32, #tpu.memory_space<vmem>>
        %dma_wait3A_87 = arith.constant 0 : i32
        %dma_wait3A_88 = arith.constant 0 : i32
        %dma_wait3A_89 = tpu.memref_slice %arg2[%dma_wait3A_87, %dma_wait3A_88] : memref<10000x256xf32, #tpu.memory_space<hbm>> -> memref<10000x256xf32, #tpu.memory_space<hbm>>
        tpu.wait_indirect_dma semaphore(%arg14 : memref<!tpu.dma_semaphore, #tpu.memory_space<semaphore_mem>>) src(%dma_wait3A_89 : memref<10000x256xf32, #tpu.memory_space<hbm>>) dst(%arg10 : memref<80x256xf32, #tpu.memory_space<vmem>>)
        %dma_wait3A_90 = arith.constant 0 : i32
        %dma_wait3A_91 = arith.constant 0 : i32
        %dma_wait3A_92 = tpu.memref_slice %arg9[%dma_wait3A_90, %dma_wait3A_91] : memref<125x80xi32, #tpu.memory_space<vmem>> -> memref<1x80xi32, #tpu.memory_space<vmem>>
        %dma_wait3A_93 = tpu.memref_squeeze %dma_wait3A_92 : memref<1x80xi32, #tpu.memory_space<vmem>> -> memref<80xi32, #tpu.memory_space<vmem>>
        %dma_wait3A_94 = arith.constant 0 : i32
        %dma_wait3A_95 = arith.constant 0 : i32
        %dma_wait3A_96 = tpu.memref_slice %arg3[%dma_wait3A_94, %dma_wait3A_95] : memref<10000x128xf32, #tpu.memory_space<hbm>> -> memref<10000x128xf32, #tpu.memory_space<hbm>>
        tpu.wait_indirect_dma semaphore(%arg14 : memref<!tpu.dma_semaphore, #tpu.memory_space<semaphore_mem>>) src(%dma_wait3A_96 : memref<10000x128xf32, #tpu.memory_space<hbm>>) dst(%arg12 : memref<80x128xf32, #tpu.memory_space<vmem>>)
        %mul3A_97 = arith.constant 125 : i32
        %mul3A_98 = arith.muli %add3A, %mul3A_97 : i32
        %add3A_99 = arith.addi %mul3A_98, %scan3A_42 : i32
        %mul3A_100 = arith.constant 80 : i32
        %mul3A_101 = arith.muli %add3A_99, %mul3A_100 : i32
        %dma_start3A_102 = arith.constant 0 : i32
        %dma_start3A_103 = tpu.memref_slice %arg6[%mul3A_101, %dma_start3A_102] : memref<320000x256xf32, #tpu.memory_space<hbm>> -> memref<80x256xf32, #tpu.memory_space<hbm>>
        %dma_start3A_104 = arith.constant 0 : i32
        %dma_start3A_105 = tpu.memref_slice %arg6[%mul3A_101, %dma_start3A_104] : memref<320000x256xf32, #tpu.memory_space<hbm>> -> memref<80x256xf32, #tpu.memory_space<hbm>>
        tpu.enqueue_dma source(%arg10 : memref<80x256xf32, #tpu.memory_space<vmem>>) target(%dma_start3A_105 : memref<80x256xf32, #tpu.memory_space<hbm>>) target_semaphore(%arg16 : memref<!tpu.dma_semaphore, #tpu.memory_space<semaphore_mem>>)
        %dma_start3A_106 = arith.constant 0 : i32
        %dma_start3A_107 = tpu.memref_slice %arg7[%mul3A_101, %dma_start3A_106] : memref<320000x128xf32, #tpu.memory_space<hbm>> -> memref<80x128xf32, #tpu.memory_space<hbm>>
        %dma_start3A_108 = arith.constant 0 : i32
        %dma_start3A_109 = tpu.memref_slice %arg7[%mul3A_101, %dma_start3A_108] : memref<320000x128xf32, #tpu.memory_space<hbm>> -> memref<80x128xf32, #tpu.memory_space<hbm>>
        tpu.enqueue_dma source(%arg12 : memref<80x128xf32, #tpu.memory_space<vmem>>) target(%dma_start3A_109 : memref<80x128xf32, #tpu.memory_space<hbm>>) target_semaphore(%arg16 : memref<!tpu.dma_semaphore, #tpu.memory_space<semaphore_mem>>)
      } else {
      }
      %jit3A_55 = arith.constant 2 : i32
      %eq3A_56 = arith.constant 0 : i32
      %eq3A_57 = arith.cmpi eq, %jit3A_55, %eq3A_56 : i32
      %jit3A_58 = arith.constant 1 : i32
      %select_n3A_59 = arith.select %eq3A_57, %jit3A_58, %jit3A_55 : i32
      %rem3A_60 = arith.remsi %scan3A_42, %select_n3A_59 : i32
      %ne3A_61 = arith.constant 0 : i32
      %ne3A_62 = arith.cmpi ne, %rem3A_60, %ne3A_61 : i32
      %lt3A_63 = arith.constant 0 : i32
      %lt3A_64 = arith.cmpi slt, %rem3A_60, %lt3A_63 : i32
      %lt3A_65 = arith.constant 0 : i32
      %lt3A_66 = arith.cmpi slt, %select_n3A_59, %lt3A_65 : i32
      %ne3A_67 = arith.xori %lt3A_64, %lt3A_66 : i1
      %and3A_68 = arith.andi %ne3A_67, %ne3A_62 : i1
      %add3A_69 = arith.addi %rem3A_60, %select_n3A_59 : i32
      %select_n3A_70 = arith.select %and3A_68, %add3A_69, %rem3A_60 : i32
      %eq3A_71 = arith.constant 1 : i32
      %eq3A_72 = arith.cmpi eq, %select_n3A_70, %eq3A_71 : i32
      %convert_element_type3A_73 = arith.extui %eq3A_72 : i1 to i32
      %cond3A_74 = arith.constant 0 : i32
      %cond3A_75 = arith.cmpi ne, %convert_element_type3A_73, %cond3A_74 : i32
      scf.if %cond3A_75 {
        %add3A_76 = arith.constant 1 : i32
        %add3A_77 = arith.addi %scan3A_42, %add3A_76 : i32
        %lt3A_78 = arith.constant 125 : i32
        %lt3A_79 = arith.cmpi slt, %add3A_77, %lt3A_78 : i32
        %convert_element_type3A_80 = arith.extui %lt3A_79 : i1 to i32
        %cond3A_81 = arith.constant 0 : i32
        %cond3A_82 = arith.cmpi ne, %convert_element_type3A_80, %cond3A_81 : i32
        scf.if %cond3A_82 {
          %ge3A = arith.constant 1 : i32
          %ge3A_110 = arith.cmpi sge, %scan3A_42, %ge3A : i32
          %convert_element_type3A_111 = arith.extui %ge3A_110 : i1 to i32
          %cond3A_112 = arith.constant 0 : i32
          %cond3A_113 = arith.cmpi ne, %convert_element_type3A_111, %cond3A_112 : i32
          scf.if %cond3A_113 {
            %dma_wait3A_128 = arith.constant 0 : i32
            %dma_wait3A_129 = arith.constant 0 : i32
            %dma_wait3A_130 = tpu.memref_slice %arg6[%dma_wait3A_128, %dma_wait3A_129] : memref<320000x256xf32, #tpu.memory_space<hbm>> -> memref<80x256xf32, #tpu.memory_space<hbm>>
            %dma_wait3A_131 = arith.constant 0 : i32
            %dma_wait3A_132 = arith.constant 0 : i32
            %dma_wait3A_133 = tpu.memref_slice %arg6[%dma_wait3A_131, %dma_wait3A_132] : memref<320000x256xf32, #tpu.memory_space<hbm>> -> memref<80x256xf32, #tpu.memory_space<hbm>>
            tpu.wait_dma2 semaphore(%arg16 : memref<!tpu.dma_semaphore, #tpu.memory_space<semaphore_mem>>) src(%arg10 : memref<80x256xf32, #tpu.memory_space<vmem>>) dst(%dma_wait3A_133 : memref<80x256xf32, #tpu.memory_space<hbm>>)
            %dma_wait3A_134 = arith.constant 0 : i32
            %dma_wait3A_135 = arith.constant 0 : i32
            %dma_wait3A_136 = tpu.memref_slice %arg7[%dma_wait3A_134, %dma_wait3A_135] : memref<320000x128xf32, #tpu.memory_space<hbm>> -> memref<80x128xf32, #tpu.memory_space<hbm>>
            %dma_wait3A_137 = arith.constant 0 : i32
            %dma_wait3A_138 = arith.constant 0 : i32
            %dma_wait3A_139 = tpu.memref_slice %arg7[%dma_wait3A_137, %dma_wait3A_138] : memref<320000x128xf32, #tpu.memory_space<hbm>> -> memref<80x128xf32, #tpu.memory_space<hbm>>
            tpu.wait_dma2 semaphore(%arg16 : memref<!tpu.dma_semaphore, #tpu.memory_space<semaphore_mem>>) src(%arg12 : memref<80x128xf32, #tpu.memory_space<vmem>>) dst(%dma_wait3A_139 : memref<80x128xf32, #tpu.memory_space<hbm>>)
          } else {
          }
          %add3A_114 = arith.constant 1 : i32
          %add3A_115 = arith.addi %scan3A_42, %add3A_114 : i32
          %dma_start3A_116 = arith.constant 0 : i32
          %dma_start3A_117 = tpu.memref_slice %arg8[%add3A_115, %dma_start3A_116] : memref<125x80xi32, #tpu.memory_space<vmem>> -> memref<1x80xi32, #tpu.memory_space<vmem>>
          %dma_start3A_118 = tpu.memref_squeeze %dma_start3A_117 : memref<1x80xi32, #tpu.memory_space<vmem>> -> memref<80xi32, #tpu.memory_space<vmem>>
          %dma_start3A_119 = arith.constant 0 : i32
          %dma_start3A_120 = arith.constant 0 : i32
          %dma_start3A_121 = tpu.memref_slice %arg2[%dma_start3A_119, %dma_start3A_120] : memref<10000x256xf32, #tpu.memory_space<hbm>> -> memref<10000x256xf32, #tpu.memory_space<hbm>>
          tpu.enqueue_indirect_dma source(%dma_start3A_121 : memref<10000x256xf32, #tpu.memory_space<hbm>>) target(%arg10 : memref<80x256xf32, #tpu.memory_space<vmem>>) offsets(%dma_start3A_118 : memref<80xi32, #tpu.memory_space<vmem>>) semaphore(%arg14 : memref<!tpu.dma_semaphore, #tpu.memory_space<semaphore_mem>>)
          %dma_start3A_122 = arith.constant 0 : i32
          %dma_start3A_123 = tpu.memref_slice %arg9[%add3A_115, %dma_start3A_122] : memref<125x80xi32, #tpu.memory_space<vmem>> -> memref<1x80xi32, #tpu.memory_space<vmem>>
          %dma_start3A_124 = tpu.memref_squeeze %dma_start3A_123 : memref<1x80xi32, #tpu.memory_space<vmem>> -> memref<80xi32, #tpu.memory_space<vmem>>
          %dma_start3A_125 = arith.constant 0 : i32
          %dma_start3A_126 = arith.constant 0 : i32
          %dma_start3A_127 = tpu.memref_slice %arg3[%dma_start3A_125, %dma_start3A_126] : memref<10000x128xf32, #tpu.memory_space<hbm>> -> memref<10000x128xf32, #tpu.memory_space<hbm>>
          tpu.enqueue_indirect_dma source(%dma_start3A_127 : memref<10000x128xf32, #tpu.memory_space<hbm>>) target(%arg12 : memref<80x128xf32, #tpu.memory_space<vmem>>) offsets(%dma_start3A_124 : memref<80xi32, #tpu.memory_space<vmem>>) semaphore(%arg14 : memref<!tpu.dma_semaphore, #tpu.memory_space<semaphore_mem>>)
        } else {
        }
        %dma_wait3A_83 = arith.constant 0 : i32
        %dma_wait3A_84 = arith.constant 0 : i32
        %dma_wait3A_85 = tpu.memref_slice %arg8[%dma_wait3A_83, %dma_wait3A_84] : memref<125x80xi32, #tpu.memory_space<vmem>> -> memref<1x80xi32, #tpu.memory_space<vmem>>
        %dma_wait3A_86 = tpu.memref_squeeze %dma_wait3A_85 : memref<1x80xi32, #tpu.memory_space<vmem>> -> memref<80xi32, #tpu.memory_space<vmem>>
        %dma_wait3A_87 = arith.constant 0 : i32
        %dma_wait3A_88 = arith.constant 0 : i32
        %dma_wait3A_89 = tpu.memref_slice %arg2[%dma_wait3A_87, %dma_wait3A_88] : memref<10000x256xf32, #tpu.memory_space<hbm>> -> memref<10000x256xf32, #tpu.memory_space<hbm>>
        tpu.wait_indirect_dma semaphore(%arg15 : memref<!tpu.dma_semaphore, #tpu.memory_space<semaphore_mem>>) src(%dma_wait3A_89 : memref<10000x256xf32, #tpu.memory_space<hbm>>) dst(%arg11 : memref<80x256xf32, #tpu.memory_space<vmem>>)
        %dma_wait3A_90 = arith.constant 0 : i32
        %dma_wait3A_91 = arith.constant 0 : i32
        %dma_wait3A_92 = tpu.memref_slice %arg9[%dma_wait3A_90, %dma_wait3A_91] : memref<125x80xi32, #tpu.memory_space<vmem>> -> memref<1x80xi32, #tpu.memory_space<vmem>>
        %dma_wait3A_93 = tpu.memref_squeeze %dma_wait3A_92 : memref<1x80xi32, #tpu.memory_space<vmem>> -> memref<80xi32, #tpu.memory_space<vmem>>
        %dma_wait3A_94 = arith.constant 0 : i32
        %dma_wait3A_95 = arith.constant 0 : i32
        %dma_wait3A_96 = tpu.memref_slice %arg3[%dma_wait3A_94, %dma_wait3A_95] : memref<10000x128xf32, #tpu.memory_space<hbm>> -> memref<10000x128xf32, #tpu.memory_space<hbm>>
        tpu.wait_indirect_dma semaphore(%arg15 : memref<!tpu.dma_semaphore, #tpu.memory_space<semaphore_mem>>) src(%dma_wait3A_96 : memref<10000x128xf32, #tpu.memory_space<hbm>>) dst(%arg13 : memref<80x128xf32, #tpu.memory_space<vmem>>)
        %mul3A_97 = arith.constant 125 : i32
        %mul3A_98 = arith.muli %add3A, %mul3A_97 : i32
        %add3A_99 = arith.addi %mul3A_98, %scan3A_42 : i32
        %mul3A_100 = arith.constant 80 : i32
        %mul3A_101 = arith.muli %add3A_99, %mul3A_100 : i32
        %dma_start3A_102 = arith.constant 0 : i32
        %dma_start3A_103 = tpu.memref_slice %arg6[%mul3A_101, %dma_start3A_102] : memref<320000x256xf32, #tpu.memory_space<hbm>> -> memref<80x256xf32, #tpu.memory_space<hbm>>
        %dma_start3A_104 = arith.constant 0 : i32
        %dma_start3A_105 = tpu.memref_slice %arg6[%mul3A_101, %dma_start3A_104] : memref<320000x256xf32, #tpu.memory_space<hbm>> -> memref<80x256xf32, #tpu.memory_space<hbm>>
        tpu.enqueue_dma source(%arg11 : memref<80x256xf32, #tpu.memory_space<vmem>>) target(%dma_start3A_105 : memref<80x256xf32, #tpu.memory_space<hbm>>) target_semaphore(%arg17 : memref<!tpu.dma_semaphore, #tpu.memory_space<semaphore_mem>>)
        %dma_start3A_106 = arith.constant 0 : i32
        %dma_start3A_107 = tpu.memref_slice %arg7[%mul3A_101, %dma_start3A_106] : memref<320000x128xf32, #tpu.memory_space<hbm>> -> memref<80x128xf32, #tpu.memory_space<hbm>>
        %dma_start3A_108 = arith.constant 0 : i32
        %dma_start3A_109 = tpu.memref_slice %arg7[%mul3A_101, %dma_start3A_108] : memref<320000x128xf32, #tpu.memory_space<hbm>> -> memref<80x128xf32, #tpu.memory_space<hbm>>
        tpu.enqueue_dma source(%arg13 : memref<80x128xf32, #tpu.memory_space<vmem>>) target(%dma_start3A_109 : memref<80x128xf32, #tpu.memory_space<hbm>>) target_semaphore(%arg17 : memref<!tpu.dma_semaphore, #tpu.memory_space<semaphore_mem>>)
      } else {
      }
    }
    %scan3A_18 = arith.constant 125 : i32
    %dma_wait3A = arith.constant 0 : i32
    %dma_wait3A_19 = arith.constant 0 : i32
    %dma_wait3A_20 = tpu.memref_slice %arg6[%dma_wait3A, %dma_wait3A_19] : memref<320000x256xf32, #tpu.memory_space<hbm>> -> memref<80x256xf32, #tpu.memory_space<hbm>>
    %dma_wait3A_21 = arith.constant 0 : i32
    %dma_wait3A_22 = arith.constant 0 : i32
    %dma_wait3A_23 = tpu.memref_slice %arg6[%dma_wait3A_21, %dma_wait3A_22] : memref<320000x256xf32, #tpu.memory_space<hbm>> -> memref<80x256xf32, #tpu.memory_space<hbm>>
    tpu.wait_dma2 semaphore(%arg16 : memref<!tpu.dma_semaphore, #tpu.memory_space<semaphore_mem>>) src(%arg10 : memref<80x256xf32, #tpu.memory_space<vmem>>) dst(%dma_wait3A_23 : memref<80x256xf32, #tpu.memory_space<hbm>>)
    %dma_wait3A_24 = arith.constant 0 : i32
    %dma_wait3A_25 = arith.constant 0 : i32
    %dma_wait3A_26 = tpu.memref_slice %arg7[%dma_wait3A_24, %dma_wait3A_25] : memref<320000x128xf32, #tpu.memory_space<hbm>> -> memref<80x128xf32, #tpu.memory_space<hbm>>
    %dma_wait3A_27 = arith.constant 0 : i32
    %dma_wait3A_28 = arith.constant 0 : i32
    %dma_wait3A_29 = tpu.memref_slice %arg7[%dma_wait3A_27, %dma_wait3A_28] : memref<320000x128xf32, #tpu.memory_space<hbm>> -> memref<80x128xf32, #tpu.memory_space<hbm>>
    tpu.wait_dma2 semaphore(%arg16 : memref<!tpu.dma_semaphore, #tpu.memory_space<semaphore_mem>>) src(%arg12 : memref<80x128xf32, #tpu.memory_space<vmem>>) dst(%dma_wait3A_29 : memref<80x128xf32, #tpu.memory_space<hbm>>)
    %dma_wait3A_30 = arith.constant 0 : i32
    %dma_wait3A_31 = arith.constant 0 : i32
    %dma_wait3A_32 = tpu.memref_slice %arg6[%dma_wait3A_30, %dma_wait3A_31] : memref<320000x256xf32, #tpu.memory_space<hbm>> -> memref<80x256xf32, #tpu.memory_space<hbm>>
    %dma_wait3A_33 = arith.constant 0 : i32
    %dma_wait3A_34 = arith.constant 0 : i32
    %dma_wait3A_35 = tpu.memref_slice %arg6[%dma_wait3A_33, %dma_wait3A_34] : memref<320000x256xf32, #tpu.memory_space<hbm>> -> memref<80x256xf32, #tpu.memory_space<hbm>>
    tpu.wait_dma2 semaphore(%arg17 : memref<!tpu.dma_semaphore, #tpu.memory_space<semaphore_mem>>) src(%arg11 : memref<80x256xf32, #tpu.memory_space<vmem>>) dst(%dma_wait3A_35 : memref<80x256xf32, #tpu.memory_space<hbm>>)
    %dma_wait3A_36 = arith.constant 0 : i32
    %dma_wait3A_37 = arith.constant 0 : i32
    %dma_wait3A_38 = tpu.memref_slice %arg7[%dma_wait3A_36, %dma_wait3A_37] : memref<320000x128xf32, #tpu.memory_space<hbm>> -> memref<80x128xf32, #tpu.memory_space<hbm>>
    %dma_wait3A_39 = arith.constant 0 : i32
    %dma_wait3A_40 = arith.constant 0 : i32
    %dma_wait3A_41 = tpu.memref_slice %arg7[%dma_wait3A_39, %dma_wait3A_40] : memref<320000x128xf32, #tpu.memory_space<hbm>> -> memref<80x128xf32, #tpu.memory_space<hbm>>
    tpu.wait_dma2 semaphore(%arg17 : memref<!tpu.dma_semaphore, #tpu.memory_space<semaphore_mem>>) src(%arg13 : memref<80x128xf32, #tpu.memory_space<vmem>>) dst(%dma_wait3A_41 : memref<80x128xf32, #tpu.memory_space<hbm>>)
    return
  }
}

#map = affine_map<(d0, d1) -> (0, 0)>
#map1 = affine_map<(d0, d1) -> (0, 0, 0)>
module attributes {stable_mosaic.version = 14 : i64} {
  func.func @k(%arg0: i32, %arg1: i32, %arg2: memref<320000x128xf32, #tpu.memory_space<hbm>>, %arg3: memref<32x125x80xi32, #tpu.memory_space<hbm>>, %arg4: memref<10000x128xf32, #tpu.memory_space<hbm>>, %arg5: memref<2x10000x128xf32, #tpu.memory_space<hbm>>, %arg6: memref<125x80xi32, #tpu.memory_space<vmem>>, %arg7: memref<80x128xf32, #tpu.memory_space<vmem>>, %arg8: memref<80x128xf32, #tpu.memory_space<vmem>>, %arg9: memref<10000x128xf32, #tpu.memory_space<vmem_shared>>, %arg10: memref<!tpu.dma_semaphore, #tpu.memory_space<semaphore_mem>>, %arg11: memref<!tpu.dma_semaphore, #tpu.memory_space<semaphore_mem>>) attributes {dimension_semantics = [#tpu.dimension_semantics<core_parallel>, #tpu.dimension_semantics<subcore_parallel>], iteration_bounds = array<i64: 2, 16>, scalar_prefetch = 0 : i64, scratch_operands = 6 : i64, tpu.core_type = #tpu.core_type<sc_vector_subcore>, window_params = [{transform_indices = #map}, {transform_indices = #map1}, {transform_indices = #map}, {transform_indices = #map1}]} {
    %mul3A = arith.constant 2 : i32
    %mul3A_0 = arith.muli %arg1, %mul3A : i32
    %add3A = arith.addi %mul3A_0, %arg0 : i32
    %eq3A = arith.constant 0 : i32
    %eq3A_1 = arith.cmpi eq, %arg1, %eq3A : i32
    %convert_element_type3A = arith.extui %eq3A_1 : i1 to i32
    %cond3A = arith.constant 0 : i32
    %cond3A_2 = arith.cmpi ne, %convert_element_type3A, %cond3A : i32
    scf.if %cond3A_2 {
      "tpu.region"() ({
        %run_scoped3A = tpu.sem_alloc : memref<!tpu.dma_semaphore, #tpu.memory_space<semaphore_mem>>
        tpu.enqueue_dma source(%arg4 : memref<10000x128xf32, #tpu.memory_space<hbm>>) target(%arg9 : memref<10000x128xf32, #tpu.memory_space<vmem_shared>>) target_semaphore(%run_scoped3A : memref<!tpu.dma_semaphore, #tpu.memory_space<semaphore_mem>>)
        tpu.wait_dma2 semaphore(%run_scoped3A : memref<!tpu.dma_semaphore, #tpu.memory_space<semaphore_mem>>) src(%arg4 : memref<10000x128xf32, #tpu.memory_space<hbm>>) dst(%arg9 : memref<10000x128xf32, #tpu.memory_space<vmem_shared>>)
        tpu.yield
      }) : () -> ()
    } else {
    }
    %barrier3A = arith.constant 0 : index
    tpu.barrier barrier_id(%barrier3A)
    "tpu.region"() ({
      %run_scoped3A = tpu.sem_alloc : memref<!tpu.dma_semaphore, #tpu.memory_space<semaphore_mem>>
      %dma_start3A_23 = arith.constant 0 : i32
      %dma_start3A_24 = arith.constant 0 : i32
      %dma_start3A_25 = tpu.memref_slice %arg3[%add3A, %dma_start3A_23, %dma_start3A_24] : memref<32x125x80xi32, #tpu.memory_space<hbm>> -> memref<1x125x80xi32, #tpu.memory_space<hbm>>
      %dma_start3A_26 = tpu.memref_squeeze %dma_start3A_25 : memref<1x125x80xi32, #tpu.memory_space<hbm>> -> memref<125x80xi32, #tpu.memory_space<hbm>>
      %dma_start3A_27 = arith.constant 0 : i32
      %dma_start3A_28 = arith.constant 0 : i32
      %dma_start3A_29 = tpu.memref_slice %arg3[%add3A, %dma_start3A_27, %dma_start3A_28] : memref<32x125x80xi32, #tpu.memory_space<hbm>> -> memref<1x125x80xi32, #tpu.memory_space<hbm>>
      %dma_start3A_30 = tpu.memref_squeeze %dma_start3A_29 : memref<1x125x80xi32, #tpu.memory_space<hbm>> -> memref<125x80xi32, #tpu.memory_space<hbm>>
      tpu.enqueue_dma source(%dma_start3A_30 : memref<125x80xi32, #tpu.memory_space<hbm>>) target(%arg6 : memref<125x80xi32, #tpu.memory_space<vmem>>) target_semaphore(%run_scoped3A : memref<!tpu.dma_semaphore, #tpu.memory_space<semaphore_mem>>)
      %dma_wait3A = arith.constant 0 : i32
      %dma_wait3A_31 = arith.constant 0 : i32
      %dma_wait3A_32 = tpu.memref_slice %arg3[%add3A, %dma_wait3A, %dma_wait3A_31] : memref<32x125x80xi32, #tpu.memory_space<hbm>> -> memref<1x125x80xi32, #tpu.memory_space<hbm>>
      %dma_wait3A_33 = tpu.memref_squeeze %dma_wait3A_32 : memref<1x125x80xi32, #tpu.memory_space<hbm>> -> memref<125x80xi32, #tpu.memory_space<hbm>>
      %dma_wait3A_34 = arith.constant 0 : i32
      %dma_wait3A_35 = arith.constant 0 : i32
      %dma_wait3A_36 = tpu.memref_slice %arg3[%add3A, %dma_wait3A_34, %dma_wait3A_35] : memref<32x125x80xi32, #tpu.memory_space<hbm>> -> memref<1x125x80xi32, #tpu.memory_space<hbm>>
      %dma_wait3A_37 = tpu.memref_squeeze %dma_wait3A_36 : memref<1x125x80xi32, #tpu.memory_space<hbm>> -> memref<125x80xi32, #tpu.memory_space<hbm>>
      tpu.wait_dma2 semaphore(%run_scoped3A : memref<!tpu.dma_semaphore, #tpu.memory_space<semaphore_mem>>) src(%dma_wait3A_37 : memref<125x80xi32, #tpu.memory_space<hbm>>) dst(%arg6 : memref<125x80xi32, #tpu.memory_space<vmem>>)
      tpu.yield
    }) : () -> ()
    %mul3A_3 = arith.constant 125 : i32
    %mul3A_4 = arith.muli %add3A, %mul3A_3 : i32
    %add3A_5 = arith.constant 0 : i32
    %add3A_6 = arith.addi %mul3A_4, %add3A_5 : i32
    %mul3A_7 = arith.constant 80 : i32
    %mul3A_8 = arith.muli %add3A_6, %mul3A_7 : i32
    %dma_start3A = arith.constant 0 : i32
    %dma_start3A_9 = tpu.memref_slice %arg2[%mul3A_8, %dma_start3A] : memref<320000x128xf32, #tpu.memory_space<hbm>> -> memref<80x128xf32, #tpu.memory_space<hbm>>
    %dma_start3A_10 = arith.constant 0 : i32
    %dma_start3A_11 = tpu.memref_slice %arg2[%mul3A_8, %dma_start3A_10] : memref<320000x128xf32, #tpu.memory_space<hbm>> -> memref<80x128xf32, #tpu.memory_space<hbm>>
    tpu.enqueue_dma source(%dma_start3A_11 : memref<80x128xf32, #tpu.memory_space<hbm>>) target(%arg7 : memref<80x128xf32, #tpu.memory_space<vmem>>) target_semaphore(%arg10 : memref<!tpu.dma_semaphore, #tpu.memory_space<semaphore_mem>>)
    %scan3A = arith.constant 0 : i32
    %scan3A_12 = arith.constant 0 : i32
    %scan3A_13 = arith.constant 125 : i32
    %scan3A_14 = arith.addi %scan3A_12, %scan3A_13 : i32
    %scan3A_15 = arith.constant 1 : i32
    scf.for %scan3A_23 = %scan3A_12 to %scan3A_14 step %scan3A_15  : i32 {
      %jit3A = arith.constant 2 : i32
      %eq3A_24 = arith.constant 0 : i32
      %eq3A_25 = arith.cmpi eq, %jit3A, %eq3A_24 : i32
      %jit3A_26 = arith.constant 1 : i32
      %select_n3A = arith.select %eq3A_25, %jit3A_26, %jit3A : i32
      %rem3A = arith.remsi %scan3A_23, %select_n3A : i32
      %ne3A = arith.constant 0 : i32
      %ne3A_27 = arith.cmpi ne, %rem3A, %ne3A : i32
      %lt3A = arith.constant 0 : i32
      %lt3A_28 = arith.cmpi slt, %rem3A, %lt3A : i32
      %lt3A_29 = arith.constant 0 : i32
      %lt3A_30 = arith.cmpi slt, %select_n3A, %lt3A_29 : i32
      %ne3A_31 = arith.xori %lt3A_28, %lt3A_30 : i1
      %and3A = arith.andi %ne3A_31, %ne3A_27 : i1
      %add3A_32 = arith.addi %rem3A, %select_n3A : i32
      %select_n3A_33 = arith.select %and3A, %add3A_32, %rem3A : i32
      %eq3A_34 = arith.constant 0 : i32
      %eq3A_35 = arith.cmpi eq, %select_n3A_33, %eq3A_34 : i32
      %convert_element_type3A_36 = arith.extui %eq3A_35 : i1 to i32
      %cond3A_37 = arith.constant 0 : i32
      %cond3A_38 = arith.cmpi ne, %convert_element_type3A_36, %cond3A_37 : i32
      scf.if %cond3A_38 {
        %add3A_60 = arith.constant 1 : i32
        %add3A_61 = arith.addi %scan3A_23, %add3A_60 : i32
        %lt3A_62 = arith.constant 125 : i32
        %lt3A_63 = arith.cmpi slt, %add3A_61, %lt3A_62 : i32
        %convert_element_type3A_64 = arith.extui %lt3A_63 : i1 to i32
        %cond3A_65 = arith.constant 0 : i32
        %cond3A_66 = arith.cmpi ne, %convert_element_type3A_64, %cond3A_65 : i32
        scf.if %cond3A_66 {
          %add3A_72 = arith.constant 1 : i32
          %add3A_73 = arith.addi %scan3A_23, %add3A_72 : i32
          %mul3A_74 = arith.constant 125 : i32
          %mul3A_75 = arith.muli %add3A, %mul3A_74 : i32
          %add3A_76 = arith.addi %mul3A_75, %add3A_73 : i32
          %mul3A_77 = arith.constant 80 : i32
          %mul3A_78 = arith.muli %add3A_76, %mul3A_77 : i32
          %dma_start3A_79 = arith.constant 0 : i32
          %dma_start3A_80 = tpu.memref_slice %arg2[%mul3A_78, %dma_start3A_79] : memref<320000x128xf32, #tpu.memory_space<hbm>> -> memref<80x128xf32, #tpu.memory_space<hbm>>
          %dma_start3A_81 = arith.constant 0 : i32
          %dma_start3A_82 = tpu.memref_slice %arg2[%mul3A_78, %dma_start3A_81] : memref<320000x128xf32, #tpu.memory_space<hbm>> -> memref<80x128xf32, #tpu.memory_space<hbm>>
          tpu.enqueue_dma source(%dma_start3A_82 : memref<80x128xf32, #tpu.memory_space<hbm>>) target(%arg8 : memref<80x128xf32, #tpu.memory_space<vmem>>) target_semaphore(%arg11 : memref<!tpu.dma_semaphore, #tpu.memory_space<semaphore_mem>>)
        } else {
        }
        %dma_wait3A = arith.constant 0 : i32
        %dma_wait3A_67 = arith.constant 0 : i32
        %dma_wait3A_68 = tpu.memref_slice %arg2[%dma_wait3A, %dma_wait3A_67] : memref<320000x128xf32, #tpu.memory_space<hbm>> -> memref<80x128xf32, #tpu.memory_space<hbm>>
        %dma_wait3A_69 = arith.constant 0 : i32
        %dma_wait3A_70 = arith.constant 0 : i32
        %dma_wait3A_71 = tpu.memref_slice %arg2[%dma_wait3A_69, %dma_wait3A_70] : memref<320000x128xf32, #tpu.memory_space<hbm>> -> memref<80x128xf32, #tpu.memory_space<hbm>>
        tpu.wait_dma2 semaphore(%arg10 : memref<!tpu.dma_semaphore, #tpu.memory_space<semaphore_mem>>) src(%dma_wait3A_71 : memref<80x128xf32, #tpu.memory_space<hbm>>) dst(%arg7 : memref<80x128xf32, #tpu.memory_space<vmem>>)
        "tpu.region"() ({
          %run_scoped3A = tpu.sem_alloc : memref<!tpu.dma_semaphore, #tpu.memory_space<semaphore_mem>>
          %dma_start3A_72 = arith.constant 0 : i32
          %dma_start3A_73 = tpu.memref_slice %arg6[%scan3A_23, %dma_start3A_72] : memref<125x80xi32, #tpu.memory_space<vmem>> -> memref<1x80xi32, #tpu.memory_space<vmem>>
          %dma_start3A_74 = tpu.memref_squeeze %dma_start3A_73 : memref<1x80xi32, #tpu.memory_space<vmem>> -> memref<80xi32, #tpu.memory_space<vmem>>
          %dma_start3A_75 = arith.constant 0 : i32
          %dma_start3A_76 = arith.constant 0 : i32
          %dma_start3A_77 = tpu.memref_slice %arg9[%dma_start3A_75, %dma_start3A_76] : memref<10000x128xf32, #tpu.memory_space<vmem_shared>> -> memref<10000x128xf32, #tpu.memory_space<vmem_shared>>
          tpu.enqueue_indirect_dma source(%arg7 : memref<80x128xf32, #tpu.memory_space<vmem>>) target(%dma_start3A_77 : memref<10000x128xf32, #tpu.memory_space<vmem_shared>>) offsets(%dma_start3A_74 : memref<80xi32, #tpu.memory_space<vmem>>) semaphore(%run_scoped3A : memref<!tpu.dma_semaphore, #tpu.memory_space<semaphore_mem>>) {add = true}
          %dma_wait3A_78 = arith.constant 0 : i32
          %dma_wait3A_79 = tpu.memref_slice %arg6[%scan3A_23, %dma_wait3A_78] : memref<125x80xi32, #tpu.memory_space<vmem>> -> memref<1x80xi32, #tpu.memory_space<vmem>>
          %dma_wait3A_80 = tpu.memref_squeeze %dma_wait3A_79 : memref<1x80xi32, #tpu.memory_space<vmem>> -> memref<80xi32, #tpu.memory_space<vmem>>
          %dma_wait3A_81 = arith.constant 0 : i32
          %dma_wait3A_82 = arith.constant 0 : i32
          %dma_wait3A_83 = tpu.memref_slice %arg9[%dma_wait3A_81, %dma_wait3A_82] : memref<10000x128xf32, #tpu.memory_space<vmem_shared>> -> memref<10000x128xf32, #tpu.memory_space<vmem_shared>>
          tpu.wait_indirect_dma semaphore(%run_scoped3A : memref<!tpu.dma_semaphore, #tpu.memory_space<semaphore_mem>>) src(%arg7 : memref<80x128xf32, #tpu.memory_space<vmem>>) dst(%dma_wait3A_83 : memref<10000x128xf32, #tpu.memory_space<vmem_shared>>)
          tpu.yield
        }) : () -> ()
      } else {
      }
      %jit3A_39 = arith.constant 2 : i32
      %eq3A_40 = arith.constant 0 : i32
      %eq3A_41 = arith.cmpi eq, %jit3A_39, %eq3A_40 : i32
      %jit3A_42 = arith.constant 1 : i32
      %select_n3A_43 = arith.select %eq3A_41, %jit3A_42, %jit3A_39 : i32
      %rem3A_44 = arith.remsi %scan3A_23, %select_n3A_43 : i32
      %ne3A_45 = arith.constant 0 : i32
      %ne3A_46 = arith.cmpi ne, %rem3A_44, %ne3A_45 : i32
      %lt3A_47 = arith.constant 0 : i32
      %lt3A_48 = arith.cmpi slt, %rem3A_44, %lt3A_47 : i32
      %lt3A_49 = arith.constant 0 : i32
      %lt3A_50 = arith.cmpi slt, %select_n3A_43, %lt3A_49 : i32
      %ne3A_51 = arith.xori %lt3A_48, %lt3A_50 : i1
      %and3A_52 = arith.andi %ne3A_51, %ne3A_46 : i1
      %add3A_53 = arith.addi %rem3A_44, %select_n3A_43 : i32
      %select_n3A_54 = arith.select %and3A_52, %add3A_53, %rem3A_44 : i32
      %eq3A_55 = arith.constant 1 : i32
      %eq3A_56 = arith.cmpi eq, %select_n3A_54, %eq3A_55 : i32
      %convert_element_type3A_57 = arith.extui %eq3A_56 : i1 to i32
      %cond3A_58 = arith.constant 0 : i32
      %cond3A_59 = arith.cmpi ne, %convert_element_type3A_57, %cond3A_58 : i32
      scf.if %cond3A_59 {
        %add3A_60 = arith.constant 1 : i32
        %add3A_61 = arith.addi %scan3A_23, %add3A_60 : i32
        %lt3A_62 = arith.constant 125 : i32
        %lt3A_63 = arith.cmpi slt, %add3A_61, %lt3A_62 : i32
        %convert_element_type3A_64 = arith.extui %lt3A_63 : i1 to i32
        %cond3A_65 = arith.constant 0 : i32
        %cond3A_66 = arith.cmpi ne, %convert_element_type3A_64, %cond3A_65 : i32
        scf.if %cond3A_66 {
          %add3A_72 = arith.constant 1 : i32
          %add3A_73 = arith.addi %scan3A_23, %add3A_72 : i32
          %mul3A_74 = arith.constant 125 : i32
          %mul3A_75 = arith.muli %add3A, %mul3A_74 : i32
          %add3A_76 = arith.addi %mul3A_75, %add3A_73 : i32
          %mul3A_77 = arith.constant 80 : i32
          %mul3A_78 = arith.muli %add3A_76, %mul3A_77 : i32
          %dma_start3A_79 = arith.constant 0 : i32
          %dma_start3A_80 = tpu.memref_slice %arg2[%mul3A_78, %dma_start3A_79] : memref<320000x128xf32, #tpu.memory_space<hbm>> -> memref<80x128xf32, #tpu.memory_space<hbm>>
          %dma_start3A_81 = arith.constant 0 : i32
          %dma_start3A_82 = tpu.memref_slice %arg2[%mul3A_78, %dma_start3A_81] : memref<320000x128xf32, #tpu.memory_space<hbm>> -> memref<80x128xf32, #tpu.memory_space<hbm>>
          tpu.enqueue_dma source(%dma_start3A_82 : memref<80x128xf32, #tpu.memory_space<hbm>>) target(%arg7 : memref<80x128xf32, #tpu.memory_space<vmem>>) target_semaphore(%arg10 : memref<!tpu.dma_semaphore, #tpu.memory_space<semaphore_mem>>)
        } else {
        }
        %dma_wait3A = arith.constant 0 : i32
        %dma_wait3A_67 = arith.constant 0 : i32
        %dma_wait3A_68 = tpu.memref_slice %arg2[%dma_wait3A, %dma_wait3A_67] : memref<320000x128xf32, #tpu.memory_space<hbm>> -> memref<80x128xf32, #tpu.memory_space<hbm>>
        %dma_wait3A_69 = arith.constant 0 : i32
        %dma_wait3A_70 = arith.constant 0 : i32
        %dma_wait3A_71 = tpu.memref_slice %arg2[%dma_wait3A_69, %dma_wait3A_70] : memref<320000x128xf32, #tpu.memory_space<hbm>> -> memref<80x128xf32, #tpu.memory_space<hbm>>
        tpu.wait_dma2 semaphore(%arg11 : memref<!tpu.dma_semaphore, #tpu.memory_space<semaphore_mem>>) src(%dma_wait3A_71 : memref<80x128xf32, #tpu.memory_space<hbm>>) dst(%arg8 : memref<80x128xf32, #tpu.memory_space<vmem>>)
        "tpu.region"() ({
          %run_scoped3A = tpu.sem_alloc : memref<!tpu.dma_semaphore, #tpu.memory_space<semaphore_mem>>
          %dma_start3A_72 = arith.constant 0 : i32
          %dma_start3A_73 = tpu.memref_slice %arg6[%scan3A_23, %dma_start3A_72] : memref<125x80xi32, #tpu.memory_space<vmem>> -> memref<1x80xi32, #tpu.memory_space<vmem>>
          %dma_start3A_74 = tpu.memref_squeeze %dma_start3A_73 : memref<1x80xi32, #tpu.memory_space<vmem>> -> memref<80xi32, #tpu.memory_space<vmem>>
          %dma_start3A_75 = arith.constant 0 : i32
          %dma_start3A_76 = arith.constant 0 : i32
          %dma_start3A_77 = tpu.memref_slice %arg9[%dma_start3A_75, %dma_start3A_76] : memref<10000x128xf32, #tpu.memory_space<vmem_shared>> -> memref<10000x128xf32, #tpu.memory_space<vmem_shared>>
          tpu.enqueue_indirect_dma source(%arg8 : memref<80x128xf32, #tpu.memory_space<vmem>>) target(%dma_start3A_77 : memref<10000x128xf32, #tpu.memory_space<vmem_shared>>) offsets(%dma_start3A_74 : memref<80xi32, #tpu.memory_space<vmem>>) semaphore(%run_scoped3A : memref<!tpu.dma_semaphore, #tpu.memory_space<semaphore_mem>>) {add = true}
          %dma_wait3A_78 = arith.constant 0 : i32
          %dma_wait3A_79 = tpu.memref_slice %arg6[%scan3A_23, %dma_wait3A_78] : memref<125x80xi32, #tpu.memory_space<vmem>> -> memref<1x80xi32, #tpu.memory_space<vmem>>
          %dma_wait3A_80 = tpu.memref_squeeze %dma_wait3A_79 : memref<1x80xi32, #tpu.memory_space<vmem>> -> memref<80xi32, #tpu.memory_space<vmem>>
          %dma_wait3A_81 = arith.constant 0 : i32
          %dma_wait3A_82 = arith.constant 0 : i32
          %dma_wait3A_83 = tpu.memref_slice %arg9[%dma_wait3A_81, %dma_wait3A_82] : memref<10000x128xf32, #tpu.memory_space<vmem_shared>> -> memref<10000x128xf32, #tpu.memory_space<vmem_shared>>
          tpu.wait_indirect_dma semaphore(%run_scoped3A : memref<!tpu.dma_semaphore, #tpu.memory_space<semaphore_mem>>) src(%arg8 : memref<80x128xf32, #tpu.memory_space<vmem>>) dst(%dma_wait3A_83 : memref<10000x128xf32, #tpu.memory_space<vmem_shared>>)
          tpu.yield
        }) : () -> ()
      } else {
      }
    }
    %scan3A_16 = arith.constant 125 : i32
    %barrier3A_17 = arith.constant 0 : index
    tpu.barrier barrier_id(%barrier3A_17)
    %eq3A_18 = arith.constant 0 : i32
    %eq3A_19 = arith.cmpi eq, %arg1, %eq3A_18 : i32
    %convert_element_type3A_20 = arith.extui %eq3A_19 : i1 to i32
    %cond3A_21 = arith.constant 0 : i32
    %cond3A_22 = arith.cmpi ne, %convert_element_type3A_20, %cond3A_21 : i32
    scf.if %cond3A_22 {
      "tpu.region"() ({
        %run_scoped3A = tpu.sem_alloc : memref<!tpu.dma_semaphore, #tpu.memory_space<semaphore_mem>>
        %dma_start3A_23 = arith.constant 0 : i32
        %dma_start3A_24 = arith.constant 0 : i32
        %dma_start3A_25 = tpu.memref_slice %arg5[%arg0, %dma_start3A_23, %dma_start3A_24] : memref<2x10000x128xf32, #tpu.memory_space<hbm>> -> memref<1x10000x128xf32, #tpu.memory_space<hbm>>
        %dma_start3A_26 = tpu.memref_squeeze %dma_start3A_25 : memref<1x10000x128xf32, #tpu.memory_space<hbm>> -> memref<10000x128xf32, #tpu.memory_space<hbm>>
        tpu.enqueue_dma source(%arg9 : memref<10000x128xf32, #tpu.memory_space<vmem_shared>>) target(%dma_start3A_26 : memref<10000x128xf32, #tpu.memory_space<hbm>>) target_semaphore(%run_scoped3A : memref<!tpu.dma_semaphore, #tpu.memory_space<semaphore_mem>>)
        %dma_wait3A = arith.constant 0 : i32
        %dma_wait3A_27 = arith.constant 0 : i32
        %dma_wait3A_28 = tpu.memref_slice %arg5[%arg0, %dma_wait3A, %dma_wait3A_27] : memref<2x10000x128xf32, #tpu.memory_space<hbm>> -> memref<1x10000x128xf32, #tpu.memory_space<hbm>>
        %dma_wait3A_29 = tpu.memref_squeeze %dma_wait3A_28 : memref<1x10000x128xf32, #tpu.memory_space<hbm>> -> memref<10000x128xf32, #tpu.memory_space<hbm>>
        tpu.wait_dma2 semaphore(%run_scoped3A : memref<!tpu.dma_semaphore, #tpu.memory_space<semaphore_mem>>) src(%arg9 : memref<10000x128xf32, #tpu.memory_space<vmem_shared>>) dst(%dma_wait3A_29 : memref<10000x128xf32, #tpu.memory_space<hbm>>)
        tpu.yield
      }) : () -> ()
    } else {
    }
    return
  }
}

#map = affine_map<(d0, d1) -> (0, 0)>
#map1 = affine_map<(d0, d1) -> (0, 0, 0)>
module attributes {stable_mosaic.version = 14 : i64} {
  func.func @k(%arg0: i32, %arg1: i32, %arg2: memref<10000x256xf32, #tpu.memory_space<hbm>>, %arg3: memref<10000x128xf32, #tpu.memory_space<hbm>>, %arg4: memref<32x125x80xi32, #tpu.memory_space<hbm>>, %arg5: memref<32x125x80xi32, #tpu.memory_space<hbm>>, %arg6: memref<320000x256xf32, #tpu.memory_space<hbm>>, %arg7: memref<320000x128xf32, #tpu.memory_space<hbm>>, %arg8: memref<125x80xi32, #tpu.memory_space<vmem>>, %arg9: memref<125x80xi32, #tpu.memory_space<vmem>>, %arg10: memref<80x256xf32, #tpu.memory_space<vmem>>, %arg11: memref<80x256xf32, #tpu.memory_space<vmem>>, %arg12: memref<80x128xf32, #tpu.memory_space<vmem>>, %arg13: memref<80x128xf32, #tpu.memory_space<vmem>>, %arg14: memref<!tpu.dma_semaphore, #tpu.memory_space<semaphore_mem>>, %arg15: memref<!tpu.dma_semaphore, #tpu.memory_space<semaphore_mem>>, %arg16: memref<!tpu.dma_semaphore, #tpu.memory_space<semaphore_mem>>, %arg17: memref<!tpu.dma_semaphore, #tpu.memory_space<semaphore_mem>>) attributes {dimension_semantics = [#tpu.dimension_semantics<core_parallel>, #tpu.dimension_semantics<subcore_parallel>], iteration_bounds = array<i64: 2, 16>, scalar_prefetch = 0 : i64, scratch_operands = 10 : i64, tpu.core_type = #tpu.core_type<sc_vector_subcore>, window_params = [{transform_indices = #map}, {transform_indices = #map}, {transform_indices = #map1}, {transform_indices = #map1}, {transform_indices = #map}, {transform_indices = #map}]} {
    %mul3A = arith.constant 2 : i32
    %mul3A_0 = arith.muli %arg1, %mul3A : i32
    %add3A = arith.addi %mul3A_0, %arg0 : i32
    "tpu.region"() ({
      %run_scoped3A = tpu.sem_alloc : memref<!tpu.dma_semaphore, #tpu.memory_space<semaphore_mem>>
      %dma_start3A_42 = arith.constant 0 : i32
      %dma_start3A_43 = arith.constant 0 : i32
      %dma_start3A_44 = tpu.memref_slice %arg4[%add3A, %dma_start3A_42, %dma_start3A_43] : memref<32x125x80xi32, #tpu.memory_space<hbm>> -> memref<1x125x80xi32, #tpu.memory_space<hbm>>
      %dma_start3A_45 = tpu.memref_squeeze %dma_start3A_44 : memref<1x125x80xi32, #tpu.memory_space<hbm>> -> memref<125x80xi32, #tpu.memory_space<hbm>>
      %dma_start3A_46 = arith.constant 0 : i32
      %dma_start3A_47 = arith.constant 0 : i32
      %dma_start3A_48 = tpu.memref_slice %arg4[%add3A, %dma_start3A_46, %dma_start3A_47] : memref<32x125x80xi32, #tpu.memory_space<hbm>> -> memref<1x125x80xi32, #tpu.memory_space<hbm>>
      %dma_start3A_49 = tpu.memref_squeeze %dma_start3A_48 : memref<1x125x80xi32, #tpu.memory_space<hbm>> -> memref<125x80xi32, #tpu.memory_space<hbm>>
      tpu.enqueue_dma source(%dma_start3A_49 : memref<125x80xi32, #tpu.memory_space<hbm>>) target(%arg8 : memref<125x80xi32, #tpu.memory_space<vmem>>) target_semaphore(%run_scoped3A : memref<!tpu.dma_semaphore, #tpu.memory_space<semaphore_mem>>)
      %dma_wait3A_50 = arith.constant 0 : i32
      %dma_wait3A_51 = arith.constant 0 : i32
      %dma_wait3A_52 = tpu.memref_slice %arg4[%add3A, %dma_wait3A_50, %dma_wait3A_51] : memref<32x125x80xi32, #tpu.memory_space<hbm>> -> memref<1x125x80xi32, #tpu.memory_space<hbm>>
      %dma_wait3A_53 = tpu.memref_squeeze %dma_wait3A_52 : memref<1x125x80xi32, #tpu.memory_space<hbm>> -> memref<125x80xi32, #tpu.memory_space<hbm>>
      %dma_wait3A_54 = arith.constant 0 : i32
      %dma_wait3A_55 = arith.constant 0 : i32
      %dma_wait3A_56 = tpu.memref_slice %arg4[%add3A, %dma_wait3A_54, %dma_wait3A_55] : memref<32x125x80xi32, #tpu.memory_space<hbm>> -> memref<1x125x80xi32, #tpu.memory_space<hbm>>
      %dma_wait3A_57 = tpu.memref_squeeze %dma_wait3A_56 : memref<1x125x80xi32, #tpu.memory_space<hbm>> -> memref<125x80xi32, #tpu.memory_space<hbm>>
      tpu.wait_dma2 semaphore(%run_scoped3A : memref<!tpu.dma_semaphore, #tpu.memory_space<semaphore_mem>>) src(%dma_wait3A_57 : memref<125x80xi32, #tpu.memory_space<hbm>>) dst(%arg8 : memref<125x80xi32, #tpu.memory_space<vmem>>)
      tpu.yield
    }) : () -> ()
    "tpu.region"() ({
      %run_scoped3A = tpu.sem_alloc : memref<!tpu.dma_semaphore, #tpu.memory_space<semaphore_mem>>
      %dma_start3A_42 = arith.constant 0 : i32
      %dma_start3A_43 = arith.constant 0 : i32
      %dma_start3A_44 = tpu.memref_slice %arg5[%add3A, %dma_start3A_42, %dma_start3A_43] : memref<32x125x80xi32, #tpu.memory_space<hbm>> -> memref<1x125x80xi32, #tpu.memory_space<hbm>>
      %dma_start3A_45 = tpu.memref_squeeze %dma_start3A_44 : memref<1x125x80xi32, #tpu.memory_space<hbm>> -> memref<125x80xi32, #tpu.memory_space<hbm>>
      %dma_start3A_46 = arith.constant 0 : i32
      %dma_start3A_47 = arith.constant 0 : i32
      %dma_start3A_48 = tpu.memref_slice %arg5[%add3A, %dma_start3A_46, %dma_start3A_47] : memref<32x125x80xi32, #tpu.memory_space<hbm>> -> memref<1x125x80xi32, #tpu.memory_space<hbm>>
      %dma_start3A_49 = tpu.memref_squeeze %dma_start3A_48 : memref<1x125x80xi32, #tpu.memory_space<hbm>> -> memref<125x80xi32, #tpu.memory_space<hbm>>
      tpu.enqueue_dma source(%dma_start3A_49 : memref<125x80xi32, #tpu.memory_space<hbm>>) target(%arg9 : memref<125x80xi32, #tpu.memory_space<vmem>>) target_semaphore(%run_scoped3A : memref<!tpu.dma_semaphore, #tpu.memory_space<semaphore_mem>>)
      %dma_wait3A_50 = arith.constant 0 : i32
      %dma_wait3A_51 = arith.constant 0 : i32
      %dma_wait3A_52 = tpu.memref_slice %arg5[%add3A, %dma_wait3A_50, %dma_wait3A_51] : memref<32x125x80xi32, #tpu.memory_space<hbm>> -> memref<1x125x80xi32, #tpu.memory_space<hbm>>
      %dma_wait3A_53 = tpu.memref_squeeze %dma_wait3A_52 : memref<1x125x80xi32, #tpu.memory_space<hbm>> -> memref<125x80xi32, #tpu.memory_space<hbm>>
      %dma_wait3A_54 = arith.constant 0 : i32
      %dma_wait3A_55 = arith.constant 0 : i32
      %dma_wait3A_56 = tpu.memref_slice %arg5[%add3A, %dma_wait3A_54, %dma_wait3A_55] : memref<32x125x80xi32, #tpu.memory_space<hbm>> -> memref<1x125x80xi32, #tpu.memory_space<hbm>>
      %dma_wait3A_57 = tpu.memref_squeeze %dma_wait3A_56 : memref<1x125x80xi32, #tpu.memory_space<hbm>> -> memref<125x80xi32, #tpu.memory_space<hbm>>
      tpu.wait_dma2 semaphore(%run_scoped3A : memref<!tpu.dma_semaphore, #tpu.memory_space<semaphore_mem>>) src(%dma_wait3A_57 : memref<125x80xi32, #tpu.memory_space<hbm>>) dst(%arg9 : memref<125x80xi32, #tpu.memory_space<vmem>>)
      tpu.yield
    }) : () -> ()
    %dma_start3A = arith.constant 0 : i32
    %dma_start3A_1 = arith.constant 0 : i32
    %dma_start3A_2 = tpu.memref_slice %arg8[%dma_start3A, %dma_start3A_1] : memref<125x80xi32, #tpu.memory_space<vmem>> -> memref<1x80xi32, #tpu.memory_space<vmem>>
    %dma_start3A_3 = tpu.memref_squeeze %dma_start3A_2 : memref<1x80xi32, #tpu.memory_space<vmem>> -> memref<80xi32, #tpu.memory_space<vmem>>
    %dma_start3A_4 = arith.constant 0 : i32
    %dma_start3A_5 = arith.constant 0 : i32
    %dma_start3A_6 = tpu.memref_slice %arg2[%dma_start3A_4, %dma_start3A_5] : memref<10000x256xf32, #tpu.memory_space<hbm>> -> memref<10000x256xf32, #tpu.memory_space<hbm>>
    tpu.enqueue_indirect_dma source(%dma_start3A_6 : memref<10000x256xf32, #tpu.memory_space<hbm>>) target(%arg10 : memref<80x256xf32, #tpu.memory_space<vmem>>) offsets(%dma_start3A_3 : memref<80xi32, #tpu.memory_space<vmem>>) semaphore(%arg14 : memref<!tpu.dma_semaphore, #tpu.memory_space<semaphore_mem>>)
    %dma_start3A_7 = arith.constant 0 : i32
    %dma_start3A_8 = arith.constant 0 : i32
    %dma_start3A_9 = tpu.memref_slice %arg9[%dma_start3A_7, %dma_start3A_8] : memref<125x80xi32, #tpu.memory_space<vmem>> -> memref<1x80xi32, #tpu.memory_space<vmem>>
    %dma_start3A_10 = tpu.memref_squeeze %dma_start3A_9 : memref<1x80xi32, #tpu.memory_space<vmem>> -> memref<80xi32, #tpu.memory_space<vmem>>
    %dma_start3A_11 = arith.constant 0 : i32
    %dma_start3A_12 = arith.constant 0 : i32
    %dma_start3A_13 = tpu.memref_slice %arg3[%dma_start3A_11, %dma_start3A_12] : memref<10000x128xf32, #tpu.memory_space<hbm>> -> memref<10000x128xf32, #tpu.memory_space<hbm>>
    tpu.enqueue_indirect_dma source(%dma_start3A_13 : memref<10000x128xf32, #tpu.memory_space<hbm>>) target(%arg12 : memref<80x128xf32, #tpu.memory_space<vmem>>) offsets(%dma_start3A_10 : memref<80xi32, #tpu.memory_space<vmem>>) semaphore(%arg14 : memref<!tpu.dma_semaphore, #tpu.memory_space<semaphore_mem>>)
    %scan3A = arith.constant 0 : i32
    %scan3A_14 = arith.constant 0 : i32
    %scan3A_15 = arith.constant 125 : i32
    %scan3A_16 = arith.addi %scan3A_14, %scan3A_15 : i32
    %scan3A_17 = arith.constant 1 : i32
    scf.for %scan3A_42 = %scan3A_14 to %scan3A_16 step %scan3A_17  : i32 {
      %jit3A = arith.constant 2 : i32
      %eq3A = arith.constant 0 : i32
      %eq3A_43 = arith.cmpi eq, %jit3A, %eq3A : i32
      %jit3A_44 = arith.constant 1 : i32
      %select_n3A = arith.select %eq3A_43, %jit3A_44, %jit3A : i32
      %rem3A = arith.remsi %scan3A_42, %select_n3A : i32
      %ne3A = arith.constant 0 : i32
      %ne3A_45 = arith.cmpi ne, %rem3A, %ne3A : i32
      %lt3A = arith.constant 0 : i32
      %lt3A_46 = arith.cmpi slt, %rem3A, %lt3A : i32
      %lt3A_47 = arith.constant 0 : i32
      %lt3A_48 = arith.cmpi slt, %select_n3A, %lt3A_47 : i32
      %ne3A_49 = arith.xori %lt3A_46, %lt3A_48 : i1
      %and3A = arith.andi %ne3A_49, %ne3A_45 : i1
      %add3A_50 = arith.addi %rem3A, %select_n3A : i32
      %select_n3A_51 = arith.select %and3A, %add3A_50, %rem3A : i32
      %eq3A_52 = arith.constant 0 : i32
      %eq3A_53 = arith.cmpi eq, %select_n3A_51, %eq3A_52 : i32
      %convert_element_type3A = arith.extui %eq3A_53 : i1 to i32
      %cond3A = arith.constant 0 : i32
      %cond3A_54 = arith.cmpi ne, %convert_element_type3A, %cond3A : i32
      scf.if %cond3A_54 {
        %add3A_76 = arith.constant 1 : i32
        %add3A_77 = arith.addi %scan3A_42, %add3A_76 : i32
        %lt3A_78 = arith.constant 125 : i32
        %lt3A_79 = arith.cmpi slt, %add3A_77, %lt3A_78 : i32
        %convert_element_type3A_80 = arith.extui %lt3A_79 : i1 to i32
        %cond3A_81 = arith.constant 0 : i32
        %cond3A_82 = arith.cmpi ne, %convert_element_type3A_80, %cond3A_81 : i32
        scf.if %cond3A_82 {
          %ge3A = arith.constant 1 : i32
          %ge3A_110 = arith.cmpi sge, %scan3A_42, %ge3A : i32
          %convert_element_type3A_111 = arith.extui %ge3A_110 : i1 to i32
          %cond3A_112 = arith.constant 0 : i32
          %cond3A_113 = arith.cmpi ne, %convert_element_type3A_111, %cond3A_112 : i32
          scf.if %cond3A_113 {
            %dma_wait3A_128 = arith.constant 0 : i32
            %dma_wait3A_129 = arith.constant 0 : i32
            %dma_wait3A_130 = tpu.memref_slice %arg6[%dma_wait3A_128, %dma_wait3A_129] : memref<320000x256xf32, #tpu.memory_space<hbm>> -> memref<80x256xf32, #tpu.memory_space<hbm>>
            %dma_wait3A_131 = arith.constant 0 : i32
            %dma_wait3A_132 = arith.constant 0 : i32
            %dma_wait3A_133 = tpu.memref_slice %arg6[%dma_wait3A_131, %dma_wait3A_132] : memref<320000x256xf32, #tpu.memory_space<hbm>> -> memref<80x256xf32, #tpu.memory_space<hbm>>
            tpu.wait_dma2 semaphore(%arg17 : memref<!tpu.dma_semaphore, #tpu.memory_space<semaphore_mem>>) src(%arg11 : memref<80x256xf32, #tpu.memory_space<vmem>>) dst(%dma_wait3A_133 : memref<80x256xf32, #tpu.memory_space<hbm>>)
            %dma_wait3A_134 = arith.constant 0 : i32
            %dma_wait3A_135 = arith.constant 0 : i32
            %dma_wait3A_136 = tpu.memref_slice %arg7[%dma_wait3A_134, %dma_wait3A_135] : memref<320000x128xf32, #tpu.memory_space<hbm>> -> memref<80x128xf32, #tpu.memory_space<hbm>>
            %dma_wait3A_137 = arith.constant 0 : i32
            %dma_wait3A_138 = arith.constant 0 : i32
            %dma_wait3A_139 = tpu.memref_slice %arg7[%dma_wait3A_137, %dma_wait3A_138] : memref<320000x128xf32, #tpu.memory_space<hbm>> -> memref<80x128xf32, #tpu.memory_space<hbm>>
            tpu.wait_dma2 semaphore(%arg17 : memref<!tpu.dma_semaphore, #tpu.memory_space<semaphore_mem>>) src(%arg13 : memref<80x128xf32, #tpu.memory_space<vmem>>) dst(%dma_wait3A_139 : memref<80x128xf32, #tpu.memory_space<hbm>>)
          } else {
          }
          %add3A_114 = arith.constant 1 : i32
          %add3A_115 = arith.addi %scan3A_42, %add3A_114 : i32
          %dma_start3A_116 = arith.constant 0 : i32
          %dma_start3A_117 = tpu.memref_slice %arg8[%add3A_115, %dma_start3A_116] : memref<125x80xi32, #tpu.memory_space<vmem>> -> memref<1x80xi32, #tpu.memory_space<vmem>>
          %dma_start3A_118 = tpu.memref_squeeze %dma_start3A_117 : memref<1x80xi32, #tpu.memory_space<vmem>> -> memref<80xi32, #tpu.memory_space<vmem>>
          %dma_start3A_119 = arith.constant 0 : i32
          %dma_start3A_120 = arith.constant 0 : i32
          %dma_start3A_121 = tpu.memref_slice %arg2[%dma_start3A_119, %dma_start3A_120] : memref<10000x256xf32, #tpu.memory_space<hbm>> -> memref<10000x256xf32, #tpu.memory_space<hbm>>
          tpu.enqueue_indirect_dma source(%dma_start3A_121 : memref<10000x256xf32, #tpu.memory_space<hbm>>) target(%arg11 : memref<80x256xf32, #tpu.memory_space<vmem>>) offsets(%dma_start3A_118 : memref<80xi32, #tpu.memory_space<vmem>>) semaphore(%arg15 : memref<!tpu.dma_semaphore, #tpu.memory_space<semaphore_mem>>)
          %dma_start3A_122 = arith.constant 0 : i32
          %dma_start3A_123 = tpu.memref_slice %arg9[%add3A_115, %dma_start3A_122] : memref<125x80xi32, #tpu.memory_space<vmem>> -> memref<1x80xi32, #tpu.memory_space<vmem>>
          %dma_start3A_124 = tpu.memref_squeeze %dma_start3A_123 : memref<1x80xi32, #tpu.memory_space<vmem>> -> memref<80xi32, #tpu.memory_space<vmem>>
          %dma_start3A_125 = arith.constant 0 : i32
          %dma_start3A_126 = arith.constant 0 : i32
          %dma_start3A_127 = tpu.memref_slice %arg3[%dma_start3A_125, %dma_start3A_126] : memref<10000x128xf32, #tpu.memory_space<hbm>> -> memref<10000x128xf32, #tpu.memory_space<hbm>>
          tpu.enqueue_indirect_dma source(%dma_start3A_127 : memref<10000x128xf32, #tpu.memory_space<hbm>>) target(%arg13 : memref<80x128xf32, #tpu.memory_space<vmem>>) offsets(%dma_start3A_124 : memref<80xi32, #tpu.memory_space<vmem>>) semaphore(%arg15 : memref<!tpu.dma_semaphore, #tpu.memory_space<semaphore_mem>>)
        } else {
        }
        %dma_wait3A_83 = arith.constant 0 : i32
        %dma_wait3A_84 = arith.constant 0 : i32
        %dma_wait3A_85 = tpu.memref_slice %arg8[%dma_wait3A_83, %dma_wait3A_84] : memref<125x80xi32, #tpu.memory_space<vmem>> -> memref<1x80xi32, #tpu.memory_space<vmem>>
        %dma_wait3A_86 = tpu.memref_squeeze %dma_wait3A_85 : memref<1x80xi32, #tpu.memory_space<vmem>> -> memref<80xi32, #tpu.memory_space<vmem>>
        %dma_wait3A_87 = arith.constant 0 : i32
        %dma_wait3A_88 = arith.constant 0 : i32
        %dma_wait3A_89 = tpu.memref_slice %arg2[%dma_wait3A_87, %dma_wait3A_88] : memref<10000x256xf32, #tpu.memory_space<hbm>> -> memref<10000x256xf32, #tpu.memory_space<hbm>>
        tpu.wait_indirect_dma semaphore(%arg14 : memref<!tpu.dma_semaphore, #tpu.memory_space<semaphore_mem>>) src(%dma_wait3A_89 : memref<10000x256xf32, #tpu.memory_space<hbm>>) dst(%arg10 : memref<80x256xf32, #tpu.memory_space<vmem>>)
        %dma_wait3A_90 = arith.constant 0 : i32
        %dma_wait3A_91 = arith.constant 0 : i32
        %dma_wait3A_92 = tpu.memref_slice %arg9[%dma_wait3A_90, %dma_wait3A_91] : memref<125x80xi32, #tpu.memory_space<vmem>> -> memref<1x80xi32, #tpu.memory_space<vmem>>
        %dma_wait3A_93 = tpu.memref_squeeze %dma_wait3A_92 : memref<1x80xi32, #tpu.memory_space<vmem>> -> memref<80xi32, #tpu.memory_space<vmem>>
        %dma_wait3A_94 = arith.constant 0 : i32
        %dma_wait3A_95 = arith.constant 0 : i32
        %dma_wait3A_96 = tpu.memref_slice %arg3[%dma_wait3A_94, %dma_wait3A_95] : memref<10000x128xf32, #tpu.memory_space<hbm>> -> memref<10000x128xf32, #tpu.memory_space<hbm>>
        tpu.wait_indirect_dma semaphore(%arg14 : memref<!tpu.dma_semaphore, #tpu.memory_space<semaphore_mem>>) src(%dma_wait3A_96 : memref<10000x128xf32, #tpu.memory_space<hbm>>) dst(%arg12 : memref<80x128xf32, #tpu.memory_space<vmem>>)
        %mul3A_97 = arith.constant 125 : i32
        %mul3A_98 = arith.muli %add3A, %mul3A_97 : i32
        %add3A_99 = arith.addi %mul3A_98, %scan3A_42 : i32
        %mul3A_100 = arith.constant 80 : i32
        %mul3A_101 = arith.muli %add3A_99, %mul3A_100 : i32
        %dma_start3A_102 = arith.constant 0 : i32
        %dma_start3A_103 = tpu.memref_slice %arg6[%mul3A_101, %dma_start3A_102] : memref<320000x256xf32, #tpu.memory_space<hbm>> -> memref<80x256xf32, #tpu.memory_space<hbm>>
        %dma_start3A_104 = arith.constant 0 : i32
        %dma_start3A_105 = tpu.memref_slice %arg6[%mul3A_101, %dma_start3A_104] : memref<320000x256xf32, #tpu.memory_space<hbm>> -> memref<80x256xf32, #tpu.memory_space<hbm>>
        tpu.enqueue_dma source(%arg10 : memref<80x256xf32, #tpu.memory_space<vmem>>) target(%dma_start3A_105 : memref<80x256xf32, #tpu.memory_space<hbm>>) target_semaphore(%arg16 : memref<!tpu.dma_semaphore, #tpu.memory_space<semaphore_mem>>)
        %dma_start3A_106 = arith.constant 0 : i32
        %dma_start3A_107 = tpu.memref_slice %arg7[%mul3A_101, %dma_start3A_106] : memref<320000x128xf32, #tpu.memory_space<hbm>> -> memref<80x128xf32, #tpu.memory_space<hbm>>
        %dma_start3A_108 = arith.constant 0 : i32
        %dma_start3A_109 = tpu.memref_slice %arg7[%mul3A_101, %dma_start3A_108] : memref<320000x128xf32, #tpu.memory_space<hbm>> -> memref<80x128xf32, #tpu.memory_space<hbm>>
        tpu.enqueue_dma source(%arg12 : memref<80x128xf32, #tpu.memory_space<vmem>>) target(%dma_start3A_109 : memref<80x128xf32, #tpu.memory_space<hbm>>) target_semaphore(%arg16 : memref<!tpu.dma_semaphore, #tpu.memory_space<semaphore_mem>>)
      } else {
      }
      %jit3A_55 = arith.constant 2 : i32
      %eq3A_56 = arith.constant 0 : i32
      %eq3A_57 = arith.cmpi eq, %jit3A_55, %eq3A_56 : i32
      %jit3A_58 = arith.constant 1 : i32
      %select_n3A_59 = arith.select %eq3A_57, %jit3A_58, %jit3A_55 : i32
      %rem3A_60 = arith.remsi %scan3A_42, %select_n3A_59 : i32
      %ne3A_61 = arith.constant 0 : i32
      %ne3A_62 = arith.cmpi ne, %rem3A_60, %ne3A_61 : i32
      %lt3A_63 = arith.constant 0 : i32
      %lt3A_64 = arith.cmpi slt, %rem3A_60, %lt3A_63 : i32
      %lt3A_65 = arith.constant 0 : i32
      %lt3A_66 = arith.cmpi slt, %select_n3A_59, %lt3A_65 : i32
      %ne3A_67 = arith.xori %lt3A_64, %lt3A_66 : i1
      %and3A_68 = arith.andi %ne3A_67, %ne3A_62 : i1
      %add3A_69 = arith.addi %rem3A_60, %select_n3A_59 : i32
      %select_n3A_70 = arith.select %and3A_68, %add3A_69, %rem3A_60 : i32
      %eq3A_71 = arith.constant 1 : i32
      %eq3A_72 = arith.cmpi eq, %select_n3A_70, %eq3A_71 : i32
      %convert_element_type3A_73 = arith.extui %eq3A_72 : i1 to i32
      %cond3A_74 = arith.constant 0 : i32
      %cond3A_75 = arith.cmpi ne, %convert_element_type3A_73, %cond3A_74 : i32
      scf.if %cond3A_75 {
        %add3A_76 = arith.constant 1 : i32
        %add3A_77 = arith.addi %scan3A_42, %add3A_76 : i32
        %lt3A_78 = arith.constant 125 : i32
        %lt3A_79 = arith.cmpi slt, %add3A_77, %lt3A_78 : i32
        %convert_element_type3A_80 = arith.extui %lt3A_79 : i1 to i32
        %cond3A_81 = arith.constant 0 : i32
        %cond3A_82 = arith.cmpi ne, %convert_element_type3A_80, %cond3A_81 : i32
        scf.if %cond3A_82 {
          %ge3A = arith.constant 1 : i32
          %ge3A_110 = arith.cmpi sge, %scan3A_42, %ge3A : i32
          %convert_element_type3A_111 = arith.extui %ge3A_110 : i1 to i32
          %cond3A_112 = arith.constant 0 : i32
          %cond3A_113 = arith.cmpi ne, %convert_element_type3A_111, %cond3A_112 : i32
          scf.if %cond3A_113 {
            %dma_wait3A_128 = arith.constant 0 : i32
            %dma_wait3A_129 = arith.constant 0 : i32
            %dma_wait3A_130 = tpu.memref_slice %arg6[%dma_wait3A_128, %dma_wait3A_129] : memref<320000x256xf32, #tpu.memory_space<hbm>> -> memref<80x256xf32, #tpu.memory_space<hbm>>
            %dma_wait3A_131 = arith.constant 0 : i32
            %dma_wait3A_132 = arith.constant 0 : i32
            %dma_wait3A_133 = tpu.memref_slice %arg6[%dma_wait3A_131, %dma_wait3A_132] : memref<320000x256xf32, #tpu.memory_space<hbm>> -> memref<80x256xf32, #tpu.memory_space<hbm>>
            tpu.wait_dma2 semaphore(%arg16 : memref<!tpu.dma_semaphore, #tpu.memory_space<semaphore_mem>>) src(%arg10 : memref<80x256xf32, #tpu.memory_space<vmem>>) dst(%dma_wait3A_133 : memref<80x256xf32, #tpu.memory_space<hbm>>)
            %dma_wait3A_134 = arith.constant 0 : i32
            %dma_wait3A_135 = arith.constant 0 : i32
            %dma_wait3A_136 = tpu.memref_slice %arg7[%dma_wait3A_134, %dma_wait3A_135] : memref<320000x128xf32, #tpu.memory_space<hbm>> -> memref<80x128xf32, #tpu.memory_space<hbm>>
            %dma_wait3A_137 = arith.constant 0 : i32
            %dma_wait3A_138 = arith.constant 0 : i32
            %dma_wait3A_139 = tpu.memref_slice %arg7[%dma_wait3A_137, %dma_wait3A_138] : memref<320000x128xf32, #tpu.memory_space<hbm>> -> memref<80x128xf32, #tpu.memory_space<hbm>>
            tpu.wait_dma2 semaphore(%arg16 : memref<!tpu.dma_semaphore, #tpu.memory_space<semaphore_mem>>) src(%arg12 : memref<80x128xf32, #tpu.memory_space<vmem>>) dst(%dma_wait3A_139 : memref<80x128xf32, #tpu.memory_space<hbm>>)
          } else {
          }
          %add3A_114 = arith.constant 1 : i32
          %add3A_115 = arith.addi %scan3A_42, %add3A_114 : i32
          %dma_start3A_116 = arith.constant 0 : i32
          %dma_start3A_117 = tpu.memref_slice %arg8[%add3A_115, %dma_start3A_116] : memref<125x80xi32, #tpu.memory_space<vmem>> -> memref<1x80xi32, #tpu.memory_space<vmem>>
          %dma_start3A_118 = tpu.memref_squeeze %dma_start3A_117 : memref<1x80xi32, #tpu.memory_space<vmem>> -> memref<80xi32, #tpu.memory_space<vmem>>
          %dma_start3A_119 = arith.constant 0 : i32
          %dma_start3A_120 = arith.constant 0 : i32
          %dma_start3A_121 = tpu.memref_slice %arg2[%dma_start3A_119, %dma_start3A_120] : memref<10000x256xf32, #tpu.memory_space<hbm>> -> memref<10000x256xf32, #tpu.memory_space<hbm>>
          tpu.enqueue_indirect_dma source(%dma_start3A_121 : memref<10000x256xf32, #tpu.memory_space<hbm>>) target(%arg10 : memref<80x256xf32, #tpu.memory_space<vmem>>) offsets(%dma_start3A_118 : memref<80xi32, #tpu.memory_space<vmem>>) semaphore(%arg14 : memref<!tpu.dma_semaphore, #tpu.memory_space<semaphore_mem>>)
          %dma_start3A_122 = arith.constant 0 : i32
          %dma_start3A_123 = tpu.memref_slice %arg9[%add3A_115, %dma_start3A_122] : memref<125x80xi32, #tpu.memory_space<vmem>> -> memref<1x80xi32, #tpu.memory_space<vmem>>
          %dma_start3A_124 = tpu.memref_squeeze %dma_start3A_123 : memref<1x80xi32, #tpu.memory_space<vmem>> -> memref<80xi32, #tpu.memory_space<vmem>>
          %dma_start3A_125 = arith.constant 0 : i32
          %dma_start3A_126 = arith.constant 0 : i32
          %dma_start3A_127 = tpu.memref_slice %arg3[%dma_start3A_125, %dma_start3A_126] : memref<10000x128xf32, #tpu.memory_space<hbm>> -> memref<10000x128xf32, #tpu.memory_space<hbm>>
          tpu.enqueue_indirect_dma source(%dma_start3A_127 : memref<10000x128xf32, #tpu.memory_space<hbm>>) target(%arg12 : memref<80x128xf32, #tpu.memory_space<vmem>>) offsets(%dma_start3A_124 : memref<80xi32, #tpu.memory_space<vmem>>) semaphore(%arg14 : memref<!tpu.dma_semaphore, #tpu.memory_space<semaphore_mem>>)
        } else {
        }
        %dma_wait3A_83 = arith.constant 0 : i32
        %dma_wait3A_84 = arith.constant 0 : i32
        %dma_wait3A_85 = tpu.memref_slice %arg8[%dma_wait3A_83, %dma_wait3A_84] : memref<125x80xi32, #tpu.memory_space<vmem>> -> memref<1x80xi32, #tpu.memory_space<vmem>>
        %dma_wait3A_86 = tpu.memref_squeeze %dma_wait3A_85 : memref<1x80xi32, #tpu.memory_space<vmem>> -> memref<80xi32, #tpu.memory_space<vmem>>
        %dma_wait3A_87 = arith.constant 0 : i32
        %dma_wait3A_88 = arith.constant 0 : i32
        %dma_wait3A_89 = tpu.memref_slice %arg2[%dma_wait3A_87, %dma_wait3A_88] : memref<10000x256xf32, #tpu.memory_space<hbm>> -> memref<10000x256xf32, #tpu.memory_space<hbm>>
        tpu.wait_indirect_dma semaphore(%arg15 : memref<!tpu.dma_semaphore, #tpu.memory_space<semaphore_mem>>) src(%dma_wait3A_89 : memref<10000x256xf32, #tpu.memory_space<hbm>>) dst(%arg11 : memref<80x256xf32, #tpu.memory_space<vmem>>)
        %dma_wait3A_90 = arith.constant 0 : i32
        %dma_wait3A_91 = arith.constant 0 : i32
        %dma_wait3A_92 = tpu.memref_slice %arg9[%dma_wait3A_90, %dma_wait3A_91] : memref<125x80xi32, #tpu.memory_space<vmem>> -> memref<1x80xi32, #tpu.memory_space<vmem>>
        %dma_wait3A_93 = tpu.memref_squeeze %dma_wait3A_92 : memref<1x80xi32, #tpu.memory_space<vmem>> -> memref<80xi32, #tpu.memory_space<vmem>>
        %dma_wait3A_94 = arith.constant 0 : i32
        %dma_wait3A_95 = arith.constant 0 : i32
        %dma_wait3A_96 = tpu.memref_slice %arg3[%dma_wait3A_94, %dma_wait3A_95] : memref<10000x128xf32, #tpu.memory_space<hbm>> -> memref<10000x128xf32, #tpu.memory_space<hbm>>
        tpu.wait_indirect_dma semaphore(%arg15 : memref<!tpu.dma_semaphore, #tpu.memory_space<semaphore_mem>>) src(%dma_wait3A_96 : memref<10000x128xf32, #tpu.memory_space<hbm>>) dst(%arg13 : memref<80x128xf32, #tpu.memory_space<vmem>>)
        %mul3A_97 = arith.constant 125 : i32
        %mul3A_98 = arith.muli %add3A, %mul3A_97 : i32
        %add3A_99 = arith.addi %mul3A_98, %scan3A_42 : i32
        %mul3A_100 = arith.constant 80 : i32
        %mul3A_101 = arith.muli %add3A_99, %mul3A_100 : i32
        %dma_start3A_102 = arith.constant 0 : i32
        %dma_start3A_103 = tpu.memref_slice %arg6[%mul3A_101, %dma_start3A_102] : memref<320000x256xf32, #tpu.memory_space<hbm>> -> memref<80x256xf32, #tpu.memory_space<hbm>>
        %dma_start3A_104 = arith.constant 0 : i32
        %dma_start3A_105 = tpu.memref_slice %arg6[%mul3A_101, %dma_start3A_104] : memref<320000x256xf32, #tpu.memory_space<hbm>> -> memref<80x256xf32, #tpu.memory_space<hbm>>
        tpu.enqueue_dma source(%arg11 : memref<80x256xf32, #tpu.memory_space<vmem>>) target(%dma_start3A_105 : memref<80x256xf32, #tpu.memory_space<hbm>>) target_semaphore(%arg17 : memref<!tpu.dma_semaphore, #tpu.memory_space<semaphore_mem>>)
        %dma_start3A_106 = arith.constant 0 : i32
        %dma_start3A_107 = tpu.memref_slice %arg7[%mul3A_101, %dma_start3A_106] : memref<320000x128xf32, #tpu.memory_space<hbm>> -> memref<80x128xf32, #tpu.memory_space<hbm>>
        %dma_start3A_108 = arith.constant 0 : i32
        %dma_start3A_109 = tpu.memref_slice %arg7[%mul3A_101, %dma_start3A_108] : memref<320000x128xf32, #tpu.memory_space<hbm>> -> memref<80x128xf32, #tpu.memory_space<hbm>>
        tpu.enqueue_dma source(%arg13 : memref<80x128xf32, #tpu.memory_space<vmem>>) target(%dma_start3A_109 : memref<80x128xf32, #tpu.memory_space<hbm>>) target_semaphore(%arg17 : memref<!tpu.dma_semaphore, #tpu.memory_space<semaphore_mem>>)
      } else {
      }
    }
    %scan3A_18 = arith.constant 125 : i32
    %dma_wait3A = arith.constant 0 : i32
    %dma_wait3A_19 = arith.constant 0 : i32
    %dma_wait3A_20 = tpu.memref_slice %arg6[%dma_wait3A, %dma_wait3A_19] : memref<320000x256xf32, #tpu.memory_space<hbm>> -> memref<80x256xf32, #tpu.memory_space<hbm>>
    %dma_wait3A_21 = arith.constant 0 : i32
    %dma_wait3A_22 = arith.constant 0 : i32
    %dma_wait3A_23 = tpu.memref_slice %arg6[%dma_wait3A_21, %dma_wait3A_22] : memref<320000x256xf32, #tpu.memory_space<hbm>> -> memref<80x256xf32, #tpu.memory_space<hbm>>
    tpu.wait_dma2 semaphore(%arg16 : memref<!tpu.dma_semaphore, #tpu.memory_space<semaphore_mem>>) src(%arg10 : memref<80x256xf32, #tpu.memory_space<vmem>>) dst(%dma_wait3A_23 : memref<80x256xf32, #tpu.memory_space<hbm>>)
    %dma_wait3A_24 = arith.constant 0 : i32
    %dma_wait3A_25 = arith.constant 0 : i32
    %dma_wait3A_26 = tpu.memref_slice %arg7[%dma_wait3A_24, %dma_wait3A_25] : memref<320000x128xf32, #tpu.memory_space<hbm>> -> memref<80x128xf32, #tpu.memory_space<hbm>>
    %dma_wait3A_27 = arith.constant 0 : i32
    %dma_wait3A_28 = arith.constant 0 : i32
    %dma_wait3A_29 = tpu.memref_slice %arg7[%dma_wait3A_27, %dma_wait3A_28] : memref<320000x128xf32, #tpu.memory_space<hbm>> -> memref<80x128xf32, #tpu.memory_space<hbm>>
    tpu.wait_dma2 semaphore(%arg16 : memref<!tpu.dma_semaphore, #tpu.memory_space<semaphore_mem>>) src(%arg12 : memref<80x128xf32, #tpu.memory_space<vmem>>) dst(%dma_wait3A_29 : memref<80x128xf32, #tpu.memory_space<hbm>>)
    %dma_wait3A_30 = arith.constant 0 : i32
    %dma_wait3A_31 = arith.constant 0 : i32
    %dma_wait3A_32 = tpu.memref_slice %arg6[%dma_wait3A_30, %dma_wait3A_31] : memref<320000x256xf32, #tpu.memory_space<hbm>> -> memref<80x256xf32, #tpu.memory_space<hbm>>
    %dma_wait3A_33 = arith.constant 0 : i32
    %dma_wait3A_34 = arith.constant 0 : i32
    %dma_wait3A_35 = tpu.memref_slice %arg6[%dma_wait3A_33, %dma_wait3A_34] : memref<320000x256xf32, #tpu.memory_space<hbm>> -> memref<80x256xf32, #tpu.memory_space<hbm>>
    tpu.wait_dma2 semaphore(%arg17 : memref<!tpu.dma_semaphore, #tpu.memory_space<semaphore_mem>>) src(%arg11 : memref<80x256xf32, #tpu.memory_space<vmem>>) dst(%dma_wait3A_35 : memref<80x256xf32, #tpu.memory_space<hbm>>)
    %dma_wait3A_36 = arith.constant 0 : i32
    %dma_wait3A_37 = arith.constant 0 : i32
    %dma_wait3A_38 = tpu.memref_slice %arg7[%dma_wait3A_36, %dma_wait3A_37] : memref<320000x128xf32, #tpu.memory_space<hbm>> -> memref<80x128xf32, #tpu.memory_space<hbm>>
    %dma_wait3A_39 = arith.constant 0 : i32
    %dma_wait3A_40 = arith.constant 0 : i32
    %dma_wait3A_41 = tpu.memref_slice %arg7[%dma_wait3A_39, %dma_wait3A_40] : memref<320000x128xf32, #tpu.memory_space<hbm>> -> memref<80x128xf32, #tpu.memory_space<hbm>>
    tpu.wait_dma2 semaphore(%arg17 : memref<!tpu.dma_semaphore, #tpu.memory_space<semaphore_mem>>) src(%arg13 : memref<80x128xf32, #tpu.memory_space<vmem>>) dst(%dma_wait3A_41 : memref<80x128xf32, #tpu.memory_space<hbm>>)
    return
  }
}

#map = affine_map<(d0, d1) -> (0, 0)>
#map1 = affine_map<(d0, d1) -> (0, 0, 0)>
module attributes {stable_mosaic.version = 14 : i64} {
  func.func @k(%arg0: i32, %arg1: i32, %arg2: memref<320000x128xf32, #tpu.memory_space<hbm>>, %arg3: memref<32x125x80xi32, #tpu.memory_space<hbm>>, %arg4: memref<10000x128xf32, #tpu.memory_space<hbm>>, %arg5: memref<2x10000x128xf32, #tpu.memory_space<hbm>>, %arg6: memref<125x80xi32, #tpu.memory_space<vmem>>, %arg7: memref<80x128xf32, #tpu.memory_space<vmem>>, %arg8: memref<80x128xf32, #tpu.memory_space<vmem>>, %arg9: memref<10000x128xf32, #tpu.memory_space<vmem_shared>>, %arg10: memref<!tpu.dma_semaphore, #tpu.memory_space<semaphore_mem>>, %arg11: memref<!tpu.dma_semaphore, #tpu.memory_space<semaphore_mem>>) attributes {dimension_semantics = [#tpu.dimension_semantics<core_parallel>, #tpu.dimension_semantics<subcore_parallel>], iteration_bounds = array<i64: 2, 16>, scalar_prefetch = 0 : i64, scratch_operands = 6 : i64, tpu.core_type = #tpu.core_type<sc_vector_subcore>, window_params = [{transform_indices = #map}, {transform_indices = #map1}, {transform_indices = #map}, {transform_indices = #map1}]} {
    %mul3A = arith.constant 2 : i32
    %mul3A_0 = arith.muli %arg1, %mul3A : i32
    %add3A = arith.addi %mul3A_0, %arg0 : i32
    %eq3A = arith.constant 0 : i32
    %eq3A_1 = arith.cmpi eq, %arg1, %eq3A : i32
    %convert_element_type3A = arith.extui %eq3A_1 : i1 to i32
    %cond3A = arith.constant 0 : i32
    %cond3A_2 = arith.cmpi ne, %convert_element_type3A, %cond3A : i32
    scf.if %cond3A_2 {
      "tpu.region"() ({
        %run_scoped3A = tpu.sem_alloc : memref<!tpu.dma_semaphore, #tpu.memory_space<semaphore_mem>>
        tpu.enqueue_dma source(%arg4 : memref<10000x128xf32, #tpu.memory_space<hbm>>) target(%arg9 : memref<10000x128xf32, #tpu.memory_space<vmem_shared>>) target_semaphore(%run_scoped3A : memref<!tpu.dma_semaphore, #tpu.memory_space<semaphore_mem>>)
        tpu.wait_dma2 semaphore(%run_scoped3A : memref<!tpu.dma_semaphore, #tpu.memory_space<semaphore_mem>>) src(%arg4 : memref<10000x128xf32, #tpu.memory_space<hbm>>) dst(%arg9 : memref<10000x128xf32, #tpu.memory_space<vmem_shared>>)
        tpu.yield
      }) : () -> ()
    } else {
    }
    %barrier3A = arith.constant 0 : index
    tpu.barrier barrier_id(%barrier3A)
    "tpu.region"() ({
      %run_scoped3A = tpu.sem_alloc : memref<!tpu.dma_semaphore, #tpu.memory_space<semaphore_mem>>
      %dma_start3A_23 = arith.constant 0 : i32
      %dma_start3A_24 = arith.constant 0 : i32
      %dma_start3A_25 = tpu.memref_slice %arg3[%add3A, %dma_start3A_23, %dma_start3A_24] : memref<32x125x80xi32, #tpu.memory_space<hbm>> -> memref<1x125x80xi32, #tpu.memory_space<hbm>>
      %dma_start3A_26 = tpu.memref_squeeze %dma_start3A_25 : memref<1x125x80xi32, #tpu.memory_space<hbm>> -> memref<125x80xi32, #tpu.memory_space<hbm>>
      %dma_start3A_27 = arith.constant 0 : i32
      %dma_start3A_28 = arith.constant 0 : i32
      %dma_start3A_29 = tpu.memref_slice %arg3[%add3A, %dma_start3A_27, %dma_start3A_28] : memref<32x125x80xi32, #tpu.memory_space<hbm>> -> memref<1x125x80xi32, #tpu.memory_space<hbm>>
      %dma_start3A_30 = tpu.memref_squeeze %dma_start3A_29 : memref<1x125x80xi32, #tpu.memory_space<hbm>> -> memref<125x80xi32, #tpu.memory_space<hbm>>
      tpu.enqueue_dma source(%dma_start3A_30 : memref<125x80xi32, #tpu.memory_space<hbm>>) target(%arg6 : memref<125x80xi32, #tpu.memory_space<vmem>>) target_semaphore(%run_scoped3A : memref<!tpu.dma_semaphore, #tpu.memory_space<semaphore_mem>>)
      %dma_wait3A = arith.constant 0 : i32
      %dma_wait3A_31 = arith.constant 0 : i32
      %dma_wait3A_32 = tpu.memref_slice %arg3[%add3A, %dma_wait3A, %dma_wait3A_31] : memref<32x125x80xi32, #tpu.memory_space<hbm>> -> memref<1x125x80xi32, #tpu.memory_space<hbm>>
      %dma_wait3A_33 = tpu.memref_squeeze %dma_wait3A_32 : memref<1x125x80xi32, #tpu.memory_space<hbm>> -> memref<125x80xi32, #tpu.memory_space<hbm>>
      %dma_wait3A_34 = arith.constant 0 : i32
      %dma_wait3A_35 = arith.constant 0 : i32
      %dma_wait3A_36 = tpu.memref_slice %arg3[%add3A, %dma_wait3A_34, %dma_wait3A_35] : memref<32x125x80xi32, #tpu.memory_space<hbm>> -> memref<1x125x80xi32, #tpu.memory_space<hbm>>
      %dma_wait3A_37 = tpu.memref_squeeze %dma_wait3A_36 : memref<1x125x80xi32, #tpu.memory_space<hbm>> -> memref<125x80xi32, #tpu.memory_space<hbm>>
      tpu.wait_dma2 semaphore(%run_scoped3A : memref<!tpu.dma_semaphore, #tpu.memory_space<semaphore_mem>>) src(%dma_wait3A_37 : memref<125x80xi32, #tpu.memory_space<hbm>>) dst(%arg6 : memref<125x80xi32, #tpu.memory_space<vmem>>)
      tpu.yield
    }) : () -> ()
    %mul3A_3 = arith.constant 125 : i32
    %mul3A_4 = arith.muli %add3A, %mul3A_3 : i32
    %add3A_5 = arith.constant 0 : i32
    %add3A_6 = arith.addi %mul3A_4, %add3A_5 : i32
    %mul3A_7 = arith.constant 80 : i32
    %mul3A_8 = arith.muli %add3A_6, %mul3A_7 : i32
    %dma_start3A = arith.constant 0 : i32
    %dma_start3A_9 = tpu.memref_slice %arg2[%mul3A_8, %dma_start3A] : memref<320000x128xf32, #tpu.memory_space<hbm>> -> memref<80x128xf32, #tpu.memory_space<hbm>>
    %dma_start3A_10 = arith.constant 0 : i32
    %dma_start3A_11 = tpu.memref_slice %arg2[%mul3A_8, %dma_start3A_10] : memref<320000x128xf32, #tpu.memory_space<hbm>> -> memref<80x128xf32, #tpu.memory_space<hbm>>
    tpu.enqueue_dma source(%dma_start3A_11 : memref<80x128xf32, #tpu.memory_space<hbm>>) target(%arg7 : memref<80x128xf32, #tpu.memory_space<vmem>>) target_semaphore(%arg10 : memref<!tpu.dma_semaphore, #tpu.memory_space<semaphore_mem>>)
    %scan3A = arith.constant 0 : i32
    %scan3A_12 = arith.constant 0 : i32
    %scan3A_13 = arith.constant 125 : i32
    %scan3A_14 = arith.addi %scan3A_12, %scan3A_13 : i32
    %scan3A_15 = arith.constant 1 : i32
    scf.for %scan3A_23 = %scan3A_12 to %scan3A_14 step %scan3A_15  : i32 {
      %jit3A = arith.constant 2 : i32
      %eq3A_24 = arith.constant 0 : i32
      %eq3A_25 = arith.cmpi eq, %jit3A, %eq3A_24 : i32
      %jit3A_26 = arith.constant 1 : i32
      %select_n3A = arith.select %eq3A_25, %jit3A_26, %jit3A : i32
      %rem3A = arith.remsi %scan3A_23, %select_n3A : i32
      %ne3A = arith.constant 0 : i32
      %ne3A_27 = arith.cmpi ne, %rem3A, %ne3A : i32
      %lt3A = arith.constant 0 : i32
      %lt3A_28 = arith.cmpi slt, %rem3A, %lt3A : i32
      %lt3A_29 = arith.constant 0 : i32
      %lt3A_30 = arith.cmpi slt, %select_n3A, %lt3A_29 : i32
      %ne3A_31 = arith.xori %lt3A_28, %lt3A_30 : i1
      %and3A = arith.andi %ne3A_31, %ne3A_27 : i1
      %add3A_32 = arith.addi %rem3A, %select_n3A : i32
      %select_n3A_33 = arith.select %and3A, %add3A_32, %rem3A : i32
      %eq3A_34 = arith.constant 0 : i32
      %eq3A_35 = arith.cmpi eq, %select_n3A_33, %eq3A_34 : i32
      %convert_element_type3A_36 = arith.extui %eq3A_35 : i1 to i32
      %cond3A_37 = arith.constant 0 : i32
      %cond3A_38 = arith.cmpi ne, %convert_element_type3A_36, %cond3A_37 : i32
      scf.if %cond3A_38 {
        %add3A_60 = arith.constant 1 : i32
        %add3A_61 = arith.addi %scan3A_23, %add3A_60 : i32
        %lt3A_62 = arith.constant 125 : i32
        %lt3A_63 = arith.cmpi slt, %add3A_61, %lt3A_62 : i32
        %convert_element_type3A_64 = arith.extui %lt3A_63 : i1 to i32
        %cond3A_65 = arith.constant 0 : i32
        %cond3A_66 = arith.cmpi ne, %convert_element_type3A_64, %cond3A_65 : i32
        scf.if %cond3A_66 {
          %add3A_72 = arith.constant 1 : i32
          %add3A_73 = arith.addi %scan3A_23, %add3A_72 : i32
          %mul3A_74 = arith.constant 125 : i32
          %mul3A_75 = arith.muli %add3A, %mul3A_74 : i32
          %add3A_76 = arith.addi %mul3A_75, %add3A_73 : i32
          %mul3A_77 = arith.constant 80 : i32
          %mul3A_78 = arith.muli %add3A_76, %mul3A_77 : i32
          %dma_start3A_79 = arith.constant 0 : i32
          %dma_start3A_80 = tpu.memref_slice %arg2[%mul3A_78, %dma_start3A_79] : memref<320000x128xf32, #tpu.memory_space<hbm>> -> memref<80x128xf32, #tpu.memory_space<hbm>>
          %dma_start3A_81 = arith.constant 0 : i32
          %dma_start3A_82 = tpu.memref_slice %arg2[%mul3A_78, %dma_start3A_81] : memref<320000x128xf32, #tpu.memory_space<hbm>> -> memref<80x128xf32, #tpu.memory_space<hbm>>
          tpu.enqueue_dma source(%dma_start3A_82 : memref<80x128xf32, #tpu.memory_space<hbm>>) target(%arg8 : memref<80x128xf32, #tpu.memory_space<vmem>>) target_semaphore(%arg11 : memref<!tpu.dma_semaphore, #tpu.memory_space<semaphore_mem>>)
        } else {
        }
        %dma_wait3A = arith.constant 0 : i32
        %dma_wait3A_67 = arith.constant 0 : i32
        %dma_wait3A_68 = tpu.memref_slice %arg2[%dma_wait3A, %dma_wait3A_67] : memref<320000x128xf32, #tpu.memory_space<hbm>> -> memref<80x128xf32, #tpu.memory_space<hbm>>
        %dma_wait3A_69 = arith.constant 0 : i32
        %dma_wait3A_70 = arith.constant 0 : i32
        %dma_wait3A_71 = tpu.memref_slice %arg2[%dma_wait3A_69, %dma_wait3A_70] : memref<320000x128xf32, #tpu.memory_space<hbm>> -> memref<80x128xf32, #tpu.memory_space<hbm>>
        tpu.wait_dma2 semaphore(%arg10 : memref<!tpu.dma_semaphore, #tpu.memory_space<semaphore_mem>>) src(%dma_wait3A_71 : memref<80x128xf32, #tpu.memory_space<hbm>>) dst(%arg7 : memref<80x128xf32, #tpu.memory_space<vmem>>)
        "tpu.region"() ({
          %run_scoped3A = tpu.sem_alloc : memref<!tpu.dma_semaphore, #tpu.memory_space<semaphore_mem>>
          %dma_start3A_72 = arith.constant 0 : i32
          %dma_start3A_73 = tpu.memref_slice %arg6[%scan3A_23, %dma_start3A_72] : memref<125x80xi32, #tpu.memory_space<vmem>> -> memref<1x80xi32, #tpu.memory_space<vmem>>
          %dma_start3A_74 = tpu.memref_squeeze %dma_start3A_73 : memref<1x80xi32, #tpu.memory_space<vmem>> -> memref<80xi32, #tpu.memory_space<vmem>>
          %dma_start3A_75 = arith.constant 0 : i32
          %dma_start3A_76 = arith.constant 0 : i32
          %dma_start3A_77 = tpu.memref_slice %arg9[%dma_start3A_75, %dma_start3A_76] : memref<10000x128xf32, #tpu.memory_space<vmem_shared>> -> memref<10000x128xf32, #tpu.memory_space<vmem_shared>>
          tpu.enqueue_indirect_dma source(%arg7 : memref<80x128xf32, #tpu.memory_space<vmem>>) target(%dma_start3A_77 : memref<10000x128xf32, #tpu.memory_space<vmem_shared>>) offsets(%dma_start3A_74 : memref<80xi32, #tpu.memory_space<vmem>>) semaphore(%run_scoped3A : memref<!tpu.dma_semaphore, #tpu.memory_space<semaphore_mem>>) {add = true}
          %dma_wait3A_78 = arith.constant 0 : i32
          %dma_wait3A_79 = tpu.memref_slice %arg6[%scan3A_23, %dma_wait3A_78] : memref<125x80xi32, #tpu.memory_space<vmem>> -> memref<1x80xi32, #tpu.memory_space<vmem>>
          %dma_wait3A_80 = tpu.memref_squeeze %dma_wait3A_79 : memref<1x80xi32, #tpu.memory_space<vmem>> -> memref<80xi32, #tpu.memory_space<vmem>>
          %dma_wait3A_81 = arith.constant 0 : i32
          %dma_wait3A_82 = arith.constant 0 : i32
          %dma_wait3A_83 = tpu.memref_slice %arg9[%dma_wait3A_81, %dma_wait3A_82] : memref<10000x128xf32, #tpu.memory_space<vmem_shared>> -> memref<10000x128xf32, #tpu.memory_space<vmem_shared>>
          tpu.wait_indirect_dma semaphore(%run_scoped3A : memref<!tpu.dma_semaphore, #tpu.memory_space<semaphore_mem>>) src(%arg7 : memref<80x128xf32, #tpu.memory_space<vmem>>) dst(%dma_wait3A_83 : memref<10000x128xf32, #tpu.memory_space<vmem_shared>>)
          tpu.yield
        }) : () -> ()
      } else {
      }
      %jit3A_39 = arith.constant 2 : i32
      %eq3A_40 = arith.constant 0 : i32
      %eq3A_41 = arith.cmpi eq, %jit3A_39, %eq3A_40 : i32
      %jit3A_42 = arith.constant 1 : i32
      %select_n3A_43 = arith.select %eq3A_41, %jit3A_42, %jit3A_39 : i32
      %rem3A_44 = arith.remsi %scan3A_23, %select_n3A_43 : i32
      %ne3A_45 = arith.constant 0 : i32
      %ne3A_46 = arith.cmpi ne, %rem3A_44, %ne3A_45 : i32
      %lt3A_47 = arith.constant 0 : i32
      %lt3A_48 = arith.cmpi slt, %rem3A_44, %lt3A_47 : i32
      %lt3A_49 = arith.constant 0 : i32
      %lt3A_50 = arith.cmpi slt, %select_n3A_43, %lt3A_49 : i32
      %ne3A_51 = arith.xori %lt3A_48, %lt3A_50 : i1
      %and3A_52 = arith.andi %ne3A_51, %ne3A_46 : i1
      %add3A_53 = arith.addi %rem3A_44, %select_n3A_43 : i32
      %select_n3A_54 = arith.select %and3A_52, %add3A_53, %rem3A_44 : i32
      %eq3A_55 = arith.constant 1 : i32
      %eq3A_56 = arith.cmpi eq, %select_n3A_54, %eq3A_55 : i32
      %convert_element_type3A_57 = arith.extui %eq3A_56 : i1 to i32
      %cond3A_58 = arith.constant 0 : i32
      %cond3A_59 = arith.cmpi ne, %convert_element_type3A_57, %cond3A_58 : i32
      scf.if %cond3A_59 {
        %add3A_60 = arith.constant 1 : i32
        %add3A_61 = arith.addi %scan3A_23, %add3A_60 : i32
        %lt3A_62 = arith.constant 125 : i32
        %lt3A_63 = arith.cmpi slt, %add3A_61, %lt3A_62 : i32
        %convert_element_type3A_64 = arith.extui %lt3A_63 : i1 to i32
        %cond3A_65 = arith.constant 0 : i32
        %cond3A_66 = arith.cmpi ne, %convert_element_type3A_64, %cond3A_65 : i32
        scf.if %cond3A_66 {
          %add3A_72 = arith.constant 1 : i32
          %add3A_73 = arith.addi %scan3A_23, %add3A_72 : i32
          %mul3A_74 = arith.constant 125 : i32
          %mul3A_75 = arith.muli %add3A, %mul3A_74 : i32
          %add3A_76 = arith.addi %mul3A_75, %add3A_73 : i32
          %mul3A_77 = arith.constant 80 : i32
          %mul3A_78 = arith.muli %add3A_76, %mul3A_77 : i32
          %dma_start3A_79 = arith.constant 0 : i32
          %dma_start3A_80 = tpu.memref_slice %arg2[%mul3A_78, %dma_start3A_79] : memref<320000x128xf32, #tpu.memory_space<hbm>> -> memref<80x128xf32, #tpu.memory_space<hbm>>
          %dma_start3A_81 = arith.constant 0 : i32
          %dma_start3A_82 = tpu.memref_slice %arg2[%mul3A_78, %dma_start3A_81] : memref<320000x128xf32, #tpu.memory_space<hbm>> -> memref<80x128xf32, #tpu.memory_space<hbm>>
          tpu.enqueue_dma source(%dma_start3A_82 : memref<80x128xf32, #tpu.memory_space<hbm>>) target(%arg7 : memref<80x128xf32, #tpu.memory_space<vmem>>) target_semaphore(%arg10 : memref<!tpu.dma_semaphore, #tpu.memory_space<semaphore_mem>>)
        } else {
        }
        %dma_wait3A = arith.constant 0 : i32
        %dma_wait3A_67 = arith.constant 0 : i32
        %dma_wait3A_68 = tpu.memref_slice %arg2[%dma_wait3A, %dma_wait3A_67] : memref<320000x128xf32, #tpu.memory_space<hbm>> -> memref<80x128xf32, #tpu.memory_space<hbm>>
        %dma_wait3A_69 = arith.constant 0 : i32
        %dma_wait3A_70 = arith.constant 0 : i32
        %dma_wait3A_71 = tpu.memref_slice %arg2[%dma_wait3A_69, %dma_wait3A_70] : memref<320000x128xf32, #tpu.memory_space<hbm>> -> memref<80x128xf32, #tpu.memory_space<hbm>>
        tpu.wait_dma2 semaphore(%arg11 : memref<!tpu.dma_semaphore, #tpu.memory_space<semaphore_mem>>) src(%dma_wait3A_71 : memref<80x128xf32, #tpu.memory_space<hbm>>) dst(%arg8 : memref<80x128xf32, #tpu.memory_space<vmem>>)
        "tpu.region"() ({
          %run_scoped3A = tpu.sem_alloc : memref<!tpu.dma_semaphore, #tpu.memory_space<semaphore_mem>>
          %dma_start3A_72 = arith.constant 0 : i32
          %dma_start3A_73 = tpu.memref_slice %arg6[%scan3A_23, %dma_start3A_72] : memref<125x80xi32, #tpu.memory_space<vmem>> -> memref<1x80xi32, #tpu.memory_space<vmem>>
          %dma_start3A_74 = tpu.memref_squeeze %dma_start3A_73 : memref<1x80xi32, #tpu.memory_space<vmem>> -> memref<80xi32, #tpu.memory_space<vmem>>
          %dma_start3A_75 = arith.constant 0 : i32
          %dma_start3A_76 = arith.constant 0 : i32
          %dma_start3A_77 = tpu.memref_slice %arg9[%dma_start3A_75, %dma_start3A_76] : memref<10000x128xf32, #tpu.memory_space<vmem_shared>> -> memref<10000x128xf32, #tpu.memory_space<vmem_shared>>
          tpu.enqueue_indirect_dma source(%arg8 : memref<80x128xf32, #tpu.memory_space<vmem>>) target(%dma_start3A_77 : memref<10000x128xf32, #tpu.memory_space<vmem_shared>>) offsets(%dma_start3A_74 : memref<80xi32, #tpu.memory_space<vmem>>) semaphore(%run_scoped3A : memref<!tpu.dma_semaphore, #tpu.memory_space<semaphore_mem>>) {add = true}
          %dma_wait3A_78 = arith.constant 0 : i32
          %dma_wait3A_79 = tpu.memref_slice %arg6[%scan3A_23, %dma_wait3A_78] : memref<125x80xi32, #tpu.memory_space<vmem>> -> memref<1x80xi32, #tpu.memory_space<vmem>>
          %dma_wait3A_80 = tpu.memref_squeeze %dma_wait3A_79 : memref<1x80xi32, #tpu.memory_space<vmem>> -> memref<80xi32, #tpu.memory_space<vmem>>
          %dma_wait3A_81 = arith.constant 0 : i32
          %dma_wait3A_82 = arith.constant 0 : i32
          %dma_wait3A_83 = tpu.memref_slice %arg9[%dma_wait3A_81, %dma_wait3A_82] : memref<10000x128xf32, #tpu.memory_space<vmem_shared>> -> memref<10000x128xf32, #tpu.memory_space<vmem_shared>>
          tpu.wait_indirect_dma semaphore(%run_scoped3A : memref<!tpu.dma_semaphore, #tpu.memory_space<semaphore_mem>>) src(%arg8 : memref<80x128xf32, #tpu.memory_space<vmem>>) dst(%dma_wait3A_83 : memref<10000x128xf32, #tpu.memory_space<vmem_shared>>)
          tpu.yield
        }) : () -> ()
      } else {
      }
    }
    %scan3A_16 = arith.constant 125 : i32
    %barrier3A_17 = arith.constant 0 : index
    tpu.barrier barrier_id(%barrier3A_17)
    %eq3A_18 = arith.constant 0 : i32
    %eq3A_19 = arith.cmpi eq, %arg1, %eq3A_18 : i32
    %convert_element_type3A_20 = arith.extui %eq3A_19 : i1 to i32
    %cond3A_21 = arith.constant 0 : i32
    %cond3A_22 = arith.cmpi ne, %convert_element_type3A_20, %cond3A_21 : i32
    scf.if %cond3A_22 {
      "tpu.region"() ({
        %run_scoped3A = tpu.sem_alloc : memref<!tpu.dma_semaphore, #tpu.memory_space<semaphore_mem>>
        %dma_start3A_23 = arith.constant 0 : i32
        %dma_start3A_24 = arith.constant 0 : i32
        %dma_start3A_25 = tpu.memref_slice %arg5[%arg0, %dma_start3A_23, %dma_start3A_24] : memref<2x10000x128xf32, #tpu.memory_space<hbm>> -> memref<1x10000x128xf32, #tpu.memory_space<hbm>>
        %dma_start3A_26 = tpu.memref_squeeze %dma_start3A_25 : memref<1x10000x128xf32, #tpu.memory_space<hbm>> -> memref<10000x128xf32, #tpu.memory_space<hbm>>
        tpu.enqueue_dma source(%arg9 : memref<10000x128xf32, #tpu.memory_space<vmem_shared>>) target(%dma_start3A_26 : memref<10000x128xf32, #tpu.memory_space<hbm>>) target_semaphore(%run_scoped3A : memref<!tpu.dma_semaphore, #tpu.memory_space<semaphore_mem>>)
        %dma_wait3A = arith.constant 0 : i32
        %dma_wait3A_27 = arith.constant 0 : i32
        %dma_wait3A_28 = tpu.memref_slice %arg5[%arg0, %dma_wait3A, %dma_wait3A_27] : memref<2x10000x128xf32, #tpu.memory_space<hbm>> -> memref<1x10000x128xf32, #tpu.memory_space<hbm>>
        %dma_wait3A_29 = tpu.memref_squeeze %dma_wait3A_28 : memref<1x10000x128xf32, #tpu.memory_space<hbm>> -> memref<10000x128xf32, #tpu.memory_space<hbm>>
        tpu.wait_dma2 semaphore(%run_scoped3A : memref<!tpu.dma_semaphore, #tpu.memory_space<semaphore_mem>>) src(%arg9 : memref<10000x128xf32, #tpu.memory_space<vmem_shared>>) dst(%dma_wait3A_29 : memref<10000x128xf32, #tpu.memory_space<hbm>>)
        tpu.yield
      }) : () -> ()
    } else {
    }
    return
  }
}

#map = affine_map<(d0, d1) -> (0, 0)>
#map1 = affine_map<(d0, d1) -> (0, 0, 0)>
module attributes {stable_mosaic.version = 14 : i64} {
  func.func @k(%arg0: i32, %arg1: i32, %arg2: memref<10000x256xf32, #tpu.memory_space<hbm>>, %arg3: memref<10000x128xf32, #tpu.memory_space<hbm>>, %arg4: memref<32x125x80xi32, #tpu.memory_space<hbm>>, %arg5: memref<32x125x80xi32, #tpu.memory_space<hbm>>, %arg6: memref<320000x256xf32, #tpu.memory_space<hbm>>, %arg7: memref<320000x128xf32, #tpu.memory_space<hbm>>, %arg8: memref<125x80xi32, #tpu.memory_space<vmem>>, %arg9: memref<125x80xi32, #tpu.memory_space<vmem>>, %arg10: memref<80x256xf32, #tpu.memory_space<vmem>>, %arg11: memref<80x256xf32, #tpu.memory_space<vmem>>, %arg12: memref<80x128xf32, #tpu.memory_space<vmem>>, %arg13: memref<80x128xf32, #tpu.memory_space<vmem>>, %arg14: memref<!tpu.dma_semaphore, #tpu.memory_space<semaphore_mem>>, %arg15: memref<!tpu.dma_semaphore, #tpu.memory_space<semaphore_mem>>, %arg16: memref<!tpu.dma_semaphore, #tpu.memory_space<semaphore_mem>>, %arg17: memref<!tpu.dma_semaphore, #tpu.memory_space<semaphore_mem>>) attributes {dimension_semantics = [#tpu.dimension_semantics<core_parallel>, #tpu.dimension_semantics<subcore_parallel>], iteration_bounds = array<i64: 2, 16>, scalar_prefetch = 0 : i64, scratch_operands = 10 : i64, tpu.core_type = #tpu.core_type<sc_vector_subcore>, window_params = [{transform_indices = #map}, {transform_indices = #map}, {transform_indices = #map1}, {transform_indices = #map1}, {transform_indices = #map}, {transform_indices = #map}]} {
    %mul3A = arith.constant 2 : i32
    %mul3A_0 = arith.muli %arg1, %mul3A : i32
    %add3A = arith.addi %mul3A_0, %arg0 : i32
    "tpu.region"() ({
      %run_scoped3A = tpu.sem_alloc : memref<!tpu.dma_semaphore, #tpu.memory_space<semaphore_mem>>
      %dma_start3A_42 = arith.constant 0 : i32
      %dma_start3A_43 = arith.constant 0 : i32
      %dma_start3A_44 = tpu.memref_slice %arg4[%add3A, %dma_start3A_42, %dma_start3A_43] : memref<32x125x80xi32, #tpu.memory_space<hbm>> -> memref<1x125x80xi32, #tpu.memory_space<hbm>>
      %dma_start3A_45 = tpu.memref_squeeze %dma_start3A_44 : memref<1x125x80xi32, #tpu.memory_space<hbm>> -> memref<125x80xi32, #tpu.memory_space<hbm>>
      %dma_start3A_46 = arith.constant 0 : i32
      %dma_start3A_47 = arith.constant 0 : i32
      %dma_start3A_48 = tpu.memref_slice %arg4[%add3A, %dma_start3A_46, %dma_start3A_47] : memref<32x125x80xi32, #tpu.memory_space<hbm>> -> memref<1x125x80xi32, #tpu.memory_space<hbm>>
      %dma_start3A_49 = tpu.memref_squeeze %dma_start3A_48 : memref<1x125x80xi32, #tpu.memory_space<hbm>> -> memref<125x80xi32, #tpu.memory_space<hbm>>
      tpu.enqueue_dma source(%dma_start3A_49 : memref<125x80xi32, #tpu.memory_space<hbm>>) target(%arg8 : memref<125x80xi32, #tpu.memory_space<vmem>>) target_semaphore(%run_scoped3A : memref<!tpu.dma_semaphore, #tpu.memory_space<semaphore_mem>>)
      %dma_wait3A_50 = arith.constant 0 : i32
      %dma_wait3A_51 = arith.constant 0 : i32
      %dma_wait3A_52 = tpu.memref_slice %arg4[%add3A, %dma_wait3A_50, %dma_wait3A_51] : memref<32x125x80xi32, #tpu.memory_space<hbm>> -> memref<1x125x80xi32, #tpu.memory_space<hbm>>
      %dma_wait3A_53 = tpu.memref_squeeze %dma_wait3A_52 : memref<1x125x80xi32, #tpu.memory_space<hbm>> -> memref<125x80xi32, #tpu.memory_space<hbm>>
      %dma_wait3A_54 = arith.constant 0 : i32
      %dma_wait3A_55 = arith.constant 0 : i32
      %dma_wait3A_56 = tpu.memref_slice %arg4[%add3A, %dma_wait3A_54, %dma_wait3A_55] : memref<32x125x80xi32, #tpu.memory_space<hbm>> -> memref<1x125x80xi32, #tpu.memory_space<hbm>>
      %dma_wait3A_57 = tpu.memref_squeeze %dma_wait3A_56 : memref<1x125x80xi32, #tpu.memory_space<hbm>> -> memref<125x80xi32, #tpu.memory_space<hbm>>
      tpu.wait_dma2 semaphore(%run_scoped3A : memref<!tpu.dma_semaphore, #tpu.memory_space<semaphore_mem>>) src(%dma_wait3A_57 : memref<125x80xi32, #tpu.memory_space<hbm>>) dst(%arg8 : memref<125x80xi32, #tpu.memory_space<vmem>>)
      tpu.yield
    }) : () -> ()
    "tpu.region"() ({
      %run_scoped3A = tpu.sem_alloc : memref<!tpu.dma_semaphore, #tpu.memory_space<semaphore_mem>>
      %dma_start3A_42 = arith.constant 0 : i32
      %dma_start3A_43 = arith.constant 0 : i32
      %dma_start3A_44 = tpu.memref_slice %arg5[%add3A, %dma_start3A_42, %dma_start3A_43] : memref<32x125x80xi32, #tpu.memory_space<hbm>> -> memref<1x125x80xi32, #tpu.memory_space<hbm>>
      %dma_start3A_45 = tpu.memref_squeeze %dma_start3A_44 : memref<1x125x80xi32, #tpu.memory_space<hbm>> -> memref<125x80xi32, #tpu.memory_space<hbm>>
      %dma_start3A_46 = arith.constant 0 : i32
      %dma_start3A_47 = arith.constant 0 : i32
      %dma_start3A_48 = tpu.memref_slice %arg5[%add3A, %dma_start3A_46, %dma_start3A_47] : memref<32x125x80xi32, #tpu.memory_space<hbm>> -> memref<1x125x80xi32, #tpu.memory_space<hbm>>
      %dma_start3A_49 = tpu.memref_squeeze %dma_start3A_48 : memref<1x125x80xi32, #tpu.memory_space<hbm>> -> memref<125x80xi32, #tpu.memory_space<hbm>>
      tpu.enqueue_dma source(%dma_start3A_49 : memref<125x80xi32, #tpu.memory_space<hbm>>) target(%arg9 : memref<125x80xi32, #tpu.memory_space<vmem>>) target_semaphore(%run_scoped3A : memref<!tpu.dma_semaphore, #tpu.memory_space<semaphore_mem>>)
      %dma_wait3A_50 = arith.constant 0 : i32
      %dma_wait3A_51 = arith.constant 0 : i32
      %dma_wait3A_52 = tpu.memref_slice %arg5[%add3A, %dma_wait3A_50, %dma_wait3A_51] : memref<32x125x80xi32, #tpu.memory_space<hbm>> -> memref<1x125x80xi32, #tpu.memory_space<hbm>>
      %dma_wait3A_53 = tpu.memref_squeeze %dma_wait3A_52 : memref<1x125x80xi32, #tpu.memory_space<hbm>> -> memref<125x80xi32, #tpu.memory_space<hbm>>
      %dma_wait3A_54 = arith.constant 0 : i32
      %dma_wait3A_55 = arith.constant 0 : i32
      %dma_wait3A_56 = tpu.memref_slice %arg5[%add3A, %dma_wait3A_54, %dma_wait3A_55] : memref<32x125x80xi32, #tpu.memory_space<hbm>> -> memref<1x125x80xi32, #tpu.memory_space<hbm>>
      %dma_wait3A_57 = tpu.memref_squeeze %dma_wait3A_56 : memref<1x125x80xi32, #tpu.memory_space<hbm>> -> memref<125x80xi32, #tpu.memory_space<hbm>>
      tpu.wait_dma2 semaphore(%run_scoped3A : memref<!tpu.dma_semaphore, #tpu.memory_space<semaphore_mem>>) src(%dma_wait3A_57 : memref<125x80xi32, #tpu.memory_space<hbm>>) dst(%arg9 : memref<125x80xi32, #tpu.memory_space<vmem>>)
      tpu.yield
    }) : () -> ()
    %dma_start3A = arith.constant 0 : i32
    %dma_start3A_1 = arith.constant 0 : i32
    %dma_start3A_2 = tpu.memref_slice %arg8[%dma_start3A, %dma_start3A_1] : memref<125x80xi32, #tpu.memory_space<vmem>> -> memref<1x80xi32, #tpu.memory_space<vmem>>
    %dma_start3A_3 = tpu.memref_squeeze %dma_start3A_2 : memref<1x80xi32, #tpu.memory_space<vmem>> -> memref<80xi32, #tpu.memory_space<vmem>>
    %dma_start3A_4 = arith.constant 0 : i32
    %dma_start3A_5 = arith.constant 0 : i32
    %dma_start3A_6 = tpu.memref_slice %arg2[%dma_start3A_4, %dma_start3A_5] : memref<10000x256xf32, #tpu.memory_space<hbm>> -> memref<10000x256xf32, #tpu.memory_space<hbm>>
    tpu.enqueue_indirect_dma source(%dma_start3A_6 : memref<10000x256xf32, #tpu.memory_space<hbm>>) target(%arg10 : memref<80x256xf32, #tpu.memory_space<vmem>>) offsets(%dma_start3A_3 : memref<80xi32, #tpu.memory_space<vmem>>) semaphore(%arg14 : memref<!tpu.dma_semaphore, #tpu.memory_space<semaphore_mem>>)
    %dma_start3A_7 = arith.constant 0 : i32
    %dma_start3A_8 = arith.constant 0 : i32
    %dma_start3A_9 = tpu.memref_slice %arg9[%dma_start3A_7, %dma_start3A_8] : memref<125x80xi32, #tpu.memory_space<vmem>> -> memref<1x80xi32, #tpu.memory_space<vmem>>
    %dma_start3A_10 = tpu.memref_squeeze %dma_start3A_9 : memref<1x80xi32, #tpu.memory_space<vmem>> -> memref<80xi32, #tpu.memory_space<vmem>>
    %dma_start3A_11 = arith.constant 0 : i32
    %dma_start3A_12 = arith.constant 0 : i32
    %dma_start3A_13 = tpu.memref_slice %arg3[%dma_start3A_11, %dma_start3A_12] : memref<10000x128xf32, #tpu.memory_space<hbm>> -> memref<10000x128xf32, #tpu.memory_space<hbm>>
    tpu.enqueue_indirect_dma source(%dma_start3A_13 : memref<10000x128xf32, #tpu.memory_space<hbm>>) target(%arg12 : memref<80x128xf32, #tpu.memory_space<vmem>>) offsets(%dma_start3A_10 : memref<80xi32, #tpu.memory_space<vmem>>) semaphore(%arg14 : memref<!tpu.dma_semaphore, #tpu.memory_space<semaphore_mem>>)
    %scan3A = arith.constant 0 : i32
    %scan3A_14 = arith.constant 0 : i32
    %scan3A_15 = arith.constant 125 : i32
    %scan3A_16 = arith.addi %scan3A_14, %scan3A_15 : i32
    %scan3A_17 = arith.constant 1 : i32
    scf.for %scan3A_42 = %scan3A_14 to %scan3A_16 step %scan3A_17  : i32 {
      %jit3A = arith.constant 2 : i32
      %eq3A = arith.constant 0 : i32
      %eq3A_43 = arith.cmpi eq, %jit3A, %eq3A : i32
      %jit3A_44 = arith.constant 1 : i32
      %select_n3A = arith.select %eq3A_43, %jit3A_44, %jit3A : i32
      %rem3A = arith.remsi %scan3A_42, %select_n3A : i32
      %ne3A = arith.constant 0 : i32
      %ne3A_45 = arith.cmpi ne, %rem3A, %ne3A : i32
      %lt3A = arith.constant 0 : i32
      %lt3A_46 = arith.cmpi slt, %rem3A, %lt3A : i32
      %lt3A_47 = arith.constant 0 : i32
      %lt3A_48 = arith.cmpi slt, %select_n3A, %lt3A_47 : i32
      %ne3A_49 = arith.xori %lt3A_46, %lt3A_48 : i1
      %and3A = arith.andi %ne3A_49, %ne3A_45 : i1
      %add3A_50 = arith.addi %rem3A, %select_n3A : i32
      %select_n3A_51 = arith.select %and3A, %add3A_50, %rem3A : i32
      %eq3A_52 = arith.constant 0 : i32
      %eq3A_53 = arith.cmpi eq, %select_n3A_51, %eq3A_52 : i32
      %convert_element_type3A = arith.extui %eq3A_53 : i1 to i32
      %cond3A = arith.constant 0 : i32
      %cond3A_54 = arith.cmpi ne, %convert_element_type3A, %cond3A : i32
      scf.if %cond3A_54 {
        %add3A_76 = arith.constant 1 : i32
        %add3A_77 = arith.addi %scan3A_42, %add3A_76 : i32
        %lt3A_78 = arith.constant 125 : i32
        %lt3A_79 = arith.cmpi slt, %add3A_77, %lt3A_78 : i32
        %convert_element_type3A_80 = arith.extui %lt3A_79 : i1 to i32
        %cond3A_81 = arith.constant 0 : i32
        %cond3A_82 = arith.cmpi ne, %convert_element_type3A_80, %cond3A_81 : i32
        scf.if %cond3A_82 {
          %ge3A = arith.constant 1 : i32
          %ge3A_110 = arith.cmpi sge, %scan3A_42, %ge3A : i32
          %convert_element_type3A_111 = arith.extui %ge3A_110 : i1 to i32
          %cond3A_112 = arith.constant 0 : i32
          %cond3A_113 = arith.cmpi ne, %convert_element_type3A_111, %cond3A_112 : i32
          scf.if %cond3A_113 {
            %dma_wait3A_128 = arith.constant 0 : i32
            %dma_wait3A_129 = arith.constant 0 : i32
            %dma_wait3A_130 = tpu.memref_slice %arg6[%dma_wait3A_128, %dma_wait3A_129] : memref<320000x256xf32, #tpu.memory_space<hbm>> -> memref<80x256xf32, #tpu.memory_space<hbm>>
            %dma_wait3A_131 = arith.constant 0 : i32
            %dma_wait3A_132 = arith.constant 0 : i32
            %dma_wait3A_133 = tpu.memref_slice %arg6[%dma_wait3A_131, %dma_wait3A_132] : memref<320000x256xf32, #tpu.memory_space<hbm>> -> memref<80x256xf32, #tpu.memory_space<hbm>>
            tpu.wait_dma2 semaphore(%arg17 : memref<!tpu.dma_semaphore, #tpu.memory_space<semaphore_mem>>) src(%arg11 : memref<80x256xf32, #tpu.memory_space<vmem>>) dst(%dma_wait3A_133 : memref<80x256xf32, #tpu.memory_space<hbm>>)
            %dma_wait3A_134 = arith.constant 0 : i32
            %dma_wait3A_135 = arith.constant 0 : i32
            %dma_wait3A_136 = tpu.memref_slice %arg7[%dma_wait3A_134, %dma_wait3A_135] : memref<320000x128xf32, #tpu.memory_space<hbm>> -> memref<80x128xf32, #tpu.memory_space<hbm>>
            %dma_wait3A_137 = arith.constant 0 : i32
            %dma_wait3A_138 = arith.constant 0 : i32
            %dma_wait3A_139 = tpu.memref_slice %arg7[%dma_wait3A_137, %dma_wait3A_138] : memref<320000x128xf32, #tpu.memory_space<hbm>> -> memref<80x128xf32, #tpu.memory_space<hbm>>
            tpu.wait_dma2 semaphore(%arg17 : memref<!tpu.dma_semaphore, #tpu.memory_space<semaphore_mem>>) src(%arg13 : memref<80x128xf32, #tpu.memory_space<vmem>>) dst(%dma_wait3A_139 : memref<80x128xf32, #tpu.memory_space<hbm>>)
          } else {
          }
          %add3A_114 = arith.constant 1 : i32
          %add3A_115 = arith.addi %scan3A_42, %add3A_114 : i32
          %dma_start3A_116 = arith.constant 0 : i32
          %dma_start3A_117 = tpu.memref_slice %arg8[%add3A_115, %dma_start3A_116] : memref<125x80xi32, #tpu.memory_space<vmem>> -> memref<1x80xi32, #tpu.memory_space<vmem>>
          %dma_start3A_118 = tpu.memref_squeeze %dma_start3A_117 : memref<1x80xi32, #tpu.memory_space<vmem>> -> memref<80xi32, #tpu.memory_space<vmem>>
          %dma_start3A_119 = arith.constant 0 : i32
          %dma_start3A_120 = arith.constant 0 : i32
          %dma_start3A_121 = tpu.memref_slice %arg2[%dma_start3A_119, %dma_start3A_120] : memref<10000x256xf32, #tpu.memory_space<hbm>> -> memref<10000x256xf32, #tpu.memory_space<hbm>>
          tpu.enqueue_indirect_dma source(%dma_start3A_121 : memref<10000x256xf32, #tpu.memory_space<hbm>>) target(%arg11 : memref<80x256xf32, #tpu.memory_space<vmem>>) offsets(%dma_start3A_118 : memref<80xi32, #tpu.memory_space<vmem>>) semaphore(%arg15 : memref<!tpu.dma_semaphore, #tpu.memory_space<semaphore_mem>>)
          %dma_start3A_122 = arith.constant 0 : i32
          %dma_start3A_123 = tpu.memref_slice %arg9[%add3A_115, %dma_start3A_122] : memref<125x80xi32, #tpu.memory_space<vmem>> -> memref<1x80xi32, #tpu.memory_space<vmem>>
          %dma_start3A_124 = tpu.memref_squeeze %dma_start3A_123 : memref<1x80xi32, #tpu.memory_space<vmem>> -> memref<80xi32, #tpu.memory_space<vmem>>
          %dma_start3A_125 = arith.constant 0 : i32
          %dma_start3A_126 = arith.constant 0 : i32
          %dma_start3A_127 = tpu.memref_slice %arg3[%dma_start3A_125, %dma_start3A_126] : memref<10000x128xf32, #tpu.memory_space<hbm>> -> memref<10000x128xf32, #tpu.memory_space<hbm>>
          tpu.enqueue_indirect_dma source(%dma_start3A_127 : memref<10000x128xf32, #tpu.memory_space<hbm>>) target(%arg13 : memref<80x128xf32, #tpu.memory_space<vmem>>) offsets(%dma_start3A_124 : memref<80xi32, #tpu.memory_space<vmem>>) semaphore(%arg15 : memref<!tpu.dma_semaphore, #tpu.memory_space<semaphore_mem>>)
        } else {
        }
        %dma_wait3A_83 = arith.constant 0 : i32
        %dma_wait3A_84 = arith.constant 0 : i32
        %dma_wait3A_85 = tpu.memref_slice %arg8[%dma_wait3A_83, %dma_wait3A_84] : memref<125x80xi32, #tpu.memory_space<vmem>> -> memref<1x80xi32, #tpu.memory_space<vmem>>
        %dma_wait3A_86 = tpu.memref_squeeze %dma_wait3A_85 : memref<1x80xi32, #tpu.memory_space<vmem>> -> memref<80xi32, #tpu.memory_space<vmem>>
        %dma_wait3A_87 = arith.constant 0 : i32
        %dma_wait3A_88 = arith.constant 0 : i32
        %dma_wait3A_89 = tpu.memref_slice %arg2[%dma_wait3A_87, %dma_wait3A_88] : memref<10000x256xf32, #tpu.memory_space<hbm>> -> memref<10000x256xf32, #tpu.memory_space<hbm>>
        tpu.wait_indirect_dma semaphore(%arg14 : memref<!tpu.dma_semaphore, #tpu.memory_space<semaphore_mem>>) src(%dma_wait3A_89 : memref<10000x256xf32, #tpu.memory_space<hbm>>) dst(%arg10 : memref<80x256xf32, #tpu.memory_space<vmem>>)
        %dma_wait3A_90 = arith.constant 0 : i32
        %dma_wait3A_91 = arith.constant 0 : i32
        %dma_wait3A_92 = tpu.memref_slice %arg9[%dma_wait3A_90, %dma_wait3A_91] : memref<125x80xi32, #tpu.memory_space<vmem>> -> memref<1x80xi32, #tpu.memory_space<vmem>>
        %dma_wait3A_93 = tpu.memref_squeeze %dma_wait3A_92 : memref<1x80xi32, #tpu.memory_space<vmem>> -> memref<80xi32, #tpu.memory_space<vmem>>
        %dma_wait3A_94 = arith.constant 0 : i32
        %dma_wait3A_95 = arith.constant 0 : i32
        %dma_wait3A_96 = tpu.memref_slice %arg3[%dma_wait3A_94, %dma_wait3A_95] : memref<10000x128xf32, #tpu.memory_space<hbm>> -> memref<10000x128xf32, #tpu.memory_space<hbm>>
        tpu.wait_indirect_dma semaphore(%arg14 : memref<!tpu.dma_semaphore, #tpu.memory_space<semaphore_mem>>) src(%dma_wait3A_96 : memref<10000x128xf32, #tpu.memory_space<hbm>>) dst(%arg12 : memref<80x128xf32, #tpu.memory_space<vmem>>)
        %mul3A_97 = arith.constant 125 : i32
        %mul3A_98 = arith.muli %add3A, %mul3A_97 : i32
        %add3A_99 = arith.addi %mul3A_98, %scan3A_42 : i32
        %mul3A_100 = arith.constant 80 : i32
        %mul3A_101 = arith.muli %add3A_99, %mul3A_100 : i32
        %dma_start3A_102 = arith.constant 0 : i32
        %dma_start3A_103 = tpu.memref_slice %arg6[%mul3A_101, %dma_start3A_102] : memref<320000x256xf32, #tpu.memory_space<hbm>> -> memref<80x256xf32, #tpu.memory_space<hbm>>
        %dma_start3A_104 = arith.constant 0 : i32
        %dma_start3A_105 = tpu.memref_slice %arg6[%mul3A_101, %dma_start3A_104] : memref<320000x256xf32, #tpu.memory_space<hbm>> -> memref<80x256xf32, #tpu.memory_space<hbm>>
        tpu.enqueue_dma source(%arg10 : memref<80x256xf32, #tpu.memory_space<vmem>>) target(%dma_start3A_105 : memref<80x256xf32, #tpu.memory_space<hbm>>) target_semaphore(%arg16 : memref<!tpu.dma_semaphore, #tpu.memory_space<semaphore_mem>>)
        %dma_start3A_106 = arith.constant 0 : i32
        %dma_start3A_107 = tpu.memref_slice %arg7[%mul3A_101, %dma_start3A_106] : memref<320000x128xf32, #tpu.memory_space<hbm>> -> memref<80x128xf32, #tpu.memory_space<hbm>>
        %dma_start3A_108 = arith.constant 0 : i32
        %dma_start3A_109 = tpu.memref_slice %arg7[%mul3A_101, %dma_start3A_108] : memref<320000x128xf32, #tpu.memory_space<hbm>> -> memref<80x128xf32, #tpu.memory_space<hbm>>
        tpu.enqueue_dma source(%arg12 : memref<80x128xf32, #tpu.memory_space<vmem>>) target(%dma_start3A_109 : memref<80x128xf32, #tpu.memory_space<hbm>>) target_semaphore(%arg16 : memref<!tpu.dma_semaphore, #tpu.memory_space<semaphore_mem>>)
      } else {
      }
      %jit3A_55 = arith.constant 2 : i32
      %eq3A_56 = arith.constant 0 : i32
      %eq3A_57 = arith.cmpi eq, %jit3A_55, %eq3A_56 : i32
      %jit3A_58 = arith.constant 1 : i32
      %select_n3A_59 = arith.select %eq3A_57, %jit3A_58, %jit3A_55 : i32
      %rem3A_60 = arith.remsi %scan3A_42, %select_n3A_59 : i32
      %ne3A_61 = arith.constant 0 : i32
      %ne3A_62 = arith.cmpi ne, %rem3A_60, %ne3A_61 : i32
      %lt3A_63 = arith.constant 0 : i32
      %lt3A_64 = arith.cmpi slt, %rem3A_60, %lt3A_63 : i32
      %lt3A_65 = arith.constant 0 : i32
      %lt3A_66 = arith.cmpi slt, %select_n3A_59, %lt3A_65 : i32
      %ne3A_67 = arith.xori %lt3A_64, %lt3A_66 : i1
      %and3A_68 = arith.andi %ne3A_67, %ne3A_62 : i1
      %add3A_69 = arith.addi %rem3A_60, %select_n3A_59 : i32
      %select_n3A_70 = arith.select %and3A_68, %add3A_69, %rem3A_60 : i32
      %eq3A_71 = arith.constant 1 : i32
      %eq3A_72 = arith.cmpi eq, %select_n3A_70, %eq3A_71 : i32
      %convert_element_type3A_73 = arith.extui %eq3A_72 : i1 to i32
      %cond3A_74 = arith.constant 0 : i32
      %cond3A_75 = arith.cmpi ne, %convert_element_type3A_73, %cond3A_74 : i32
      scf.if %cond3A_75 {
        %add3A_76 = arith.constant 1 : i32
        %add3A_77 = arith.addi %scan3A_42, %add3A_76 : i32
        %lt3A_78 = arith.constant 125 : i32
        %lt3A_79 = arith.cmpi slt, %add3A_77, %lt3A_78 : i32
        %convert_element_type3A_80 = arith.extui %lt3A_79 : i1 to i32
        %cond3A_81 = arith.constant 0 : i32
        %cond3A_82 = arith.cmpi ne, %convert_element_type3A_80, %cond3A_81 : i32
        scf.if %cond3A_82 {
          %ge3A = arith.constant 1 : i32
          %ge3A_110 = arith.cmpi sge, %scan3A_42, %ge3A : i32
          %convert_element_type3A_111 = arith.extui %ge3A_110 : i1 to i32
          %cond3A_112 = arith.constant 0 : i32
          %cond3A_113 = arith.cmpi ne, %convert_element_type3A_111, %cond3A_112 : i32
          scf.if %cond3A_113 {
            %dma_wait3A_128 = arith.constant 0 : i32
            %dma_wait3A_129 = arith.constant 0 : i32
            %dma_wait3A_130 = tpu.memref_slice %arg6[%dma_wait3A_128, %dma_wait3A_129] : memref<320000x256xf32, #tpu.memory_space<hbm>> -> memref<80x256xf32, #tpu.memory_space<hbm>>
            %dma_wait3A_131 = arith.constant 0 : i32
            %dma_wait3A_132 = arith.constant 0 : i32
            %dma_wait3A_133 = tpu.memref_slice %arg6[%dma_wait3A_131, %dma_wait3A_132] : memref<320000x256xf32, #tpu.memory_space<hbm>> -> memref<80x256xf32, #tpu.memory_space<hbm>>
            tpu.wait_dma2 semaphore(%arg16 : memref<!tpu.dma_semaphore, #tpu.memory_space<semaphore_mem>>) src(%arg10 : memref<80x256xf32, #tpu.memory_space<vmem>>) dst(%dma_wait3A_133 : memref<80x256xf32, #tpu.memory_space<hbm>>)
            %dma_wait3A_134 = arith.constant 0 : i32
            %dma_wait3A_135 = arith.constant 0 : i32
            %dma_wait3A_136 = tpu.memref_slice %arg7[%dma_wait3A_134, %dma_wait3A_135] : memref<320000x128xf32, #tpu.memory_space<hbm>> -> memref<80x128xf32, #tpu.memory_space<hbm>>
            %dma_wait3A_137 = arith.constant 0 : i32
            %dma_wait3A_138 = arith.constant 0 : i32
            %dma_wait3A_139 = tpu.memref_slice %arg7[%dma_wait3A_137, %dma_wait3A_138] : memref<320000x128xf32, #tpu.memory_space<hbm>> -> memref<80x128xf32, #tpu.memory_space<hbm>>
            tpu.wait_dma2 semaphore(%arg16 : memref<!tpu.dma_semaphore, #tpu.memory_space<semaphore_mem>>) src(%arg12 : memref<80x128xf32, #tpu.memory_space<vmem>>) dst(%dma_wait3A_139 : memref<80x128xf32, #tpu.memory_space<hbm>>)
          } else {
          }
          %add3A_114 = arith.constant 1 : i32
          %add3A_115 = arith.addi %scan3A_42, %add3A_114 : i32
          %dma_start3A_116 = arith.constant 0 : i32
          %dma_start3A_117 = tpu.memref_slice %arg8[%add3A_115, %dma_start3A_116] : memref<125x80xi32, #tpu.memory_space<vmem>> -> memref<1x80xi32, #tpu.memory_space<vmem>>
          %dma_start3A_118 = tpu.memref_squeeze %dma_start3A_117 : memref<1x80xi32, #tpu.memory_space<vmem>> -> memref<80xi32, #tpu.memory_space<vmem>>
          %dma_start3A_119 = arith.constant 0 : i32
          %dma_start3A_120 = arith.constant 0 : i32
          %dma_start3A_121 = tpu.memref_slice %arg2[%dma_start3A_119, %dma_start3A_120] : memref<10000x256xf32, #tpu.memory_space<hbm>> -> memref<10000x256xf32, #tpu.memory_space<hbm>>
          tpu.enqueue_indirect_dma source(%dma_start3A_121 : memref<10000x256xf32, #tpu.memory_space<hbm>>) target(%arg10 : memref<80x256xf32, #tpu.memory_space<vmem>>) offsets(%dma_start3A_118 : memref<80xi32, #tpu.memory_space<vmem>>) semaphore(%arg14 : memref<!tpu.dma_semaphore, #tpu.memory_space<semaphore_mem>>)
          %dma_start3A_122 = arith.constant 0 : i32
          %dma_start3A_123 = tpu.memref_slice %arg9[%add3A_115, %dma_start3A_122] : memref<125x80xi32, #tpu.memory_space<vmem>> -> memref<1x80xi32, #tpu.memory_space<vmem>>
          %dma_start3A_124 = tpu.memref_squeeze %dma_start3A_123 : memref<1x80xi32, #tpu.memory_space<vmem>> -> memref<80xi32, #tpu.memory_space<vmem>>
          %dma_start3A_125 = arith.constant 0 : i32
          %dma_start3A_126 = arith.constant 0 : i32
          %dma_start3A_127 = tpu.memref_slice %arg3[%dma_start3A_125, %dma_start3A_126] : memref<10000x128xf32, #tpu.memory_space<hbm>> -> memref<10000x128xf32, #tpu.memory_space<hbm>>
          tpu.enqueue_indirect_dma source(%dma_start3A_127 : memref<10000x128xf32, #tpu.memory_space<hbm>>) target(%arg12 : memref<80x128xf32, #tpu.memory_space<vmem>>) offsets(%dma_start3A_124 : memref<80xi32, #tpu.memory_space<vmem>>) semaphore(%arg14 : memref<!tpu.dma_semaphore, #tpu.memory_space<semaphore_mem>>)
        } else {
        }
        %dma_wait3A_83 = arith.constant 0 : i32
        %dma_wait3A_84 = arith.constant 0 : i32
        %dma_wait3A_85 = tpu.memref_slice %arg8[%dma_wait3A_83, %dma_wait3A_84] : memref<125x80xi32, #tpu.memory_space<vmem>> -> memref<1x80xi32, #tpu.memory_space<vmem>>
        %dma_wait3A_86 = tpu.memref_squeeze %dma_wait3A_85 : memref<1x80xi32, #tpu.memory_space<vmem>> -> memref<80xi32, #tpu.memory_space<vmem>>
        %dma_wait3A_87 = arith.constant 0 : i32
        %dma_wait3A_88 = arith.constant 0 : i32
        %dma_wait3A_89 = tpu.memref_slice %arg2[%dma_wait3A_87, %dma_wait3A_88] : memref<10000x256xf32, #tpu.memory_space<hbm>> -> memref<10000x256xf32, #tpu.memory_space<hbm>>
        tpu.wait_indirect_dma semaphore(%arg15 : memref<!tpu.dma_semaphore, #tpu.memory_space<semaphore_mem>>) src(%dma_wait3A_89 : memref<10000x256xf32, #tpu.memory_space<hbm>>) dst(%arg11 : memref<80x256xf32, #tpu.memory_space<vmem>>)
        %dma_wait3A_90 = arith.constant 0 : i32
        %dma_wait3A_91 = arith.constant 0 : i32
        %dma_wait3A_92 = tpu.memref_slice %arg9[%dma_wait3A_90, %dma_wait3A_91] : memref<125x80xi32, #tpu.memory_space<vmem>> -> memref<1x80xi32, #tpu.memory_space<vmem>>
        %dma_wait3A_93 = tpu.memref_squeeze %dma_wait3A_92 : memref<1x80xi32, #tpu.memory_space<vmem>> -> memref<80xi32, #tpu.memory_space<vmem>>
        %dma_wait3A_94 = arith.constant 0 : i32
        %dma_wait3A_95 = arith.constant 0 : i32
        %dma_wait3A_96 = tpu.memref_slice %arg3[%dma_wait3A_94, %dma_wait3A_95] : memref<10000x128xf32, #tpu.memory_space<hbm>> -> memref<10000x128xf32, #tpu.memory_space<hbm>>
        tpu.wait_indirect_dma semaphore(%arg15 : memref<!tpu.dma_semaphore, #tpu.memory_space<semaphore_mem>>) src(%dma_wait3A_96 : memref<10000x128xf32, #tpu.memory_space<hbm>>) dst(%arg13 : memref<80x128xf32, #tpu.memory_space<vmem>>)
        %mul3A_97 = arith.constant 125 : i32
        %mul3A_98 = arith.muli %add3A, %mul3A_97 : i32
        %add3A_99 = arith.addi %mul3A_98, %scan3A_42 : i32
        %mul3A_100 = arith.constant 80 : i32
        %mul3A_101 = arith.muli %add3A_99, %mul3A_100 : i32
        %dma_start3A_102 = arith.constant 0 : i32
        %dma_start3A_103 = tpu.memref_slice %arg6[%mul3A_101, %dma_start3A_102] : memref<320000x256xf32, #tpu.memory_space<hbm>> -> memref<80x256xf32, #tpu.memory_space<hbm>>
        %dma_start3A_104 = arith.constant 0 : i32
        %dma_start3A_105 = tpu.memref_slice %arg6[%mul3A_101, %dma_start3A_104] : memref<320000x256xf32, #tpu.memory_space<hbm>> -> memref<80x256xf32, #tpu.memory_space<hbm>>
        tpu.enqueue_dma source(%arg11 : memref<80x256xf32, #tpu.memory_space<vmem>>) target(%dma_start3A_105 : memref<80x256xf32, #tpu.memory_space<hbm>>) target_semaphore(%arg17 : memref<!tpu.dma_semaphore, #tpu.memory_space<semaphore_mem>>)
        %dma_start3A_106 = arith.constant 0 : i32
        %dma_start3A_107 = tpu.memref_slice %arg7[%mul3A_101, %dma_start3A_106] : memref<320000x128xf32, #tpu.memory_space<hbm>> -> memref<80x128xf32, #tpu.memory_space<hbm>>
        %dma_start3A_108 = arith.constant 0 : i32
        %dma_start3A_109 = tpu.memref_slice %arg7[%mul3A_101, %dma_start3A_108] : memref<320000x128xf32, #tpu.memory_space<hbm>> -> memref<80x128xf32, #tpu.memory_space<hbm>>
        tpu.enqueue_dma source(%arg13 : memref<80x128xf32, #tpu.memory_space<vmem>>) target(%dma_start3A_109 : memref<80x128xf32, #tpu.memory_space<hbm>>) target_semaphore(%arg17 : memref<!tpu.dma_semaphore, #tpu.memory_space<semaphore_mem>>)
      } else {
      }
    }
    %scan3A_18 = arith.constant 125 : i32
    %dma_wait3A = arith.constant 0 : i32
    %dma_wait3A_19 = arith.constant 0 : i32
    %dma_wait3A_20 = tpu.memref_slice %arg6[%dma_wait3A, %dma_wait3A_19] : memref<320000x256xf32, #tpu.memory_space<hbm>> -> memref<80x256xf32, #tpu.memory_space<hbm>>
    %dma_wait3A_21 = arith.constant 0 : i32
    %dma_wait3A_22 = arith.constant 0 : i32
    %dma_wait3A_23 = tpu.memref_slice %arg6[%dma_wait3A_21, %dma_wait3A_22] : memref<320000x256xf32, #tpu.memory_space<hbm>> -> memref<80x256xf32, #tpu.memory_space<hbm>>
    tpu.wait_dma2 semaphore(%arg16 : memref<!tpu.dma_semaphore, #tpu.memory_space<semaphore_mem>>) src(%arg10 : memref<80x256xf32, #tpu.memory_space<vmem>>) dst(%dma_wait3A_23 : memref<80x256xf32, #tpu.memory_space<hbm>>)
    %dma_wait3A_24 = arith.constant 0 : i32
    %dma_wait3A_25 = arith.constant 0 : i32
    %dma_wait3A_26 = tpu.memref_slice %arg7[%dma_wait3A_24, %dma_wait3A_25] : memref<320000x128xf32, #tpu.memory_space<hbm>> -> memref<80x128xf32, #tpu.memory_space<hbm>>
    %dma_wait3A_27 = arith.constant 0 : i32
    %dma_wait3A_28 = arith.constant 0 : i32
    %dma_wait3A_29 = tpu.memref_slice %arg7[%dma_wait3A_27, %dma_wait3A_28] : memref<320000x128xf32, #tpu.memory_space<hbm>> -> memref<80x128xf32, #tpu.memory_space<hbm>>
    tpu.wait_dma2 semaphore(%arg16 : memref<!tpu.dma_semaphore, #tpu.memory_space<semaphore_mem>>) src(%arg12 : memref<80x128xf32, #tpu.memory_space<vmem>>) dst(%dma_wait3A_29 : memref<80x128xf32, #tpu.memory_space<hbm>>)
    %dma_wait3A_30 = arith.constant 0 : i32
    %dma_wait3A_31 = arith.constant 0 : i32
    %dma_wait3A_32 = tpu.memref_slice %arg6[%dma_wait3A_30, %dma_wait3A_31] : memref<320000x256xf32, #tpu.memory_space<hbm>> -> memref<80x256xf32, #tpu.memory_space<hbm>>
    %dma_wait3A_33 = arith.constant 0 : i32
    %dma_wait3A_34 = arith.constant 0 : i32
    %dma_wait3A_35 = tpu.memref_slice %arg6[%dma_wait3A_33, %dma_wait3A_34] : memref<320000x256xf32, #tpu.memory_space<hbm>> -> memref<80x256xf32, #tpu.memory_space<hbm>>
    tpu.wait_dma2 semaphore(%arg17 : memref<!tpu.dma_semaphore, #tpu.memory_space<semaphore_mem>>) src(%arg11 : memref<80x256xf32, #tpu.memory_space<vmem>>) dst(%dma_wait3A_35 : memref<80x256xf32, #tpu.memory_space<hbm>>)
    %dma_wait3A_36 = arith.constant 0 : i32
    %dma_wait3A_37 = arith.constant 0 : i32
    %dma_wait3A_38 = tpu.memref_slice %arg7[%dma_wait3A_36, %dma_wait3A_37] : memref<320000x128xf32, #tpu.memory_space<hbm>> -> memref<80x128xf32, #tpu.memory_space<hbm>>
    %dma_wait3A_39 = arith.constant 0 : i32
    %dma_wait3A_40 = arith.constant 0 : i32
    %dma_wait3A_41 = tpu.memref_slice %arg7[%dma_wait3A_39, %dma_wait3A_40] : memref<320000x128xf32, #tpu.memory_space<hbm>> -> memref<80x128xf32, #tpu.memory_space<hbm>>
    tpu.wait_dma2 semaphore(%arg17 : memref<!tpu.dma_semaphore, #tpu.memory_space<semaphore_mem>>) src(%arg13 : memref<80x128xf32, #tpu.memory_space<vmem>>) dst(%dma_wait3A_41 : memref<80x128xf32, #tpu.memory_space<hbm>>)
    return
  }
}

#map = affine_map<(d0, d1) -> (0, 0)>
#map1 = affine_map<(d0, d1) -> (0, 0, 0)>
module attributes {stable_mosaic.version = 14 : i64} {
  func.func @k(%arg0: i32, %arg1: i32, %arg2: memref<320000x128xf32, #tpu.memory_space<hbm>>, %arg3: memref<32x125x80xi32, #tpu.memory_space<hbm>>, %arg4: memref<10000x128xf32, #tpu.memory_space<hbm>>, %arg5: memref<2x10000x128xf32, #tpu.memory_space<hbm>>, %arg6: memref<125x80xi32, #tpu.memory_space<vmem>>, %arg7: memref<80x128xf32, #tpu.memory_space<vmem>>, %arg8: memref<80x128xf32, #tpu.memory_space<vmem>>, %arg9: memref<10000x128xf32, #tpu.memory_space<vmem_shared>>, %arg10: memref<!tpu.dma_semaphore, #tpu.memory_space<semaphore_mem>>, %arg11: memref<!tpu.dma_semaphore, #tpu.memory_space<semaphore_mem>>) attributes {dimension_semantics = [#tpu.dimension_semantics<core_parallel>, #tpu.dimension_semantics<subcore_parallel>], iteration_bounds = array<i64: 2, 16>, scalar_prefetch = 0 : i64, scratch_operands = 6 : i64, tpu.core_type = #tpu.core_type<sc_vector_subcore>, window_params = [{transform_indices = #map}, {transform_indices = #map1}, {transform_indices = #map}, {transform_indices = #map1}]} {
    %mul3A = arith.constant 2 : i32
    %mul3A_0 = arith.muli %arg1, %mul3A : i32
    %add3A = arith.addi %mul3A_0, %arg0 : i32
    %eq3A = arith.constant 0 : i32
    %eq3A_1 = arith.cmpi eq, %arg1, %eq3A : i32
    %convert_element_type3A = arith.extui %eq3A_1 : i1 to i32
    %cond3A = arith.constant 0 : i32
    %cond3A_2 = arith.cmpi ne, %convert_element_type3A, %cond3A : i32
    scf.if %cond3A_2 {
      "tpu.region"() ({
        %run_scoped3A = tpu.sem_alloc : memref<!tpu.dma_semaphore, #tpu.memory_space<semaphore_mem>>
        tpu.enqueue_dma source(%arg4 : memref<10000x128xf32, #tpu.memory_space<hbm>>) target(%arg9 : memref<10000x128xf32, #tpu.memory_space<vmem_shared>>) target_semaphore(%run_scoped3A : memref<!tpu.dma_semaphore, #tpu.memory_space<semaphore_mem>>)
        tpu.wait_dma2 semaphore(%run_scoped3A : memref<!tpu.dma_semaphore, #tpu.memory_space<semaphore_mem>>) src(%arg4 : memref<10000x128xf32, #tpu.memory_space<hbm>>) dst(%arg9 : memref<10000x128xf32, #tpu.memory_space<vmem_shared>>)
        tpu.yield
      }) : () -> ()
    } else {
    }
    %barrier3A = arith.constant 0 : index
    tpu.barrier barrier_id(%barrier3A)
    "tpu.region"() ({
      %run_scoped3A = tpu.sem_alloc : memref<!tpu.dma_semaphore, #tpu.memory_space<semaphore_mem>>
      %dma_start3A_23 = arith.constant 0 : i32
      %dma_start3A_24 = arith.constant 0 : i32
      %dma_start3A_25 = tpu.memref_slice %arg3[%add3A, %dma_start3A_23, %dma_start3A_24] : memref<32x125x80xi32, #tpu.memory_space<hbm>> -> memref<1x125x80xi32, #tpu.memory_space<hbm>>
      %dma_start3A_26 = tpu.memref_squeeze %dma_start3A_25 : memref<1x125x80xi32, #tpu.memory_space<hbm>> -> memref<125x80xi32, #tpu.memory_space<hbm>>
      %dma_start3A_27 = arith.constant 0 : i32
      %dma_start3A_28 = arith.constant 0 : i32
      %dma_start3A_29 = tpu.memref_slice %arg3[%add3A, %dma_start3A_27, %dma_start3A_28] : memref<32x125x80xi32, #tpu.memory_space<hbm>> -> memref<1x125x80xi32, #tpu.memory_space<hbm>>
      %dma_start3A_30 = tpu.memref_squeeze %dma_start3A_29 : memref<1x125x80xi32, #tpu.memory_space<hbm>> -> memref<125x80xi32, #tpu.memory_space<hbm>>
      tpu.enqueue_dma source(%dma_start3A_30 : memref<125x80xi32, #tpu.memory_space<hbm>>) target(%arg6 : memref<125x80xi32, #tpu.memory_space<vmem>>) target_semaphore(%run_scoped3A : memref<!tpu.dma_semaphore, #tpu.memory_space<semaphore_mem>>)
      %dma_wait3A = arith.constant 0 : i32
      %dma_wait3A_31 = arith.constant 0 : i32
      %dma_wait3A_32 = tpu.memref_slice %arg3[%add3A, %dma_wait3A, %dma_wait3A_31] : memref<32x125x80xi32, #tpu.memory_space<hbm>> -> memref<1x125x80xi32, #tpu.memory_space<hbm>>
      %dma_wait3A_33 = tpu.memref_squeeze %dma_wait3A_32 : memref<1x125x80xi32, #tpu.memory_space<hbm>> -> memref<125x80xi32, #tpu.memory_space<hbm>>
      %dma_wait3A_34 = arith.constant 0 : i32
      %dma_wait3A_35 = arith.constant 0 : i32
      %dma_wait3A_36 = tpu.memref_slice %arg3[%add3A, %dma_wait3A_34, %dma_wait3A_35] : memref<32x125x80xi32, #tpu.memory_space<hbm>> -> memref<1x125x80xi32, #tpu.memory_space<hbm>>
      %dma_wait3A_37 = tpu.memref_squeeze %dma_wait3A_36 : memref<1x125x80xi32, #tpu.memory_space<hbm>> -> memref<125x80xi32, #tpu.memory_space<hbm>>
      tpu.wait_dma2 semaphore(%run_scoped3A : memref<!tpu.dma_semaphore, #tpu.memory_space<semaphore_mem>>) src(%dma_wait3A_37 : memref<125x80xi32, #tpu.memory_space<hbm>>) dst(%arg6 : memref<125x80xi32, #tpu.memory_space<vmem>>)
      tpu.yield
    }) : () -> ()
    %mul3A_3 = arith.constant 125 : i32
    %mul3A_4 = arith.muli %add3A, %mul3A_3 : i32
    %add3A_5 = arith.constant 0 : i32
    %add3A_6 = arith.addi %mul3A_4, %add3A_5 : i32
    %mul3A_7 = arith.constant 80 : i32
    %mul3A_8 = arith.muli %add3A_6, %mul3A_7 : i32
    %dma_start3A = arith.constant 0 : i32
    %dma_start3A_9 = tpu.memref_slice %arg2[%mul3A_8, %dma_start3A] : memref<320000x128xf32, #tpu.memory_space<hbm>> -> memref<80x128xf32, #tpu.memory_space<hbm>>
    %dma_start3A_10 = arith.constant 0 : i32
    %dma_start3A_11 = tpu.memref_slice %arg2[%mul3A_8, %dma_start3A_10] : memref<320000x128xf32, #tpu.memory_space<hbm>> -> memref<80x128xf32, #tpu.memory_space<hbm>>
    tpu.enqueue_dma source(%dma_start3A_11 : memref<80x128xf32, #tpu.memory_space<hbm>>) target(%arg7 : memref<80x128xf32, #tpu.memory_space<vmem>>) target_semaphore(%arg10 : memref<!tpu.dma_semaphore, #tpu.memory_space<semaphore_mem>>)
    %scan3A = arith.constant 0 : i32
    %scan3A_12 = arith.constant 0 : i32
    %scan3A_13 = arith.constant 125 : i32
    %scan3A_14 = arith.addi %scan3A_12, %scan3A_13 : i32
    %scan3A_15 = arith.constant 1 : i32
    scf.for %scan3A_23 = %scan3A_12 to %scan3A_14 step %scan3A_15  : i32 {
      %jit3A = arith.constant 2 : i32
      %eq3A_24 = arith.constant 0 : i32
      %eq3A_25 = arith.cmpi eq, %jit3A, %eq3A_24 : i32
      %jit3A_26 = arith.constant 1 : i32
      %select_n3A = arith.select %eq3A_25, %jit3A_26, %jit3A : i32
      %rem3A = arith.remsi %scan3A_23, %select_n3A : i32
      %ne3A = arith.constant 0 : i32
      %ne3A_27 = arith.cmpi ne, %rem3A, %ne3A : i32
      %lt3A = arith.constant 0 : i32
      %lt3A_28 = arith.cmpi slt, %rem3A, %lt3A : i32
      %lt3A_29 = arith.constant 0 : i32
      %lt3A_30 = arith.cmpi slt, %select_n3A, %lt3A_29 : i32
      %ne3A_31 = arith.xori %lt3A_28, %lt3A_30 : i1
      %and3A = arith.andi %ne3A_31, %ne3A_27 : i1
      %add3A_32 = arith.addi %rem3A, %select_n3A : i32
      %select_n3A_33 = arith.select %and3A, %add3A_32, %rem3A : i32
      %eq3A_34 = arith.constant 0 : i32
      %eq3A_35 = arith.cmpi eq, %select_n3A_33, %eq3A_34 : i32
      %convert_element_type3A_36 = arith.extui %eq3A_35 : i1 to i32
      %cond3A_37 = arith.constant 0 : i32
      %cond3A_38 = arith.cmpi ne, %convert_element_type3A_36, %cond3A_37 : i32
      scf.if %cond3A_38 {
        %add3A_60 = arith.constant 1 : i32
        %add3A_61 = arith.addi %scan3A_23, %add3A_60 : i32
        %lt3A_62 = arith.constant 125 : i32
        %lt3A_63 = arith.cmpi slt, %add3A_61, %lt3A_62 : i32
        %convert_element_type3A_64 = arith.extui %lt3A_63 : i1 to i32
        %cond3A_65 = arith.constant 0 : i32
        %cond3A_66 = arith.cmpi ne, %convert_element_type3A_64, %cond3A_65 : i32
        scf.if %cond3A_66 {
          %add3A_72 = arith.constant 1 : i32
          %add3A_73 = arith.addi %scan3A_23, %add3A_72 : i32
          %mul3A_74 = arith.constant 125 : i32
          %mul3A_75 = arith.muli %add3A, %mul3A_74 : i32
          %add3A_76 = arith.addi %mul3A_75, %add3A_73 : i32
          %mul3A_77 = arith.constant 80 : i32
          %mul3A_78 = arith.muli %add3A_76, %mul3A_77 : i32
          %dma_start3A_79 = arith.constant 0 : i32
          %dma_start3A_80 = tpu.memref_slice %arg2[%mul3A_78, %dma_start3A_79] : memref<320000x128xf32, #tpu.memory_space<hbm>> -> memref<80x128xf32, #tpu.memory_space<hbm>>
          %dma_start3A_81 = arith.constant 0 : i32
          %dma_start3A_82 = tpu.memref_slice %arg2[%mul3A_78, %dma_start3A_81] : memref<320000x128xf32, #tpu.memory_space<hbm>> -> memref<80x128xf32, #tpu.memory_space<hbm>>
          tpu.enqueue_dma source(%dma_start3A_82 : memref<80x128xf32, #tpu.memory_space<hbm>>) target(%arg8 : memref<80x128xf32, #tpu.memory_space<vmem>>) target_semaphore(%arg11 : memref<!tpu.dma_semaphore, #tpu.memory_space<semaphore_mem>>)
        } else {
        }
        %dma_wait3A = arith.constant 0 : i32
        %dma_wait3A_67 = arith.constant 0 : i32
        %dma_wait3A_68 = tpu.memref_slice %arg2[%dma_wait3A, %dma_wait3A_67] : memref<320000x128xf32, #tpu.memory_space<hbm>> -> memref<80x128xf32, #tpu.memory_space<hbm>>
        %dma_wait3A_69 = arith.constant 0 : i32
        %dma_wait3A_70 = arith.constant 0 : i32
        %dma_wait3A_71 = tpu.memref_slice %arg2[%dma_wait3A_69, %dma_wait3A_70] : memref<320000x128xf32, #tpu.memory_space<hbm>> -> memref<80x128xf32, #tpu.memory_space<hbm>>
        tpu.wait_dma2 semaphore(%arg10 : memref<!tpu.dma_semaphore, #tpu.memory_space<semaphore_mem>>) src(%dma_wait3A_71 : memref<80x128xf32, #tpu.memory_space<hbm>>) dst(%arg7 : memref<80x128xf32, #tpu.memory_space<vmem>>)
        "tpu.region"() ({
          %run_scoped3A = tpu.sem_alloc : memref<!tpu.dma_semaphore, #tpu.memory_space<semaphore_mem>>
          %dma_start3A_72 = arith.constant 0 : i32
          %dma_start3A_73 = tpu.memref_slice %arg6[%scan3A_23, %dma_start3A_72] : memref<125x80xi32, #tpu.memory_space<vmem>> -> memref<1x80xi32, #tpu.memory_space<vmem>>
          %dma_start3A_74 = tpu.memref_squeeze %dma_start3A_73 : memref<1x80xi32, #tpu.memory_space<vmem>> -> memref<80xi32, #tpu.memory_space<vmem>>
          %dma_start3A_75 = arith.constant 0 : i32
          %dma_start3A_76 = arith.constant 0 : i32
          %dma_start3A_77 = tpu.memref_slice %arg9[%dma_start3A_75, %dma_start3A_76] : memref<10000x128xf32, #tpu.memory_space<vmem_shared>> -> memref<10000x128xf32, #tpu.memory_space<vmem_shared>>
          tpu.enqueue_indirect_dma source(%arg7 : memref<80x128xf32, #tpu.memory_space<vmem>>) target(%dma_start3A_77 : memref<10000x128xf32, #tpu.memory_space<vmem_shared>>) offsets(%dma_start3A_74 : memref<80xi32, #tpu.memory_space<vmem>>) semaphore(%run_scoped3A : memref<!tpu.dma_semaphore, #tpu.memory_space<semaphore_mem>>) {add = true}
          %dma_wait3A_78 = arith.constant 0 : i32
          %dma_wait3A_79 = tpu.memref_slice %arg6[%scan3A_23, %dma_wait3A_78] : memref<125x80xi32, #tpu.memory_space<vmem>> -> memref<1x80xi32, #tpu.memory_space<vmem>>
          %dma_wait3A_80 = tpu.memref_squeeze %dma_wait3A_79 : memref<1x80xi32, #tpu.memory_space<vmem>> -> memref<80xi32, #tpu.memory_space<vmem>>
          %dma_wait3A_81 = arith.constant 0 : i32
          %dma_wait3A_82 = arith.constant 0 : i32
          %dma_wait3A_83 = tpu.memref_slice %arg9[%dma_wait3A_81, %dma_wait3A_82] : memref<10000x128xf32, #tpu.memory_space<vmem_shared>> -> memref<10000x128xf32, #tpu.memory_space<vmem_shared>>
          tpu.wait_indirect_dma semaphore(%run_scoped3A : memref<!tpu.dma_semaphore, #tpu.memory_space<semaphore_mem>>) src(%arg7 : memref<80x128xf32, #tpu.memory_space<vmem>>) dst(%dma_wait3A_83 : memref<10000x128xf32, #tpu.memory_space<vmem_shared>>)
          tpu.yield
        }) : () -> ()
      } else {
      }
      %jit3A_39 = arith.constant 2 : i32
      %eq3A_40 = arith.constant 0 : i32
      %eq3A_41 = arith.cmpi eq, %jit3A_39, %eq3A_40 : i32
      %jit3A_42 = arith.constant 1 : i32
      %select_n3A_43 = arith.select %eq3A_41, %jit3A_42, %jit3A_39 : i32
      %rem3A_44 = arith.remsi %scan3A_23, %select_n3A_43 : i32
      %ne3A_45 = arith.constant 0 : i32
      %ne3A_46 = arith.cmpi ne, %rem3A_44, %ne3A_45 : i32
      %lt3A_47 = arith.constant 0 : i32
      %lt3A_48 = arith.cmpi slt, %rem3A_44, %lt3A_47 : i32
      %lt3A_49 = arith.constant 0 : i32
      %lt3A_50 = arith.cmpi slt, %select_n3A_43, %lt3A_49 : i32
      %ne3A_51 = arith.xori %lt3A_48, %lt3A_50 : i1
      %and3A_52 = arith.andi %ne3A_51, %ne3A_46 : i1
      %add3A_53 = arith.addi %rem3A_44, %select_n3A_43 : i32
      %select_n3A_54 = arith.select %and3A_52, %add3A_53, %rem3A_44 : i32
      %eq3A_55 = arith.constant 1 : i32
      %eq3A_56 = arith.cmpi eq, %select_n3A_54, %eq3A_55 : i32
      %convert_element_type3A_57 = arith.extui %eq3A_56 : i1 to i32
      %cond3A_58 = arith.constant 0 : i32
      %cond3A_59 = arith.cmpi ne, %convert_element_type3A_57, %cond3A_58 : i32
      scf.if %cond3A_59 {
        %add3A_60 = arith.constant 1 : i32
        %add3A_61 = arith.addi %scan3A_23, %add3A_60 : i32
        %lt3A_62 = arith.constant 125 : i32
        %lt3A_63 = arith.cmpi slt, %add3A_61, %lt3A_62 : i32
        %convert_element_type3A_64 = arith.extui %lt3A_63 : i1 to i32
        %cond3A_65 = arith.constant 0 : i32
        %cond3A_66 = arith.cmpi ne, %convert_element_type3A_64, %cond3A_65 : i32
        scf.if %cond3A_66 {
          %add3A_72 = arith.constant 1 : i32
          %add3A_73 = arith.addi %scan3A_23, %add3A_72 : i32
          %mul3A_74 = arith.constant 125 : i32
          %mul3A_75 = arith.muli %add3A, %mul3A_74 : i32
          %add3A_76 = arith.addi %mul3A_75, %add3A_73 : i32
          %mul3A_77 = arith.constant 80 : i32
          %mul3A_78 = arith.muli %add3A_76, %mul3A_77 : i32
          %dma_start3A_79 = arith.constant 0 : i32
          %dma_start3A_80 = tpu.memref_slice %arg2[%mul3A_78, %dma_start3A_79] : memref<320000x128xf32, #tpu.memory_space<hbm>> -> memref<80x128xf32, #tpu.memory_space<hbm>>
          %dma_start3A_81 = arith.constant 0 : i32
          %dma_start3A_82 = tpu.memref_slice %arg2[%mul3A_78, %dma_start3A_81] : memref<320000x128xf32, #tpu.memory_space<hbm>> -> memref<80x128xf32, #tpu.memory_space<hbm>>
          tpu.enqueue_dma source(%dma_start3A_82 : memref<80x128xf32, #tpu.memory_space<hbm>>) target(%arg7 : memref<80x128xf32, #tpu.memory_space<vmem>>) target_semaphore(%arg10 : memref<!tpu.dma_semaphore, #tpu.memory_space<semaphore_mem>>)
        } else {
        }
        %dma_wait3A = arith.constant 0 : i32
        %dma_wait3A_67 = arith.constant 0 : i32
        %dma_wait3A_68 = tpu.memref_slice %arg2[%dma_wait3A, %dma_wait3A_67] : memref<320000x128xf32, #tpu.memory_space<hbm>> -> memref<80x128xf32, #tpu.memory_space<hbm>>
        %dma_wait3A_69 = arith.constant 0 : i32
        %dma_wait3A_70 = arith.constant 0 : i32
        %dma_wait3A_71 = tpu.memref_slice %arg2[%dma_wait3A_69, %dma_wait3A_70] : memref<320000x128xf32, #tpu.memory_space<hbm>> -> memref<80x128xf32, #tpu.memory_space<hbm>>
        tpu.wait_dma2 semaphore(%arg11 : memref<!tpu.dma_semaphore, #tpu.memory_space<semaphore_mem>>) src(%dma_wait3A_71 : memref<80x128xf32, #tpu.memory_space<hbm>>) dst(%arg8 : memref<80x128xf32, #tpu.memory_space<vmem>>)
        "tpu.region"() ({
          %run_scoped3A = tpu.sem_alloc : memref<!tpu.dma_semaphore, #tpu.memory_space<semaphore_mem>>
          %dma_start3A_72 = arith.constant 0 : i32
          %dma_start3A_73 = tpu.memref_slice %arg6[%scan3A_23, %dma_start3A_72] : memref<125x80xi32, #tpu.memory_space<vmem>> -> memref<1x80xi32, #tpu.memory_space<vmem>>
          %dma_start3A_74 = tpu.memref_squeeze %dma_start3A_73 : memref<1x80xi32, #tpu.memory_space<vmem>> -> memref<80xi32, #tpu.memory_space<vmem>>
          %dma_start3A_75 = arith.constant 0 : i32
          %dma_start3A_76 = arith.constant 0 : i32
          %dma_start3A_77 = tpu.memref_slice %arg9[%dma_start3A_75, %dma_start3A_76] : memref<10000x128xf32, #tpu.memory_space<vmem_shared>> -> memref<10000x128xf32, #tpu.memory_space<vmem_shared>>
          tpu.enqueue_indirect_dma source(%arg8 : memref<80x128xf32, #tpu.memory_space<vmem>>) target(%dma_start3A_77 : memref<10000x128xf32, #tpu.memory_space<vmem_shared>>) offsets(%dma_start3A_74 : memref<80xi32, #tpu.memory_space<vmem>>) semaphore(%run_scoped3A : memref<!tpu.dma_semaphore, #tpu.memory_space<semaphore_mem>>) {add = true}
          %dma_wait3A_78 = arith.constant 0 : i32
          %dma_wait3A_79 = tpu.memref_slice %arg6[%scan3A_23, %dma_wait3A_78] : memref<125x80xi32, #tpu.memory_space<vmem>> -> memref<1x80xi32, #tpu.memory_space<vmem>>
          %dma_wait3A_80 = tpu.memref_squeeze %dma_wait3A_79 : memref<1x80xi32, #tpu.memory_space<vmem>> -> memref<80xi32, #tpu.memory_space<vmem>>
          %dma_wait3A_81 = arith.constant 0 : i32
          %dma_wait3A_82 = arith.constant 0 : i32
          %dma_wait3A_83 = tpu.memref_slice %arg9[%dma_wait3A_81, %dma_wait3A_82] : memref<10000x128xf32, #tpu.memory_space<vmem_shared>> -> memref<10000x128xf32, #tpu.memory_space<vmem_shared>>
          tpu.wait_indirect_dma semaphore(%run_scoped3A : memref<!tpu.dma_semaphore, #tpu.memory_space<semaphore_mem>>) src(%arg8 : memref<80x128xf32, #tpu.memory_space<vmem>>) dst(%dma_wait3A_83 : memref<10000x128xf32, #tpu.memory_space<vmem_shared>>)
          tpu.yield
        }) : () -> ()
      } else {
      }
    }
    %scan3A_16 = arith.constant 125 : i32
    %barrier3A_17 = arith.constant 0 : index
    tpu.barrier barrier_id(%barrier3A_17)
    %eq3A_18 = arith.constant 0 : i32
    %eq3A_19 = arith.cmpi eq, %arg1, %eq3A_18 : i32
    %convert_element_type3A_20 = arith.extui %eq3A_19 : i1 to i32
    %cond3A_21 = arith.constant 0 : i32
    %cond3A_22 = arith.cmpi ne, %convert_element_type3A_20, %cond3A_21 : i32
    scf.if %cond3A_22 {
      "tpu.region"() ({
        %run_scoped3A = tpu.sem_alloc : memref<!tpu.dma_semaphore, #tpu.memory_space<semaphore_mem>>
        %dma_start3A_23 = arith.constant 0 : i32
        %dma_start3A_24 = arith.constant 0 : i32
        %dma_start3A_25 = tpu.memref_slice %arg5[%arg0, %dma_start3A_23, %dma_start3A_24] : memref<2x10000x128xf32, #tpu.memory_space<hbm>> -> memref<1x10000x128xf32, #tpu.memory_space<hbm>>
        %dma_start3A_26 = tpu.memref_squeeze %dma_start3A_25 : memref<1x10000x128xf32, #tpu.memory_space<hbm>> -> memref<10000x128xf32, #tpu.memory_space<hbm>>
        tpu.enqueue_dma source(%arg9 : memref<10000x128xf32, #tpu.memory_space<vmem_shared>>) target(%dma_start3A_26 : memref<10000x128xf32, #tpu.memory_space<hbm>>) target_semaphore(%run_scoped3A : memref<!tpu.dma_semaphore, #tpu.memory_space<semaphore_mem>>)
        %dma_wait3A = arith.constant 0 : i32
        %dma_wait3A_27 = arith.constant 0 : i32
        %dma_wait3A_28 = tpu.memref_slice %arg5[%arg0, %dma_wait3A, %dma_wait3A_27] : memref<2x10000x128xf32, #tpu.memory_space<hbm>> -> memref<1x10000x128xf32, #tpu.memory_space<hbm>>
        %dma_wait3A_29 = tpu.memref_squeeze %dma_wait3A_28 : memref<1x10000x128xf32, #tpu.memory_space<hbm>> -> memref<10000x128xf32, #tpu.memory_space<hbm>>
        tpu.wait_dma2 semaphore(%run_scoped3A : memref<!tpu.dma_semaphore, #tpu.memory_space<semaphore_mem>>) src(%arg9 : memref<10000x128xf32, #tpu.memory_space<vmem_shared>>) dst(%dma_wait3A_29 : memref<10000x128xf32, #tpu.memory_space<hbm>>)
        tpu.yield
      }) : () -> ()
    } else {
    }
    return
  }
}

module attributes {stable_mosaic.version = 14 : i64} {
  func.func @body(%arg0: memref<10000x128xf32, #tpu.memory_space<vmem>>, %arg1: memref<64x128xf32, #tpu.memory_space<vmem>>, %arg2: memref<10000x1xi32, #tpu.memory_space<vmem>>, %arg3: memref<400x128xf32, #tpu.memory_space<vmem>>, %arg4: memref<256x128xf32, #tpu.memory_space<vmem>>, %arg5: memref<1x128xf32, #tpu.memory_space<vmem>>, %arg6: memref<1x128xf32, #tpu.memory_space<vmem>>, %arg7: memref<10000x256xf32, #tpu.memory_space<vmem>>, %arg8: memref<10000x128xf32, #tpu.memory_space<vmem>>) attributes {dimension_semantics = [], scalar_prefetch = 0 : i64, scratch_operands = 0 : i64, tpu.core_type = #tpu.core_type<tc>} {
    %get3A = arith.constant 0 : index
    %get3A_0 = arith.constant 0 : index
    %get3A_1 = vector.load %arg2[%get3A, %get3A_0] : memref<10000x1xi32, #tpu.memory_space<vmem>>, vector<10000x1xi32>
    %iota3A = tpu.iota {dimensions = array<i32: 1>} : vector<1x64xi32>
    %eq3A = vector.broadcast %get3A_1 : vector<10000x1xi32> to vector<10000x64xi32>
    %eq3A_2 = vector.broadcast %iota3A : vector<1x64xi32> to vector<10000x64xi32>
    %eq3A_3 = arith.cmpi eq, %eq3A, %eq3A_2 : vector<10000x64xi32>
    %convert_element_type3A = arith.extui %eq3A_3 : vector<10000x64xi1> to vector<10000x64xi32>
    %convert_element_type3A_4 = arith.sitofp %convert_element_type3A : vector<10000x64xi32> to vector<10000x64xf32>
    %get3A_5 = arith.constant 0 : index
    %get3A_6 = arith.constant 0 : index
    %get3A_7 = vector.load %arg1[%get3A_5, %get3A_6] : memref<64x128xf32, #tpu.memory_space<vmem>>, vector<64x128xf32>
    %get3A_8 = arith.constant 272 : index
    %get3A_9 = arith.constant 0 : index
    %get3A_10 = vector.load %arg3[%get3A_8, %get3A_9] : memref<400x128xf32, #tpu.memory_space<vmem>>, vector<128x128xf32>
    %dot_general3A = arith.constant dense<0.000000e+00> : vector<64x128xf32>
    %dot_general3A_11 = tpu.matmul %get3A_7, %get3A_10, %dot_general3A {dimension_numbers = #tpu.dot_dimension_numbers<[1], [0], [0], [1], [0, 0, 1, 1], [], []>, transpose_lhs_hint = false} : vector<64x128xf32>, vector<128x128xf32>, vector<64x128xf32> -> vector<64x128xf32>
    %get3A_12 = arith.constant 0 : index
    %get3A_13 = arith.constant 0 : index
    %get3A_14 = vector.load %arg0[%get3A_12, %get3A_13] : memref<10000x128xf32, #tpu.memory_space<vmem>>, vector<10000x128xf32>
    %get3A_15 = arith.constant 0 : index
    %get3A_16 = arith.constant 0 : index
    %get3A_17 = vector.load %arg3[%get3A_15, %get3A_16] : memref<400x128xf32, #tpu.memory_space<vmem>>, vector<128x128xf32>
    %dot_general3A_18 = arith.constant dense<0.000000e+00> : vector<10000x128xf32>
    %dot_general3A_19 = tpu.matmul %get3A_14, %get3A_17, %dot_general3A_18 {dimension_numbers = #tpu.dot_dimension_numbers<[1], [0], [0], [1], [0, 0, 1, 1], [], []>, transpose_lhs_hint = false} : vector<10000x128xf32>, vector<128x128xf32>, vector<10000x128xf32> -> vector<10000x128xf32>
    %dot_general3A_20 = arith.constant dense<0.000000e+00> : vector<10000x128xf32>
    %dot_general3A_21 = tpu.matmul %convert_element_type3A_4, %dot_general3A_11, %dot_general3A_20 {dimension_numbers = #tpu.dot_dimension_numbers<[1], [0], [0], [1], [0, 0, 1, 1], [], []>, transpose_lhs_hint = false} : vector<10000x64xf32>, vector<64x128xf32>, vector<10000x128xf32> -> vector<10000x128xf32>
    %add3A = arith.addf %dot_general3A_19, %dot_general3A_21 : vector<10000x128xf32>
    %get3A_22 = arith.constant 0 : index
    %get3A_23 = arith.constant 0 : index
    %get3A_24 = vector.load %arg5[%get3A_22, %get3A_23] : memref<1x128xf32, #tpu.memory_space<vmem>>, vector<1x128xf32>
    %add3A_25 = vector.broadcast %get3A_24 : vector<1x128xf32> to vector<10000x128xf32>
    %add3A_26 = arith.addf %add3A, %add3A_25 : vector<10000x128xf32>
    %get3A_27 = arith.constant 0 : index
    %get3A_28 = arith.constant 0 : index
    %get3A_29 = vector.load %arg0[%get3A_27, %get3A_28] : memref<10000x128xf32, #tpu.memory_space<vmem>>, vector<10000x128xf32>
    %get3A_30 = arith.constant 0 : index
    %get3A_31 = arith.constant 0 : index
    %get3A_32 = vector.load %arg4[%get3A_30, %get3A_31] : memref<256x128xf32, #tpu.memory_space<vmem>>, vector<128x128xf32>
    %dot_general3A_33 = arith.constant dense<0.000000e+00> : vector<10000x128xf32>
    %dot_general3A_34 = tpu.matmul %get3A_29, %get3A_32, %dot_general3A_33 {dimension_numbers = #tpu.dot_dimension_numbers<[1], [0], [0], [1], [0, 0, 1, 1], [], []>, transpose_lhs_hint = false} : vector<10000x128xf32>, vector<128x128xf32>, vector<10000x128xf32> -> vector<10000x128xf32>
    %get3A_35 = arith.constant 0 : index
    %get3A_36 = arith.constant 0 : index
    %get3A_37 = vector.load %arg6[%get3A_35, %get3A_36] : memref<1x128xf32, #tpu.memory_space<vmem>>, vector<1x128xf32>
    %add3A_38 = vector.broadcast %get3A_37 : vector<1x128xf32> to vector<10000x128xf32>
    %add3A_39 = arith.addf %dot_general3A_34, %add3A_38 : vector<10000x128xf32>
    %concatenate3A = tpu.concatenate %add3A_26, %add3A_39 in 1 : vector<10000x128xf32>, vector<10000x128xf32> -> vector<10000x256xf32>
    %swap3A = arith.constant 0 : index
    %swap3A_40 = arith.constant 0 : index
    %swap3A_41 = vector.load %arg7[%swap3A, %swap3A_40] : memref<10000x256xf32, #tpu.memory_space<vmem>>, vector<10000x256xf32>
    tpu.vector_store %arg7[%swap3A, %swap3A_40], %concatenate3A {strides = array<i32>} : memref<10000x256xf32, #tpu.memory_space<vmem>>, vector<10000x256xf32>,
    %get3A_42 = arith.constant 0 : index
    %get3A_43 = arith.constant 0 : index
    %get3A_44 = vector.load %arg0[%get3A_42, %get3A_43] : memref<10000x128xf32, #tpu.memory_space<vmem>>, vector<10000x128xf32>
    %get3A_45 = arith.constant 128 : index
    %get3A_46 = arith.constant 0 : index
    %get3A_47 = vector.load %arg3[%get3A_45, %get3A_46] : memref<400x128xf32, #tpu.memory_space<vmem>>, vector<128x128xf32>
    %dot_general3A_48 = arith.constant dense<0.000000e+00> : vector<10000x128xf32>
    %dot_general3A_49 = tpu.matmul %get3A_44, %get3A_47, %dot_general3A_48 {dimension_numbers = #tpu.dot_dimension_numbers<[1], [0], [0], [1], [0, 0, 1, 1], [], []>, transpose_lhs_hint = false} : vector<10000x128xf32>, vector<128x128xf32>, vector<10000x128xf32> -> vector<10000x128xf32>
    %swap3A_50 = arith.constant 0 : index
    %swap3A_51 = arith.constant 0 : index
    %swap3A_52 = vector.load %arg8[%swap3A_50, %swap3A_51] : memref<10000x128xf32, #tpu.memory_space<vmem>>, vector<10000x128xf32>
    tpu.vector_store %arg8[%swap3A_50, %swap3A_51], %dot_general3A_49 {strides = array<i32>} : memref<10000x128xf32, #tpu.memory_space<vmem>>, vector<10000x128xf32>,
    return
  }
}

module attributes {stable_mosaic.version = 14 : i64} {
  func.func @body(%arg0: i32, %arg1: memref<4000x16xf32, #tpu.memory_space<vmem>>, %arg2: memref<272x128xf32, #tpu.memory_space<vmem>>, %arg3: memref<1x128xf32, #tpu.memory_space<vmem>>, %arg4: memref<4000x128xf32, #tpu.memory_space<vmem>>, %arg5: memref<4000x128xf32, #tpu.memory_space<vmem>>, %arg6: memref<4000x128xf32, #tpu.memory_space<vmem>>, %arg7: memref<1x2x128xf32, #tpu.memory_space<vmem>>, %arg8: memref<2x128xf32, #tpu.memory_space<vmem>>) attributes {dimension_semantics = [#tpu.dimension_semantics<arbitrary>], iteration_bounds = array<i64: 80>, scalar_prefetch = 0 : i64, scratch_operands = 1 : i64, tpu.core_type = #tpu.core_type<tc>, window_params = [{transform_indices = @transform_0, window_bounds = array<i64: 4000, 16>}, {transform_indices = @transform_1, window_bounds = array<i64: 272, 128>}, {pipeline_mode = #tpu.pipeline_mode<synchronous>, transform_indices = @transform_2, window_bounds = array<i64: 1, 128>}, {transform_indices = @transform_3, window_bounds = array<i64: 4000, 128>}, {transform_indices = @transform_4, window_bounds = array<i64: 4000, 128>}, {transform_indices = @transform_5, window_bounds = array<i64: 4000, 128>}, {transform_indices = @transform_6, window_bounds = array<i64: 1, 2, 128>}]} {
    %get3A = arith.constant 0 : index
    %get3A_0 = arith.constant 0 : index
    %get3A_1 = vector.load %arg1[%get3A, %get3A_0] : memref<4000x16xf32, #tpu.memory_space<vmem>>, vector<4000x16xf32>
    %get3A_2 = arith.constant 256 : index
    %get3A_3 = arith.constant 0 : index
    %get3A_4 = vector.load %arg2[%get3A_2, %get3A_3] : memref<272x128xf32, #tpu.memory_space<vmem>>, vector<16x128xf32>
    %dot_general3A = arith.constant dense<0.000000e+00> : vector<4000x128xf32>
    %dot_general3A_5 = tpu.matmul %get3A_1, %get3A_4, %dot_general3A {dimension_numbers = #tpu.dot_dimension_numbers<[1], [0], [0], [1], [0, 0, 1, 1], [], []>, transpose_lhs_hint = false} : vector<4000x16xf32>, vector<16x128xf32>, vector<4000x128xf32> -> vector<4000x128xf32>
    %get3A_6 = arith.constant 0 : index
    %get3A_7 = arith.constant 0 : index
    %get3A_8 = vector.load %arg3[%get3A_6, %get3A_7] : memref<1x128xf32, #tpu.memory_space<vmem>>, vector<1x128xf32>
    %add3A = vector.broadcast %get3A_8 : vector<1x128xf32> to vector<4000x128xf32>
    %add3A_9 = arith.addf %dot_general3A_5, %add3A : vector<4000x128xf32>
    %get3A_10 = arith.constant 0 : index
    %get3A_11 = arith.constant 0 : index
    %get3A_12 = vector.load %arg4[%get3A_10, %get3A_11] : memref<4000x128xf32, #tpu.memory_space<vmem>>, vector<4000x128xf32>
    %add3A_13 = arith.addf %add3A_9, %get3A_12 : vector<4000x128xf32>
    %get3A_14 = arith.constant 0 : index
    %get3A_15 = arith.constant 0 : index
    %get3A_16 = vector.load %arg5[%get3A_14, %get3A_15] : memref<4000x128xf32, #tpu.memory_space<vmem>>, vector<4000x128xf32>
    %add3A_17 = arith.addf %add3A_13, %get3A_16 : vector<4000x128xf32>
    %swap3A = arith.constant 0 : index
    %swap3A_18 = arith.constant 0 : index
    %swap3A_19 = vector.load %arg6[%swap3A, %swap3A_18] : memref<4000x128xf32, #tpu.memory_space<vmem>>, vector<4000x128xf32>
    tpu.vector_store %arg6[%swap3A, %swap3A_18], %add3A_17 {strides = array<i32>} : memref<4000x128xf32, #tpu.memory_space<vmem>>, vector<4000x128xf32>,
    %reduce_sum3A = arith.constant dense<0.000000e+00> : vector<128xf32>
    %reduce_sum3A_20 = vector.multi_reduction <add>, %add3A_17, %reduce_sum3A [0] : vector<4000x128xf32> to vector<128xf32>
    %mul3A = arith.mulf %add3A_17, %add3A_17 : vector<4000x128xf32>
    %reduce_sum3A_21 = arith.constant dense<0.000000e+00> : vector<128xf32>
    %reduce_sum3A_22 = vector.multi_reduction <add>, %mul3A, %reduce_sum3A_21 [0] : vector<4000x128xf32> to vector<128xf32>
    %stack3A = vector.shape_cast %reduce_sum3A_20 : vector<128xf32> to vector<1x128xf32>
    %stack3A_23 = vector.shape_cast %reduce_sum3A_22 : vector<128xf32> to vector<1x128xf32>
    %stack3A_24 = tpu.concatenate %stack3A, %stack3A_23 in 0 : vector<1x128xf32>, vector<1x128xf32> -> vector<2x128xf32>
    %broadcast_in_dim3A = vector.shape_cast %stack3A_24 : vector<2x128xf32> to vector<1x2x128xf32>
    %swap3A_25 = arith.constant 0 : index
    %swap3A_26 = arith.constant 0 : index
    %swap3A_27 = arith.constant 0 : index
    %swap3A_28 = vector.load %arg7[%swap3A_25, %swap3A_26, %swap3A_27] : memref<1x2x128xf32, #tpu.memory_space<vmem>>, vector<1x2x128xf32>
    tpu.vector_store %arg7[%swap3A_25, %swap3A_26, %swap3A_27], %broadcast_in_dim3A {strides = array<i32>} : memref<1x2x128xf32, #tpu.memory_space<vmem>>, vector<1x2x128xf32>,
    return
  }
  func.func @transform_0(%arg0: i32) -> (i32, i32) {
    %c0_i32 = arith.constant 0 : i32
    %c0_i32_0 = arith.constant 0 : i32
    return %arg0, %c0_i32 : i32, i32
  }
  func.func @transform_1(%arg0: i32) -> (i32, i32) {
    %c0_i32 = arith.constant 0 : i32
    %c0_i32_0 = arith.constant 0 : i32
    %c0_i32_1 = arith.constant 0 : i32
    return %c0_i32, %c0_i32_0 : i32, i32
  }
  func.func @transform_2(%arg0: i32) -> (i32, i32) {
    %c0_i32 = arith.constant 0 : i32
    %c0_i32_0 = arith.constant 0 : i32
    %c0_i32_1 = arith.constant 0 : i32
    return %c0_i32, %c0_i32_0 : i32, i32
  }
  func.func @transform_3(%arg0: i32) -> (i32, i32) {
    %c0_i32 = arith.constant 0 : i32
    %c0_i32_0 = arith.constant 0 : i32
    return %arg0, %c0_i32 : i32, i32
  }
  func.func @transform_4(%arg0: i32) -> (i32, i32) {
    %c0_i32 = arith.constant 0 : i32
    %c0_i32_0 = arith.constant 0 : i32
    return %arg0, %c0_i32 : i32, i32
  }
  func.func @transform_5(%arg0: i32) -> (i32, i32) {
    %c0_i32 = arith.constant 0 : i32
    %c0_i32_0 = arith.constant 0 : i32
    return %arg0, %c0_i32 : i32, i32
  }
  func.func @transform_6(%arg0: i32) -> (i32, i32, i32) {
    %c0_i32 = arith.constant 0 : i32
    %c0_i32_0 = arith.constant 0 : i32
    %c0_i32_1 = arith.constant 0 : i32
    return %arg0, %c0_i32, %c0_i32_0 : i32, i32, i32
  }
}

module attributes {stable_mosaic.version = 14 : i64} {
  func.func @body(%arg0: i32, %arg1: memref<4000x128xf32, #tpu.memory_space<vmem>>, %arg2: memref<128x128xf32, #tpu.memory_space<vmem>>, %arg3: memref<1x128xf32, #tpu.memory_space<vmem>>, %arg4: memref<80x2x128xf32, #tpu.memory_space<vmem>>, %arg5: memref<1x128xf32, #tpu.memory_space<vmem>>, %arg6: memref<1x128xf32, #tpu.memory_space<vmem>>, %arg7: memref<4000x128xf32, #tpu.memory_space<vmem>>, %arg8: memref<1x2x128xf32, #tpu.memory_space<vmem>>, %arg9: memref<2x128xf32, #tpu.memory_space<vmem>>) attributes {dimension_semantics = [#tpu.dimension_semantics<arbitrary>], iteration_bounds = array<i64: 80>, scalar_prefetch = 0 : i64, scratch_operands = 1 : i64, tpu.core_type = #tpu.core_type<tc>, window_params = [{transform_indices = @transform_0, window_bounds = array<i64: 4000, 128>}, {pipeline_mode = #tpu.pipeline_mode<synchronous>, transform_indices = @transform_1, window_bounds = array<i64: 128, 128>}, {pipeline_mode = #tpu.pipeline_mode<synchronous>, transform_indices = @transform_2, window_bounds = array<i64: 1, 128>}, {pipeline_mode = #tpu.pipeline_mode<synchronous>, transform_indices = @transform_3, window_bounds = array<i64: 80, 2, 128>}, {pipeline_mode = #tpu.pipeline_mode<synchronous>, transform_indices = @transform_4, window_bounds = array<i64: 1, 128>}, {pipeline_mode = #tpu.pipeline_mode<synchronous>, transform_indices = @transform_5, window_bounds = array<i64: 1, 128>}, {transform_indices = @transform_6, window_bounds = array<i64: 4000, 128>}, {transform_indices = @transform_7, window_bounds = array<i64: 1, 2, 128>}]} {
    %get3A = arith.constant 0 : index
    %get3A_0 = arith.constant 0 : index
    %get3A_1 = vector.load %arg1[%get3A, %get3A_0] : memref<4000x128xf32, #tpu.memory_space<vmem>>, vector<4000x128xf32>
    %eq3A = arith.constant 0 : i32
    %eq3A_2 = arith.cmpi eq, %arg0, %eq3A : i32
    %convert_element_type3A = arith.extui %eq3A_2 : i1 to i32
    %cond3A = arith.constant 0 : i32
    %cond3A_3 = arith.cmpi ne, %convert_element_type3A, %cond3A : i32
    scf.if %cond3A_3 {
      %get3A_43 = arith.constant 0 : index
      %get3A_44 = arith.constant 0 : index
      %get3A_45 = arith.constant 0 : index
      %get3A_46 = vector.load %arg4[%get3A_43, %get3A_44, %get3A_45] : memref<80x2x128xf32, #tpu.memory_space<vmem>>, vector<80x2x128xf32>
      %reduce_sum3A_47 = arith.constant dense<0.000000e+00> : vector<2x128xf32>
      %reduce_sum3A_48 = vector.multi_reduction <add>, %get3A_46, %reduce_sum3A_47 [0] : vector<80x2x128xf32> to vector<2x128xf32>
      %add3A_49 = arith.constant 0.000000e+00 : f32
      %add3A_50 = vector.broadcast %add3A_49 : f32 to vector<2x128xf32>
      %add3A_51 = arith.addf %add3A_50, %reduce_sum3A_48 : vector<2x128xf32>
      %slice3A = vector.extract_strided_slice %add3A_51 {offsets = [0, 0], sizes = [1, 128], strides = [1, 1]} : vector<2x128xf32> to vector<1x128xf32>
      %mul3A_52 = arith.constant 3.125000e-06 : f32
      %mul3A_53 = vector.broadcast %mul3A_52 : f32 to vector<1x128xf32>
      %mul3A_54 = arith.mulf %slice3A, %mul3A_53 : vector<1x128xf32>
      %slice3A_55 = vector.extract_strided_slice %add3A_51 {offsets = [1, 0], sizes = [1, 128], strides = [1, 1]} : vector<2x128xf32> to vector<1x128xf32>
      %mul3A_56 = arith.constant 3.125000e-06 : f32
      %mul3A_57 = vector.broadcast %mul3A_56 : f32 to vector<1x128xf32>
      %mul3A_58 = arith.mulf %slice3A_55, %mul3A_57 : vector<1x128xf32>
      %mul3A_59 = arith.mulf %mul3A_54, %mul3A_54 : vector<1x128xf32>
      %sub3A_60 = arith.subf %mul3A_58, %mul3A_59 : vector<1x128xf32>
      %get3A_61 = arith.constant 0 : index
      %get3A_62 = arith.constant 0 : index
      %get3A_63 = vector.load %arg5[%get3A_61, %get3A_62] : memref<1x128xf32, #tpu.memory_space<vmem>>, vector<1x128xf32>
      %add3A_64 = arith.constant 9.99999974E-6 : f32
      %add3A_65 = vector.broadcast %add3A_64 : f32 to vector<1x128xf32>
      %add3A_66 = arith.addf %sub3A_60, %add3A_65 : vector<1x128xf32>
      %rsqrt3A = math.rsqrt %add3A_66 : vector<1x128xf32>
      %mul3A_67 = arith.mulf %get3A_63, %rsqrt3A : vector<1x128xf32>
      %get3A_68 = arith.constant 0 : index
      %get3A_69 = arith.constant 0 : index
      %get3A_70 = vector.load %arg6[%get3A_68, %get3A_69] : memref<1x128xf32, #tpu.memory_space<vmem>>, vector<1x128xf32>
      %mul3A_71 = arith.mulf %mul3A_54, %mul3A_67 : vector<1x128xf32>
      %sub3A_72 = arith.subf %get3A_70, %mul3A_71 : vector<1x128xf32>
      %concatenate3A = tpu.concatenate %mul3A_67, %sub3A_72 in 0 : vector<1x128xf32>, vector<1x128xf32> -> vector<2x128xf32>
      %swap3A_73 = arith.constant 0 : index
      %swap3A_74 = arith.constant 0 : index
      %swap3A_75 = vector.load %arg9[%swap3A_73, %swap3A_74] : memref<2x128xf32, #tpu.memory_space<vmem>>, vector<2x128xf32>
      tpu.vector_store %arg9[%swap3A_73, %swap3A_74], %concatenate3A {strides = array<i32>} : memref<2x128xf32, #tpu.memory_space<vmem>>, vector<2x128xf32>,
    } else {
    }
    %get3A_4 = arith.constant 0 : index
    %get3A_5 = arith.constant 0 : index
    %get3A_6 = vector.load %arg9[%get3A_4, %get3A_5] : memref<2x128xf32, #tpu.memory_space<vmem>>, vector<1x128xf32>
    %mul3A = vector.broadcast %get3A_6 : vector<1x128xf32> to vector<4000x128xf32>
    %mul3A_7 = arith.mulf %get3A_1, %mul3A : vector<4000x128xf32>
    %get3A_8 = arith.constant 1 : index
    %get3A_9 = arith.constant 0 : index
    %get3A_10 = vector.load %arg9[%get3A_8, %get3A_9] : memref<2x128xf32, #tpu.memory_space<vmem>>, vector<1x128xf32>
    %add3A = vector.broadcast %get3A_10 : vector<1x128xf32> to vector<4000x128xf32>
    %add3A_11 = arith.addf %mul3A_7, %add3A : vector<4000x128xf32>
    %gt3A = arith.constant 0.000000e+00 : f32
    %gt3A_12 = vector.broadcast %gt3A : f32 to vector<4000x128xf32>
    %gt3A_13 = arith.cmpf ogt, %add3A_11, %gt3A_12 : vector<4000x128xf32>
    %exp3A = math.exp %add3A_11 : vector<4000x128xf32>
    %sub3A = arith.constant 1.000000e+00 : f32
    %sub3A_14 = vector.broadcast %sub3A : f32 to vector<4000x128xf32>
    %sub3A_15 = arith.subf %exp3A, %sub3A_14 : vector<4000x128xf32>
    %mul3A_16 = arith.constant 1.67326319 : f32
    %mul3A_17 = vector.broadcast %mul3A_16 : f32 to vector<4000x128xf32>
    %mul3A_18 = arith.mulf %mul3A_17, %sub3A_15 : vector<4000x128xf32>
    %select_n3A = arith.select %gt3A_13, %add3A_11, %mul3A_18 : vector<4000x128xi1>, vector<4000x128xf32>
    %mul3A_19 = arith.constant 1.05070102 : f32
    %mul3A_20 = vector.broadcast %mul3A_19 : f32 to vector<4000x128xf32>
    %mul3A_21 = arith.mulf %mul3A_20, %select_n3A : vector<4000x128xf32>
    %get3A_22 = arith.constant 0 : index
    %get3A_23 = arith.constant 0 : index
    %get3A_24 = vector.load %arg2[%get3A_22, %get3A_23] : memref<128x128xf32, #tpu.memory_space<vmem>>, vector<128x128xf32>
    %dot_general3A = arith.constant dense<0.000000e+00> : vector<4000x128xf32>
    %dot_general3A_25 = tpu.matmul %mul3A_21, %get3A_24, %dot_general3A {dimension_numbers = #tpu.dot_dimension_numbers<[1], [0], [0], [1], [0, 0, 1, 1], [], []>, transpose_lhs_hint = false} : vector<4000x128xf32>, vector<128x128xf32>, vector<4000x128xf32> -> vector<4000x128xf32>
    %get3A_26 = arith.constant 0 : index
    %get3A_27 = arith.constant 0 : index
    %get3A_28 = vector.load %arg3[%get3A_26, %get3A_27] : memref<1x128xf32, #tpu.memory_space<vmem>>, vector<1x128xf32>
    %add3A_29 = vector.broadcast %get3A_28 : vector<1x128xf32> to vector<4000x128xf32>
    %add3A_30 = arith.addf %dot_general3A_25, %add3A_29 : vector<4000x128xf32>
    %swap3A = arith.constant 0 : index
    %swap3A_31 = arith.constant 0 : index
    %swap3A_32 = vector.load %arg7[%swap3A, %swap3A_31] : memref<4000x128xf32, #tpu.memory_space<vmem>>, vector<4000x128xf32>
    tpu.vector_store %arg7[%swap3A, %swap3A_31], %add3A_30 {strides = array<i32>} : memref<4000x128xf32, #tpu.memory_space<vmem>>, vector<4000x128xf32>,
    %reduce_sum3A = arith.constant dense<0.000000e+00> : vector<128xf32>
    %reduce_sum3A_33 = vector.multi_reduction <add>, %add3A_30, %reduce_sum3A [0] : vector<4000x128xf32> to vector<128xf32>
    %mul3A_34 = arith.mulf %add3A_30, %add3A_30 : vector<4000x128xf32>
    %reduce_sum3A_35 = arith.constant dense<0.000000e+00> : vector<128xf32>
    %reduce_sum3A_36 = vector.multi_reduction <add>, %mul3A_34, %reduce_sum3A_35 [0] : vector<4000x128xf32> to vector<128xf32>
    %stack3A = vector.shape_cast %reduce_sum3A_33 : vector<128xf32> to vector<1x128xf32>
    %stack3A_37 = vector.shape_cast %reduce_sum3A_36 : vector<128xf32> to vector<1x128xf32>
    %stack3A_38 = tpu.concatenate %stack3A, %stack3A_37 in 0 : vector<1x128xf32>, vector<1x128xf32> -> vector<2x128xf32>
    %broadcast_in_dim3A = vector.shape_cast %stack3A_38 : vector<2x128xf32> to vector<1x2x128xf32>
    %swap3A_39 = arith.constant 0 : index
    %swap3A_40 = arith.constant 0 : index
    %swap3A_41 = arith.constant 0 : index
    %swap3A_42 = vector.load %arg8[%swap3A_39, %swap3A_40, %swap3A_41] : memref<1x2x128xf32, #tpu.memory_space<vmem>>, vector<1x2x128xf32>
    tpu.vector_store %arg8[%swap3A_39, %swap3A_40, %swap3A_41], %broadcast_in_dim3A {strides = array<i32>} : memref<1x2x128xf32, #tpu.memory_space<vmem>>, vector<1x2x128xf32>,
    return
  }
  func.func @transform_0(%arg0: i32) -> (i32, i32) {
    %c0_i32 = arith.constant 0 : i32
    %c0_i32_0 = arith.constant 0 : i32
    return %arg0, %c0_i32 : i32, i32
  }
  func.func @transform_1(%arg0: i32) -> (i32, i32) {
    %c0_i32 = arith.constant 0 : i32
    %c0_i32_0 = arith.constant 0 : i32
    %c0_i32_1 = arith.constant 0 : i32
    return %c0_i32, %c0_i32_0 : i32, i32
  }
  func.func @transform_2(%arg0: i32) -> (i32, i32) {
    %c0_i32 = arith.constant 0 : i32
    %c0_i32_0 = arith.constant 0 : i32
    %c0_i32_1 = arith.constant 0 : i32
    return %c0_i32, %c0_i32_0 : i32, i32
  }
  func.func @transform_3(%arg0: i32) -> (i32, i32, i32) {
    %c0_i32 = arith.constant 0 : i32
    %c0_i32_0 = arith.constant 0 : i32
    %c0_i32_1 = arith.constant 0 : i32
    %c0_i32_2 = arith.constant 0 : i32
    return %c0_i32, %c0_i32_0, %c0_i32_1 : i32, i32, i32
  }
  func.func @transform_4(%arg0: i32) -> (i32, i32) {
    %c0_i32 = arith.constant 0 : i32
    %c0_i32_0 = arith.constant 0 : i32
    %c0_i32_1 = arith.constant 0 : i32
    return %c0_i32, %c0_i32_0 : i32, i32
  }
  func.func @transform_5(%arg0: i32) -> (i32, i32) {
    %c0_i32 = arith.constant 0 : i32
    %c0_i32_0 = arith.constant 0 : i32
    %c0_i32_1 = arith.constant 0 : i32
    return %c0_i32, %c0_i32_0 : i32, i32
  }
  func.func @transform_6(%arg0: i32) -> (i32, i32) {
    %c0_i32 = arith.constant 0 : i32
    %c0_i32_0 = arith.constant 0 : i32
    return %arg0, %c0_i32 : i32, i32
  }
  func.func @transform_7(%arg0: i32) -> (i32, i32, i32) {
    %c0_i32 = arith.constant 0 : i32
    %c0_i32_0 = arith.constant 0 : i32
    %c0_i32_1 = arith.constant 0 : i32
    return %arg0, %c0_i32, %c0_i32_0 : i32, i32, i32
  }
}

module attributes {stable_mosaic.version = 14 : i64} {
  func.func @body(%arg0: i32, %arg1: memref<4000x128xf32, #tpu.memory_space<vmem>>, %arg2: memref<80x2x128xf32, #tpu.memory_space<vmem>>, %arg3: memref<1x128xf32, #tpu.memory_space<vmem>>, %arg4: memref<1x128xf32, #tpu.memory_space<vmem>>, %arg5: memref<128x128xf32, #tpu.memory_space<vmem>>, %arg6: memref<1x128xf32, #tpu.memory_space<vmem>>, %arg7: memref<256x128xf32, #tpu.memory_space<vmem>>, %arg8: memref<4000x128xf32, #tpu.memory_space<vmem>>, %arg9: memref<4000x128xf32, #tpu.memory_space<vmem>>, %arg10: memref<4000x128xf32, #tpu.memory_space<vmem>>, %arg11: memref<1x2x128xf32, #tpu.memory_space<vmem>>, %arg12: memref<2x128xf32, #tpu.memory_space<vmem>>) attributes {dimension_semantics = [#tpu.dimension_semantics<arbitrary>], iteration_bounds = array<i64: 80>, scalar_prefetch = 0 : i64, scratch_operands = 1 : i64, tpu.core_type = #tpu.core_type<tc>, window_params = [{transform_indices = @transform_0, window_bounds = array<i64: 4000, 128>}, {pipeline_mode = #tpu.pipeline_mode<synchronous>, transform_indices = @transform_1, window_bounds = array<i64: 80, 2, 128>}, {pipeline_mode = #tpu.pipeline_mode<synchronous>, transform_indices = @transform_2, window_bounds = array<i64: 1, 128>}, {pipeline_mode = #tpu.pipeline_mode<synchronous>, transform_indices = @transform_3, window_bounds = array<i64: 1, 128>}, {pipeline_mode = #tpu.pipeline_mode<synchronous>, transform_indices = @transform_4, window_bounds = array<i64: 128, 128>}, {pipeline_mode = #tpu.pipeline_mode<synchronous>, transform_indices = @transform_5, window_bounds = array<i64: 1, 128>}, {pipeline_mode = #tpu.pipeline_mode<synchronous>, transform_indices = @transform_6, window_bounds = array<i64: 256, 128>}, {transform_indices = @transform_7, window_bounds = array<i64: 4000, 128>}, {transform_indices = @transform_8, window_bounds = array<i64: 4000, 128>}, {transform_indices = @transform_9, window_bounds = array<i64: 4000, 128>}, {transform_indices = @transform_10, window_bounds = array<i64: 1, 2, 128>}]} {
    %eq3A = arith.constant 0 : i32
    %eq3A_0 = arith.cmpi eq, %arg0, %eq3A : i32
    %convert_element_type3A = arith.extui %eq3A_0 : i1 to i32
    %cond3A = arith.constant 0 : i32
    %cond3A_1 = arith.cmpi ne, %convert_element_type3A, %cond3A : i32
    scf.if %cond3A_1 {
      %get3A_55 = arith.constant 0 : index
      %get3A_56 = arith.constant 0 : index
      %get3A_57 = arith.constant 0 : index
      %get3A_58 = vector.load %arg2[%get3A_55, %get3A_56, %get3A_57] : memref<80x2x128xf32, #tpu.memory_space<vmem>>, vector<80x2x128xf32>
      %reduce_sum3A_59 = arith.constant dense<0.000000e+00> : vector<2x128xf32>
      %reduce_sum3A_60 = vector.multi_reduction <add>, %get3A_58, %reduce_sum3A_59 [0] : vector<80x2x128xf32> to vector<2x128xf32>
      %add3A_61 = arith.constant 0.000000e+00 : f32
      %add3A_62 = vector.broadcast %add3A_61 : f32 to vector<2x128xf32>
      %add3A_63 = arith.addf %add3A_62, %reduce_sum3A_60 : vector<2x128xf32>
      %slice3A = vector.extract_strided_slice %add3A_63 {offsets = [0, 0], sizes = [1, 128], strides = [1, 1]} : vector<2x128xf32> to vector<1x128xf32>
      %mul3A_64 = arith.constant 3.125000e-06 : f32
      %mul3A_65 = vector.broadcast %mul3A_64 : f32 to vector<1x128xf32>
      %mul3A_66 = arith.mulf %slice3A, %mul3A_65 : vector<1x128xf32>
      %slice3A_67 = vector.extract_strided_slice %add3A_63 {offsets = [1, 0], sizes = [1, 128], strides = [1, 1]} : vector<2x128xf32> to vector<1x128xf32>
      %mul3A_68 = arith.constant 3.125000e-06 : f32
      %mul3A_69 = vector.broadcast %mul3A_68 : f32 to vector<1x128xf32>
      %mul3A_70 = arith.mulf %slice3A_67, %mul3A_69 : vector<1x128xf32>
      %mul3A_71 = arith.mulf %mul3A_66, %mul3A_66 : vector<1x128xf32>
      %sub3A_72 = arith.subf %mul3A_70, %mul3A_71 : vector<1x128xf32>
      %get3A_73 = arith.constant 0 : index
      %get3A_74 = arith.constant 0 : index
      %get3A_75 = vector.load %arg3[%get3A_73, %get3A_74] : memref<1x128xf32, #tpu.memory_space<vmem>>, vector<1x128xf32>
      %add3A_76 = arith.constant 9.99999974E-6 : f32
      %add3A_77 = vector.broadcast %add3A_76 : f32 to vector<1x128xf32>
      %add3A_78 = arith.addf %sub3A_72, %add3A_77 : vector<1x128xf32>
      %rsqrt3A = math.rsqrt %add3A_78 : vector<1x128xf32>
      %mul3A_79 = arith.mulf %get3A_75, %rsqrt3A : vector<1x128xf32>
      %get3A_80 = arith.constant 0 : index
      %get3A_81 = arith.constant 0 : index
      %get3A_82 = vector.load %arg4[%get3A_80, %get3A_81] : memref<1x128xf32, #tpu.memory_space<vmem>>, vector<1x128xf32>
      %mul3A_83 = arith.mulf %mul3A_66, %mul3A_79 : vector<1x128xf32>
      %sub3A_84 = arith.subf %get3A_82, %mul3A_83 : vector<1x128xf32>
      %concatenate3A = tpu.concatenate %mul3A_79, %sub3A_84 in 0 : vector<1x128xf32>, vector<1x128xf32> -> vector<2x128xf32>
      %swap3A_85 = arith.constant 0 : index
      %swap3A_86 = arith.constant 0 : index
      %swap3A_87 = vector.load %arg12[%swap3A_85, %swap3A_86] : memref<2x128xf32, #tpu.memory_space<vmem>>, vector<2x128xf32>
      tpu.vector_store %arg12[%swap3A_85, %swap3A_86], %concatenate3A {strides = array<i32>} : memref<2x128xf32, #tpu.memory_space<vmem>>, vector<2x128xf32>,
    } else {
    }
    %get3A = arith.constant 0 : index
    %get3A_2 = arith.constant 0 : index
    %get3A_3 = vector.load %arg1[%get3A, %get3A_2] : memref<4000x128xf32, #tpu.memory_space<vmem>>, vector<4000x128xf32>
    %get3A_4 = arith.constant 0 : index
    %get3A_5 = arith.constant 0 : index
    %get3A_6 = vector.load %arg12[%get3A_4, %get3A_5] : memref<2x128xf32, #tpu.memory_space<vmem>>, vector<1x128xf32>
    %mul3A = vector.broadcast %get3A_6 : vector<1x128xf32> to vector<4000x128xf32>
    %mul3A_7 = arith.mulf %get3A_3, %mul3A : vector<4000x128xf32>
    %get3A_8 = arith.constant 1 : index
    %get3A_9 = arith.constant 0 : index
    %get3A_10 = vector.load %arg12[%get3A_8, %get3A_9] : memref<2x128xf32, #tpu.memory_space<vmem>>, vector<1x128xf32>
    %add3A = vector.broadcast %get3A_10 : vector<1x128xf32> to vector<4000x128xf32>
    %add3A_11 = arith.addf %mul3A_7, %add3A : vector<4000x128xf32>
    %gt3A = arith.constant 0.000000e+00 : f32
    %gt3A_12 = vector.broadcast %gt3A : f32 to vector<4000x128xf32>
    %gt3A_13 = arith.cmpf ogt, %add3A_11, %gt3A_12 : vector<4000x128xf32>
    %exp3A = math.exp %add3A_11 : vector<4000x128xf32>
    %sub3A = arith.constant 1.000000e+00 : f32
    %sub3A_14 = vector.broadcast %sub3A : f32 to vector<4000x128xf32>
    %sub3A_15 = arith.subf %exp3A, %sub3A_14 : vector<4000x128xf32>
    %mul3A_16 = arith.constant 1.67326319 : f32
    %mul3A_17 = vector.broadcast %mul3A_16 : f32 to vector<4000x128xf32>
    %mul3A_18 = arith.mulf %mul3A_17, %sub3A_15 : vector<4000x128xf32>
    %select_n3A = arith.select %gt3A_13, %add3A_11, %mul3A_18 : vector<4000x128xi1>, vector<4000x128xf32>
    %mul3A_19 = arith.constant 1.05070102 : f32
    %mul3A_20 = vector.broadcast %mul3A_19 : f32 to vector<4000x128xf32>
    %mul3A_21 = arith.mulf %mul3A_20, %select_n3A : vector<4000x128xf32>
    %get3A_22 = arith.constant 0 : index
    %get3A_23 = arith.constant 0 : index
    %get3A_24 = vector.load %arg5[%get3A_22, %get3A_23] : memref<128x128xf32, #tpu.memory_space<vmem>>, vector<128x128xf32>
    %dot_general3A = arith.constant dense<0.000000e+00> : vector<4000x128xf32>
    %dot_general3A_25 = tpu.matmul %mul3A_21, %get3A_24, %dot_general3A {dimension_numbers = #tpu.dot_dimension_numbers<[1], [0], [0], [1], [0, 0, 1, 1], [], []>, transpose_lhs_hint = false} : vector<4000x128xf32>, vector<128x128xf32>, vector<4000x128xf32> -> vector<4000x128xf32>
    %get3A_26 = arith.constant 0 : index
    %get3A_27 = arith.constant 0 : index
    %get3A_28 = vector.load %arg6[%get3A_26, %get3A_27] : memref<1x128xf32, #tpu.memory_space<vmem>>, vector<1x128xf32>
    %add3A_29 = vector.broadcast %get3A_28 : vector<1x128xf32> to vector<4000x128xf32>
    %add3A_30 = arith.addf %dot_general3A_25, %add3A_29 : vector<4000x128xf32>
    %swap3A = arith.constant 0 : index
    %swap3A_31 = arith.constant 0 : index
    %swap3A_32 = vector.load %arg9[%swap3A, %swap3A_31] : memref<4000x128xf32, #tpu.memory_space<vmem>>, vector<4000x128xf32>
    tpu.vector_store %arg9[%swap3A, %swap3A_31], %add3A_30 {strides = array<i32>} : memref<4000x128xf32, #tpu.memory_space<vmem>>, vector<4000x128xf32>,
    %get3A_33 = arith.constant 128 : index
    %get3A_34 = arith.constant 0 : index
    %get3A_35 = vector.load %arg7[%get3A_33, %get3A_34] : memref<256x128xf32, #tpu.memory_space<vmem>>, vector<128x128xf32>
    %dot_general3A_36 = arith.constant dense<0.000000e+00> : vector<4000x128xf32>
    %dot_general3A_37 = tpu.matmul %add3A_30, %get3A_35, %dot_general3A_36 {dimension_numbers = #tpu.dot_dimension_numbers<[1], [0], [0], [1], [0, 0, 1, 1], [], []>, transpose_lhs_hint = false} : vector<4000x128xf32>, vector<128x128xf32>, vector<4000x128xf32> -> vector<4000x128xf32>
    %get3A_38 = arith.constant 0 : index
    %get3A_39 = arith.constant 0 : index
    %get3A_40 = vector.load %arg8[%get3A_38, %get3A_39] : memref<4000x128xf32, #tpu.memory_space<vmem>>, vector<4000x128xf32>
    %add3A_41 = arith.addf %dot_general3A_37, %get3A_40 : vector<4000x128xf32>
    %swap3A_42 = arith.constant 0 : index
    %swap3A_43 = arith.constant 0 : index
    %swap3A_44 = vector.load %arg10[%swap3A_42, %swap3A_43] : memref<4000x128xf32, #tpu.memory_space<vmem>>, vector<4000x128xf32>
    tpu.vector_store %arg10[%swap3A_42, %swap3A_43], %add3A_41 {strides = array<i32>} : memref<4000x128xf32, #tpu.memory_space<vmem>>, vector<4000x128xf32>,
    %reduce_sum3A = arith.constant dense<0.000000e+00> : vector<128xf32>
    %reduce_sum3A_45 = vector.multi_reduction <add>, %add3A_41, %reduce_sum3A [0] : vector<4000x128xf32> to vector<128xf32>
    %mul3A_46 = arith.mulf %add3A_41, %add3A_41 : vector<4000x128xf32>
    %reduce_sum3A_47 = arith.constant dense<0.000000e+00> : vector<128xf32>
    %reduce_sum3A_48 = vector.multi_reduction <add>, %mul3A_46, %reduce_sum3A_47 [0] : vector<4000x128xf32> to vector<128xf32>
    %stack3A = vector.shape_cast %reduce_sum3A_45 : vector<128xf32> to vector<1x128xf32>
    %stack3A_49 = vector.shape_cast %reduce_sum3A_48 : vector<128xf32> to vector<1x128xf32>
    %stack3A_50 = tpu.concatenate %stack3A, %stack3A_49 in 0 : vector<1x128xf32>, vector<1x128xf32> -> vector<2x128xf32>
    %broadcast_in_dim3A = vector.shape_cast %stack3A_50 : vector<2x128xf32> to vector<1x2x128xf32>
    %swap3A_51 = arith.constant 0 : index
    %swap3A_52 = arith.constant 0 : index
    %swap3A_53 = arith.constant 0 : index
    %swap3A_54 = vector.load %arg11[%swap3A_51, %swap3A_52, %swap3A_53] : memref<1x2x128xf32, #tpu.memory_space<vmem>>, vector<1x2x128xf32>
    tpu.vector_store %arg11[%swap3A_51, %swap3A_52, %swap3A_53], %broadcast_in_dim3A {strides = array<i32>} : memref<1x2x128xf32, #tpu.memory_space<vmem>>, vector<1x2x128xf32>,
    return
  }
  func.func @transform_0(%arg0: i32) -> (i32, i32) {
    %c0_i32 = arith.constant 0 : i32
    %c0_i32_0 = arith.constant 0 : i32
    return %arg0, %c0_i32 : i32, i32
  }
  func.func @transform_1(%arg0: i32) -> (i32, i32, i32) {
    %c0_i32 = arith.constant 0 : i32
    %c0_i32_0 = arith.constant 0 : i32
    %c0_i32_1 = arith.constant 0 : i32
    %c0_i32_2 = arith.constant 0 : i32
    return %c0_i32, %c0_i32_0, %c0_i32_1 : i32, i32, i32
  }
  func.func @transform_2(%arg0: i32) -> (i32, i32) {
    %c0_i32 = arith.constant 0 : i32
    %c0_i32_0 = arith.constant 0 : i32
    %c0_i32_1 = arith.constant 0 : i32
    return %c0_i32, %c0_i32_0 : i32, i32
  }
  func.func @transform_3(%arg0: i32) -> (i32, i32) {
    %c0_i32 = arith.constant 0 : i32
    %c0_i32_0 = arith.constant 0 : i32
    %c0_i32_1 = arith.constant 0 : i32
    return %c0_i32, %c0_i32_0 : i32, i32
  }
  func.func @transform_4(%arg0: i32) -> (i32, i32) {
    %c0_i32 = arith.constant 0 : i32
    %c0_i32_0 = arith.constant 0 : i32
    %c0_i32_1 = arith.constant 0 : i32
    return %c0_i32, %c0_i32_0 : i32, i32
  }
  func.func @transform_5(%arg0: i32) -> (i32, i32) {
    %c0_i32 = arith.constant 0 : i32
    %c0_i32_0 = arith.constant 0 : i32
    %c0_i32_1 = arith.constant 0 : i32
    return %c0_i32, %c0_i32_0 : i32, i32
  }
  func.func @transform_6(%arg0: i32) -> (i32, i32) {
    %c0_i32 = arith.constant 0 : i32
    %c0_i32_0 = arith.constant 0 : i32
    %c0_i32_1 = arith.constant 0 : i32
    return %c0_i32, %c0_i32_0 : i32, i32
  }
  func.func @transform_7(%arg0: i32) -> (i32, i32) {
    %c1_i32 = arith.constant 1 : i32
    %c0_i32 = arith.constant 0 : i32
    return %arg0, %c1_i32 : i32, i32
  }
  func.func @transform_8(%arg0: i32) -> (i32, i32) {
    %c0_i32 = arith.constant 0 : i32
    %c0_i32_0 = arith.constant 0 : i32
    return %arg0, %c0_i32 : i32, i32
  }
  func.func @transform_9(%arg0: i32) -> (i32, i32) {
    %c0_i32 = arith.constant 0 : i32
    %c0_i32_0 = arith.constant 0 : i32
    return %arg0, %c0_i32 : i32, i32
  }
  func.func @transform_10(%arg0: i32) -> (i32, i32, i32) {
    %c0_i32 = arith.constant 0 : i32
    %c0_i32_0 = arith.constant 0 : i32
    %c0_i32_1 = arith.constant 0 : i32
    return %arg0, %c0_i32, %c0_i32_0 : i32, i32, i32
  }
}

module attributes {stable_mosaic.version = 14 : i64} {
  func.func @body(%arg0: i32, %arg1: memref<4000x128xf32, #tpu.memory_space<vmem>>, %arg2: memref<128x128xf32, #tpu.memory_space<vmem>>, %arg3: memref<1x128xf32, #tpu.memory_space<vmem>>, %arg4: memref<80x2x128xf32, #tpu.memory_space<vmem>>, %arg5: memref<1x128xf32, #tpu.memory_space<vmem>>, %arg6: memref<1x128xf32, #tpu.memory_space<vmem>>, %arg7: memref<4000x128xf32, #tpu.memory_space<vmem>>, %arg8: memref<2x128xf32, #tpu.memory_space<vmem>>) attributes {dimension_semantics = [#tpu.dimension_semantics<arbitrary>], iteration_bounds = array<i64: 80>, scalar_prefetch = 0 : i64, scratch_operands = 1 : i64, tpu.core_type = #tpu.core_type<tc>, window_params = [{transform_indices = @transform_0, window_bounds = array<i64: 4000, 128>}, {pipeline_mode = #tpu.pipeline_mode<synchronous>, transform_indices = @transform_1, window_bounds = array<i64: 128, 128>}, {pipeline_mode = #tpu.pipeline_mode<synchronous>, transform_indices = @transform_2, window_bounds = array<i64: 1, 128>}, {pipeline_mode = #tpu.pipeline_mode<synchronous>, transform_indices = @transform_3, window_bounds = array<i64: 80, 2, 128>}, {pipeline_mode = #tpu.pipeline_mode<synchronous>, transform_indices = @transform_4, window_bounds = array<i64: 1, 128>}, {pipeline_mode = #tpu.pipeline_mode<synchronous>, transform_indices = @transform_5, window_bounds = array<i64: 1, 128>}, {transform_indices = @transform_6, window_bounds = array<i64: 4000, 128>}]} {
    %get3A = arith.constant 0 : index
    %get3A_0 = arith.constant 0 : index
    %get3A_1 = vector.load %arg1[%get3A, %get3A_0] : memref<4000x128xf32, #tpu.memory_space<vmem>>, vector<4000x128xf32>
    %eq3A = arith.constant 0 : i32
    %eq3A_2 = arith.cmpi eq, %arg0, %eq3A : i32
    %convert_element_type3A = arith.extui %eq3A_2 : i1 to i32
    %cond3A = arith.constant 0 : i32
    %cond3A_3 = arith.cmpi ne, %convert_element_type3A, %cond3A : i32
    scf.if %cond3A_3 {
      %get3A_33 = arith.constant 0 : index
      %get3A_34 = arith.constant 0 : index
      %get3A_35 = arith.constant 0 : index
      %get3A_36 = vector.load %arg4[%get3A_33, %get3A_34, %get3A_35] : memref<80x2x128xf32, #tpu.memory_space<vmem>>, vector<80x2x128xf32>
      %reduce_sum3A = arith.constant dense<0.000000e+00> : vector<2x128xf32>
      %reduce_sum3A_37 = vector.multi_reduction <add>, %get3A_36, %reduce_sum3A [0] : vector<80x2x128xf32> to vector<2x128xf32>
      %add3A_38 = arith.constant 0.000000e+00 : f32
      %add3A_39 = vector.broadcast %add3A_38 : f32 to vector<2x128xf32>
      %add3A_40 = arith.addf %add3A_39, %reduce_sum3A_37 : vector<2x128xf32>
      %slice3A = vector.extract_strided_slice %add3A_40 {offsets = [0, 0], sizes = [1, 128], strides = [1, 1]} : vector<2x128xf32> to vector<1x128xf32>
      %mul3A_41 = arith.constant 3.125000e-06 : f32
      %mul3A_42 = vector.broadcast %mul3A_41 : f32 to vector<1x128xf32>
      %mul3A_43 = arith.mulf %slice3A, %mul3A_42 : vector<1x128xf32>
      %slice3A_44 = vector.extract_strided_slice %add3A_40 {offsets = [1, 0], sizes = [1, 128], strides = [1, 1]} : vector<2x128xf32> to vector<1x128xf32>
      %mul3A_45 = arith.constant 3.125000e-06 : f32
      %mul3A_46 = vector.broadcast %mul3A_45 : f32 to vector<1x128xf32>
      %mul3A_47 = arith.mulf %slice3A_44, %mul3A_46 : vector<1x128xf32>
      %mul3A_48 = arith.mulf %mul3A_43, %mul3A_43 : vector<1x128xf32>
      %sub3A_49 = arith.subf %mul3A_47, %mul3A_48 : vector<1x128xf32>
      %get3A_50 = arith.constant 0 : index
      %get3A_51 = arith.constant 0 : index
      %get3A_52 = vector.load %arg5[%get3A_50, %get3A_51] : memref<1x128xf32, #tpu.memory_space<vmem>>, vector<1x128xf32>
      %add3A_53 = arith.constant 9.99999974E-6 : f32
      %add3A_54 = vector.broadcast %add3A_53 : f32 to vector<1x128xf32>
      %add3A_55 = arith.addf %sub3A_49, %add3A_54 : vector<1x128xf32>
      %rsqrt3A = math.rsqrt %add3A_55 : vector<1x128xf32>
      %mul3A_56 = arith.mulf %get3A_52, %rsqrt3A : vector<1x128xf32>
      %get3A_57 = arith.constant 0 : index
      %get3A_58 = arith.constant 0 : index
      %get3A_59 = vector.load %arg6[%get3A_57, %get3A_58] : memref<1x128xf32, #tpu.memory_space<vmem>>, vector<1x128xf32>
      %mul3A_60 = arith.mulf %mul3A_43, %mul3A_56 : vector<1x128xf32>
      %sub3A_61 = arith.subf %get3A_59, %mul3A_60 : vector<1x128xf32>
      %concatenate3A = tpu.concatenate %mul3A_56, %sub3A_61 in 0 : vector<1x128xf32>, vector<1x128xf32> -> vector<2x128xf32>
      %swap3A_62 = arith.constant 0 : index
      %swap3A_63 = arith.constant 0 : index
      %swap3A_64 = vector.load %arg8[%swap3A_62, %swap3A_63] : memref<2x128xf32, #tpu.memory_space<vmem>>, vector<2x128xf32>
      tpu.vector_store %arg8[%swap3A_62, %swap3A_63], %concatenate3A {strides = array<i32>} : memref<2x128xf32, #tpu.memory_space<vmem>>, vector<2x128xf32>,
    } else {
    }
    %get3A_4 = arith.constant 0 : index
    %get3A_5 = arith.constant 0 : index
    %get3A_6 = vector.load %arg8[%get3A_4, %get3A_5] : memref<2x128xf32, #tpu.memory_space<vmem>>, vector<1x128xf32>
    %mul3A = vector.broadcast %get3A_6 : vector<1x128xf32> to vector<4000x128xf32>
    %mul3A_7 = arith.mulf %get3A_1, %mul3A : vector<4000x128xf32>
    %get3A_8 = arith.constant 1 : index
    %get3A_9 = arith.constant 0 : index
    %get3A_10 = vector.load %arg8[%get3A_8, %get3A_9] : memref<2x128xf32, #tpu.memory_space<vmem>>, vector<1x128xf32>
    %add3A = vector.broadcast %get3A_10 : vector<1x128xf32> to vector<4000x128xf32>
    %add3A_11 = arith.addf %mul3A_7, %add3A : vector<4000x128xf32>
    %gt3A = arith.constant 0.000000e+00 : f32
    %gt3A_12 = vector.broadcast %gt3A : f32 to vector<4000x128xf32>
    %gt3A_13 = arith.cmpf ogt, %add3A_11, %gt3A_12 : vector<4000x128xf32>
    %exp3A = math.exp %add3A_11 : vector<4000x128xf32>
    %sub3A = arith.constant 1.000000e+00 : f32
    %sub3A_14 = vector.broadcast %sub3A : f32 to vector<4000x128xf32>
    %sub3A_15 = arith.subf %exp3A, %sub3A_14 : vector<4000x128xf32>
    %mul3A_16 = arith.constant 1.67326319 : f32
    %mul3A_17 = vector.broadcast %mul3A_16 : f32 to vector<4000x128xf32>
    %mul3A_18 = arith.mulf %mul3A_17, %sub3A_15 : vector<4000x128xf32>
    %select_n3A = arith.select %gt3A_13, %add3A_11, %mul3A_18 : vector<4000x128xi1>, vector<4000x128xf32>
    %mul3A_19 = arith.constant 1.05070102 : f32
    %mul3A_20 = vector.broadcast %mul3A_19 : f32 to vector<4000x128xf32>
    %mul3A_21 = arith.mulf %mul3A_20, %select_n3A : vector<4000x128xf32>
    %get3A_22 = arith.constant 0 : index
    %get3A_23 = arith.constant 0 : index
    %get3A_24 = vector.load %arg2[%get3A_22, %get3A_23] : memref<128x128xf32, #tpu.memory_space<vmem>>, vector<128x128xf32>
    %dot_general3A = arith.constant dense<0.000000e+00> : vector<4000x128xf32>
    %dot_general3A_25 = tpu.matmul %mul3A_21, %get3A_24, %dot_general3A {dimension_numbers = #tpu.dot_dimension_numbers<[1], [0], [0], [1], [0, 0, 1, 1], [], []>, transpose_lhs_hint = false} : vector<4000x128xf32>, vector<128x128xf32>, vector<4000x128xf32> -> vector<4000x128xf32>
    %get3A_26 = arith.constant 0 : index
    %get3A_27 = arith.constant 0 : index
    %get3A_28 = vector.load %arg3[%get3A_26, %get3A_27] : memref<1x128xf32, #tpu.memory_space<vmem>>, vector<1x128xf32>
    %add3A_29 = vector.broadcast %get3A_28 : vector<1x128xf32> to vector<4000x128xf32>
    %add3A_30 = arith.addf %dot_general3A_25, %add3A_29 : vector<4000x128xf32>
    %swap3A = arith.constant 0 : index
    %swap3A_31 = arith.constant 0 : index
    %swap3A_32 = vector.load %arg7[%swap3A, %swap3A_31] : memref<4000x128xf32, #tpu.memory_space<vmem>>, vector<4000x128xf32>
    tpu.vector_store %arg7[%swap3A, %swap3A_31], %add3A_30 {strides = array<i32>} : memref<4000x128xf32, #tpu.memory_space<vmem>>, vector<4000x128xf32>,
    return
  }
  func.func @transform_0(%arg0: i32) -> (i32, i32) {
    %c0_i32 = arith.constant 0 : i32
    %c0_i32_0 = arith.constant 0 : i32
    return %arg0, %c0_i32 : i32, i32
  }
  func.func @transform_1(%arg0: i32) -> (i32, i32) {
    %c0_i32 = arith.constant 0 : i32
    %c0_i32_0 = arith.constant 0 : i32
    %c0_i32_1 = arith.constant 0 : i32
    return %c0_i32, %c0_i32_0 : i32, i32
  }
  func.func @transform_2(%arg0: i32) -> (i32, i32) {
    %c0_i32 = arith.constant 0 : i32
    %c0_i32_0 = arith.constant 0 : i32
    %c0_i32_1 = arith.constant 0 : i32
    return %c0_i32, %c0_i32_0 : i32, i32
  }
  func.func @transform_3(%arg0: i32) -> (i32, i32, i32) {
    %c0_i32 = arith.constant 0 : i32
    %c0_i32_0 = arith.constant 0 : i32
    %c0_i32_1 = arith.constant 0 : i32
    %c0_i32_2 = arith.constant 0 : i32
    return %c0_i32, %c0_i32_0, %c0_i32_1 : i32, i32, i32
  }
  func.func @transform_4(%arg0: i32) -> (i32, i32) {
    %c0_i32 = arith.constant 0 : i32
    %c0_i32_0 = arith.constant 0 : i32
    %c0_i32_1 = arith.constant 0 : i32
    return %c0_i32, %c0_i32_0 : i32, i32
  }
  func.func @transform_5(%arg0: i32) -> (i32, i32) {
    %c0_i32 = arith.constant 0 : i32
    %c0_i32_0 = arith.constant 0 : i32
    %c0_i32_1 = arith.constant 0 : i32
    return %c0_i32, %c0_i32_0 : i32, i32
  }
  func.func @transform_6(%arg0: i32) -> (i32, i32) {
    %c0_i32 = arith.constant 0 : i32
    %c0_i32_0 = arith.constant 0 : i32
    return %arg0, %c0_i32 : i32, i32
  }
}

module attributes {stable_mosaic.version = 14 : i64} {
  func.func @body(%arg0: memref<10000x128xf32, #tpu.memory_space<vmem>>, %arg1: memref<2x10000x128xf32, #tpu.memory_space<vmem>>, %arg2: memref<10000x1xf32, #tpu.memory_space<vmem>>, %arg3: memref<64x128xf32, #tpu.memory_space<vmem>>, %arg4: memref<10000x1xi32, #tpu.memory_space<vmem>>, %arg5: memref<384x128xf32, #tpu.memory_space<vmem>>, %arg6: memref<1x128xf32, #tpu.memory_space<vmem>>, %arg7: memref<1x128xf32, #tpu.memory_space<vmem>>, %arg8: memref<1x128xf32, #tpu.memory_space<vmem>>, %arg9: memref<128x128xf32, #tpu.memory_space<vmem>>, %arg10: memref<1x128xf32, #tpu.memory_space<vmem>>, %arg11: memref<1x128xf32, #tpu.memory_space<vmem>>, %arg12: memref<1x128xf32, #tpu.memory_space<vmem>>, %arg13: memref<128x128xf32, #tpu.memory_space<vmem>>, %arg14: memref<1x128xf32, #tpu.memory_space<vmem>>, %arg15: memref<256x128xf32, #tpu.memory_space<vmem>>, %arg16: memref<1x128xf32, #tpu.memory_space<vmem>>, %arg17: memref<1x128xf32, #tpu.memory_space<vmem>>, %arg18: memref<1x128xf32, #tpu.memory_space<vmem>>, %arg19: memref<128x128xf32, #tpu.memory_space<vmem>>, %arg20: memref<1x128xf32, #tpu.memory_space<vmem>>, %arg21: memref<1x128xf32, #tpu.memory_space<vmem>>, %arg22: memref<1x128xf32, #tpu.memory_space<vmem>>, %arg23: memref<128x128xf32, #tpu.memory_space<vmem>>, %arg24: memref<1x128xf32, #tpu.memory_space<vmem>>, %arg25: memref<10000x128xf32, #tpu.memory_space<vmem>>, %arg26: memref<64x128xf32, #tpu.memory_space<vmem>>) attributes {dimension_semantics = [], scalar_prefetch = 0 : i64, scratch_operands = 0 : i64, tpu.core_type = #tpu.core_type<tc>} {
    %get3A = arith.constant 0 : index
    %get3A_0 = arith.constant 0 : index
    %get3A_1 = arith.constant 0 : index
    %get3A_2 = vector.load %arg1[%get3A, %get3A_0, %get3A_1] : memref<2x10000x128xf32, #tpu.memory_space<vmem>>, vector<1x10000x128xf32>
    %get3A_3 = vector.shape_cast %get3A_2 : vector<1x10000x128xf32> to vector<10000x128xf32>
    %get3A_4 = arith.constant 1 : index
    %get3A_5 = arith.constant 0 : index
    %get3A_6 = arith.constant 0 : index
    %get3A_7 = vector.load %arg1[%get3A_4, %get3A_5, %get3A_6] : memref<2x10000x128xf32, #tpu.memory_space<vmem>>, vector<1x10000x128xf32>
    %get3A_8 = vector.shape_cast %get3A_7 : vector<1x10000x128xf32> to vector<10000x128xf32>
    %add3A = arith.addf %get3A_3, %get3A_8 : vector<10000x128xf32>
    %add3A_9 = arith.constant 0.000000e+00 : f32
    %add3A_10 = vector.broadcast %add3A_9 : f32 to vector<10000x128xf32>
    %add3A_11 = arith.addf %add3A_10, %add3A : vector<10000x128xf32>
    %get3A_12 = arith.constant 0 : index
    %get3A_13 = arith.constant 0 : index
    %get3A_14 = vector.load %arg2[%get3A_12, %get3A_13] : memref<10000x1xf32, #tpu.memory_space<vmem>>, vector<10000x1xf32>
    %mul3A = vector.broadcast %get3A_14 : vector<10000x1xf32> to vector<10000x128xf32>
    %mul3A_15 = arith.mulf %add3A_11, %mul3A : vector<10000x128xf32>
    %get3A_16 = arith.constant 0 : index
    %get3A_17 = arith.constant 0 : index
    %get3A_18 = vector.load %arg4[%get3A_16, %get3A_17] : memref<10000x1xi32, #tpu.memory_space<vmem>>, vector<10000x1xi32>
    %iota3A = tpu.iota {dimensions = array<i32: 1>} : vector<1x64xi32>
    %eq3A = vector.broadcast %get3A_18 : vector<10000x1xi32> to vector<10000x64xi32>
    %eq3A_19 = vector.broadcast %iota3A : vector<1x64xi32> to vector<10000x64xi32>
    %eq3A_20 = arith.cmpi eq, %eq3A, %eq3A_19 : vector<10000x64xi32>
    %convert_element_type3A = arith.extui %eq3A_20 : vector<10000x64xi1> to vector<10000x64xi32>
    %convert_element_type3A_21 = arith.sitofp %convert_element_type3A : vector<10000x64xi32> to vector<10000x64xf32>
    %get3A_22 = arith.constant 0 : index
    %get3A_23 = arith.constant 0 : index
    %get3A_24 = vector.load %arg3[%get3A_22, %get3A_23] : memref<64x128xf32, #tpu.memory_space<vmem>>, vector<64x128xf32>
    %get3A_25 = arith.constant 256 : index
    %get3A_26 = arith.constant 0 : index
    %get3A_27 = vector.load %arg5[%get3A_25, %get3A_26] : memref<384x128xf32, #tpu.memory_space<vmem>>, vector<128x128xf32>
    %dot_general3A = arith.constant dense<0.000000e+00> : vector<64x128xf32>
    %dot_general3A_28 = tpu.matmul %get3A_24, %get3A_27, %dot_general3A {dimension_numbers = #tpu.dot_dimension_numbers<[1], [0], [0], [1], [0, 0, 1, 1], [], []>, transpose_lhs_hint = false} : vector<64x128xf32>, vector<128x128xf32>, vector<64x128xf32> -> vector<64x128xf32>
    %dot_general3A_29 = arith.constant dense<0.000000e+00> : vector<10000x128xf32>
    %dot_general3A_30 = tpu.matmul %convert_element_type3A_21, %dot_general3A_28, %dot_general3A_29 {dimension_numbers = #tpu.dot_dimension_numbers<[1], [0], [0], [1], [0, 0, 1, 1], [], []>, transpose_lhs_hint = false} : vector<10000x64xf32>, vector<64x128xf32>, vector<10000x128xf32> -> vector<10000x128xf32>
    %get3A_31 = arith.constant 0 : index
    %get3A_32 = arith.constant 0 : index
    %get3A_33 = vector.load %arg0[%get3A_31, %get3A_32] : memref<10000x128xf32, #tpu.memory_space<vmem>>, vector<10000x128xf32>
    %get3A_34 = arith.constant 0 : index
    %get3A_35 = arith.constant 0 : index
    %get3A_36 = vector.load %arg5[%get3A_34, %get3A_35] : memref<384x128xf32, #tpu.memory_space<vmem>>, vector<128x128xf32>
    %dot_general3A_37 = arith.constant dense<0.000000e+00> : vector<10000x128xf32>
    %dot_general3A_38 = tpu.matmul %get3A_33, %get3A_36, %dot_general3A_37 {dimension_numbers = #tpu.dot_dimension_numbers<[1], [0], [0], [1], [0, 0, 1, 1], [], []>, transpose_lhs_hint = false} : vector<10000x128xf32>, vector<128x128xf32>, vector<10000x128xf32> -> vector<10000x128xf32>
    %get3A_39 = arith.constant 128 : index
    %get3A_40 = arith.constant 0 : index
    %get3A_41 = vector.load %arg5[%get3A_39, %get3A_40] : memref<384x128xf32, #tpu.memory_space<vmem>>, vector<128x128xf32>
    %dot_general3A_42 = arith.constant dense<0.000000e+00> : vector<10000x128xf32>
    %dot_general3A_43 = tpu.matmul %mul3A_15, %get3A_41, %dot_general3A_42 {dimension_numbers = #tpu.dot_dimension_numbers<[1], [0], [0], [1], [0, 0, 1, 1], [], []>, transpose_lhs_hint = false} : vector<10000x128xf32>, vector<128x128xf32>, vector<10000x128xf32> -> vector<10000x128xf32>
    %add3A_44 = arith.addf %dot_general3A_38, %dot_general3A_43 : vector<10000x128xf32>
    %add3A_45 = arith.addf %add3A_44, %dot_general3A_30 : vector<10000x128xf32>
    %get3A_46 = arith.constant 0 : index
    %get3A_47 = arith.constant 0 : index
    %get3A_48 = vector.load %arg6[%get3A_46, %get3A_47] : memref<1x128xf32, #tpu.memory_space<vmem>>, vector<1x128xf32>
    %add3A_49 = vector.broadcast %get3A_48 : vector<1x128xf32> to vector<10000x128xf32>
    %add3A_50 = arith.addf %add3A_45, %add3A_49 : vector<10000x128xf32>
    %get3A_51 = arith.constant 0 : index
    %get3A_52 = arith.constant 0 : index
    %get3A_53 = vector.load %arg7[%get3A_51, %get3A_52] : memref<1x128xf32, #tpu.memory_space<vmem>>, vector<1x128xf32>
    %get3A_54 = arith.constant 0 : index
    %get3A_55 = arith.constant 0 : index
    %get3A_56 = vector.load %arg8[%get3A_54, %get3A_55] : memref<1x128xf32, #tpu.memory_space<vmem>>, vector<1x128xf32>
    %reduce_sum3A = arith.constant dense<0.000000e+00> : vector<128xf32>
    %reduce_sum3A_57 = vector.multi_reduction <add>, %add3A_50, %reduce_sum3A [0] : vector<10000x128xf32> to vector<128xf32>
    %broadcast_in_dim3A = vector.shape_cast %reduce_sum3A_57 : vector<128xf32> to vector<1x128xf32>
    %div3A = arith.constant 1.000000e+04 : f32
    %div3A_58 = vector.broadcast %div3A : f32 to vector<1x128xf32>
    %div3A_59 = arith.divf %broadcast_in_dim3A, %div3A_58 : vector<1x128xf32>
    %jit3A = arith.constant 0 : i32
    %reduce_sum3A_60 = arith.constant dense<0.000000e+00> : vector<128xf32>
    %reduce_sum3A_61 = vector.multi_reduction <add>, %add3A_50, %reduce_sum3A_60 [0] : vector<10000x128xf32> to vector<128xf32>
    %broadcast_in_dim3A_62 = vector.shape_cast %reduce_sum3A_61 : vector<128xf32> to vector<1x128xf32>
    %div3A_63 = arith.constant 1.000000e+04 : f32
    %div3A_64 = vector.broadcast %div3A_63 : f32 to vector<1x128xf32>
    %div3A_65 = arith.divf %broadcast_in_dim3A_62, %div3A_64 : vector<1x128xf32>
    %sub3A = vector.broadcast %div3A_65 : vector<1x128xf32> to vector<10000x128xf32>
    %sub3A_66 = arith.subf %add3A_50, %sub3A : vector<10000x128xf32>
    %square3A = arith.mulf %sub3A_66, %sub3A_66 : vector<10000x128xf32>
    %convert_element_type3A_67 = arith.sitofp %jit3A : i32 to f32
    %sub3A_68 = arith.constant 1.000000e+04 : f32
    %sub3A_69 = arith.subf %sub3A_68, %convert_element_type3A_67 : f32
    %reduce_sum3A_70 = arith.constant dense<0.000000e+00> : vector<128xf32>
    %reduce_sum3A_71 = vector.multi_reduction <add>, %square3A, %reduce_sum3A_70 [0] : vector<10000x128xf32> to vector<128xf32>
    %broadcast_in_dim3A_72 = vector.shape_cast %reduce_sum3A_71 : vector<128xf32> to vector<1x128xf32>
    %div3A_73 = vector.broadcast %sub3A_69 : f32 to vector<1x128xf32>
    %div3A_74 = arith.divf %broadcast_in_dim3A_72, %div3A_73 : vector<1x128xf32>
    %gt3A = arith.constant 0.000000e+00 : f32
    %gt3A_75 = arith.cmpf ogt, %sub3A_69, %gt3A : f32
    %jit3A_76 = arith.constant 0x7FC00000 : f32
    %broadcast_in_dim3A_77 = vector.broadcast %jit3A_76 : f32 to vector<1x128xf32>
    %select_n3A = arith.select %gt3A_75, %div3A_74, %broadcast_in_dim3A_77 : vector<1x128xf32>
    %sub3A_78 = vector.broadcast %div3A_59 : vector<1x128xf32> to vector<10000x128xf32>
    %sub3A_79 = arith.subf %add3A_50, %sub3A_78 : vector<10000x128xf32>
    %add3A_80 = arith.constant 9.99999974E-6 : f32
    %add3A_81 = vector.broadcast %add3A_80 : f32 to vector<1x128xf32>
    %add3A_82 = arith.addf %select_n3A, %add3A_81 : vector<1x128xf32>
    %rsqrt3A = math.rsqrt %add3A_82 : vector<1x128xf32>
    %mul3A_83 = vector.broadcast %rsqrt3A : vector<1x128xf32> to vector<10000x128xf32>
    %mul3A_84 = arith.mulf %sub3A_79, %mul3A_83 : vector<10000x128xf32>
    %mul3A_85 = vector.broadcast %get3A_53 : vector<1x128xf32> to vector<10000x128xf32>
    %mul3A_86 = arith.mulf %mul3A_84, %mul3A_85 : vector<10000x128xf32>
    %add3A_87 = vector.broadcast %get3A_56 : vector<1x128xf32> to vector<10000x128xf32>
    %add3A_88 = arith.addf %mul3A_86, %add3A_87 : vector<10000x128xf32>
    %gt3A_89 = arith.constant 0.000000e+00 : f32
    %gt3A_90 = vector.broadcast %gt3A_89 : f32 to vector<10000x128xf32>
    %gt3A_91 = arith.cmpf ogt, %add3A_88, %gt3A_90 : vector<10000x128xf32>
    %exp3A = math.exp %add3A_88 : vector<10000x128xf32>
    %sub3A_92 = arith.constant 1.000000e+00 : f32
    %sub3A_93 = vector.broadcast %sub3A_92 : f32 to vector<10000x128xf32>
    %sub3A_94 = arith.subf %exp3A, %sub3A_93 : vector<10000x128xf32>
    %mul3A_95 = arith.constant 1.67326319 : f32
    %mul3A_96 = vector.broadcast %mul3A_95 : f32 to vector<10000x128xf32>
    %mul3A_97 = arith.mulf %mul3A_96, %sub3A_94 : vector<10000x128xf32>
    %select_n3A_98 = arith.select %gt3A_91, %add3A_88, %mul3A_97 : vector<10000x128xi1>, vector<10000x128xf32>
    %mul3A_99 = arith.constant 1.05070102 : f32
    %mul3A_100 = vector.broadcast %mul3A_99 : f32 to vector<10000x128xf32>
    %mul3A_101 = arith.mulf %mul3A_100, %select_n3A_98 : vector<10000x128xf32>
    %get3A_102 = arith.constant 0 : index
    %get3A_103 = arith.constant 0 : index
    %get3A_104 = vector.load %arg9[%get3A_102, %get3A_103] : memref<128x128xf32, #tpu.memory_space<vmem>>, vector<128x128xf32>
    %dot_general3A_105 = arith.constant dense<0.000000e+00> : vector<10000x128xf32>
    %dot_general3A_106 = tpu.matmul %mul3A_101, %get3A_104, %dot_general3A_105 {dimension_numbers = #tpu.dot_dimension_numbers<[1], [0], [0], [1], [0, 0, 1, 1], [], []>, transpose_lhs_hint = false} : vector<10000x128xf32>, vector<128x128xf32>, vector<10000x128xf32> -> vector<10000x128xf32>
    %get3A_107 = arith.constant 0 : index
    %get3A_108 = arith.constant 0 : index
    %get3A_109 = vector.load %arg10[%get3A_107, %get3A_108] : memref<1x128xf32, #tpu.memory_space<vmem>>, vector<1x128xf32>
    %add3A_110 = vector.broadcast %get3A_109 : vector<1x128xf32> to vector<10000x128xf32>
    %add3A_111 = arith.addf %dot_general3A_106, %add3A_110 : vector<10000x128xf32>
    %get3A_112 = arith.constant 0 : index
    %get3A_113 = arith.constant 0 : index
    %get3A_114 = vector.load %arg11[%get3A_112, %get3A_113] : memref<1x128xf32, #tpu.memory_space<vmem>>, vector<1x128xf32>
    %get3A_115 = arith.constant 0 : index
    %get3A_116 = arith.constant 0 : index
    %get3A_117 = vector.load %arg12[%get3A_115, %get3A_116] : memref<1x128xf32, #tpu.memory_space<vmem>>, vector<1x128xf32>
    %reduce_sum3A_118 = arith.constant dense<0.000000e+00> : vector<128xf32>
    %reduce_sum3A_119 = vector.multi_reduction <add>, %add3A_111, %reduce_sum3A_118 [0] : vector<10000x128xf32> to vector<128xf32>
    %broadcast_in_dim3A_120 = vector.shape_cast %reduce_sum3A_119 : vector<128xf32> to vector<1x128xf32>
    %div3A_121 = arith.constant 1.000000e+04 : f32
    %div3A_122 = vector.broadcast %div3A_121 : f32 to vector<1x128xf32>
    %div3A_123 = arith.divf %broadcast_in_dim3A_120, %div3A_122 : vector<1x128xf32>
    %jit3A_124 = arith.constant 0 : i32
    %reduce_sum3A_125 = arith.constant dense<0.000000e+00> : vector<128xf32>
    %reduce_sum3A_126 = vector.multi_reduction <add>, %add3A_111, %reduce_sum3A_125 [0] : vector<10000x128xf32> to vector<128xf32>
    %broadcast_in_dim3A_127 = vector.shape_cast %reduce_sum3A_126 : vector<128xf32> to vector<1x128xf32>
    %div3A_128 = arith.constant 1.000000e+04 : f32
    %div3A_129 = vector.broadcast %div3A_128 : f32 to vector<1x128xf32>
    %div3A_130 = arith.divf %broadcast_in_dim3A_127, %div3A_129 : vector<1x128xf32>
    %sub3A_131 = vector.broadcast %div3A_130 : vector<1x128xf32> to vector<10000x128xf32>
    %sub3A_132 = arith.subf %add3A_111, %sub3A_131 : vector<10000x128xf32>
    %square3A_133 = arith.mulf %sub3A_132, %sub3A_132 : vector<10000x128xf32>
    %convert_element_type3A_134 = arith.sitofp %jit3A_124 : i32 to f32
    %sub3A_135 = arith.constant 1.000000e+04 : f32
    %sub3A_136 = arith.subf %sub3A_135, %convert_element_type3A_134 : f32
    %reduce_sum3A_137 = arith.constant dense<0.000000e+00> : vector<128xf32>
    %reduce_sum3A_138 = vector.multi_reduction <add>, %square3A_133, %reduce_sum3A_137 [0] : vector<10000x128xf32> to vector<128xf32>
    %broadcast_in_dim3A_139 = vector.shape_cast %reduce_sum3A_138 : vector<128xf32> to vector<1x128xf32>
    %div3A_140 = vector.broadcast %sub3A_136 : f32 to vector<1x128xf32>
    %div3A_141 = arith.divf %broadcast_in_dim3A_139, %div3A_140 : vector<1x128xf32>
    %gt3A_142 = arith.constant 0.000000e+00 : f32
    %gt3A_143 = arith.cmpf ogt, %sub3A_136, %gt3A_142 : f32
    %jit3A_144 = arith.constant 0x7FC00000 : f32
    %broadcast_in_dim3A_145 = vector.broadcast %jit3A_144 : f32 to vector<1x128xf32>
    %select_n3A_146 = arith.select %gt3A_143, %div3A_141, %broadcast_in_dim3A_145 : vector<1x128xf32>
    %sub3A_147 = vector.broadcast %div3A_123 : vector<1x128xf32> to vector<10000x128xf32>
    %sub3A_148 = arith.subf %add3A_111, %sub3A_147 : vector<10000x128xf32>
    %add3A_149 = arith.constant 9.99999974E-6 : f32
    %add3A_150 = vector.broadcast %add3A_149 : f32 to vector<1x128xf32>
    %add3A_151 = arith.addf %select_n3A_146, %add3A_150 : vector<1x128xf32>
    %rsqrt3A_152 = math.rsqrt %add3A_151 : vector<1x128xf32>
    %mul3A_153 = vector.broadcast %rsqrt3A_152 : vector<1x128xf32> to vector<10000x128xf32>
    %mul3A_154 = arith.mulf %sub3A_148, %mul3A_153 : vector<10000x128xf32>
    %mul3A_155 = vector.broadcast %get3A_114 : vector<1x128xf32> to vector<10000x128xf32>
    %mul3A_156 = arith.mulf %mul3A_154, %mul3A_155 : vector<10000x128xf32>
    %add3A_157 = vector.broadcast %get3A_117 : vector<1x128xf32> to vector<10000x128xf32>
    %add3A_158 = arith.addf %mul3A_156, %add3A_157 : vector<10000x128xf32>
    %gt3A_159 = arith.constant 0.000000e+00 : f32
    %gt3A_160 = vector.broadcast %gt3A_159 : f32 to vector<10000x128xf32>
    %gt3A_161 = arith.cmpf ogt, %add3A_158, %gt3A_160 : vector<10000x128xf32>
    %exp3A_162 = math.exp %add3A_158 : vector<10000x128xf32>
    %sub3A_163 = arith.constant 1.000000e+00 : f32
    %sub3A_164 = vector.broadcast %sub3A_163 : f32 to vector<10000x128xf32>
    %sub3A_165 = arith.subf %exp3A_162, %sub3A_164 : vector<10000x128xf32>
    %mul3A_166 = arith.constant 1.67326319 : f32
    %mul3A_167 = vector.broadcast %mul3A_166 : f32 to vector<10000x128xf32>
    %mul3A_168 = arith.mulf %mul3A_167, %sub3A_165 : vector<10000x128xf32>
    %select_n3A_169 = arith.select %gt3A_161, %add3A_158, %mul3A_168 : vector<10000x128xi1>, vector<10000x128xf32>
    %mul3A_170 = arith.constant 1.05070102 : f32
    %mul3A_171 = vector.broadcast %mul3A_170 : f32 to vector<10000x128xf32>
    %mul3A_172 = arith.mulf %mul3A_171, %select_n3A_169 : vector<10000x128xf32>
    %get3A_173 = arith.constant 0 : index
    %get3A_174 = arith.constant 0 : index
    %get3A_175 = vector.load %arg13[%get3A_173, %get3A_174] : memref<128x128xf32, #tpu.memory_space<vmem>>, vector<128x128xf32>
    %dot_general3A_176 = arith.constant dense<0.000000e+00> : vector<10000x128xf32>
    %dot_general3A_177 = tpu.matmul %mul3A_172, %get3A_175, %dot_general3A_176 {dimension_numbers = #tpu.dot_dimension_numbers<[1], [0], [0], [1], [0, 0, 1, 1], [], []>, transpose_lhs_hint = false} : vector<10000x128xf32>, vector<128x128xf32>, vector<10000x128xf32> -> vector<10000x128xf32>
    %get3A_178 = arith.constant 0 : index
    %get3A_179 = arith.constant 0 : index
    %get3A_180 = vector.load %arg14[%get3A_178, %get3A_179] : memref<1x128xf32, #tpu.memory_space<vmem>>, vector<1x128xf32>
    %add3A_181 = vector.broadcast %get3A_180 : vector<1x128xf32> to vector<10000x128xf32>
    %add3A_182 = arith.addf %dot_general3A_177, %add3A_181 : vector<10000x128xf32>
    %swap3A = arith.constant 0 : index
    %swap3A_183 = arith.constant 0 : index
    %swap3A_184 = vector.load %arg25[%swap3A, %swap3A_183] : memref<10000x128xf32, #tpu.memory_space<vmem>>, vector<10000x128xf32>
    tpu.vector_store %arg25[%swap3A, %swap3A_183], %add3A_182 {strides = array<i32>} : memref<10000x128xf32, #tpu.memory_space<vmem>>, vector<10000x128xf32>,
    %reduce_sum3A_185 = arith.constant dense<0.000000e+00> : vector<64xf32>
    %reduce_sum3A_186 = vector.multi_reduction <add>, %convert_element_type3A_21, %reduce_sum3A_185 [0] : vector<10000x64xf32> to vector<64xf32>
    %dot_general3A_187 = arith.constant dense<0.000000e+00> : vector<64x128xf32>
    %dot_general3A_188 = tpu.matmul %convert_element_type3A_21, %add3A_182, %dot_general3A_187 {dimension_numbers = #tpu.dot_dimension_numbers<[0], [0], [1], [1], [0, 1, 1, 1], [], []>, transpose_lhs_hint = false} : vector<10000x64xf32>, vector<10000x128xf32>, vector<64x128xf32> -> vector<64x128xf32>
    %max3A = arith.constant 1.000000e+00 : f32
    %max3A_189 = vector.broadcast %max3A : f32 to vector<64xf32>
    %max3A_190 = arith.maximumf %reduce_sum3A_186, %max3A_189 : vector<64xf32>
    %broadcast_in_dim3A_191 = vector.shape_cast %max3A_190 : vector<64xf32> to vector<64x1xf32>
    %div3A_192 = vector.broadcast %broadcast_in_dim3A_191 : vector<64x1xf32> to vector<64x128xf32>
    %div3A_193 = arith.divf %dot_general3A_188, %div3A_192 : vector<64x128xf32>
    %get3A_194 = arith.constant 0 : index
    %get3A_195 = arith.constant 0 : index
    %get3A_196 = vector.load %arg3[%get3A_194, %get3A_195] : memref<64x128xf32, #tpu.memory_space<vmem>>, vector<64x128xf32>
    %get3A_197 = arith.constant 0 : index
    %get3A_198 = arith.constant 0 : index
    %get3A_199 = vector.load %arg15[%get3A_197, %get3A_198] : memref<256x128xf32, #tpu.memory_space<vmem>>, vector<128x128xf32>
    %dot_general3A_200 = arith.constant dense<0.000000e+00> : vector<64x128xf32>
    %dot_general3A_201 = tpu.matmul %get3A_196, %get3A_199, %dot_general3A_200 {dimension_numbers = #tpu.dot_dimension_numbers<[1], [0], [0], [1], [0, 0, 1, 1], [], []>, transpose_lhs_hint = false} : vector<64x128xf32>, vector<128x128xf32>, vector<64x128xf32> -> vector<64x128xf32>
    %get3A_202 = arith.constant 128 : index
    %get3A_203 = arith.constant 0 : index
    %get3A_204 = vector.load %arg15[%get3A_202, %get3A_203] : memref<256x128xf32, #tpu.memory_space<vmem>>, vector<128x128xf32>
    %dot_general3A_205 = arith.constant dense<0.000000e+00> : vector<64x128xf32>
    %dot_general3A_206 = tpu.matmul %div3A_193, %get3A_204, %dot_general3A_205 {dimension_numbers = #tpu.dot_dimension_numbers<[1], [0], [0], [1], [0, 0, 1, 1], [], []>, transpose_lhs_hint = false} : vector<64x128xf32>, vector<128x128xf32>, vector<64x128xf32> -> vector<64x128xf32>
    %add3A_207 = arith.addf %dot_general3A_201, %dot_general3A_206 : vector<64x128xf32>
    %get3A_208 = arith.constant 0 : index
    %get3A_209 = arith.constant 0 : index
    %get3A_210 = vector.load %arg16[%get3A_208, %get3A_209] : memref<1x128xf32, #tpu.memory_space<vmem>>, vector<1x128xf32>
    %add3A_211 = vector.broadcast %get3A_210 : vector<1x128xf32> to vector<64x128xf32>
    %add3A_212 = arith.addf %add3A_207, %add3A_211 : vector<64x128xf32>
    %get3A_213 = arith.constant 0 : index
    %get3A_214 = arith.constant 0 : index
    %get3A_215 = vector.load %arg17[%get3A_213, %get3A_214] : memref<1x128xf32, #tpu.memory_space<vmem>>, vector<1x128xf32>
    %get3A_216 = arith.constant 0 : index
    %get3A_217 = arith.constant 0 : index
    %get3A_218 = vector.load %arg18[%get3A_216, %get3A_217] : memref<1x128xf32, #tpu.memory_space<vmem>>, vector<1x128xf32>
    %reduce_sum3A_219 = arith.constant dense<0.000000e+00> : vector<128xf32>
    %reduce_sum3A_220 = vector.multi_reduction <add>, %add3A_212, %reduce_sum3A_219 [0] : vector<64x128xf32> to vector<128xf32>
    %broadcast_in_dim3A_221 = vector.shape_cast %reduce_sum3A_220 : vector<128xf32> to vector<1x128xf32>
    %div3A_222 = arith.constant 6.400000e+01 : f32
    %div3A_223 = vector.broadcast %div3A_222 : f32 to vector<1x128xf32>
    %div3A_224 = arith.divf %broadcast_in_dim3A_221, %div3A_223 : vector<1x128xf32>
    %jit3A_225 = arith.constant 0 : i32
    %reduce_sum3A_226 = arith.constant dense<0.000000e+00> : vector<128xf32>
    %reduce_sum3A_227 = vector.multi_reduction <add>, %add3A_212, %reduce_sum3A_226 [0] : vector<64x128xf32> to vector<128xf32>
    %broadcast_in_dim3A_228 = vector.shape_cast %reduce_sum3A_227 : vector<128xf32> to vector<1x128xf32>
    %div3A_229 = arith.constant 6.400000e+01 : f32
    %div3A_230 = vector.broadcast %div3A_229 : f32 to vector<1x128xf32>
    %div3A_231 = arith.divf %broadcast_in_dim3A_228, %div3A_230 : vector<1x128xf32>
    %sub3A_232 = vector.broadcast %div3A_231 : vector<1x128xf32> to vector<64x128xf32>
    %sub3A_233 = arith.subf %add3A_212, %sub3A_232 : vector<64x128xf32>
    %square3A_234 = arith.mulf %sub3A_233, %sub3A_233 : vector<64x128xf32>
    %convert_element_type3A_235 = arith.sitofp %jit3A_225 : i32 to f32
    %sub3A_236 = arith.constant 6.400000e+01 : f32
    %sub3A_237 = arith.subf %sub3A_236, %convert_element_type3A_235 : f32
    %reduce_sum3A_238 = arith.constant dense<0.000000e+00> : vector<128xf32>
    %reduce_sum3A_239 = vector.multi_reduction <add>, %square3A_234, %reduce_sum3A_238 [0] : vector<64x128xf32> to vector<128xf32>
    %broadcast_in_dim3A_240 = vector.shape_cast %reduce_sum3A_239 : vector<128xf32> to vector<1x128xf32>
    %div3A_241 = vector.broadcast %sub3A_237 : f32 to vector<1x128xf32>
    %div3A_242 = arith.divf %broadcast_in_dim3A_240, %div3A_241 : vector<1x128xf32>
    %gt3A_243 = arith.constant 0.000000e+00 : f32
    %gt3A_244 = arith.cmpf ogt, %sub3A_237, %gt3A_243 : f32
    %jit3A_245 = arith.constant 0x7FC00000 : f32
    %broadcast_in_dim3A_246 = vector.broadcast %jit3A_245 : f32 to vector<1x128xf32>
    %select_n3A_247 = arith.select %gt3A_244, %div3A_242, %broadcast_in_dim3A_246 : vector<1x128xf32>
    %sub3A_248 = vector.broadcast %div3A_224 : vector<1x128xf32> to vector<64x128xf32>
    %sub3A_249 = arith.subf %add3A_212, %sub3A_248 : vector<64x128xf32>
    %add3A_250 = arith.constant 9.99999974E-6 : f32
    %add3A_251 = vector.broadcast %add3A_250 : f32 to vector<1x128xf32>
    %add3A_252 = arith.addf %select_n3A_247, %add3A_251 : vector<1x128xf32>
    %rsqrt3A_253 = math.rsqrt %add3A_252 : vector<1x128xf32>
    %mul3A_254 = vector.broadcast %rsqrt3A_253 : vector<1x128xf32> to vector<64x128xf32>
    %mul3A_255 = arith.mulf %sub3A_249, %mul3A_254 : vector<64x128xf32>
    %mul3A_256 = vector.broadcast %get3A_215 : vector<1x128xf32> to vector<64x128xf32>
    %mul3A_257 = arith.mulf %mul3A_255, %mul3A_256 : vector<64x128xf32>
    %add3A_258 = vector.broadcast %get3A_218 : vector<1x128xf32> to vector<64x128xf32>
    %add3A_259 = arith.addf %mul3A_257, %add3A_258 : vector<64x128xf32>
    %gt3A_260 = arith.constant 0.000000e+00 : f32
    %gt3A_261 = vector.broadcast %gt3A_260 : f32 to vector<64x128xf32>
    %gt3A_262 = arith.cmpf ogt, %add3A_259, %gt3A_261 : vector<64x128xf32>
    %exp3A_263 = math.exp %add3A_259 : vector<64x128xf32>
    %sub3A_264 = arith.constant 1.000000e+00 : f32
    %sub3A_265 = vector.broadcast %sub3A_264 : f32 to vector<64x128xf32>
    %sub3A_266 = arith.subf %exp3A_263, %sub3A_265 : vector<64x128xf32>
    %mul3A_267 = arith.constant 1.67326319 : f32
    %mul3A_268 = vector.broadcast %mul3A_267 : f32 to vector<64x128xf32>
    %mul3A_269 = arith.mulf %mul3A_268, %sub3A_266 : vector<64x128xf32>
    %select_n3A_270 = arith.select %gt3A_262, %add3A_259, %mul3A_269 : vector<64x128xi1>, vector<64x128xf32>
    %mul3A_271 = arith.constant 1.05070102 : f32
    %mul3A_272 = vector.broadcast %mul3A_271 : f32 to vector<64x128xf32>
    %mul3A_273 = arith.mulf %mul3A_272, %select_n3A_270 : vector<64x128xf32>
    %get3A_274 = arith.constant 0 : index
    %get3A_275 = arith.constant 0 : index
    %get3A_276 = vector.load %arg19[%get3A_274, %get3A_275] : memref<128x128xf32, #tpu.memory_space<vmem>>, vector<128x128xf32>
    %dot_general3A_277 = arith.constant dense<0.000000e+00> : vector<64x128xf32>
    %dot_general3A_278 = tpu.matmul %mul3A_273, %get3A_276, %dot_general3A_277 {dimension_numbers = #tpu.dot_dimension_numbers<[1], [0], [0], [1], [0, 0, 1, 1], [], []>, transpose_lhs_hint = false} : vector<64x128xf32>, vector<128x128xf32>, vector<64x128xf32> -> vector<64x128xf32>
    %get3A_279 = arith.constant 0 : index
    %get3A_280 = arith.constant 0 : index
    %get3A_281 = vector.load %arg20[%get3A_279, %get3A_280] : memref<1x128xf32, #tpu.memory_space<vmem>>, vector<1x128xf32>
    %add3A_282 = vector.broadcast %get3A_281 : vector<1x128xf32> to vector<64x128xf32>
    %add3A_283 = arith.addf %dot_general3A_278, %add3A_282 : vector<64x128xf32>
    %get3A_284 = arith.constant 0 : index
    %get3A_285 = arith.constant 0 : index
    %get3A_286 = vector.load %arg21[%get3A_284, %get3A_285] : memref<1x128xf32, #tpu.memory_space<vmem>>, vector<1x128xf32>
    %get3A_287 = arith.constant 0 : index
    %get3A_288 = arith.constant 0 : index
    %get3A_289 = vector.load %arg22[%get3A_287, %get3A_288] : memref<1x128xf32, #tpu.memory_space<vmem>>, vector<1x128xf32>
    %reduce_sum3A_290 = arith.constant dense<0.000000e+00> : vector<128xf32>
    %reduce_sum3A_291 = vector.multi_reduction <add>, %add3A_283, %reduce_sum3A_290 [0] : vector<64x128xf32> to vector<128xf32>
    %broadcast_in_dim3A_292 = vector.shape_cast %reduce_sum3A_291 : vector<128xf32> to vector<1x128xf32>
    %div3A_293 = arith.constant 6.400000e+01 : f32
    %div3A_294 = vector.broadcast %div3A_293 : f32 to vector<1x128xf32>
    %div3A_295 = arith.divf %broadcast_in_dim3A_292, %div3A_294 : vector<1x128xf32>
    %jit3A_296 = arith.constant 0 : i32
    %reduce_sum3A_297 = arith.constant dense<0.000000e+00> : vector<128xf32>
    %reduce_sum3A_298 = vector.multi_reduction <add>, %add3A_283, %reduce_sum3A_297 [0] : vector<64x128xf32> to vector<128xf32>
    %broadcast_in_dim3A_299 = vector.shape_cast %reduce_sum3A_298 : vector<128xf32> to vector<1x128xf32>
    %div3A_300 = arith.constant 6.400000e+01 : f32
    %div3A_301 = vector.broadcast %div3A_300 : f32 to vector<1x128xf32>
    %div3A_302 = arith.divf %broadcast_in_dim3A_299, %div3A_301 : vector<1x128xf32>
    %sub3A_303 = vector.broadcast %div3A_302 : vector<1x128xf32> to vector<64x128xf32>
    %sub3A_304 = arith.subf %add3A_283, %sub3A_303 : vector<64x128xf32>
    %square3A_305 = arith.mulf %sub3A_304, %sub3A_304 : vector<64x128xf32>
    %convert_element_type3A_306 = arith.sitofp %jit3A_296 : i32 to f32
    %sub3A_307 = arith.constant 6.400000e+01 : f32
    %sub3A_308 = arith.subf %sub3A_307, %convert_element_type3A_306 : f32
    %reduce_sum3A_309 = arith.constant dense<0.000000e+00> : vector<128xf32>
    %reduce_sum3A_310 = vector.multi_reduction <add>, %square3A_305, %reduce_sum3A_309 [0] : vector<64x128xf32> to vector<128xf32>
    %broadcast_in_dim3A_311 = vector.shape_cast %reduce_sum3A_310 : vector<128xf32> to vector<1x128xf32>
    %div3A_312 = vector.broadcast %sub3A_308 : f32 to vector<1x128xf32>
    %div3A_313 = arith.divf %broadcast_in_dim3A_311, %div3A_312 : vector<1x128xf32>
    %gt3A_314 = arith.constant 0.000000e+00 : f32
    %gt3A_315 = arith.cmpf ogt, %sub3A_308, %gt3A_314 : f32
    %jit3A_316 = arith.constant 0x7FC00000 : f32
    %broadcast_in_dim3A_317 = vector.broadcast %jit3A_316 : f32 to vector<1x128xf32>
    %select_n3A_318 = arith.select %gt3A_315, %div3A_313, %broadcast_in_dim3A_317 : vector<1x128xf32>
    %sub3A_319 = vector.broadcast %div3A_295 : vector<1x128xf32> to vector<64x128xf32>
    %sub3A_320 = arith.subf %add3A_283, %sub3A_319 : vector<64x128xf32>
    %add3A_321 = arith.constant 9.99999974E-6 : f32
    %add3A_322 = vector.broadcast %add3A_321 : f32 to vector<1x128xf32>
    %add3A_323 = arith.addf %select_n3A_318, %add3A_322 : vector<1x128xf32>
    %rsqrt3A_324 = math.rsqrt %add3A_323 : vector<1x128xf32>
    %mul3A_325 = vector.broadcast %rsqrt3A_324 : vector<1x128xf32> to vector<64x128xf32>
    %mul3A_326 = arith.mulf %sub3A_320, %mul3A_325 : vector<64x128xf32>
    %mul3A_327 = vector.broadcast %get3A_286 : vector<1x128xf32> to vector<64x128xf32>
    %mul3A_328 = arith.mulf %mul3A_326, %mul3A_327 : vector<64x128xf32>
    %add3A_329 = vector.broadcast %get3A_289 : vector<1x128xf32> to vector<64x128xf32>
    %add3A_330 = arith.addf %mul3A_328, %add3A_329 : vector<64x128xf32>
    %gt3A_331 = arith.constant 0.000000e+00 : f32
    %gt3A_332 = vector.broadcast %gt3A_331 : f32 to vector<64x128xf32>
    %gt3A_333 = arith.cmpf ogt, %add3A_330, %gt3A_332 : vector<64x128xf32>
    %exp3A_334 = math.exp %add3A_330 : vector<64x128xf32>
    %sub3A_335 = arith.constant 1.000000e+00 : f32
    %sub3A_336 = vector.broadcast %sub3A_335 : f32 to vector<64x128xf32>
    %sub3A_337 = arith.subf %exp3A_334, %sub3A_336 : vector<64x128xf32>
    %mul3A_338 = arith.constant 1.67326319 : f32
    %mul3A_339 = vector.broadcast %mul3A_338 : f32 to vector<64x128xf32>
    %mul3A_340 = arith.mulf %mul3A_339, %sub3A_337 : vector<64x128xf32>
    %select_n3A_341 = arith.select %gt3A_333, %add3A_330, %mul3A_340 : vector<64x128xi1>, vector<64x128xf32>
    %mul3A_342 = arith.constant 1.05070102 : f32
    %mul3A_343 = vector.broadcast %mul3A_342 : f32 to vector<64x128xf32>
    %mul3A_344 = arith.mulf %mul3A_343, %select_n3A_341 : vector<64x128xf32>
    %get3A_345 = arith.constant 0 : index
    %get3A_346 = arith.constant 0 : index
    %get3A_347 = vector.load %arg23[%get3A_345, %get3A_346] : memref<128x128xf32, #tpu.memory_space<vmem>>, vector<128x128xf32>
    %dot_general3A_348 = arith.constant dense<0.000000e+00> : vector<64x128xf32>
    %dot_general3A_349 = tpu.matmul %mul3A_344, %get3A_347, %dot_general3A_348 {dimension_numbers = #tpu.dot_dimension_numbers<[1], [0], [0], [1], [0, 0, 1, 1], [], []>, transpose_lhs_hint = false} : vector<64x128xf32>, vector<128x128xf32>, vector<64x128xf32> -> vector<64x128xf32>
    %get3A_350 = arith.constant 0 : index
    %get3A_351 = arith.constant 0 : index
    %get3A_352 = vector.load %arg24[%get3A_350, %get3A_351] : memref<1x128xf32, #tpu.memory_space<vmem>>, vector<1x128xf32>
    %add3A_353 = vector.broadcast %get3A_352 : vector<1x128xf32> to vector<64x128xf32>
    %add3A_354 = arith.addf %dot_general3A_349, %add3A_353 : vector<64x128xf32>
    %swap3A_355 = arith.constant 0 : index
    %swap3A_356 = arith.constant 0 : index
    %swap3A_357 = vector.load %arg26[%swap3A_355, %swap3A_356] : memref<64x128xf32, #tpu.memory_space<vmem>>, vector<64x128xf32>
    tpu.vector_store %arg26[%swap3A_355, %swap3A_356], %add3A_354 {strides = array<i32>} : memref<64x128xf32, #tpu.memory_space<vmem>>, vector<64x128xf32>,
    return
  }
}

module attributes {stable_mosaic.version = 14 : i64} {
  func.func @body(%arg0: memref<10000x128xf32, #tpu.memory_space<vmem>>, %arg1: memref<64x128xf32, #tpu.memory_space<vmem>>, %arg2: memref<10000x1xi32, #tpu.memory_space<vmem>>, %arg3: memref<512x128xf32, #tpu.memory_space<vmem>>, %arg4: memref<256x128xf32, #tpu.memory_space<vmem>>, %arg5: memref<1x128xf32, #tpu.memory_space<vmem>>, %arg6: memref<1x128xf32, #tpu.memory_space<vmem>>, %arg7: memref<10000x256xf32, #tpu.memory_space<vmem>>, %arg8: memref<10000x128xf32, #tpu.memory_space<vmem>>) attributes {dimension_semantics = [], scalar_prefetch = 0 : i64, scratch_operands = 0 : i64, tpu.core_type = #tpu.core_type<tc>} {
    %get3A = arith.constant 0 : index
    %get3A_0 = arith.constant 0 : index
    %get3A_1 = vector.load %arg2[%get3A, %get3A_0] : memref<10000x1xi32, #tpu.memory_space<vmem>>, vector<10000x1xi32>
    %iota3A = tpu.iota {dimensions = array<i32: 1>} : vector<1x64xi32>
    %eq3A = vector.broadcast %get3A_1 : vector<10000x1xi32> to vector<10000x64xi32>
    %eq3A_2 = vector.broadcast %iota3A : vector<1x64xi32> to vector<10000x64xi32>
    %eq3A_3 = arith.cmpi eq, %eq3A, %eq3A_2 : vector<10000x64xi32>
    %convert_element_type3A = arith.extui %eq3A_3 : vector<10000x64xi1> to vector<10000x64xi32>
    %convert_element_type3A_4 = arith.sitofp %convert_element_type3A : vector<10000x64xi32> to vector<10000x64xf32>
    %get3A_5 = arith.constant 0 : index
    %get3A_6 = arith.constant 0 : index
    %get3A_7 = vector.load %arg1[%get3A_5, %get3A_6] : memref<64x128xf32, #tpu.memory_space<vmem>>, vector<64x128xf32>
    %get3A_8 = arith.constant 384 : index
    %get3A_9 = arith.constant 0 : index
    %get3A_10 = vector.load %arg3[%get3A_8, %get3A_9] : memref<512x128xf32, #tpu.memory_space<vmem>>, vector<128x128xf32>
    %dot_general3A = arith.constant dense<0.000000e+00> : vector<64x128xf32>
    %dot_general3A_11 = tpu.matmul %get3A_7, %get3A_10, %dot_general3A {dimension_numbers = #tpu.dot_dimension_numbers<[1], [0], [0], [1], [0, 0, 1, 1], [], []>, transpose_lhs_hint = false} : vector<64x128xf32>, vector<128x128xf32>, vector<64x128xf32> -> vector<64x128xf32>
    %get3A_12 = arith.constant 0 : index
    %get3A_13 = arith.constant 0 : index
    %get3A_14 = vector.load %arg0[%get3A_12, %get3A_13] : memref<10000x128xf32, #tpu.memory_space<vmem>>, vector<10000x128xf32>
    %get3A_15 = arith.constant 0 : index
    %get3A_16 = arith.constant 0 : index
    %get3A_17 = vector.load %arg3[%get3A_15, %get3A_16] : memref<512x128xf32, #tpu.memory_space<vmem>>, vector<128x128xf32>
    %dot_general3A_18 = arith.constant dense<0.000000e+00> : vector<10000x128xf32>
    %dot_general3A_19 = tpu.matmul %get3A_14, %get3A_17, %dot_general3A_18 {dimension_numbers = #tpu.dot_dimension_numbers<[1], [0], [0], [1], [0, 0, 1, 1], [], []>, transpose_lhs_hint = false} : vector<10000x128xf32>, vector<128x128xf32>, vector<10000x128xf32> -> vector<10000x128xf32>
    %dot_general3A_20 = arith.constant dense<0.000000e+00> : vector<10000x128xf32>
    %dot_general3A_21 = tpu.matmul %convert_element_type3A_4, %dot_general3A_11, %dot_general3A_20 {dimension_numbers = #tpu.dot_dimension_numbers<[1], [0], [0], [1], [0, 0, 1, 1], [], []>, transpose_lhs_hint = false} : vector<10000x64xf32>, vector<64x128xf32>, vector<10000x128xf32> -> vector<10000x128xf32>
    %add3A = arith.addf %dot_general3A_19, %dot_general3A_21 : vector<10000x128xf32>
    %get3A_22 = arith.constant 0 : index
    %get3A_23 = arith.constant 0 : index
    %get3A_24 = vector.load %arg5[%get3A_22, %get3A_23] : memref<1x128xf32, #tpu.memory_space<vmem>>, vector<1x128xf32>
    %add3A_25 = vector.broadcast %get3A_24 : vector<1x128xf32> to vector<10000x128xf32>
    %add3A_26 = arith.addf %add3A, %add3A_25 : vector<10000x128xf32>
    %get3A_27 = arith.constant 0 : index
    %get3A_28 = arith.constant 0 : index
    %get3A_29 = vector.load %arg0[%get3A_27, %get3A_28] : memref<10000x128xf32, #tpu.memory_space<vmem>>, vector<10000x128xf32>
    %get3A_30 = arith.constant 0 : index
    %get3A_31 = arith.constant 0 : index
    %get3A_32 = vector.load %arg4[%get3A_30, %get3A_31] : memref<256x128xf32, #tpu.memory_space<vmem>>, vector<128x128xf32>
    %dot_general3A_33 = arith.constant dense<0.000000e+00> : vector<10000x128xf32>
    %dot_general3A_34 = tpu.matmul %get3A_29, %get3A_32, %dot_general3A_33 {dimension_numbers = #tpu.dot_dimension_numbers<[1], [0], [0], [1], [0, 0, 1, 1], [], []>, transpose_lhs_hint = false} : vector<10000x128xf32>, vector<128x128xf32>, vector<10000x128xf32> -> vector<10000x128xf32>
    %get3A_35 = arith.constant 0 : index
    %get3A_36 = arith.constant 0 : index
    %get3A_37 = vector.load %arg6[%get3A_35, %get3A_36] : memref<1x128xf32, #tpu.memory_space<vmem>>, vector<1x128xf32>
    %add3A_38 = vector.broadcast %get3A_37 : vector<1x128xf32> to vector<10000x128xf32>
    %add3A_39 = arith.addf %dot_general3A_34, %add3A_38 : vector<10000x128xf32>
    %concatenate3A = tpu.concatenate %add3A_26, %add3A_39 in 1 : vector<10000x128xf32>, vector<10000x128xf32> -> vector<10000x256xf32>
    %swap3A = arith.constant 0 : index
    %swap3A_40 = arith.constant 0 : index
    %swap3A_41 = vector.load %arg7[%swap3A, %swap3A_40] : memref<10000x256xf32, #tpu.memory_space<vmem>>, vector<10000x256xf32>
    tpu.vector_store %arg7[%swap3A, %swap3A_40], %concatenate3A {strides = array<i32>} : memref<10000x256xf32, #tpu.memory_space<vmem>>, vector<10000x256xf32>,
    %get3A_42 = arith.constant 0 : index
    %get3A_43 = arith.constant 0 : index
    %get3A_44 = vector.load %arg0[%get3A_42, %get3A_43] : memref<10000x128xf32, #tpu.memory_space<vmem>>, vector<10000x128xf32>
    %get3A_45 = arith.constant 128 : index
    %get3A_46 = arith.constant 0 : index
    %get3A_47 = vector.load %arg3[%get3A_45, %get3A_46] : memref<512x128xf32, #tpu.memory_space<vmem>>, vector<128x128xf32>
    %dot_general3A_48 = arith.constant dense<0.000000e+00> : vector<10000x128xf32>
    %dot_general3A_49 = tpu.matmul %get3A_44, %get3A_47, %dot_general3A_48 {dimension_numbers = #tpu.dot_dimension_numbers<[1], [0], [0], [1], [0, 0, 1, 1], [], []>, transpose_lhs_hint = false} : vector<10000x128xf32>, vector<128x128xf32>, vector<10000x128xf32> -> vector<10000x128xf32>
    %swap3A_50 = arith.constant 0 : index
    %swap3A_51 = arith.constant 0 : index
    %swap3A_52 = vector.load %arg8[%swap3A_50, %swap3A_51] : memref<10000x128xf32, #tpu.memory_space<vmem>>, vector<10000x128xf32>
    tpu.vector_store %arg8[%swap3A_50, %swap3A_51], %dot_general3A_49 {strides = array<i32>} : memref<10000x128xf32, #tpu.memory_space<vmem>>, vector<10000x128xf32>,
    return
  }
}

module attributes {stable_mosaic.version = 14 : i64} {
  func.func @body(%arg0: i32, %arg1: memref<4000x128xf32, #tpu.memory_space<vmem>>, %arg2: memref<384x128xf32, #tpu.memory_space<vmem>>, %arg3: memref<1x128xf32, #tpu.memory_space<vmem>>, %arg4: memref<4000x128xf32, #tpu.memory_space<vmem>>, %arg5: memref<4000x128xf32, #tpu.memory_space<vmem>>, %arg6: memref<4000x128xf32, #tpu.memory_space<vmem>>, %arg7: memref<1x2x128xf32, #tpu.memory_space<vmem>>, %arg8: memref<2x128xf32, #tpu.memory_space<vmem>>) attributes {dimension_semantics = [#tpu.dimension_semantics<arbitrary>], iteration_bounds = array<i64: 80>, scalar_prefetch = 0 : i64, scratch_operands = 1 : i64, tpu.core_type = #tpu.core_type<tc>, window_params = [{transform_indices = @transform_0, window_bounds = array<i64: 4000, 128>}, {transform_indices = @transform_1, window_bounds = array<i64: 384, 128>}, {pipeline_mode = #tpu.pipeline_mode<synchronous>, transform_indices = @transform_2, window_bounds = array<i64: 1, 128>}, {transform_indices = @transform_3, window_bounds = array<i64: 4000, 128>}, {transform_indices = @transform_4, window_bounds = array<i64: 4000, 128>}, {transform_indices = @transform_5, window_bounds = array<i64: 4000, 128>}, {transform_indices = @transform_6, window_bounds = array<i64: 1, 2, 128>}]} {
    %get3A = arith.constant 0 : index
    %get3A_0 = arith.constant 0 : index
    %get3A_1 = vector.load %arg1[%get3A, %get3A_0] : memref<4000x128xf32, #tpu.memory_space<vmem>>, vector<4000x128xf32>
    %get3A_2 = arith.constant 256 : index
    %get3A_3 = arith.constant 0 : index
    %get3A_4 = vector.load %arg2[%get3A_2, %get3A_3] : memref<384x128xf32, #tpu.memory_space<vmem>>, vector<128x128xf32>
    %dot_general3A = arith.constant dense<0.000000e+00> : vector<4000x128xf32>
    %dot_general3A_5 = tpu.matmul %get3A_1, %get3A_4, %dot_general3A {dimension_numbers = #tpu.dot_dimension_numbers<[1], [0], [0], [1], [0, 0, 1, 1], [], []>, transpose_lhs_hint = false} : vector<4000x128xf32>, vector<128x128xf32>, vector<4000x128xf32> -> vector<4000x128xf32>
    %get3A_6 = arith.constant 0 : index
    %get3A_7 = arith.constant 0 : index
    %get3A_8 = vector.load %arg3[%get3A_6, %get3A_7] : memref<1x128xf32, #tpu.memory_space<vmem>>, vector<1x128xf32>
    %add3A = vector.broadcast %get3A_8 : vector<1x128xf32> to vector<4000x128xf32>
    %add3A_9 = arith.addf %dot_general3A_5, %add3A : vector<4000x128xf32>
    %get3A_10 = arith.constant 0 : index
    %get3A_11 = arith.constant 0 : index
    %get3A_12 = vector.load %arg4[%get3A_10, %get3A_11] : memref<4000x128xf32, #tpu.memory_space<vmem>>, vector<4000x128xf32>
    %add3A_13 = arith.addf %add3A_9, %get3A_12 : vector<4000x128xf32>
    %get3A_14 = arith.constant 0 : index
    %get3A_15 = arith.constant 0 : index
    %get3A_16 = vector.load %arg5[%get3A_14, %get3A_15] : memref<4000x128xf32, #tpu.memory_space<vmem>>, vector<4000x128xf32>
    %add3A_17 = arith.addf %add3A_13, %get3A_16 : vector<4000x128xf32>
    %swap3A = arith.constant 0 : index
    %swap3A_18 = arith.constant 0 : index
    %swap3A_19 = vector.load %arg6[%swap3A, %swap3A_18] : memref<4000x128xf32, #tpu.memory_space<vmem>>, vector<4000x128xf32>
    tpu.vector_store %arg6[%swap3A, %swap3A_18], %add3A_17 {strides = array<i32>} : memref<4000x128xf32, #tpu.memory_space<vmem>>, vector<4000x128xf32>,
    %reduce_sum3A = arith.constant dense<0.000000e+00> : vector<128xf32>
    %reduce_sum3A_20 = vector.multi_reduction <add>, %add3A_17, %reduce_sum3A [0] : vector<4000x128xf32> to vector<128xf32>
    %mul3A = arith.mulf %add3A_17, %add3A_17 : vector<4000x128xf32>
    %reduce_sum3A_21 = arith.constant dense<0.000000e+00> : vector<128xf32>
    %reduce_sum3A_22 = vector.multi_reduction <add>, %mul3A, %reduce_sum3A_21 [0] : vector<4000x128xf32> to vector<128xf32>
    %stack3A = vector.shape_cast %reduce_sum3A_20 : vector<128xf32> to vector<1x128xf32>
    %stack3A_23 = vector.shape_cast %reduce_sum3A_22 : vector<128xf32> to vector<1x128xf32>
    %stack3A_24 = tpu.concatenate %stack3A, %stack3A_23 in 0 : vector<1x128xf32>, vector<1x128xf32> -> vector<2x128xf32>
    %broadcast_in_dim3A = vector.shape_cast %stack3A_24 : vector<2x128xf32> to vector<1x2x128xf32>
    %swap3A_25 = arith.constant 0 : index
    %swap3A_26 = arith.constant 0 : index
    %swap3A_27 = arith.constant 0 : index
    %swap3A_28 = vector.load %arg7[%swap3A_25, %swap3A_26, %swap3A_27] : memref<1x2x128xf32, #tpu.memory_space<vmem>>, vector<1x2x128xf32>
    tpu.vector_store %arg7[%swap3A_25, %swap3A_26, %swap3A_27], %broadcast_in_dim3A {strides = array<i32>} : memref<1x2x128xf32, #tpu.memory_space<vmem>>, vector<1x2x128xf32>,
    return
  }
  func.func @transform_0(%arg0: i32) -> (i32, i32) {
    %c0_i32 = arith.constant 0 : i32
    %c0_i32_0 = arith.constant 0 : i32
    return %arg0, %c0_i32 : i32, i32
  }
  func.func @transform_1(%arg0: i32) -> (i32, i32) {
    %c0_i32 = arith.constant 0 : i32
    %c0_i32_0 = arith.constant 0 : i32
    %c0_i32_1 = arith.constant 0 : i32
    return %c0_i32, %c0_i32_0 : i32, i32
  }
  func.func @transform_2(%arg0: i32) -> (i32, i32) {
    %c0_i32 = arith.constant 0 : i32
    %c0_i32_0 = arith.constant 0 : i32
    %c0_i32_1 = arith.constant 0 : i32
    return %c0_i32, %c0_i32_0 : i32, i32
  }
  func.func @transform_3(%arg0: i32) -> (i32, i32) {
    %c0_i32 = arith.constant 0 : i32
    %c0_i32_0 = arith.constant 0 : i32
    return %arg0, %c0_i32 : i32, i32
  }
  func.func @transform_4(%arg0: i32) -> (i32, i32) {
    %c0_i32 = arith.constant 0 : i32
    %c0_i32_0 = arith.constant 0 : i32
    return %arg0, %c0_i32 : i32, i32
  }
  func.func @transform_5(%arg0: i32) -> (i32, i32) {
    %c0_i32 = arith.constant 0 : i32
    %c0_i32_0 = arith.constant 0 : i32
    return %arg0, %c0_i32 : i32, i32
  }
  func.func @transform_6(%arg0: i32) -> (i32, i32, i32) {
    %c0_i32 = arith.constant 0 : i32
    %c0_i32_0 = arith.constant 0 : i32
    %c0_i32_1 = arith.constant 0 : i32
    return %arg0, %c0_i32, %c0_i32_0 : i32, i32, i32
  }
}

module attributes {stable_mosaic.version = 14 : i64} {
  func.func @body(%arg0: memref<10000x128xf32, #tpu.memory_space<vmem>>, %arg1: memref<2x10000x128xf32, #tpu.memory_space<vmem>>, %arg2: memref<10000x1xf32, #tpu.memory_space<vmem>>, %arg3: memref<64x128xf32, #tpu.memory_space<vmem>>, %arg4: memref<10000x1xi32, #tpu.memory_space<vmem>>, %arg5: memref<384x128xf32, #tpu.memory_space<vmem>>, %arg6: memref<1x128xf32, #tpu.memory_space<vmem>>, %arg7: memref<1x128xf32, #tpu.memory_space<vmem>>, %arg8: memref<1x128xf32, #tpu.memory_space<vmem>>, %arg9: memref<128x128xf32, #tpu.memory_space<vmem>>, %arg10: memref<1x128xf32, #tpu.memory_space<vmem>>, %arg11: memref<1x128xf32, #tpu.memory_space<vmem>>, %arg12: memref<1x128xf32, #tpu.memory_space<vmem>>, %arg13: memref<128x128xf32, #tpu.memory_space<vmem>>, %arg14: memref<1x128xf32, #tpu.memory_space<vmem>>, %arg15: memref<256x128xf32, #tpu.memory_space<vmem>>, %arg16: memref<1x128xf32, #tpu.memory_space<vmem>>, %arg17: memref<1x128xf32, #tpu.memory_space<vmem>>, %arg18: memref<1x128xf32, #tpu.memory_space<vmem>>, %arg19: memref<128x128xf32, #tpu.memory_space<vmem>>, %arg20: memref<1x128xf32, #tpu.memory_space<vmem>>, %arg21: memref<1x128xf32, #tpu.memory_space<vmem>>, %arg22: memref<1x128xf32, #tpu.memory_space<vmem>>, %arg23: memref<128x128xf32, #tpu.memory_space<vmem>>, %arg24: memref<1x128xf32, #tpu.memory_space<vmem>>, %arg25: memref<10000x128xf32, #tpu.memory_space<vmem>>, %arg26: memref<64x128xf32, #tpu.memory_space<vmem>>) attributes {dimension_semantics = [], scalar_prefetch = 0 : i64, scratch_operands = 0 : i64, tpu.core_type = #tpu.core_type<tc>} {
    %get3A = arith.constant 0 : index
    %get3A_0 = arith.constant 0 : index
    %get3A_1 = arith.constant 0 : index
    %get3A_2 = vector.load %arg1[%get3A, %get3A_0, %get3A_1] : memref<2x10000x128xf32, #tpu.memory_space<vmem>>, vector<1x10000x128xf32>
    %get3A_3 = vector.shape_cast %get3A_2 : vector<1x10000x128xf32> to vector<10000x128xf32>
    %get3A_4 = arith.constant 1 : index
    %get3A_5 = arith.constant 0 : index
    %get3A_6 = arith.constant 0 : index
    %get3A_7 = vector.load %arg1[%get3A_4, %get3A_5, %get3A_6] : memref<2x10000x128xf32, #tpu.memory_space<vmem>>, vector<1x10000x128xf32>
    %get3A_8 = vector.shape_cast %get3A_7 : vector<1x10000x128xf32> to vector<10000x128xf32>
    %add3A = arith.addf %get3A_3, %get3A_8 : vector<10000x128xf32>
    %add3A_9 = arith.constant 0.000000e+00 : f32
    %add3A_10 = vector.broadcast %add3A_9 : f32 to vector<10000x128xf32>
    %add3A_11 = arith.addf %add3A_10, %add3A : vector<10000x128xf32>
    %get3A_12 = arith.constant 0 : index
    %get3A_13 = arith.constant 0 : index
    %get3A_14 = vector.load %arg2[%get3A_12, %get3A_13] : memref<10000x1xf32, #tpu.memory_space<vmem>>, vector<10000x1xf32>
    %mul3A = vector.broadcast %get3A_14 : vector<10000x1xf32> to vector<10000x128xf32>
    %mul3A_15 = arith.mulf %add3A_11, %mul3A : vector<10000x128xf32>
    %get3A_16 = arith.constant 0 : index
    %get3A_17 = arith.constant 0 : index
    %get3A_18 = vector.load %arg4[%get3A_16, %get3A_17] : memref<10000x1xi32, #tpu.memory_space<vmem>>, vector<10000x1xi32>
    %iota3A = tpu.iota {dimensions = array<i32: 1>} : vector<1x64xi32>
    %eq3A = vector.broadcast %get3A_18 : vector<10000x1xi32> to vector<10000x64xi32>
    %eq3A_19 = vector.broadcast %iota3A : vector<1x64xi32> to vector<10000x64xi32>
    %eq3A_20 = arith.cmpi eq, %eq3A, %eq3A_19 : vector<10000x64xi32>
    %convert_element_type3A = arith.extui %eq3A_20 : vector<10000x64xi1> to vector<10000x64xi32>
    %convert_element_type3A_21 = arith.sitofp %convert_element_type3A : vector<10000x64xi32> to vector<10000x64xf32>
    %get3A_22 = arith.constant 0 : index
    %get3A_23 = arith.constant 0 : index
    %get3A_24 = vector.load %arg3[%get3A_22, %get3A_23] : memref<64x128xf32, #tpu.memory_space<vmem>>, vector<64x128xf32>
    %get3A_25 = arith.constant 256 : index
    %get3A_26 = arith.constant 0 : index
    %get3A_27 = vector.load %arg5[%get3A_25, %get3A_26] : memref<384x128xf32, #tpu.memory_space<vmem>>, vector<128x128xf32>
    %dot_general3A = arith.constant dense<0.000000e+00> : vector<64x128xf32>
    %dot_general3A_28 = tpu.matmul %get3A_24, %get3A_27, %dot_general3A {dimension_numbers = #tpu.dot_dimension_numbers<[1], [0], [0], [1], [0, 0, 1, 1], [], []>, transpose_lhs_hint = false} : vector<64x128xf32>, vector<128x128xf32>, vector<64x128xf32> -> vector<64x128xf32>
    %dot_general3A_29 = arith.constant dense<0.000000e+00> : vector<10000x128xf32>
    %dot_general3A_30 = tpu.matmul %convert_element_type3A_21, %dot_general3A_28, %dot_general3A_29 {dimension_numbers = #tpu.dot_dimension_numbers<[1], [0], [0], [1], [0, 0, 1, 1], [], []>, transpose_lhs_hint = false} : vector<10000x64xf32>, vector<64x128xf32>, vector<10000x128xf32> -> vector<10000x128xf32>
    %get3A_31 = arith.constant 0 : index
    %get3A_32 = arith.constant 0 : index
    %get3A_33 = vector.load %arg0[%get3A_31, %get3A_32] : memref<10000x128xf32, #tpu.memory_space<vmem>>, vector<10000x128xf32>
    %get3A_34 = arith.constant 0 : index
    %get3A_35 = arith.constant 0 : index
    %get3A_36 = vector.load %arg5[%get3A_34, %get3A_35] : memref<384x128xf32, #tpu.memory_space<vmem>>, vector<128x128xf32>
    %dot_general3A_37 = arith.constant dense<0.000000e+00> : vector<10000x128xf32>
    %dot_general3A_38 = tpu.matmul %get3A_33, %get3A_36, %dot_general3A_37 {dimension_numbers = #tpu.dot_dimension_numbers<[1], [0], [0], [1], [0, 0, 1, 1], [], []>, transpose_lhs_hint = false} : vector<10000x128xf32>, vector<128x128xf32>, vector<10000x128xf32> -> vector<10000x128xf32>
    %get3A_39 = arith.constant 128 : index
    %get3A_40 = arith.constant 0 : index
    %get3A_41 = vector.load %arg5[%get3A_39, %get3A_40] : memref<384x128xf32, #tpu.memory_space<vmem>>, vector<128x128xf32>
    %dot_general3A_42 = arith.constant dense<0.000000e+00> : vector<10000x128xf32>
    %dot_general3A_43 = tpu.matmul %mul3A_15, %get3A_41, %dot_general3A_42 {dimension_numbers = #tpu.dot_dimension_numbers<[1], [0], [0], [1], [0, 0, 1, 1], [], []>, transpose_lhs_hint = false} : vector<10000x128xf32>, vector<128x128xf32>, vector<10000x128xf32> -> vector<10000x128xf32>
    %add3A_44 = arith.addf %dot_general3A_38, %dot_general3A_43 : vector<10000x128xf32>
    %add3A_45 = arith.addf %add3A_44, %dot_general3A_30 : vector<10000x128xf32>
    %get3A_46 = arith.constant 0 : index
    %get3A_47 = arith.constant 0 : index
    %get3A_48 = vector.load %arg6[%get3A_46, %get3A_47] : memref<1x128xf32, #tpu.memory_space<vmem>>, vector<1x128xf32>
    %add3A_49 = vector.broadcast %get3A_48 : vector<1x128xf32> to vector<10000x128xf32>
    %add3A_50 = arith.addf %add3A_45, %add3A_49 : vector<10000x128xf32>
    %get3A_51 = arith.constant 0 : index
    %get3A_52 = arith.constant 0 : index
    %get3A_53 = vector.load %arg7[%get3A_51, %get3A_52] : memref<1x128xf32, #tpu.memory_space<vmem>>, vector<1x128xf32>
    %get3A_54 = arith.constant 0 : index
    %get3A_55 = arith.constant 0 : index
    %get3A_56 = vector.load %arg8[%get3A_54, %get3A_55] : memref<1x128xf32, #tpu.memory_space<vmem>>, vector<1x128xf32>
    %reduce_sum3A = arith.constant dense<0.000000e+00> : vector<128xf32>
    %reduce_sum3A_57 = vector.multi_reduction <add>, %add3A_50, %reduce_sum3A [0] : vector<10000x128xf32> to vector<128xf32>
    %broadcast_in_dim3A = vector.shape_cast %reduce_sum3A_57 : vector<128xf32> to vector<1x128xf32>
    %div3A = arith.constant 1.000000e+04 : f32
    %div3A_58 = vector.broadcast %div3A : f32 to vector<1x128xf32>
    %div3A_59 = arith.divf %broadcast_in_dim3A, %div3A_58 : vector<1x128xf32>
    %jit3A = arith.constant 0 : i32
    %reduce_sum3A_60 = arith.constant dense<0.000000e+00> : vector<128xf32>
    %reduce_sum3A_61 = vector.multi_reduction <add>, %add3A_50, %reduce_sum3A_60 [0] : vector<10000x128xf32> to vector<128xf32>
    %broadcast_in_dim3A_62 = vector.shape_cast %reduce_sum3A_61 : vector<128xf32> to vector<1x128xf32>
    %div3A_63 = arith.constant 1.000000e+04 : f32
    %div3A_64 = vector.broadcast %div3A_63 : f32 to vector<1x128xf32>
    %div3A_65 = arith.divf %broadcast_in_dim3A_62, %div3A_64 : vector<1x128xf32>
    %sub3A = vector.broadcast %div3A_65 : vector<1x128xf32> to vector<10000x128xf32>
    %sub3A_66 = arith.subf %add3A_50, %sub3A : vector<10000x128xf32>
    %square3A = arith.mulf %sub3A_66, %sub3A_66 : vector<10000x128xf32>
    %convert_element_type3A_67 = arith.sitofp %jit3A : i32 to f32
    %sub3A_68 = arith.constant 1.000000e+04 : f32
    %sub3A_69 = arith.subf %sub3A_68, %convert_element_type3A_67 : f32
    %reduce_sum3A_70 = arith.constant dense<0.000000e+00> : vector<128xf32>
    %reduce_sum3A_71 = vector.multi_reduction <add>, %square3A, %reduce_sum3A_70 [0] : vector<10000x128xf32> to vector<128xf32>
    %broadcast_in_dim3A_72 = vector.shape_cast %reduce_sum3A_71 : vector<128xf32> to vector<1x128xf32>
    %div3A_73 = vector.broadcast %sub3A_69 : f32 to vector<1x128xf32>
    %div3A_74 = arith.divf %broadcast_in_dim3A_72, %div3A_73 : vector<1x128xf32>
    %gt3A = arith.constant 0.000000e+00 : f32
    %gt3A_75 = arith.cmpf ogt, %sub3A_69, %gt3A : f32
    %jit3A_76 = arith.constant 0x7FC00000 : f32
    %broadcast_in_dim3A_77 = vector.broadcast %jit3A_76 : f32 to vector<1x128xf32>
    %select_n3A = arith.select %gt3A_75, %div3A_74, %broadcast_in_dim3A_77 : vector<1x128xf32>
    %sub3A_78 = vector.broadcast %div3A_59 : vector<1x128xf32> to vector<10000x128xf32>
    %sub3A_79 = arith.subf %add3A_50, %sub3A_78 : vector<10000x128xf32>
    %add3A_80 = arith.constant 9.99999974E-6 : f32
    %add3A_81 = vector.broadcast %add3A_80 : f32 to vector<1x128xf32>
    %add3A_82 = arith.addf %select_n3A, %add3A_81 : vector<1x128xf32>
    %rsqrt3A = math.rsqrt %add3A_82 : vector<1x128xf32>
    %mul3A_83 = vector.broadcast %rsqrt3A : vector<1x128xf32> to vector<10000x128xf32>
    %mul3A_84 = arith.mulf %sub3A_79, %mul3A_83 : vector<10000x128xf32>
    %mul3A_85 = vector.broadcast %get3A_53 : vector<1x128xf32> to vector<10000x128xf32>
    %mul3A_86 = arith.mulf %mul3A_84, %mul3A_85 : vector<10000x128xf32>
    %add3A_87 = vector.broadcast %get3A_56 : vector<1x128xf32> to vector<10000x128xf32>
    %add3A_88 = arith.addf %mul3A_86, %add3A_87 : vector<10000x128xf32>
    %gt3A_89 = arith.constant 0.000000e+00 : f32
    %gt3A_90 = vector.broadcast %gt3A_89 : f32 to vector<10000x128xf32>
    %gt3A_91 = arith.cmpf ogt, %add3A_88, %gt3A_90 : vector<10000x128xf32>
    %exp3A = math.exp %add3A_88 : vector<10000x128xf32>
    %sub3A_92 = arith.constant 1.000000e+00 : f32
    %sub3A_93 = vector.broadcast %sub3A_92 : f32 to vector<10000x128xf32>
    %sub3A_94 = arith.subf %exp3A, %sub3A_93 : vector<10000x128xf32>
    %mul3A_95 = arith.constant 1.67326319 : f32
    %mul3A_96 = vector.broadcast %mul3A_95 : f32 to vector<10000x128xf32>
    %mul3A_97 = arith.mulf %mul3A_96, %sub3A_94 : vector<10000x128xf32>
    %select_n3A_98 = arith.select %gt3A_91, %add3A_88, %mul3A_97 : vector<10000x128xi1>, vector<10000x128xf32>
    %mul3A_99 = arith.constant 1.05070102 : f32
    %mul3A_100 = vector.broadcast %mul3A_99 : f32 to vector<10000x128xf32>
    %mul3A_101 = arith.mulf %mul3A_100, %select_n3A_98 : vector<10000x128xf32>
    %get3A_102 = arith.constant 0 : index
    %get3A_103 = arith.constant 0 : index
    %get3A_104 = vector.load %arg9[%get3A_102, %get3A_103] : memref<128x128xf32, #tpu.memory_space<vmem>>, vector<128x128xf32>
    %dot_general3A_105 = arith.constant dense<0.000000e+00> : vector<10000x128xf32>
    %dot_general3A_106 = tpu.matmul %mul3A_101, %get3A_104, %dot_general3A_105 {dimension_numbers = #tpu.dot_dimension_numbers<[1], [0], [0], [1], [0, 0, 1, 1], [], []>, transpose_lhs_hint = false} : vector<10000x128xf32>, vector<128x128xf32>, vector<10000x128xf32> -> vector<10000x128xf32>
    %get3A_107 = arith.constant 0 : index
    %get3A_108 = arith.constant 0 : index
    %get3A_109 = vector.load %arg10[%get3A_107, %get3A_108] : memref<1x128xf32, #tpu.memory_space<vmem>>, vector<1x128xf32>
    %add3A_110 = vector.broadcast %get3A_109 : vector<1x128xf32> to vector<10000x128xf32>
    %add3A_111 = arith.addf %dot_general3A_106, %add3A_110 : vector<10000x128xf32>
    %get3A_112 = arith.constant 0 : index
    %get3A_113 = arith.constant 0 : index
    %get3A_114 = vector.load %arg11[%get3A_112, %get3A_113] : memref<1x128xf32, #tpu.memory_space<vmem>>, vector<1x128xf32>
    %get3A_115 = arith.constant 0 : index
    %get3A_116 = arith.constant 0 : index
    %get3A_117 = vector.load %arg12[%get3A_115, %get3A_116] : memref<1x128xf32, #tpu.memory_space<vmem>>, vector<1x128xf32>
    %reduce_sum3A_118 = arith.constant dense<0.000000e+00> : vector<128xf32>
    %reduce_sum3A_119 = vector.multi_reduction <add>, %add3A_111, %reduce_sum3A_118 [0] : vector<10000x128xf32> to vector<128xf32>
    %broadcast_in_dim3A_120 = vector.shape_cast %reduce_sum3A_119 : vector<128xf32> to vector<1x128xf32>
    %div3A_121 = arith.constant 1.000000e+04 : f32
    %div3A_122 = vector.broadcast %div3A_121 : f32 to vector<1x128xf32>
    %div3A_123 = arith.divf %broadcast_in_dim3A_120, %div3A_122 : vector<1x128xf32>
    %jit3A_124 = arith.constant 0 : i32
    %reduce_sum3A_125 = arith.constant dense<0.000000e+00> : vector<128xf32>
    %reduce_sum3A_126 = vector.multi_reduction <add>, %add3A_111, %reduce_sum3A_125 [0] : vector<10000x128xf32> to vector<128xf32>
    %broadcast_in_dim3A_127 = vector.shape_cast %reduce_sum3A_126 : vector<128xf32> to vector<1x128xf32>
    %div3A_128 = arith.constant 1.000000e+04 : f32
    %div3A_129 = vector.broadcast %div3A_128 : f32 to vector<1x128xf32>
    %div3A_130 = arith.divf %broadcast_in_dim3A_127, %div3A_129 : vector<1x128xf32>
    %sub3A_131 = vector.broadcast %div3A_130 : vector<1x128xf32> to vector<10000x128xf32>
    %sub3A_132 = arith.subf %add3A_111, %sub3A_131 : vector<10000x128xf32>
    %square3A_133 = arith.mulf %sub3A_132, %sub3A_132 : vector<10000x128xf32>
    %convert_element_type3A_134 = arith.sitofp %jit3A_124 : i32 to f32
    %sub3A_135 = arith.constant 1.000000e+04 : f32
    %sub3A_136 = arith.subf %sub3A_135, %convert_element_type3A_134 : f32
    %reduce_sum3A_137 = arith.constant dense<0.000000e+00> : vector<128xf32>
    %reduce_sum3A_138 = vector.multi_reduction <add>, %square3A_133, %reduce_sum3A_137 [0] : vector<10000x128xf32> to vector<128xf32>
    %broadcast_in_dim3A_139 = vector.shape_cast %reduce_sum3A_138 : vector<128xf32> to vector<1x128xf32>
    %div3A_140 = vector.broadcast %sub3A_136 : f32 to vector<1x128xf32>
    %div3A_141 = arith.divf %broadcast_in_dim3A_139, %div3A_140 : vector<1x128xf32>
    %gt3A_142 = arith.constant 0.000000e+00 : f32
    %gt3A_143 = arith.cmpf ogt, %sub3A_136, %gt3A_142 : f32
    %jit3A_144 = arith.constant 0x7FC00000 : f32
    %broadcast_in_dim3A_145 = vector.broadcast %jit3A_144 : f32 to vector<1x128xf32>
    %select_n3A_146 = arith.select %gt3A_143, %div3A_141, %broadcast_in_dim3A_145 : vector<1x128xf32>
    %sub3A_147 = vector.broadcast %div3A_123 : vector<1x128xf32> to vector<10000x128xf32>
    %sub3A_148 = arith.subf %add3A_111, %sub3A_147 : vector<10000x128xf32>
    %add3A_149 = arith.constant 9.99999974E-6 : f32
    %add3A_150 = vector.broadcast %add3A_149 : f32 to vector<1x128xf32>
    %add3A_151 = arith.addf %select_n3A_146, %add3A_150 : vector<1x128xf32>
    %rsqrt3A_152 = math.rsqrt %add3A_151 : vector<1x128xf32>
    %mul3A_153 = vector.broadcast %rsqrt3A_152 : vector<1x128xf32> to vector<10000x128xf32>
    %mul3A_154 = arith.mulf %sub3A_148, %mul3A_153 : vector<10000x128xf32>
    %mul3A_155 = vector.broadcast %get3A_114 : vector<1x128xf32> to vector<10000x128xf32>
    %mul3A_156 = arith.mulf %mul3A_154, %mul3A_155 : vector<10000x128xf32>
    %add3A_157 = vector.broadcast %get3A_117 : vector<1x128xf32> to vector<10000x128xf32>
    %add3A_158 = arith.addf %mul3A_156, %add3A_157 : vector<10000x128xf32>
    %gt3A_159 = arith.constant 0.000000e+00 : f32
    %gt3A_160 = vector.broadcast %gt3A_159 : f32 to vector<10000x128xf32>
    %gt3A_161 = arith.cmpf ogt, %add3A_158, %gt3A_160 : vector<10000x128xf32>
    %exp3A_162 = math.exp %add3A_158 : vector<10000x128xf32>
    %sub3A_163 = arith.constant 1.000000e+00 : f32
    %sub3A_164 = vector.broadcast %sub3A_163 : f32 to vector<10000x128xf32>
    %sub3A_165 = arith.subf %exp3A_162, %sub3A_164 : vector<10000x128xf32>
    %mul3A_166 = arith.constant 1.67326319 : f32
    %mul3A_167 = vector.broadcast %mul3A_166 : f32 to vector<10000x128xf32>
    %mul3A_168 = arith.mulf %mul3A_167, %sub3A_165 : vector<10000x128xf32>
    %select_n3A_169 = arith.select %gt3A_161, %add3A_158, %mul3A_168 : vector<10000x128xi1>, vector<10000x128xf32>
    %mul3A_170 = arith.constant 1.05070102 : f32
    %mul3A_171 = vector.broadcast %mul3A_170 : f32 to vector<10000x128xf32>
    %mul3A_172 = arith.mulf %mul3A_171, %select_n3A_169 : vector<10000x128xf32>
    %get3A_173 = arith.constant 0 : index
    %get3A_174 = arith.constant 0 : index
    %get3A_175 = vector.load %arg13[%get3A_173, %get3A_174] : memref<128x128xf32, #tpu.memory_space<vmem>>, vector<128x128xf32>
    %dot_general3A_176 = arith.constant dense<0.000000e+00> : vector<10000x128xf32>
    %dot_general3A_177 = tpu.matmul %mul3A_172, %get3A_175, %dot_general3A_176 {dimension_numbers = #tpu.dot_dimension_numbers<[1], [0], [0], [1], [0, 0, 1, 1], [], []>, transpose_lhs_hint = false} : vector<10000x128xf32>, vector<128x128xf32>, vector<10000x128xf32> -> vector<10000x128xf32>
    %get3A_178 = arith.constant 0 : index
    %get3A_179 = arith.constant 0 : index
    %get3A_180 = vector.load %arg14[%get3A_178, %get3A_179] : memref<1x128xf32, #tpu.memory_space<vmem>>, vector<1x128xf32>
    %add3A_181 = vector.broadcast %get3A_180 : vector<1x128xf32> to vector<10000x128xf32>
    %add3A_182 = arith.addf %dot_general3A_177, %add3A_181 : vector<10000x128xf32>
    %swap3A = arith.constant 0 : index
    %swap3A_183 = arith.constant 0 : index
    %swap3A_184 = vector.load %arg25[%swap3A, %swap3A_183] : memref<10000x128xf32, #tpu.memory_space<vmem>>, vector<10000x128xf32>
    tpu.vector_store %arg25[%swap3A, %swap3A_183], %add3A_182 {strides = array<i32>} : memref<10000x128xf32, #tpu.memory_space<vmem>>, vector<10000x128xf32>,
    %reduce_sum3A_185 = arith.constant dense<0.000000e+00> : vector<64xf32>
    %reduce_sum3A_186 = vector.multi_reduction <add>, %convert_element_type3A_21, %reduce_sum3A_185 [0] : vector<10000x64xf32> to vector<64xf32>
    %dot_general3A_187 = arith.constant dense<0.000000e+00> : vector<64x128xf32>
    %dot_general3A_188 = tpu.matmul %convert_element_type3A_21, %add3A_182, %dot_general3A_187 {dimension_numbers = #tpu.dot_dimension_numbers<[0], [0], [1], [1], [0, 1, 1, 1], [], []>, transpose_lhs_hint = false} : vector<10000x64xf32>, vector<10000x128xf32>, vector<64x128xf32> -> vector<64x128xf32>
    %max3A = arith.constant 1.000000e+00 : f32
    %max3A_189 = vector.broadcast %max3A : f32 to vector<64xf32>
    %max3A_190 = arith.maximumf %reduce_sum3A_186, %max3A_189 : vector<64xf32>
    %broadcast_in_dim3A_191 = vector.shape_cast %max3A_190 : vector<64xf32> to vector<64x1xf32>
    %div3A_192 = vector.broadcast %broadcast_in_dim3A_191 : vector<64x1xf32> to vector<64x128xf32>
    %div3A_193 = arith.divf %dot_general3A_188, %div3A_192 : vector<64x128xf32>
    %get3A_194 = arith.constant 0 : index
    %get3A_195 = arith.constant 0 : index
    %get3A_196 = vector.load %arg3[%get3A_194, %get3A_195] : memref<64x128xf32, #tpu.memory_space<vmem>>, vector<64x128xf32>
    %get3A_197 = arith.constant 0 : index
    %get3A_198 = arith.constant 0 : index
    %get3A_199 = vector.load %arg15[%get3A_197, %get3A_198] : memref<256x128xf32, #tpu.memory_space<vmem>>, vector<128x128xf32>
    %dot_general3A_200 = arith.constant dense<0.000000e+00> : vector<64x128xf32>
    %dot_general3A_201 = tpu.matmul %get3A_196, %get3A_199, %dot_general3A_200 {dimension_numbers = #tpu.dot_dimension_numbers<[1], [0], [0], [1], [0, 0, 1, 1], [], []>, transpose_lhs_hint = false} : vector<64x128xf32>, vector<128x128xf32>, vector<64x128xf32> -> vector<64x128xf32>
    %get3A_202 = arith.constant 128 : index
    %get3A_203 = arith.constant 0 : index
    %get3A_204 = vector.load %arg15[%get3A_202, %get3A_203] : memref<256x128xf32, #tpu.memory_space<vmem>>, vector<128x128xf32>
    %dot_general3A_205 = arith.constant dense<0.000000e+00> : vector<64x128xf32>
    %dot_general3A_206 = tpu.matmul %div3A_193, %get3A_204, %dot_general3A_205 {dimension_numbers = #tpu.dot_dimension_numbers<[1], [0], [0], [1], [0, 0, 1, 1], [], []>, transpose_lhs_hint = false} : vector<64x128xf32>, vector<128x128xf32>, vector<64x128xf32> -> vector<64x128xf32>
    %add3A_207 = arith.addf %dot_general3A_201, %dot_general3A_206 : vector<64x128xf32>
    %get3A_208 = arith.constant 0 : index
    %get3A_209 = arith.constant 0 : index
    %get3A_210 = vector.load %arg16[%get3A_208, %get3A_209] : memref<1x128xf32, #tpu.memory_space<vmem>>, vector<1x128xf32>
    %add3A_211 = vector.broadcast %get3A_210 : vector<1x128xf32> to vector<64x128xf32>
    %add3A_212 = arith.addf %add3A_207, %add3A_211 : vector<64x128xf32>
    %get3A_213 = arith.constant 0 : index
    %get3A_214 = arith.constant 0 : index
    %get3A_215 = vector.load %arg17[%get3A_213, %get3A_214] : memref<1x128xf32, #tpu.memory_space<vmem>>, vector<1x128xf32>
    %get3A_216 = arith.constant 0 : index
    %get3A_217 = arith.constant 0 : index
    %get3A_218 = vector.load %arg18[%get3A_216, %get3A_217] : memref<1x128xf32, #tpu.memory_space<vmem>>, vector<1x128xf32>
    %reduce_sum3A_219 = arith.constant dense<0.000000e+00> : vector<128xf32>
    %reduce_sum3A_220 = vector.multi_reduction <add>, %add3A_212, %reduce_sum3A_219 [0] : vector<64x128xf32> to vector<128xf32>
    %broadcast_in_dim3A_221 = vector.shape_cast %reduce_sum3A_220 : vector<128xf32> to vector<1x128xf32>
    %div3A_222 = arith.constant 6.400000e+01 : f32
    %div3A_223 = vector.broadcast %div3A_222 : f32 to vector<1x128xf32>
    %div3A_224 = arith.divf %broadcast_in_dim3A_221, %div3A_223 : vector<1x128xf32>
    %jit3A_225 = arith.constant 0 : i32
    %reduce_sum3A_226 = arith.constant dense<0.000000e+00> : vector<128xf32>
    %reduce_sum3A_227 = vector.multi_reduction <add>, %add3A_212, %reduce_sum3A_226 [0] : vector<64x128xf32> to vector<128xf32>
    %broadcast_in_dim3A_228 = vector.shape_cast %reduce_sum3A_227 : vector<128xf32> to vector<1x128xf32>
    %div3A_229 = arith.constant 6.400000e+01 : f32
    %div3A_230 = vector.broadcast %div3A_229 : f32 to vector<1x128xf32>
    %div3A_231 = arith.divf %broadcast_in_dim3A_228, %div3A_230 : vector<1x128xf32>
    %sub3A_232 = vector.broadcast %div3A_231 : vector<1x128xf32> to vector<64x128xf32>
    %sub3A_233 = arith.subf %add3A_212, %sub3A_232 : vector<64x128xf32>
    %square3A_234 = arith.mulf %sub3A_233, %sub3A_233 : vector<64x128xf32>
    %convert_element_type3A_235 = arith.sitofp %jit3A_225 : i32 to f32
    %sub3A_236 = arith.constant 6.400000e+01 : f32
    %sub3A_237 = arith.subf %sub3A_236, %convert_element_type3A_235 : f32
    %reduce_sum3A_238 = arith.constant dense<0.000000e+00> : vector<128xf32>
    %reduce_sum3A_239 = vector.multi_reduction <add>, %square3A_234, %reduce_sum3A_238 [0] : vector<64x128xf32> to vector<128xf32>
    %broadcast_in_dim3A_240 = vector.shape_cast %reduce_sum3A_239 : vector<128xf32> to vector<1x128xf32>
    %div3A_241 = vector.broadcast %sub3A_237 : f32 to vector<1x128xf32>
    %div3A_242 = arith.divf %broadcast_in_dim3A_240, %div3A_241 : vector<1x128xf32>
    %gt3A_243 = arith.constant 0.000000e+00 : f32
    %gt3A_244 = arith.cmpf ogt, %sub3A_237, %gt3A_243 : f32
    %jit3A_245 = arith.constant 0x7FC00000 : f32
    %broadcast_in_dim3A_246 = vector.broadcast %jit3A_245 : f32 to vector<1x128xf32>
    %select_n3A_247 = arith.select %gt3A_244, %div3A_242, %broadcast_in_dim3A_246 : vector<1x128xf32>
    %sub3A_248 = vector.broadcast %div3A_224 : vector<1x128xf32> to vector<64x128xf32>
    %sub3A_249 = arith.subf %add3A_212, %sub3A_248 : vector<64x128xf32>
    %add3A_250 = arith.constant 9.99999974E-6 : f32
    %add3A_251 = vector.broadcast %add3A_250 : f32 to vector<1x128xf32>
    %add3A_252 = arith.addf %select_n3A_247, %add3A_251 : vector<1x128xf32>
    %rsqrt3A_253 = math.rsqrt %add3A_252 : vector<1x128xf32>
    %mul3A_254 = vector.broadcast %rsqrt3A_253 : vector<1x128xf32> to vector<64x128xf32>
    %mul3A_255 = arith.mulf %sub3A_249, %mul3A_254 : vector<64x128xf32>
    %mul3A_256 = vector.broadcast %get3A_215 : vector<1x128xf32> to vector<64x128xf32>
    %mul3A_257 = arith.mulf %mul3A_255, %mul3A_256 : vector<64x128xf32>
    %add3A_258 = vector.broadcast %get3A_218 : vector<1x128xf32> to vector<64x128xf32>
    %add3A_259 = arith.addf %mul3A_257, %add3A_258 : vector<64x128xf32>
    %gt3A_260 = arith.constant 0.000000e+00 : f32
    %gt3A_261 = vector.broadcast %gt3A_260 : f32 to vector<64x128xf32>
    %gt3A_262 = arith.cmpf ogt, %add3A_259, %gt3A_261 : vector<64x128xf32>
    %exp3A_263 = math.exp %add3A_259 : vector<64x128xf32>
    %sub3A_264 = arith.constant 1.000000e+00 : f32
    %sub3A_265 = vector.broadcast %sub3A_264 : f32 to vector<64x128xf32>
    %sub3A_266 = arith.subf %exp3A_263, %sub3A_265 : vector<64x128xf32>
    %mul3A_267 = arith.constant 1.67326319 : f32
    %mul3A_268 = vector.broadcast %mul3A_267 : f32 to vector<64x128xf32>
    %mul3A_269 = arith.mulf %mul3A_268, %sub3A_266 : vector<64x128xf32>
    %select_n3A_270 = arith.select %gt3A_262, %add3A_259, %mul3A_269 : vector<64x128xi1>, vector<64x128xf32>
    %mul3A_271 = arith.constant 1.05070102 : f32
    %mul3A_272 = vector.broadcast %mul3A_271 : f32 to vector<64x128xf32>
    %mul3A_273 = arith.mulf %mul3A_272, %select_n3A_270 : vector<64x128xf32>
    %get3A_274 = arith.constant 0 : index
    %get3A_275 = arith.constant 0 : index
    %get3A_276 = vector.load %arg19[%get3A_274, %get3A_275] : memref<128x128xf32, #tpu.memory_space<vmem>>, vector<128x128xf32>
    %dot_general3A_277 = arith.constant dense<0.000000e+00> : vector<64x128xf32>
    %dot_general3A_278 = tpu.matmul %mul3A_273, %get3A_276, %dot_general3A_277 {dimension_numbers = #tpu.dot_dimension_numbers<[1], [0], [0], [1], [0, 0, 1, 1], [], []>, transpose_lhs_hint = false} : vector<64x128xf32>, vector<128x128xf32>, vector<64x128xf32> -> vector<64x128xf32>
    %get3A_279 = arith.constant 0 : index
    %get3A_280 = arith.constant 0 : index
    %get3A_281 = vector.load %arg20[%get3A_279, %get3A_280] : memref<1x128xf32, #tpu.memory_space<vmem>>, vector<1x128xf32>
    %add3A_282 = vector.broadcast %get3A_281 : vector<1x128xf32> to vector<64x128xf32>
    %add3A_283 = arith.addf %dot_general3A_278, %add3A_282 : vector<64x128xf32>
    %get3A_284 = arith.constant 0 : index
    %get3A_285 = arith.constant 0 : index
    %get3A_286 = vector.load %arg21[%get3A_284, %get3A_285] : memref<1x128xf32, #tpu.memory_space<vmem>>, vector<1x128xf32>
    %get3A_287 = arith.constant 0 : index
    %get3A_288 = arith.constant 0 : index
    %get3A_289 = vector.load %arg22[%get3A_287, %get3A_288] : memref<1x128xf32, #tpu.memory_space<vmem>>, vector<1x128xf32>
    %reduce_sum3A_290 = arith.constant dense<0.000000e+00> : vector<128xf32>
    %reduce_sum3A_291 = vector.multi_reduction <add>, %add3A_283, %reduce_sum3A_290 [0] : vector<64x128xf32> to vector<128xf32>
    %broadcast_in_dim3A_292 = vector.shape_cast %reduce_sum3A_291 : vector<128xf32> to vector<1x128xf32>
    %div3A_293 = arith.constant 6.400000e+01 : f32
    %div3A_294 = vector.broadcast %div3A_293 : f32 to vector<1x128xf32>
    %div3A_295 = arith.divf %broadcast_in_dim3A_292, %div3A_294 : vector<1x128xf32>
    %jit3A_296 = arith.constant 0 : i32
    %reduce_sum3A_297 = arith.constant dense<0.000000e+00> : vector<128xf32>
    %reduce_sum3A_298 = vector.multi_reduction <add>, %add3A_283, %reduce_sum3A_297 [0] : vector<64x128xf32> to vector<128xf32>
    %broadcast_in_dim3A_299 = vector.shape_cast %reduce_sum3A_298 : vector<128xf32> to vector<1x128xf32>
    %div3A_300 = arith.constant 6.400000e+01 : f32
    %div3A_301 = vector.broadcast %div3A_300 : f32 to vector<1x128xf32>
    %div3A_302 = arith.divf %broadcast_in_dim3A_299, %div3A_301 : vector<1x128xf32>
    %sub3A_303 = vector.broadcast %div3A_302 : vector<1x128xf32> to vector<64x128xf32>
    %sub3A_304 = arith.subf %add3A_283, %sub3A_303 : vector<64x128xf32>
    %square3A_305 = arith.mulf %sub3A_304, %sub3A_304 : vector<64x128xf32>
    %convert_element_type3A_306 = arith.sitofp %jit3A_296 : i32 to f32
    %sub3A_307 = arith.constant 6.400000e+01 : f32
    %sub3A_308 = arith.subf %sub3A_307, %convert_element_type3A_306 : f32
    %reduce_sum3A_309 = arith.constant dense<0.000000e+00> : vector<128xf32>
    %reduce_sum3A_310 = vector.multi_reduction <add>, %square3A_305, %reduce_sum3A_309 [0] : vector<64x128xf32> to vector<128xf32>
    %broadcast_in_dim3A_311 = vector.shape_cast %reduce_sum3A_310 : vector<128xf32> to vector<1x128xf32>
    %div3A_312 = vector.broadcast %sub3A_308 : f32 to vector<1x128xf32>
    %div3A_313 = arith.divf %broadcast_in_dim3A_311, %div3A_312 : vector<1x128xf32>
    %gt3A_314 = arith.constant 0.000000e+00 : f32
    %gt3A_315 = arith.cmpf ogt, %sub3A_308, %gt3A_314 : f32
    %jit3A_316 = arith.constant 0x7FC00000 : f32
    %broadcast_in_dim3A_317 = vector.broadcast %jit3A_316 : f32 to vector<1x128xf32>
    %select_n3A_318 = arith.select %gt3A_315, %div3A_313, %broadcast_in_dim3A_317 : vector<1x128xf32>
    %sub3A_319 = vector.broadcast %div3A_295 : vector<1x128xf32> to vector<64x128xf32>
    %sub3A_320 = arith.subf %add3A_283, %sub3A_319 : vector<64x128xf32>
    %add3A_321 = arith.constant 9.99999974E-6 : f32
    %add3A_322 = vector.broadcast %add3A_321 : f32 to vector<1x128xf32>
    %add3A_323 = arith.addf %select_n3A_318, %add3A_322 : vector<1x128xf32>
    %rsqrt3A_324 = math.rsqrt %add3A_323 : vector<1x128xf32>
    %mul3A_325 = vector.broadcast %rsqrt3A_324 : vector<1x128xf32> to vector<64x128xf32>
    %mul3A_326 = arith.mulf %sub3A_320, %mul3A_325 : vector<64x128xf32>
    %mul3A_327 = vector.broadcast %get3A_286 : vector<1x128xf32> to vector<64x128xf32>
    %mul3A_328 = arith.mulf %mul3A_326, %mul3A_327 : vector<64x128xf32>
    %add3A_329 = vector.broadcast %get3A_289 : vector<1x128xf32> to vector<64x128xf32>
    %add3A_330 = arith.addf %mul3A_328, %add3A_329 : vector<64x128xf32>
    %gt3A_331 = arith.constant 0.000000e+00 : f32
    %gt3A_332 = vector.broadcast %gt3A_331 : f32 to vector<64x128xf32>
    %gt3A_333 = arith.cmpf ogt, %add3A_330, %gt3A_332 : vector<64x128xf32>
    %exp3A_334 = math.exp %add3A_330 : vector<64x128xf32>
    %sub3A_335 = arith.constant 1.000000e+00 : f32
    %sub3A_336 = vector.broadcast %sub3A_335 : f32 to vector<64x128xf32>
    %sub3A_337 = arith.subf %exp3A_334, %sub3A_336 : vector<64x128xf32>
    %mul3A_338 = arith.constant 1.67326319 : f32
    %mul3A_339 = vector.broadcast %mul3A_338 : f32 to vector<64x128xf32>
    %mul3A_340 = arith.mulf %mul3A_339, %sub3A_337 : vector<64x128xf32>
    %select_n3A_341 = arith.select %gt3A_333, %add3A_330, %mul3A_340 : vector<64x128xi1>, vector<64x128xf32>
    %mul3A_342 = arith.constant 1.05070102 : f32
    %mul3A_343 = vector.broadcast %mul3A_342 : f32 to vector<64x128xf32>
    %mul3A_344 = arith.mulf %mul3A_343, %select_n3A_341 : vector<64x128xf32>
    %get3A_345 = arith.constant 0 : index
    %get3A_346 = arith.constant 0 : index
    %get3A_347 = vector.load %arg23[%get3A_345, %get3A_346] : memref<128x128xf32, #tpu.memory_space<vmem>>, vector<128x128xf32>
    %dot_general3A_348 = arith.constant dense<0.000000e+00> : vector<64x128xf32>
    %dot_general3A_349 = tpu.matmul %mul3A_344, %get3A_347, %dot_general3A_348 {dimension_numbers = #tpu.dot_dimension_numbers<[1], [0], [0], [1], [0, 0, 1, 1], [], []>, transpose_lhs_hint = false} : vector<64x128xf32>, vector<128x128xf32>, vector<64x128xf32> -> vector<64x128xf32>
    %get3A_350 = arith.constant 0 : index
    %get3A_351 = arith.constant 0 : index
    %get3A_352 = vector.load %arg24[%get3A_350, %get3A_351] : memref<1x128xf32, #tpu.memory_space<vmem>>, vector<1x128xf32>
    %add3A_353 = vector.broadcast %get3A_352 : vector<1x128xf32> to vector<64x128xf32>
    %add3A_354 = arith.addf %dot_general3A_349, %add3A_353 : vector<64x128xf32>
    %swap3A_355 = arith.constant 0 : index
    %swap3A_356 = arith.constant 0 : index
    %swap3A_357 = vector.load %arg26[%swap3A_355, %swap3A_356] : memref<64x128xf32, #tpu.memory_space<vmem>>, vector<64x128xf32>
    tpu.vector_store %arg26[%swap3A_355, %swap3A_356], %add3A_354 {strides = array<i32>} : memref<64x128xf32, #tpu.memory_space<vmem>>, vector<64x128xf32>,
    return
  }
}

</mosaic_0001>

<sc_bundles>
// kernel: kernel.30.cloned.1.call-start
scs
__scs_entry_jumppad:
0x0: {  	(pc) =	sbr.rel $0x88, $3  }
0x1: {  	(tag) =	ssettag $0x0;
	lr =	simm.s32 $0x1  }
0x2: {  	[smem:$0x3F24] =	sst lr;
	_ =	strace $0xD0000000  }
0x3: {  	_ = 	snop  }
0x4: {  	_ = 	snop  }
0x5: {  	_ = 	snop  }
0x6: {  	_ = 	snop  }
0x7: {  	_ = 	snop  }
__scs_overlays_trampoline_lowered:
0x8: {  	[smem:$0x3F33] =	sst s0  }
0x9: {  	[smem:$0x3F34] =	sst s1  }
0xa: {  	[smem:$0x3F35] =	sst s2  }
0xb: {  	[smem:$0x3F36] =	sst s3  }
0xc: {  	[smem:$0x3F37] =	sst s4  }
0xd: {  	[smem:$0x3F38] =	sst s5  }
0xe: {  	[smem:$0x3F39] =	sst s6  }
0xf: {  	[smem:$0x3F3A] =	sst s7  }
0x10: {  	[smem:$0x3F3B] =	sst s8  }
0x11: {  	[smem:$0x3F3C] =	sst s9;
	s0 =	simm.s32 @!p0 $0x0  }
0x12: {  	s1 =	sld [smem:$0x3F22];
	s0 =	simm.s32 @p0 $0x1  }
0x13: {  	[smem:$0x3F3D] =	sst s0;
	s0 =	simm.s32 @!p1 $0x0  }
0x14: {  	s2 =	sld [smem:$0x3F21];
	s0 =	simm.s32 @p1 $0x1  }
0x15: {  	[smem:$0x3F3E] =	sst s0;
	s0 =	simm.s32 @!p2 $0x0  }
0x16: {  	s3 =	sld [smem:$0x3FDB];
	s0 =	simm.s32 @p2 $0x1  }
0x17: {  	s4 =	simm.s32 $0x1BF5;
	[smem:$0x3F40] =	sst s0  }
0x18: {  	s0 =	sld [smem:$0x3F23];
	_ =	swait.ge [sflag:s4], $0x0  }
0x19: {  	s7 =	sld [smem:$0x3F24]  }
0x1a: {  	s8 =	sadd.s32 $0xFFFFE003, lr  }
0x1b: {  	s9 =	sadd.s32 $0xFFFFFEF7, lr;
	s5 =	simm.s32 $0xFFFFFFFF;
	p2 =	slt.u32 s8, $0xFFFFF086  }
0x1c: {  	p1 =	slt.u32 s9, $0xF7A;
	s5 =	simm.s32 @!p2 $0x0  }
0x1d: {  	s5 =	simm.s32 @p1 $0x1;
	p0 =	seq.s32 s7, s2  }
0x1e: {  	s7 =	smul.u32 @!p0 $0xF7A, s2;
	p2 =	seq.s32 @!p0 s5, $0x0  }
0x1f: {  	s9 =	smul.u32 $0xF7A, s1;
	s8 =	simm.s32 @!p0 $0x1BF5;
	p2 =	por !p2, p0  }
0x20: {  	[sflag:s8] =	ssyncset.s32 @!p0 $0xFFFFF086;
	s6 =	sadd.s32 @!p0 s3, s7;
	s7 =	simm.s32 @!p0 $0x108  }
0x21: {  	s3 =	sadd.s32 s3, s9;
	s6 =	sadd.s32 @!p0 $0x88, s6;
	s7 =	simm.s32 @p2 $0x1082  }
0x22: {  	[simem:s7], [sflag:s8] =	dma.local @!p0 [hbm:s6], $0xF7A  }
0x23: {  	s9 =	sor.u32 $0xD0000000, s2;
	s6 =	simm.s32 $0x108;
	_ =	swait.ge @!p0 [sflag:s8], $0x0  }
0x24: {  	s3 =	sadd.s32 $0x88, s3;
	s6 =	simm.s32 @!p1 $0x1082;
	[sflag:s4] =	ssyncset.s32 $0xFFFFF086  }
0x25: {  	[simem:s6], [sflag:s4] =	dma.local [hbm:s3], $0xF7A  }
0x26: {  	[smem:$0x3F24] =	sst s1;
	(tag) =	ssettag s2;
	_ =	strace s9  }
0x27: {  	s1 =	sld [smem:$0x3F34]  }
0x28: {  	s2 =	sld [smem:$0x3F35]  }
0x29: {  	s4 =	sld [smem:$0x3F37]  }
0x2a: {  	p0 =	seq.s32 s5, $0x0;
	s5 =	sld [smem:$0x3F38]  }
0x2b: {  	s6 =	sld [smem:$0x3F39]  }
0x2c: {  	s7 =	sld [smem:$0x3F3A]  }
0x2d: {  	s3 =	simm.s32 $0x108;
	s8 =	sld [smem:$0x3F3B]  }
0x2e: {  	s3 =	simm.s32 @!p0 $0x1082;
	s9 =	sld [smem:$0x3F3C]  }
0x2f: {  	lr =	sadd.s32 s0, s3;
	s0 =	sld [smem:$0x3F33]  }
0x30: {  	s3 =	sld [smem:$0x3F36]  }
0x31: {  	[smem:$0x3F3F] =	sst s10  }
0x32: {  	s10 =	sld [smem:$0x3F3D];
	_ =	sdelay $0x3  }
0x33: {  	p0 =	seq.s32 s10, $0x1;
	s10 =	sld [smem:$0x3F3F];
	_ =	sdelay $0x3  }
0x34: {  	[smem:$0x3F3F] =	sst s10  }
0x35: {  	s10 =	sld [smem:$0x3F3E];
	_ =	sdelay $0x3  }
0x36: {  	p1 =	seq.s32 s10, $0x1;
	s10 =	sld [smem:$0x3F3F];
	_ =	sdelay $0x3  }
0x37: {  	[smem:$0x3F3F] =	sst s10  }
0x38: {  	s10 =	sld [smem:$0x3F40]  }
0x39: {  	_ = 	snop;
	(pc) =	sbr.ind lr, $3  }
0x3a: {  	_ = 	snop  }
0x3b: {  	_ = 	snop  }
0x3c: {  	p2 =	seq.s32 s10, $0x1;
	s10 =	sld [smem:$0x3F3F]  }
0x3d: {  	_ =	shalt  }
0x3e: {  	_ =	shalt  }
0x3f: {  	_ =	shalt  }
0x40: {  	_ =	shalt  }
0x41: {  	_ =	shalt  }
0x42: {  	_ =	shalt  }
0x43: {  	_ =	shalt  }
0x44: {  	_ =	shalt  }
0x45: {  	_ =	shalt  }
0x46: {  	_ =	shalt  }
0x47: {  	_ =	shalt  }
0x48: {  	_ =	shalt  }
0x49: {  	_ =	shalt  }
0x4a: {  	_ =	shalt  }
0x4b: {  	_ =	shalt  }
0x4c: {  	_ =	shalt  }
0x4d: {  	_ =	shalt  }
0x4e: {  	_ =	shalt  }
0x4f: {  	_ =	shalt  }
0x50: {  	_ =	shalt  }
0x51: {  	_ =	shalt  }
0x52: {  	_ =	shalt  }
0x53: {  	_ =	shalt  }
0x54: {  	_ =	shalt  }
0x55: {  	_ =	shalt  }
0x56: {  	_ =	shalt  }
0x57: {  	_ =	shalt  }
0x58: {  	_ =	shalt  }
0x59: {  	_ =	shalt  }
0x5a: {  	_ =	shalt  }
0x5b: {  	_ =	shalt  }
0x5c: {  	_ =	shalt  }
0x5d: {  	_ =	shalt  }
0x5e: {  	_ =	shalt  }
0x5f: {  	_ =	shalt  }
0x60: {  	_ =	shalt  }
0x61: {  	_ =	shalt  }
0x62: {  	_ =	shalt  }
0x63: {  	_ =	shalt  }
0x64: {  	_ =	shalt  }
0x65: {  	_ =	shalt  }
0x66: {  	_ =	shalt  }
0x67: {  	_ =	shalt  }
0x68: {  	_ =	shalt  }
0x69: {  	_ =	shalt  }
0x6a: {  	_ =	shalt  }
0x6b: {  	_ =	shalt  }
0x6c: {  	_ =	shalt  }
0x6d: {  	_ =	shalt  }
0x6e: {  	_ =	shalt  }
0x6f: {  	_ =	shalt  }
0x70: {  	_ =	shalt  }
0x71: {  	_ =	shalt  }
0x72: {  	_ =	shalt  }
0x73: {  	_ =	shalt  }
0x74: {  	_ =	shalt  }
0x75: {  	_ =	shalt  }
0x76: {  	_ =	shalt  }
0x77: {  	_ =	shalt  }
0x78: {  	_ =	shalt  }
0x79: {  	_ =	shalt  }
0x7a: {  	_ =	shalt  }
0x7b: {  	_ =	shalt  }
0x7c: {  	_ =	shalt  }
0x7d: {  	_ =	shalt  }
0x7e: {  	_ =	shalt  }
0x7f: {  	_ =	shalt  }
0x80: {  	_ =	shalt  }
0x81: {  	_ =	shalt  }
0x82: {  	_ =	shalt  }
0x83: {  	_ =	shalt  }
0x84: {  	_ =	shalt  }
0x85: {  	_ =	shalt  }
0x86: {  	_ =	shalt  }
0x87: {  	_ =	shalt  }
.Lfunc_end0:
.L_simem_size_0:
called_computation_lowered:
.L_overlay_start_0:
0x88: {  	s2 =	sld [smem:$0x3FD9]  }
0x89: {  	s3 =	sld [smem:$0x3FFE];
	_ =	sdelay $0x1  }
0x8a: {  	s1 =	srdreg.scid  }
0x8b: {  	s0 =	sand.u32 $0x1, s1  }
0x8c: {  	s17 =	sshll.u32 s0, $0xA;
	s2 =	sadd.s32 s3, s2  }
0x8d: {  	s2 =	sadd.s32 s2, s17  }
0x8e: {  	[smem:$0x3F4B] =	sst s2  }
0x8f: {  	_ = 	snop  }
0x90: {  	(tm) =	ssettm $0x1  }
0x91: {  	s18 =	sld [smem:$0x3FFB];
	_ =	sdelay $0x3  }
0x92: {  	_ =	strace s18  }
0x93: {  	s2 =	sld [smem:$0x3FFC];
	_ =	sdelay $0x3  }
0x94: {  	_ =	strace s2  }
0x95: {  	s2 =	sld [smem:$0x3FFD];
	_ =	sdelay $0x3  }
0x96: {  	_ =	strace s2  }
0x97: {  	_ =	strace $0x8FFFFFFF  }
0x98: {  	s19 =	sld [smem:$0x3FDB];
	_ =	sdelay $0x1  }
0x99: {  	s20 =	simm.s32 $_scs_section_size  }
0x9a: {  	s4 =	simm.s32 $_size__tile_overlayer_lowered;
	s5 =	simm.s32 $_tile_overlayer_lowered  }
0x9b: {  	s6 =	simm.s32 $0x1BFF;
	s21 =	sshll.u32 s5, $0x1;
	s3 =	sadd.s32 s20, s19  }
0x9c: {  	s22 =	simm.s32 $0x0;
	s4 =	sshll.u32 s4, $0x1;
	s5 =	sadd.s32 s21, s3  }
0x9d: {  	[timem:s22], [sflag:s6] =	dma.local [hbm:s5], s4  }
0x9e: {  	_ =	swait.ge [sflag:s6], s4  }
0x9f: {  	s4 =	ssub.s32 $0x0, s4;
	[sflag:s6] =	ssyncset.done $0x0  }
0xa0: {  	[sflag:s6] =	ssyncadd.s32 s4;
	_ =	sdelay $0x1  }
0xa1: {  	s23 =	simm.s32 $0x1B8B  }
0xa2: {  	_ =	swait.ge [sflag:s23], $0x1  }
0xa3: {  	[sflag:s23] =	ssyncset.done $0x0  }
0xa4: {  	[sflag:s23] =	ssyncadd.s32 $0xFFFFFFFF  }
0xa5: {  	s4 =	sld [smem:$0x0]  }
0xa6: {  	s5 =	sand.u32 $0xFFFFFFFE, s1  }
0xa7: {  	p0 =	sne.s32 s1, s5  }
0xa8: {  	s5 =	sshll.u32 @p0 s5, $0xE  }
0xa9: {  	s5 =	sadd.s32 @p0 $0x11B8D, s5;
	s6 =	sshll.u32 @p0 s4, $0x11  }
0xaa: {  	s5 =	sor.u32 @p0 s6, s5  }
0xab: {  	[sflag:s5] =	ssyncadd.remote.s32 @p0 $0x1;
	_ =	sdelay $0x1  }
0xac: {  	s5 =	simm.s32 @p0 $0x1B8D  }
0xad: {  	_ =	swait.eq @p0 [sflag:s5], $0x1  }
0xae: {  	[sflag:s5] =	ssyncadd.s32 @p0 $0xFFFFFFFF  }
0xaf: {  	s6 =	sshll.u32 @!p0 s1, $0xE  }
0xb0: {  	s6 =	sor.u32 @!p0 $0x4000, s6;
	s5 =	simm.s32 @!p0 $0x1B8D  }
0xb1: {  	s4 =	sshll.u32 @!p0 s4, $0x11;
	s6 =	sadd.s32 @!p0 $0x11B8D, s6;
	_ =	swait.eq @!p0 [sflag:s5], $0x1  }
0xb2: {  	s4 =	sor.u32 @!p0 s4, s6;
	[sflag:s5] =	ssyncadd.s32 @!p0 $0xFFFFFFFF  }
0xb3: {  	s25 =	simm.s32 $0x1B8E;
	s24 =	sld [smem:$0x3FFE];
	[sflag:s4] =	ssyncadd.remote.s32 @!p0 $0x1  }
0xb4: {  	s26 =	simm.s32 $execute0_lowered;
	[smem:$0x3FD2] =	sst s25  }
0xb5: {  	s5 =	sshll.u32 s26, $0x1;
	_ =	strace $0x80000049;
	[dreg:$0x1] =	wrdreg $0xFFFFFFFF  }
0xb6: {  	s28 =	simm.s32 $_size_execute0_lowered;
	s3 =	sadd.s32 s3, s5;
	[dreg:$0x0] =	wrdreg $0x0  }
0xb7: {  	s5 =	sshll.u32 s28, $0x1;
	[dreg:$0x2] =	wrdreg s3  }
0xb8: {  	[dreg:$0x3] =	wrdreg s5  }
0xb9: {  	[dreg:$0x4] =	wrdreg $0xC0  }
0xba: {  	_ =	task [dreg:s22], $0x5FFFF  }
0xbb: {  	[dreg:$0x1] =	wrdreg $0xFFFFFFFF  }
0xbc: {  	[dreg:$0x0] =	wrdreg $0x60  }
0xbd: {  	[dreg:$0x2] =	wrdreg s24  }
0xbe: {  	[dreg:$0x3] =	wrdreg $0x68000  }
0xbf: {  	[dreg:$0x4] =	wrdreg $0x9  }
0xc0: {  	_ =	task.clear_ibuf [dreg:s22], $0x5FFFF;
	_ =	strace $0x90000049  }
0xc1: {  	s29 =	simm.s32 $0x9;
	_ =	strace $0x8000004B  }
0xc2: {  	_ =	swait.ge [sflag:s29], $0x1  }
0xc3: {  	[sflag:s29] =	ssyncadd.s32 $0xFFFFFFFF  }
0xc4: {  	_ =	strace $0x9000004B  }
0xc5: {  	_ =	sfence  }
0xc6: {  	s30 =	sld [smem:$0x0];
	_ =	sdelay $0x2  }
0xc7: {  	s31 =	sshll.u32 s1, $0xD;
	s1 =	sshrl.u32 s1, $0x2  }
0xc8: {  	s4 =	sand.u32 $0x4000, s31;
	s1 =	sadd.s32 s1, s30  }
0xc9: {  	s0 =	sor.u32 s4, s0;
	s1 =	sshll.u32 s1, $0x11  }
0xca: {  	s0 =	sor.u32 s1, s0  }
0xcb: {  	s0 =	sadd.s32 $0x8F2B, s0  }
0xcc: {  	[sflag:s0] =	ssyncadd.remote.s32 $0x1  }
0xcd: {  	_ =	sfence.sel $0xFFFF  }
0xce: {  	[dreg:$0x0] =	wrdreg $0xFFFFFFFF;
	(pc) =	sbr.abs _section_cstart, $3  }
0xcf: {  	[dreg:$0x1] =	wrdreg $0xFFFFFFFF  }
0xd0: {  	_ =	task.clear_ibuf [dreg:s22], $0x2FFFF;
	_ =	strace $0x9FFFFFFF  }
0xd1: {  	(tm) =	ssettm $0x7FFFFFFF  }
tec
execute0_lowered:
.L_overlay_start_1:
0x0: {  	(tag) =	ssettag $0x1  }
0x1: {  	s4 =	rddreg [dreg:$0x0]  }
0x2: {  	s1 =	rddreg [dreg:$0x1]  }
0x3: {  	s0 =	rddreg [dreg:$0x2]  }
0x4: {  	s2 =	simm.s32 $0x0;
	s3 =	srdreg.scid;
	s8 =	stileid.u32  }
0x5: {  	s10 =	simm.s32 $0x4000;
	[smem:$0x7FF] =	sst s2;
	s5 =	sand.u32 $0x1, s3  }
0x6: {  	s9 =	sshll.u32 s8, $0xC;
	p0 =	sne.s32 s8, $0x0;
	s8 =	simm.s32 $0x1  }
0x7: {  	_ =	strace $0x8000004A;
	s3 =	sshll.u32 s5, $0xB;
	s7 =	smul.u32 $0x27100, s5  }
0x8: {  	s5 =	ssub.s32 $0x2, s5;
	s6 =	sadd.s32 s3, s4;
	s3 =	sadd.s32 $0xF7BA00, s4  }
0x9: {  	s30 =	sshrl.u32 s5, $0x1;
	s7 =	sadd.s32 s7, s4;
	s6 =	sadd.s32 s9, s6  }
0xa: {  	s31 =	ssub.s32 s5, s30;
	s9 =	simm.s32 $0x50;
	s4 =	sadd.s32 $0x19400, s6  }
0xb: {  	v0 =	vimm.f32 $1.000000000e+00;
	s5 =	sadd.s32 $0xFA2C00, s7;
	s6 =	smax.u32 s31, $0x1;
	s7 =	sshrl.u32 @!p0 s1, $0x3  }
.LBB2_1:
0xc: {  	s11 =	simm.s32 @!p0 $0x1C01  }
0xd: {  	[spmem:s7], [sflag:s11] =	dma.local @!p0 [hbm:s3], $0x27100  }
0xe: {  	s11 =	simm.s32 @!p0 $0x1  }
0xf: {  	_ =	swait.ge @!p0 [sflag:s11], $0x27100  }
0x10: {  	[sflag:s11] =	ssyncset.done @!p0 $0x0  }
0x11: {  	s12 =	simm.s32 $0x200;
	[sflag:s11] =	ssyncadd.s32 @!p0 $0xFFFD8F00;
	s11 =	simm.s32 $0x0  }
.LBB2_2:
0x12: {  	p1 =	sne.s32 s12, $0x9E00;
	[tilespmem:s11+$0x4070] =	vst v0  }
0x13: {  	[tilespmem:s11+$0x4000] =	vst v0  }
0x14: {  	[tilespmem:s11+$0x4010] =	vst v0  }
.Ltmp0:
0x15: {  	[tilespmem:s11+$0x4020] =	vst v0;
	(pc) =	sbr.rel @p1 .LBB2_2-.Ltmp0, $4  }
0x16: {  	[tilespmem:s11+$0x4030] =	vst v0  }
0x17: {  	[tilespmem:s11+$0x4040] =	vst v0  }
0x18: {  	[tilespmem:s11+$0x4050] =	vst v0  }
0x19: {  	[tilespmem:s11+$0x4060] =	vst v0;
	s11 =	sshra.s32 s12, $0x2;
	s12 =	sadd.s32 $0x200, s12  }
0x1a: {  	[tilespmem:s11+$0x4070] =	vst v0  }
0x1b: {  	[tilespmem:s11+$0x4000] =	vst v0  }
0x1c: {  	[tilespmem:s11+$0x4010] =	vst v0  }
0x1d: {  	[tilespmem:s11+$0x4020] =	vst v0  }
0x1e: {  	[tilespmem:s11+$0x4030] =	vst v0  }
0x1f: {  	[tilespmem:s11+$0x4040] =	vst v0  }
0x20: {  	[tilespmem:s11+$0x4050] =	vst v0  }
0x21: {  	[tilespmem:s11+$0x4060] =	vst v0  }
0x22: {  	s30 =	simm.s32 $0x0;
	[bflag:$0x0] =	sbarrier.arrive $0xFFFF  }
0x23: {  	[tilespmem:s30], [sflag:$0x1] =	stream.linear.gather [hbm4b:s4+s30], $0x3E80, $0x38;
	[tilespmem:$0x1A080] =	vst v63  }
0x24: {  	_ =	swait.ge [sflag:s8], $0x3E80  }
0x25: {  	[sflag:s8] =	ssyncset.done $0x0  }
0x26: {  	s31 =	simm.s32 $0x0;
	[sflag:s8] =	ssyncadd.s32 $0xFFFFC180  }
0x27: {  	[spmem:s1] =	stream.indirect.scatter.add.f32 [tilespmem:s10], [sflag:$0x1], $0x80, s31, s9, $0xb8;
	[tilespmem:$0x1A080] =	vst v63  }
0x28: {  	_ =	swait.ge [sflag:s8], $0x2800  }
0x29: {  	s11 =	simm.s32 $0x200;
	[sflag:s8] =	ssyncset.done $0x0  }
.LBB2_4:
0x2a: {  	s12 =	sshra.s32 s11, $0x2;
	[sflag:s8] =	ssyncadd.s32 $0xFFFFD800;
	p1 =	sne.s32 s11, $0xF800  }
0x2b: {  	[spmem:s1] =	stream.indirect.scatter.add.f32 [tilespmem:s10], [sflag:$0x1], $0x80, s12, s9, $0xb8;
	[tilespmem:$0x1A080] =	vst v63  }
.Ltmp1:
0x2c: {  	_ = 	snop;
	(pc) =	sbr.rel @p1 .LBB2_4-.Ltmp1, $4  }
0x2d: {  	_ = 	snop  }
0x2e: {  	s11 =	sadd.s32 $0x200, s11  }
0x2f: {  	_ =	swait.ge [sflag:s8], $0x2800  }
0x30: {  	[sflag:s8] =	ssyncset.done $0x0  }
0x31: {  	[sflag:s8] =	ssyncadd.s32 $0xFFFFD800;
	s2 =	sadd.s32 $0x1, s2  }
0x32: {  	s11 =	simm.s32 @!p0 $0x1C01;
	[bflag:$0x0] =	sbarrier.arrive $0xFFFF;
	p1 =	sne.s32 s2, s6  }
0x33: {  	[hbm:s5], [sflag:s11] =	dma.local @!p0 [spmem:s7], $0x27100  }
.Ltmp2:
0x34: {  	_ = 	snop;
	(pc) =	sbr.rel @p1 .LBB2_1-.Ltmp2, $4  }
0x35: {  	s11 =	simm.s32 @!p0 $0x1  }
0x36: {  	_ =	swait.ge @!p0 [sflag:s11], $0x27100  }
0x37: {  	[sflag:s11] =	ssyncset.done @!p0 $0x0  }
0x38: {  	[sflag:s11] =	ssyncadd.s32 @!p0 $0xFFFD8F00  }
0x39: {  	_ =	sfence.sel $0x180000  }
0x3a: {  	[bflag:$0x0] =	sbarrier.arrive $0xFFFF  }
0x3b: {  	_ =	strace $0x9000004A  }
0x3c: {  	s0 =	sadd.s32 @!p0 $0x100000, s0;
	[bflag:$0x2] =	sbarrier.arrive $0xFFFF  }
0x3d: {  	[sflag:s0] =	ssyncadd.tile.s32 @!p0 $0x1;
	_ =	shalt  }
.Lfunc_end2:
_tile_overlayer_lowered:
.L_overlay_start_2:
0x3e: {  	(tag) =	ssettag $0x2  }
0x3f: {  	s0 =	rddreg [dreg:$0x0];
	s2 =	stileid.u32  }
0x40: {  	s1 =	rddreg [dreg:$0x1];
	p0 =	sne.s32 s2, $0x0  }
0x41: {  	s3 =	rddreg [dreg:$0x2];
	[bflag:$0x3] =	sbarrier.arrive $0xFFFF;
	s2 =	simm.s32 @!p0 $0x1C01  }
0x42: {  	[timem:s3], [sflag:s2] =	dma.local @!p0 [hbm:s0], s1  }
0x43: {  	s0 =	simm.s32 @!p0 $0x1  }
0x44: {  	_ =	swait.ge @!p0 [sflag:s0], s1  }
0x45: {  	s1 =	ssub.s32 @!p0 $0x0, s1;
	[sflag:s0] =	ssyncset.done @!p0 $0x0  }
0x46: {  	[sflag:s0] =	ssyncadd.s32 @!p0 s1  }
0x47: {  	[bflag:$0x3] =	sbarrier.arrive $0xFFFF  }
0x48: {  	_ =	shalt  }

// kernel: kernel.33.cloned.1.call-start
scs
__scs_entry_jumppad:
0x0: {  	(pc) =	sbr.rel $0x88, $3  }
0x1: {  	(tag) =	ssettag $0x0;
	lr =	simm.s32 $0x1  }
0x2: {  	[smem:$0x3F24] =	sst lr;
	_ =	strace $0xD0000000  }
0x3: {  	_ = 	snop  }
0x4: {  	_ = 	snop  }
0x5: {  	_ = 	snop  }
0x6: {  	_ = 	snop  }
0x7: {  	_ = 	snop  }
__scs_overlays_trampoline_lowered:
0x8: {  	[smem:$0x3F33] =	sst s0  }
0x9: {  	[smem:$0x3F34] =	sst s1  }
0xa: {  	[smem:$0x3F35] =	sst s2  }
0xb: {  	[smem:$0x3F36] =	sst s3  }
0xc: {  	[smem:$0x3F37] =	sst s4  }
0xd: {  	[smem:$0x3F38] =	sst s5  }
0xe: {  	[smem:$0x3F39] =	sst s6  }
0xf: {  	[smem:$0x3F3A] =	sst s7  }
0x10: {  	[smem:$0x3F3B] =	sst s8  }
0x11: {  	[smem:$0x3F3C] =	sst s9;
	s0 =	simm.s32 @!p0 $0x0  }
0x12: {  	s1 =	sld [smem:$0x3F22];
	s0 =	simm.s32 @p0 $0x1  }
0x13: {  	[smem:$0x3F3D] =	sst s0;
	s0 =	simm.s32 @!p1 $0x0  }
0x14: {  	s2 =	sld [smem:$0x3F21];
	s0 =	simm.s32 @p1 $0x1  }
0x15: {  	[smem:$0x3F3E] =	sst s0;
	s0 =	simm.s32 @!p2 $0x0  }
0x16: {  	s3 =	sld [smem:$0x3FDB];
	s0 =	simm.s32 @p2 $0x1  }
0x17: {  	s4 =	simm.s32 $0x1BF5;
	[smem:$0x3F40] =	sst s0  }
0x18: {  	s0 =	sld [smem:$0x3F23];
	_ =	swait.ge [sflag:s4], $0x0  }
0x19: {  	s7 =	sld [smem:$0x3F24]  }
0x1a: {  	s8 =	sadd.s32 $0xFFFFE003, lr  }
0x1b: {  	s9 =	sadd.s32 $0xFFFFFEF7, lr;
	s5 =	simm.s32 $0xFFFFFFFF;
	p2 =	slt.u32 s8, $0xFFFFF086  }
0x1c: {  	p1 =	slt.u32 s9, $0xF7A;
	s5 =	simm.s32 @!p2 $0x0  }
0x1d: {  	s5 =	simm.s32 @p1 $0x1;
	p0 =	seq.s32 s7, s2  }
0x1e: {  	s7 =	smul.u32 @!p0 $0xF7A, s2;
	p2 =	seq.s32 @!p0 s5, $0x0  }
0x1f: {  	s9 =	smul.u32 $0xF7A, s1;
	s8 =	simm.s32 @!p0 $0x1BF5;
	p2 =	por !p2, p0  }
0x20: {  	[sflag:s8] =	ssyncset.s32 @!p0 $0xFFFFF086;
	s6 =	sadd.s32 @!p0 s3, s7;
	s7 =	simm.s32 @!p0 $0x108  }
0x21: {  	s3 =	sadd.s32 s3, s9;
	s6 =	sadd.s32 @!p0 $0x88, s6;
	s7 =	simm.s32 @p2 $0x1082  }
0x22: {  	[simem:s7], [sflag:s8] =	dma.local @!p0 [hbm:s6], $0xF7A  }
0x23: {  	s9 =	sor.u32 $0xD0000000, s2;
	s6 =	simm.s32 $0x108;
	_ =	swait.ge @!p0 [sflag:s8], $0x0  }
0x24: {  	s3 =	sadd.s32 $0x88, s3;
	s6 =	simm.s32 @!p1 $0x1082;
	[sflag:s4] =	ssyncset.s32 $0xFFFFF086  }
0x25: {  	[simem:s6], [sflag:s4] =	dma.local [hbm:s3], $0xF7A  }
0x26: {  	[smem:$0x3F24] =	sst s1;
	(tag) =	ssettag s2;
	_ =	strace s9  }
0x27: {  	s1 =	sld [smem:$0x3F34]  }
0x28: {  	s2 =	sld [smem:$0x3F35]  }
0x29: {  	s4 =	sld [smem:$0x3F37]  }
0x2a: {  	p0 =	seq.s32 s5, $0x0;
	s5 =	sld [smem:$0x3F38]  }
0x2b: {  	s6 =	sld [smem:$0x3F39]  }
0x2c: {  	s7 =	sld [smem:$0x3F3A]  }
0x2d: {  	s3 =	simm.s32 $0x108;
	s8 =	sld [smem:$0x3F3B]  }
0x2e: {  	s3 =	simm.s32 @!p0 $0x1082;
	s9 =	sld [smem:$0x3F3C]  }
0x2f: {  	lr =	sadd.s32 s0, s3;
	s0 =	sld [smem:$0x3F33]  }
0x30: {  	s3 =	sld [smem:$0x3F36]  }
0x31: {  	[smem:$0x3F3F] =	sst s10  }
0x32: {  	s10 =	sld [smem:$0x3F3D];
	_ =	sdelay $0x3  }
0x33: {  	p0 =	seq.s32 s10, $0x1;
	s10 =	sld [smem:$0x3F3F];
	_ =	sdelay $0x3  }
0x34: {  	[smem:$0x3F3F] =	sst s10  }
0x35: {  	s10 =	sld [smem:$0x3F3E];
	_ =	sdelay $0x3  }
0x36: {  	p1 =	seq.s32 s10, $0x1;
	s10 =	sld [smem:$0x3F3F];
	_ =	sdelay $0x3  }
0x37: {  	[smem:$0x3F3F] =	sst s10  }
0x38: {  	s10 =	sld [smem:$0x3F40]  }
0x39: {  	_ = 	snop;
	(pc) =	sbr.ind lr, $3  }
0x3a: {  	_ = 	snop  }
0x3b: {  	_ = 	snop  }
0x3c: {  	p2 =	seq.s32 s10, $0x1;
	s10 =	sld [smem:$0x3F3F]  }
0x3d: {  	_ =	shalt  }
0x3e: {  	_ =	shalt  }
0x3f: {  	_ =	shalt  }
0x40: {  	_ =	shalt  }
0x41: {  	_ =	shalt  }
0x42: {  	_ =	shalt  }
0x43: {  	_ =	shalt  }
0x44: {  	_ =	shalt  }
0x45: {  	_ =	shalt  }
0x46: {  	_ =	shalt  }
0x47: {  	_ =	shalt  }
0x48: {  	_ =	shalt  }
0x49: {  	_ =	shalt  }
0x4a: {  	_ =	shalt  }
0x4b: {  	_ =	shalt  }
0x4c: {  	_ =	shalt  }
0x4d: {  	_ =	shalt  }
0x4e: {  	_ =	shalt  }
0x4f: {  	_ =	shalt  }
0x50: {  	_ =	shalt  }
0x51: {  	_ =	shalt  }
0x52: {  	_ =	shalt  }
0x53: {  	_ =	shalt  }
0x54: {  	_ =	shalt  }
0x55: {  	_ =	shalt  }
0x56: {  	_ =	shalt  }
0x57: {  	_ =	shalt  }
0x58: {  	_ =	shalt  }
0x59: {  	_ =	shalt  }
0x5a: {  	_ =	shalt  }
0x5b: {  	_ =	shalt  }
0x5c: {  	_ =	shalt  }
0x5d: {  	_ =	shalt  }
0x5e: {  	_ =	shalt  }
0x5f: {  	_ =	shalt  }
0x60: {  	_ =	shalt  }
0x61: {  	_ =	shalt  }
0x62: {  	_ =	shalt  }
0x63: {  	_ =	shalt  }
0x64: {  	_ =	shalt  }
0x65: {  	_ =	shalt  }
0x66: {  	_ =	shalt  }
0x67: {  	_ =	shalt  }
0x68: {  	_ =	shalt  }
0x69: {  	_ =	shalt  }
0x6a: {  	_ =	shalt  }
0x6b: {  	_ =	shalt  }
0x6c: {  	_ =	shalt  }
0x6d: {  	_ =	shalt  }
0x6e: {  	_ =	shalt  }
0x6f: {  	_ =	shalt  }
0x70: {  	_ =	shalt  }
0x71: {  	_ =	shalt  }
0x72: {  	_ =	shalt  }
0x73: {  	_ =	shalt  }
0x74: {  	_ =	shalt  }
0x75: {  	_ =	shalt  }
0x76: {  	_ =	shalt  }
0x77: {  	_ =	shalt  }
0x78: {  	_ =	shalt  }
0x79: {  	_ =	shalt  }
0x7a: {  	_ =	shalt  }
0x7b: {  	_ =	shalt  }
0x7c: {  	_ =	shalt  }
0x7d: {  	_ =	shalt  }
0x7e: {  	_ =	shalt  }
0x7f: {  	_ =	shalt  }
0x80: {  	_ =	shalt  }
0x81: {  	_ =	shalt  }
0x82: {  	_ =	shalt  }
0x83: {  	_ =	shalt  }
0x84: {  	_ =	shalt  }
0x85: {  	_ =	shalt  }
0x86: {  	_ =	shalt  }
0x87: {  	_ =	shalt  }
.Lfunc_end0:
.L_simem_size_0:
called_computation.1_lowered:
.L_overlay_start_0:
0x88: {  	s2 =	sld [smem:$0x3FD9]  }
0x89: {  	s3 =	sld [smem:$0x3FFE];
	_ =	sdelay $0x1  }
0x8a: {  	s1 =	srdreg.scid  }
0x8b: {  	s0 =	sand.u32 $0x1, s1  }
0x8c: {  	s16 =	sshll.u32 s0, $0xA;
	s2 =	sadd.s32 s3, s2  }
0x8d: {  	s2 =	sadd.s32 s2, s16  }
0x8e: {  	[smem:$0x3F4B] =	sst s2  }
0x8f: {  	_ = 	snop  }
0x90: {  	(tm) =	ssettm $0x1  }
0x91: {  	s17 =	sld [smem:$0x3FFB];
	_ =	sdelay $0x3  }
0x92: {  	_ =	strace s17  }
0x93: {  	s2 =	sld [smem:$0x3FFC];
	_ =	sdelay $0x3  }
0x94: {  	_ =	strace s2  }
0x95: {  	s2 =	sld [smem:$0x3FFD];
	_ =	sdelay $0x3  }
0x96: {  	_ =	strace s2  }
0x97: {  	_ =	strace $0x8FFFFFFF  }
0x98: {  	s18 =	sld [smem:$0x3FDB];
	_ =	sdelay $0x1  }
0x99: {  	s19 =	simm.s32 $_scs_section_size  }
0x9a: {  	s4 =	simm.s32 $_size__tile_overlayer_lowered;
	s5 =	simm.s32 $_tile_overlayer_lowered  }
0x9b: {  	s22 =	simm.s32 $0x1BFF;
	s21 =	sshll.u32 s5, $0x1;
	s2 =	sadd.s32 s19, s18  }
0x9c: {  	s6 =	simm.s32 $0x0;
	s20 =	sshll.u32 s4, $0x1;
	s4 =	sadd.s32 s21, s2  }
0x9d: {  	[timem:s6], [sflag:s22] =	dma.local [hbm:s4], s20  }
0x9e: {  	_ =	swait.ge [sflag:s22], s20  }
0x9f: {  	s3 =	ssub.s32 $0x0, s20;
	[sflag:s22] =	ssyncset.done $0x0  }
0xa0: {  	[sflag:s22] =	ssyncadd.s32 s3;
	_ =	sdelay $0x1  }
0xa1: {  	s23 =	simm.s32 $0x1B8B  }
0xa2: {  	_ =	swait.ge [sflag:s23], $0x1  }
0xa3: {  	[sflag:s23] =	ssyncset.done $0x0  }
0xa4: {  	s25 =	simm.s32 $0x1B8E;
	s24 =	sld [smem:$0x3FFE];
	[sflag:s23] =	ssyncadd.s32 $0xFFFFFFFF  }
0xa5: {  	s26 =	simm.s32 $execute0_lowered;
	[smem:$0x3FD2] =	sst s25  }
0xa6: {  	s4 =	sshll.u32 s26, $0x1;
	_ =	strace $0x80000046;
	[dreg:$0x1] =	wrdreg $0xFFFFFFFF  }
0xa7: {  	s28 =	simm.s32 $_size_execute0_lowered;
	s2 =	sadd.s32 s2, s4;
	[dreg:$0x0] =	wrdreg $0x0  }
0xa8: {  	s4 =	sshll.u32 s28, $0x1;
	[dreg:$0x2] =	wrdreg s2  }
0xa9: {  	[dreg:$0x3] =	wrdreg s4  }
0xaa: {  	[dreg:$0x4] =	wrdreg $0xC0  }
0xab: {  	_ =	task [dreg:s6], $0x5FFFF  }
0xac: {  	[dreg:$0x1] =	wrdreg $0xFFFFFFFF  }
0xad: {  	[dreg:$0x0] =	wrdreg $0x60  }
0xae: {  	[dreg:$0x2] =	wrdreg s24  }
0xaf: {  	[dreg:$0x3] =	wrdreg $0xA  }
0xb0: {  	_ =	task.clear_ibuf [dreg:s6], $0x4FFFF;
	_ =	strace $0x90000046  }
0xb1: {  	s29 =	simm.s32 $0xA;
	_ =	strace $0x80000048  }
0xb2: {  	_ =	swait.ge [sflag:s29], $0x1  }
0xb3: {  	[sflag:s29] =	ssyncadd.s32 $0xFFFFFFFF  }
0xb4: {  	_ =	strace $0x90000048  }
0xb5: {  	_ =	sfence  }
0xb6: {  	s30 =	sld [smem:$0x0];
	_ =	sdelay $0x2  }
0xb7: {  	s31 =	sshll.u32 s1, $0xD;
	s1 =	sshrl.u32 s1, $0x2  }
0xb8: {  	s3 =	sand.u32 $0x4000, s31;
	s1 =	sadd.s32 s1, s30  }
0xb9: {  	s0 =	sor.u32 s3, s0;
	s1 =	sshll.u32 s1, $0x11  }
0xba: {  	s0 =	sor.u32 s1, s0  }
0xbb: {  	s0 =	sadd.s32 $0x8F2B, s0  }
0xbc: {  	[sflag:s0] =	ssyncadd.remote.s32 $0x1  }
0xbd: {  	_ =	sfence.sel $0xFFFF  }
0xbe: {  	[dreg:$0x0] =	wrdreg $0xFFFFFFFF;
	(pc) =	sbr.abs _section_cstart, $3  }
0xbf: {  	[dreg:$0x1] =	wrdreg $0xFFFFFFFF  }
0xc0: {  	_ =	task.clear_ibuf [dreg:s6], $0x2FFFF;
	_ =	strace $0x9FFFFFFF  }
0xc1: {  	(tm) =	ssettm $0x7FFFFFFF  }
tec
execute0_lowered:
.L_overlay_start_1:
0x0: {  	(tag) =	ssettag $0x1  }
0x1: {  	s0 =	rddreg [dreg:$0x0];
	s1 =	simm.s32 $0x0  }
0x2: {  	s2 =	srdreg.scid;
	s8 =	stileid.u32;
	s12 =	simm.s32 $0x8000  }
0x3: {  	s13 =	simm.s32 $0x8800;
	s14 =	simm.s32 $0x9000;
	s15 =	simm.s32 $0x9800  }
0x4: {  	s16 =	simm.s32 $0xA000;
	s17 =	simm.s32 $0xA800;
	s18 =	simm.s32 $0xB000  }
0x5: {  	s19 =	simm.s32 $0xB800;
	s20 =	simm.s32 $0xC000;
	s21 =	simm.s32 $0xC800  }
0x6: {  	s28 =	simm.s32 $0x3;
	s29 =	simm.s32 $0x4;
	[smem:$0x7FF] =	sst s1  }
0x7: {  	s3 =	sadd.s32 $0x60600, s0;
	s2 =	sand.u32 $0x1, s2;
	s7 =	smul.u32 $0x9C400, s8  }
0x8: {  	s5 =	sshll.u32 s8, $0xC;
	s4 =	sadd.s32 $0xAE800, s0;
	s22 =	smul.u32 $0x4E200, s8  }
0x9: {  	s8 =	simm.s32 $0x11800;
	_ =	strace $0x80000047;
	s9 =	smul.u32 $0x4E200, s2  }
0xa: {  	s6 =	sshll.u32 s2, $0xB;
	s23 =	ssub.s32 $0x2, s2;
	s2 =	smul.u32 $0x27100, s2  }
0xb: {  	s5 =	sor.u32 s6, s5;
	s7 =	sadd.s32 s7, s0;
	s10 =	sshrl.u32 s23, $0x1  }
0xc: {  	s5 =	sadd.s32 s5, s0;
	s0 =	sadd.s32 s22, s0;
	s24 =	ssub.s32 s23, s10  }
0xd: {  	s26 =	sadd.s32 s9, s7;
	s22 =	simm.s32 $0x50;
	s23 =	simm.s32 $0x12000  }
0xe: {  	s7 =	simm.s32 $0x11000;
	s9 =	simm.s32 $0x1;
	s25 =	sadd.s32 $0x29400, s5  }
.Ltmp0:
0xf: {  	s5 =	sadd.s32 $0x19400, s5;
	[dreg:$0x2] =	wrdreg s25;
	(pc) =	sbr.rel .LBB2_1-.Ltmp0, $4  }
0x10: {  	s10 =	simm.s32 $0x0;
	s30 =	smax.u32 s24, $0x1;
	[dreg:$0x3] =	wrdreg s5  }
0x11: {  	v2 =	vlaneseq.u32;
	s0 =	sadd.s32 s2, s0;
	s31 =	sadd.s32 $0x5B7A00, s26;
	[dreg:$0x4] =	wrdreg s30  }
0x12: {  	vm0 =	vmmov $0xffff;
	v1 =	vshrl.u32 v2, $0x3;
	s24 =	simm.s32 $0x2;
	[dreg:$0x5] =	wrdreg s31;
	s0 =	sadd.s32 $0xD5A00, s0  }
0x13: {  	v0 =	vand.u32 $0x7, v2;
	v2 =	vor.u32 $0x8, v2;
	v1 =	vmul.u32 $0x8, v1;
	s26 =	simm.s32 $0x14800;
	s25 =	simm.s32 $0xD000;
	[dreg:$0x6] =	wrdreg s0  }
.LBB2_12:
0x14: {  	_ =	swait.ge [sflag:s28], $0x5000  }
0x15: {  	[sflag:s28] =	ssyncset.done $0x0  }
0x16: {  	[sflag:s28] =	ssyncadd.s32 $0xFFFFB000  }
0x17: {  	_ =	swait.ge [sflag:s28], $0x2800  }
0x18: {  	[sflag:s28] =	ssyncset.done $0x0  }
0x19: {  	[sflag:s28] =	ssyncadd.s32 $0xFFFFD800  }
0x1a: {  	_ =	swait.ge [sflag:s29], $0x5000  }
0x1b: {  	[sflag:s29] =	ssyncset.done $0x0  }
0x1c: {  	[sflag:s29] =	ssyncadd.s32 $0xFFFFB000  }
0x1d: {  	_ =	swait.ge [sflag:s29], $0x2800  }
0x1e: {  	s10 =	sadd.s32 $0x1, s10;
	s0 =	rddreg [dreg:$0x4]  }
0x1f: {  	p0 =	sne.s32 s10, s0  }
.Ltmp1:
0x20: {  	_ = 	snop;
	(pc) =	sbr.rel @!p0 .LBB2_13-.Ltmp1, $3  }
0x21: {  	_ =	sdelay $0x1  }
0x22: {  	[sflag:s29] =	ssyncset.done $0x0  }
0x23: {  	[sflag:s29] =	ssyncadd.s32 $0xFFFFD800  }
.LBB2_1:
0x24: {  	s0 =	rddreg [dreg:$0x2];
	s2 =	simm.s32 $0x5  }
0x25: {  	[tilespmem:s1], [sflag:$0x5] =	stream.linear.gather [hbm4b:s0+s1], $0x3E80, $0x38;
	[tilespmem:$0x17000] =	vst v63  }
0x26: {  	_ =	swait.ge [sflag:s2], $0x3E80  }
0x27: {  	[sflag:s2] =	ssyncset.done $0x0  }
0x28: {  	s5 =	simm.s32 $0x4000;
	s11 =	rddreg [dreg:$0x3];
	[sflag:s2] =	ssyncadd.s32 $0xFFFFC180  }
0x29: {  	[tilespmem:s5], [sflag:$0x5] =	stream.linear.gather [hbm4b:s11+s1], $0x3E80, $0x38;
	[tilespmem:$0x17000] =	vst v63  }
0x2a: {  	_ =	swait.ge [sflag:s2], $0x3E80  }
0x2b: {  	[sflag:s2] =	ssyncset.done $0x0  }
0x2c: {  	[sflag:s2] =	ssyncadd.s32 $0xFFFFC180  }
0x2d: {  	v3 =	vld [tilespmem:$0x0];
	_ =	sdelay $0x4  }
0x2e: {  	v4 =	vshll.u32 v3, $0x1  }
0x2f: {  	v3 =	vand.u32 $0x7, v3;
	v4 =	vand.u32 $0xFFFFFFF0, v4  }
0x30: {  	v3 =	vor.u32 v3, v4  }
0x31: {  	v4 =	vperm.xlane v3, v0;
	_ =	sdelay $0x1  }
0x32: {  	v3 =	vperm.xlane v3, v2;
	v4 =	vadd.s32 v1, v4;
	_ =	sdelay $0x1  }
0x33: {  	v3 =	vadd.s32 v1, v3;
	_ =	sdelay $0x2  }
0x34: {  	[tilespmem:s12], [sflag:$0x1] =	stream.indirect_vreg.gather [hbm4b:s3+s1], $0x80, v4, vm0, $0xb8;
	[tilespmem:$0x17000] =	vst v63  }
0x35: {  	_ = 	snop  }
0x36: {  	[tilespmem:s13], [sflag:$0x1] =	stream.indirect_vreg.gather [hbm4b:s3+s1], $0x80, v3, vm0, $0xb8;
	[tilespmem:$0x17000] =	vst v63  }
0x37: {  	v3 =	vld [tilespmem:$0x10];
	_ =	sdelay $0x4  }
0x38: {  	v60 =	vshll.u32 v3, $0x1  }
0x39: {  	v3 =	vand.u32 $0x7, v3;
	v4 =	vand.u32 $0xFFFFFFF0, v60  }
0x3a: {  	v3 =	vor.u32 v3, v4  }
0x3b: {  	v4 =	vperm.xlane v3, v0;
	_ =	sdelay $0x1  }
0x3c: {  	v3 =	vperm.xlane v3, v2;
	v4 =	vadd.s32 v1, v4;
	_ =	sdelay $0x1  }
0x3d: {  	v3 =	vadd.s32 v1, v3;
	_ =	sdelay $0x2  }
0x3e: {  	[tilespmem:s14], [sflag:$0x1] =	stream.indirect_vreg.gather [hbm4b:s3+s1], $0x80, v4, vm0, $0xb8;
	[tilespmem:$0x17000] =	vst v63  }
0x3f: {  	_ = 	snop  }
0x40: {  	[tilespmem:s15], [sflag:$0x1] =	stream.indirect_vreg.gather [hbm4b:s3+s1], $0x80, v3, vm0, $0xb8;
	[tilespmem:$0x17000] =	vst v63  }
0x41: {  	v3 =	vld [tilespmem:$0x20];
	_ =	sdelay $0x4  }
0x42: {  	v61 =	vshll.u32 v3, $0x1  }
0x43: {  	v3 =	vand.u32 $0x7, v3;
	v4 =	vand.u32 $0xFFFFFFF0, v61  }
0x44: {  	v3 =	vor.u32 v3, v4  }
0x45: {  	v4 =	vperm.xlane v3, v0;
	_ =	sdelay $0x1  }
0x46: {  	v3 =	vperm.xlane v3, v2;
	v4 =	vadd.s32 v1, v4;
	_ =	sdelay $0x1  }
0x47: {  	v3 =	vadd.s32 v1, v3;
	_ =	sdelay $0x2  }
0x48: {  	[tilespmem:s16], [sflag:$0x1] =	stream.indirect_vreg.gather [hbm4b:s3+s1], $0x80, v4, vm0, $0xb8;
	[tilespmem:$0x17000] =	vst v63  }
0x49: {  	_ = 	snop  }
0x4a: {  	[tilespmem:s17], [sflag:$0x1] =	stream.indirect_vreg.gather [hbm4b:s3+s1], $0x80, v3, vm0, $0xb8;
	[tilespmem:$0x17000] =	vst v63  }
0x4b: {  	v3 =	vld [tilespmem:$0x30];
	_ =	sdelay $0x4  }
0x4c: {  	v62 =	vshll.u32 v3, $0x1  }
0x4d: {  	v3 =	vand.u32 $0x7, v3;
	v4 =	vand.u32 $0xFFFFFFF0, v62  }
0x4e: {  	v3 =	vor.u32 v3, v4  }
0x4f: {  	v4 =	vperm.xlane v3, v0;
	_ =	sdelay $0x1  }
0x50: {  	v3 =	vperm.xlane v3, v2;
	v4 =	vadd.s32 v1, v4;
	_ =	sdelay $0x1  }
0x51: {  	v3 =	vadd.s32 v1, v3;
	_ =	sdelay $0x2  }
0x52: {  	[tilespmem:s18], [sflag:$0x1] =	stream.indirect_vreg.gather [hbm4b:s3+s1], $0x80, v4, vm0, $0xb8;
	[tilespmem:$0x17000] =	vst v63  }
0x53: {  	_ = 	snop  }
0x54: {  	[tilespmem:s19], [sflag:$0x1] =	stream.indirect_vreg.gather [hbm4b:s3+s1], $0x80, v3, vm0, $0xb8;
	[tilespmem:$0x17000] =	vst v63  }
0x55: {  	v3 =	vld [tilespmem:$0x40];
	_ =	sdelay $0x4  }
0x56: {  	v63 =	vshll.u32 v3, $0x1  }
0x57: {  	v3 =	vand.u32 $0x7, v3;
	v4 =	vand.u32 $0xFFFFFFF0, v63  }
0x58: {  	v3 =	vor.u32 v3, v4  }
0x59: {  	v4 =	vperm.xlane v3, v0;
	_ =	sdelay $0x1  }
0x5a: {  	v4 =	vadd.s32 v1, v4  }
0x5b: {  	v3 =	vperm.xlane v3, v2;
	_ =	sdelay $0x1  }
0x5c: {  	v3 =	vadd.s32 v1, v3;
	_ =	sdelay $0x1  }
0x5d: {  	[tilespmem:s20], [sflag:$0x1] =	stream.indirect_vreg.gather [hbm4b:s3+s1], $0x80, v4, vm0, $0xb8;
	[tilespmem:$0x17000] =	vst v63  }
.Ltmp2:
0x5e: {  	_ = 	snop;
	(pc) =	sbr.rel .LBB2_2-.Ltmp2, $4  }
0x5f: {  	s30 =	rddreg [dreg:$0x6]  }
0x60: {  	[tilespmem:s21], [sflag:$0x1] =	stream.indirect_vreg.gather [hbm4b:s3+s1], $0x80, v3, vm0, $0xb8;
	[tilespmem:$0x17000] =	vst v63  }
0x61: {  	s0 =	simm.s32 $0x0;
	s31 =	rddreg [dreg:$0x5];
	s2 =	simm.s32 $0x0  }
0x62: {  	[tilespmem:s23], [sflag:$0x1] =	stream.indirect.gather [hbm4b:s4+s22], $0x80, s5, s22, $0xb8;
	[tilespmem:$0x17000] =	vst v63  }
.LBB2_10:
0x63: {  	_ =	swait.ge [sflag:s24], $0x5000  }
0x64: {  	[sflag:s24] =	ssyncset.done $0x0  }
0x65: {  	[sflag:s24] =	ssyncadd.s32 $0xFFFFB000  }
0x66: {  	_ =	swait.ge [sflag:s24], $0x2800  }
0x67: {  	[sflag:s24] =	ssyncset.done $0x0  }
0x68: {  	[sflag:s24] =	ssyncadd.s32 $0xFFFFD800  }
0x69: {  	[hbm4b:s31+s1] =	stream.linear.scatter [tilespmem:s25], [sflag:$0x4], $0x5000, $0x38;
	[tilespmem:$0x17000] =	vst v63  }
0x6a: {  	_ = 	snop  }
0x6b: {  	[hbm4b:s30+s1] =	stream.linear.scatter [tilespmem:s26], [sflag:$0x4], $0x2800, $0x38;
	[tilespmem:$0x17000] =	vst v63  }
.LBB2_11:
0x6c: {  	s0 =	sadd.s32 $0x200, s0  }
0x6d: {  	p0 =	sne.s32 s0, $0xFA00  }
.Ltmp3:
0x6e: {  	_ = 	snop;
	(pc) =	sbr.rel @!p0 .LBB2_12-.Ltmp3, $2  }
0x6f: {  	_ =	sdelay $0x2  }
0x70: {  	s2 =	sadd.s32 $0x1, s2;
	s31 =	sadd.s32 $0xA00, s31;
	s30 =	sadd.s32 $0x500, s30  }
.LBB2_2:
0x71: {  	s5 =	sand.u32 $0x1, s2  }
0x72: {  	p0 =	seq.s32 s5, $0x1  }
.Ltmp4:
0x73: {  	_ = 	snop;
	(pc) =	sbr.rel @p0 .LBB2_8-.Ltmp4, $1  }
0x74: {  	_ =	sdelay $0x3  }
0x75: {  	p0 =	seq.s32 s2, $0x0  }
.Ltmp5:
0x76: {  	_ = 	snop;
	(pc) =	sbr.rel @p0 .LBB2_6-.Ltmp5, $1  }
0x77: {  	_ =	sdelay $0x3  }
0x78: {  	p0 =	seq.s32 s2, $0x7C  }
.Ltmp6:
0x79: {  	_ = 	snop;
	(pc) =	sbr.rel @p0 .LBB2_7-.Ltmp6, $1  }
0x7a: {  	_ =	sdelay $0x3  }
0x7b: {  	_ =	swait.ge [sflag:s29], $0x5000  }
0x7c: {  	[sflag:s29] =	ssyncset.done $0x0  }
0x7d: {  	[sflag:s29] =	ssyncadd.s32 $0xFFFFB000  }
0x7e: {  	_ =	swait.ge [sflag:s29], $0x2800  }
0x7f: {  	[sflag:s29] =	ssyncset.done $0x0  }
0x80: {  	[sflag:s29] =	ssyncadd.s32 $0xFFFFD800  }
.LBB2_6:
0x81: {  	s6 =	sshra.s32 s0, $0x2  }
0x82: {  	v3 =	vld [tilespmem:s6+$0x80];
	_ =	sdelay $0x4  }
0x83: {  	v4 =	vshll.u32 v3, $0x1  }
0x84: {  	v3 =	vand.u32 $0x7, v3;
	v4 =	vand.u32 $0xFFFFFFF0, v4  }
0x85: {  	v3 =	vor.u32 v3, v4  }
0x86: {  	v4 =	vperm.xlane v3, v0;
	_ =	sdelay $0x1  }
0x87: {  	v3 =	vperm.xlane v3, v2;
	v4 =	vadd.s32 v1, v4;
	_ =	sdelay $0x1  }
0x88: {  	v3 =	vadd.s32 v1, v3;
	_ =	sdelay $0x2  }
0x89: {  	[tilespmem:s25], [sflag:$0x2] =	stream.indirect_vreg.gather [hbm4b:s3+s1], $0x80, v4, vm0, $0xb8;
	[tilespmem:$0x17000] =	vst v63  }
0x8a: {  	s11 =	simm.s32 $0xD800  }
0x8b: {  	[tilespmem:s11], [sflag:$0x2] =	stream.indirect_vreg.gather [hbm4b:s3+s1], $0x80, v3, vm0, $0xb8;
	[tilespmem:$0x17000] =	vst v63  }
0x8c: {  	v3 =	vld [tilespmem:s6+$0x90];
	_ =	sdelay $0x4  }
0x8d: {  	v60 =	vshll.u32 v3, $0x1  }
0x8e: {  	v3 =	vand.u32 $0x7, v3;
	v4 =	vand.u32 $0xFFFFFFF0, v60  }
0x8f: {  	v3 =	vor.u32 v3, v4  }
0x90: {  	v4 =	vperm.xlane v3, v0;
	_ =	sdelay $0x1  }
0x91: {  	v3 =	vperm.xlane v3, v2;
	v4 =	vadd.s32 v1, v4;
	_ =	sdelay $0x1  }
0x92: {  	v3 =	vadd.s32 v1, v3;
	_ =	sdelay $0x1  }
0x93: {  	s11 =	simm.s32 $0xE000  }
0x94: {  	[tilespmem:s11], [sflag:$0x2] =	stream.indirect_vreg.gather [hbm4b:s3+s1], $0x80, v4, vm0, $0xb8;
	[tilespmem:$0x17000] =	vst v63  }
0x95: {  	s11 =	simm.s32 $0xE800  }
0x96: {  	[tilespmem:s11], [sflag:$0x2] =	stream.indirect_vreg.gather [hbm4b:s3+s1], $0x80, v3, vm0, $0xb8;
	[tilespmem:$0x17000] =	vst v63  }
0x97: {  	v3 =	vld [tilespmem:s6+$0xA0];
	_ =	sdelay $0x4  }
0x98: {  	v61 =	vshll.u32 v3, $0x1  }
0x99: {  	v3 =	vand.u32 $0x7, v3;
	v4 =	vand.u32 $0xFFFFFFF0, v61  }
0x9a: {  	v3 =	vor.u32 v3, v4  }
0x9b: {  	v4 =	vperm.xlane v3, v0;
	_ =	sdelay $0x1  }
0x9c: {  	v3 =	vperm.xlane v3, v2;
	v4 =	vadd.s32 v1, v4;
	_ =	sdelay $0x1  }
0x9d: {  	v3 =	vadd.s32 v1, v3;
	_ =	sdelay $0x1  }
0x9e: {  	s11 =	simm.s32 $0xF000  }
0x9f: {  	[tilespmem:s11], [sflag:$0x2] =	stream.indirect_vreg.gather [hbm4b:s3+s1], $0x80, v4, vm0, $0xb8;
	[tilespmem:$0x17000] =	vst v63  }
0xa0: {  	s11 =	simm.s32 $0xF800  }
0xa1: {  	[tilespmem:s11], [sflag:$0x2] =	stream.indirect_vreg.gather [hbm4b:s3+s1], $0x80, v3, vm0, $0xb8;
	[tilespmem:$0x17000] =	vst v63  }
0xa2: {  	v3 =	vld [tilespmem:s6+$0xB0];
	_ =	sdelay $0x4  }
0xa3: {  	v62 =	vshll.u32 v3, $0x1  }
0xa4: {  	v3 =	vand.u32 $0x7, v3;
	v4 =	vand.u32 $0xFFFFFFF0, v62  }
0xa5: {  	v3 =	vor.u32 v3, v4  }
0xa6: {  	v4 =	vperm.xlane v3, v0;
	_ =	sdelay $0x1  }
0xa7: {  	v3 =	vperm.xlane v3, v2;
	v4 =	vadd.s32 v1, v4;
	_ =	sdelay $0x1  }
0xa8: {  	v3 =	vadd.s32 v1, v3;
	_ =	sdelay $0x1  }
0xa9: {  	s11 =	simm.s32 $0x10000  }
0xaa: {  	[tilespmem:s11], [sflag:$0x2] =	stream.indirect_vreg.gather [hbm4b:s3+s1], $0x80, v4, vm0, $0xb8;
	[tilespmem:$0x17000] =	vst v63  }
0xab: {  	s11 =	simm.s32 $0x10800  }
0xac: {  	[tilespmem:s11], [sflag:$0x2] =	stream.indirect_vreg.gather [hbm4b:s3+s1], $0x80, v3, vm0, $0xb8;
	[tilespmem:$0x17000] =	vst v63  }
0xad: {  	v3 =	vld [tilespmem:s6+$0xC0];
	_ =	sdelay $0x4  }
0xae: {  	v63 =	vshll.u32 v3, $0x1  }
0xaf: {  	v3 =	vand.u32 $0x7, v3;
	v4 =	vand.u32 $0xFFFFFFF0, v63  }
0xb0: {  	v3 =	vor.u32 v3, v4  }
0xb1: {  	v4 =	vperm.xlane v3, v0;
	_ =	sdelay $0x1  }
0xb2: {  	v3 =	vperm.xlane v3, v2;
	v4 =	vadd.s32 v1, v4;
	_ =	sdelay $0x1  }
0xb3: {  	v3 =	vadd.s32 v1, v3;
	_ =	sdelay $0x2  }
0xb4: {  	[tilespmem:s7], [sflag:$0x2] =	stream.indirect_vreg.gather [hbm4b:s3+s1], $0x80, v4, vm0, $0xb8;
	[tilespmem:$0x17000] =	vst v63  }
0xb5: {  	_ = 	snop  }
0xb6: {  	[tilespmem:s8], [sflag:$0x2] =	stream.indirect_vreg.gather [hbm4b:s3+s1], $0x80, v3, vm0, $0xb8;
	[tilespmem:$0x17000] =	vst v63  }
0xb7: {  	s6 =	sadd.s32 $0x4080, s6  }
0xb8: {  	[tilespmem:s26], [sflag:$0x2] =	stream.indirect.gather [hbm4b:s4+s22], $0x80, s6, s22, $0xb8;
	[tilespmem:$0x17000] =	vst v63  }
.LBB2_7:
0xb9: {  	_ =	swait.ge [sflag:s9], $0x5000  }
0xba: {  	[sflag:s9] =	ssyncset.done $0x0  }
0xbb: {  	[sflag:s9] =	ssyncadd.s32 $0xFFFFB000  }
0xbc: {  	p0 =	seq.s32 s5, $0x0;
	_ =	swait.ge [sflag:s9], $0x2800  }
.Ltmp7:
0xbd: {  	[sflag:s9] =	ssyncset.done $0x0;
	(pc) =	sbr.rel @p0 .LBB2_11-.Ltmp7, $4  }
0xbe: {  	[sflag:s9] =	ssyncadd.s32 $0xFFFFD800  }
0xbf: {  	[hbm4b:s31+s1] =	stream.linear.scatter [tilespmem:s12], [sflag:$0x3], $0x5000, $0x38;
	[tilespmem:$0x17000] =	vst v63  }
0xc0: {  	_ = 	snop  }
0xc1: {  	[hbm4b:s30+s1] =	stream.linear.scatter [tilespmem:s23], [sflag:$0x3], $0x2800, $0x38;
	[tilespmem:$0x17000] =	vst v63  }
.LBB2_8:
0xc2: {  	p0 =	seq.s32 s0, $0xF800  }
.Ltmp8:
0xc3: {  	_ = 	snop;
	(pc) =	sbr.rel @p0 .LBB2_10-.Ltmp8, $1  }
0xc4: {  	_ =	sdelay $0x3  }
0xc5: {  	_ =	swait.ge [sflag:s28], $0x5000  }
0xc6: {  	[sflag:s28] =	ssyncset.done $0x0  }
0xc7: {  	[sflag:s28] =	ssyncadd.s32 $0xFFFFB000  }
0xc8: {  	_ =	swait.ge [sflag:s28], $0x2800  }
0xc9: {  	[sflag:s28] =	ssyncset.done $0x0  }
0xca: {  	s5 =	sshra.s32 s0, $0x2;
	[sflag:s28] =	ssyncadd.s32 $0xFFFFD800  }
0xcb: {  	v3 =	vld [tilespmem:s5+$0x80];
	_ =	sdelay $0x4  }
0xcc: {  	v4 =	vshll.u32 v3, $0x1  }
0xcd: {  	v3 =	vand.u32 $0x7, v3;
	v4 =	vand.u32 $0xFFFFFFF0, v4  }
0xce: {  	v3 =	vor.u32 v3, v4  }
0xcf: {  	v4 =	vperm.xlane v3, v0;
	_ =	sdelay $0x1  }
0xd0: {  	v3 =	vperm.xlane v3, v2;
	v4 =	vadd.s32 v1, v4;
	_ =	sdelay $0x1  }
0xd1: {  	v3 =	vadd.s32 v1, v3;
	_ =	sdelay $0x2  }
0xd2: {  	[tilespmem:s12], [sflag:$0x1] =	stream.indirect_vreg.gather [hbm4b:s3+s1], $0x80, v4, vm0, $0xb8;
	[tilespmem:$0x17000] =	vst v63  }
0xd3: {  	_ = 	snop  }
0xd4: {  	[tilespmem:s13], [sflag:$0x1] =	stream.indirect_vreg.gather [hbm4b:s3+s1], $0x80, v3, vm0, $0xb8;
	[tilespmem:$0x17000] =	vst v63  }
0xd5: {  	v3 =	vld [tilespmem:s5+$0x90];
	_ =	sdelay $0x4  }
0xd6: {  	v60 =	vshll.u32 v3, $0x1  }
0xd7: {  	v3 =	vand.u32 $0x7, v3;
	v4 =	vand.u32 $0xFFFFFFF0, v60  }
0xd8: {  	v3 =	vor.u32 v3, v4  }
0xd9: {  	v4 =	vperm.xlane v3, v0;
	_ =	sdelay $0x1  }
0xda: {  	v3 =	vperm.xlane v3, v2;
	v4 =	vadd.s32 v1, v4;
	_ =	sdelay $0x1  }
0xdb: {  	v3 =	vadd.s32 v1, v3;
	_ =	sdelay $0x2  }
0xdc: {  	[tilespmem:s14], [sflag:$0x1] =	stream.indirect_vreg.gather [hbm4b:s3+s1], $0x80, v4, vm0, $0xb8;
	[tilespmem:$0x17000] =	vst v63  }
0xdd: {  	_ = 	snop  }
0xde: {  	[tilespmem:s15], [sflag:$0x1] =	stream.indirect_vreg.gather [hbm4b:s3+s1], $0x80, v3, vm0, $0xb8;
	[tilespmem:$0x17000] =	vst v63  }
0xdf: {  	v3 =	vld [tilespmem:s5+$0xA0];
	_ =	sdelay $0x4  }
0xe0: {  	v61 =	vshll.u32 v3, $0x1  }
0xe1: {  	v3 =	vand.u32 $0x7, v3;
	v4 =	vand.u32 $0xFFFFFFF0, v61  }
0xe2: {  	v3 =	vor.u32 v3, v4  }
0xe3: {  	v4 =	vperm.xlane v3, v0;
	_ =	sdelay $0x1  }
0xe4: {  	v3 =	vperm.xlane v3, v2;
	v4 =	vadd.s32 v1, v4;
	_ =	sdelay $0x1  }
0xe5: {  	v3 =	vadd.s32 v1, v3;
	_ =	sdelay $0x2  }
0xe6: {  	[tilespmem:s16], [sflag:$0x1] =	stream.indirect_vreg.gather [hbm4b:s3+s1], $0x80, v4, vm0, $0xb8;
	[tilespmem:$0x17000] =	vst v63  }
0xe7: {  	_ = 	snop  }
0xe8: {  	[tilespmem:s17], [sflag:$0x1] =	stream.indirect_vreg.gather [hbm4b:s3+s1], $0x80, v3, vm0, $0xb8;
	[tilespmem:$0x17000] =	vst v63  }
0xe9: {  	v3 =	vld [tilespmem:s5+$0xB0];
	_ =	sdelay $0x4  }
0xea: {  	v62 =	vshll.u32 v3, $0x1  }
0xeb: {  	v3 =	vand.u32 $0x7, v3;
	v4 =	vand.u32 $0xFFFFFFF0, v62  }
0xec: {  	v3 =	vor.u32 v3, v4  }
0xed: {  	v4 =	vperm.xlane v3, v0;
	_ =	sdelay $0x1  }
0xee: {  	v3 =	vperm.xlane v3, v2;
	v4 =	vadd.s32 v1, v4;
	_ =	sdelay $0x1  }
0xef: {  	v3 =	vadd.s32 v1, v3;
	_ =	sdelay $0x2  }
0xf0: {  	[tilespmem:s18], [sflag:$0x1] =	stream.indirect_vreg.gather [hbm4b:s3+s1], $0x80, v4, vm0, $0xb8;
	[tilespmem:$0x17000] =	vst v63  }
0xf1: {  	_ = 	snop  }
0xf2: {  	[tilespmem:s19], [sflag:$0x1] =	stream.indirect_vreg.gather [hbm4b:s3+s1], $0x80, v3, vm0, $0xb8;
	[tilespmem:$0x17000] =	vst v63  }
0xf3: {  	v3 =	vld [tilespmem:s5+$0xC0];
	_ =	sdelay $0x4  }
0xf4: {  	v63 =	vshll.u32 v3, $0x1  }
0xf5: {  	v3 =	vand.u32 $0x7, v3;
	v4 =	vand.u32 $0xFFFFFFF0, v63  }
0xf6: {  	v3 =	vor.u32 v3, v4  }
0xf7: {  	v4 =	vperm.xlane v3, v0;
	_ =	sdelay $0x1  }
0xf8: {  	v4 =	vadd.s32 v1, v4  }
0xf9: {  	v3 =	vperm.xlane v3, v2;
	_ =	sdelay $0x1  }
0xfa: {  	v3 =	vadd.s32 v1, v3;
	_ =	sdelay $0x1  }
0xfb: {  	[tilespmem:s20], [sflag:$0x1] =	stream.indirect_vreg.gather [hbm4b:s3+s1], $0x80, v4, vm0, $0xb8;
	[tilespmem:$0x17000] =	vst v63  }
.Ltmp9:
0xfc: {  	_ = 	snop;
	(pc) =	sbr.rel .LBB2_10-.Ltmp9, $4  }
0xfd: {  	_ = 	snop  }
0xfe: {  	[tilespmem:s21], [sflag:$0x1] =	stream.indirect_vreg.gather [hbm4b:s3+s1], $0x80, v3, vm0, $0xb8;
	[tilespmem:$0x17000] =	vst v63  }
0xff: {  	s5 =	sadd.s32 $0x4080, s5  }
0x100: {  	[tilespmem:s23], [sflag:$0x1] =	stream.indirect.gather [hbm4b:s4+s22], $0x80, s5, s22, $0xb8;
	[tilespmem:$0x17000] =	vst v63  }
.LBB2_13:
0x101: {  	_ =	sfence.sel $0x180000  }
0x102: {  	[bflag:$0x0] =	sbarrier.arrive $0xFFFF  }
0x103: {  	_ =	strace $0x90000047  }
0x104: {  	s0 =	stileid.u32;
	[bflag:$0x2] =	sbarrier.arrive $0xFFFF  }
0x105: {  	p0 =	sne.s32 s0, $0x0;
	s0 =	rddreg [dreg:$0x1]  }
0x106: {  	s0 =	sadd.s32 @!p0 $0x100000, s0  }
0x107: {  	[sflag:s0] =	ssyncadd.tile.s32 @!p0 $0x1;
	_ =	shalt  }
.Lfunc_end2:
_tile_overlayer_lowered:
.L_overlay_start_2:
0x108: {  	(tag) =	ssettag $0x2  }
0x109: {  	s0 =	rddreg [dreg:$0x0];
	s2 =	stileid.u32  }
0x10a: {  	s1 =	rddreg [dreg:$0x1];
	p0 =	sne.s32 s2, $0x0  }
0x10b: {  	s3 =	rddreg [dreg:$0x2];
	[bflag:$0x3] =	sbarrier.arrive $0xFFFF;
	s2 =	simm.s32 @!p0 $0x1C05  }
0x10c: {  	[timem:s3], [sflag:s2] =	dma.local @!p0 [hbm:s0], s1  }
0x10d: {  	s0 =	simm.s32 @!p0 $0x5  }
0x10e: {  	_ =	swait.ge @!p0 [sflag:s0], s1  }
0x10f: {  	s1 =	ssub.s32 @!p0 $0x0, s1;
	[sflag:s0] =	ssyncset.done @!p0 $0x0  }
0x110: {  	[sflag:s0] =	ssyncadd.s32 @!p0 s1  }
0x111: {  	[bflag:$0x3] =	sbarrier.arrive $0xFFFF  }
0x112: {  	_ =	shalt  }

// kernel: kernel.36.cloned.1.call-start
scs
__scs_entry_jumppad:
0x0: {  	(pc) =	sbr.rel $0x88, $3  }
0x1: {  	(tag) =	ssettag $0x0;
	lr =	simm.s32 $0x1  }
0x2: {  	[smem:$0x3F24] =	sst lr;
	_ =	strace $0xD0000000  }
0x3: {  	_ = 	snop  }
0x4: {  	_ = 	snop  }
0x5: {  	_ = 	snop  }
0x6: {  	_ = 	snop  }
0x7: {  	_ = 	snop  }
__scs_overlays_trampoline_lowered:
0x8: {  	[smem:$0x3F33] =	sst s0  }
0x9: {  	[smem:$0x3F34] =	sst s1  }
0xa: {  	[smem:$0x3F35] =	sst s2  }
0xb: {  	[smem:$0x3F36] =	sst s3  }
0xc: {  	[smem:$0x3F37] =	sst s4  }
0xd: {  	[smem:$0x3F38] =	sst s5  }
0xe: {  	[smem:$0x3F39] =	sst s6  }
0xf: {  	[smem:$0x3F3A] =	sst s7  }
0x10: {  	[smem:$0x3F3B] =	sst s8  }
0x11: {  	[smem:$0x3F3C] =	sst s9;
	s0 =	simm.s32 @!p0 $0x0  }
0x12: {  	s1 =	sld [smem:$0x3F22];
	s0 =	simm.s32 @p0 $0x1  }
0x13: {  	[smem:$0x3F3D] =	sst s0;
	s0 =	simm.s32 @!p1 $0x0  }
0x14: {  	s2 =	sld [smem:$0x3F21];
	s0 =	simm.s32 @p1 $0x1  }
0x15: {  	[smem:$0x3F3E] =	sst s0;
	s0 =	simm.s32 @!p2 $0x0  }
0x16: {  	s3 =	sld [smem:$0x3FDB];
	s0 =	simm.s32 @p2 $0x1  }
0x17: {  	s4 =	simm.s32 $0x1BF5;
	[smem:$0x3F40] =	sst s0  }
0x18: {  	s0 =	sld [smem:$0x3F23];
	_ =	swait.ge [sflag:s4], $0x0  }
0x19: {  	s7 =	sld [smem:$0x3F24]  }
0x1a: {  	s8 =	sadd.s32 $0xFFFFE003, lr  }
0x1b: {  	s9 =	sadd.s32 $0xFFFFFEF7, lr;
	s5 =	simm.s32 $0xFFFFFFFF;
	p2 =	slt.u32 s8, $0xFFFFF086  }
0x1c: {  	p1 =	slt.u32 s9, $0xF7A;
	s5 =	simm.s32 @!p2 $0x0  }
0x1d: {  	s5 =	simm.s32 @p1 $0x1;
	p0 =	seq.s32 s7, s2  }
0x1e: {  	s7 =	smul.u32 @!p0 $0xF7A, s2;
	p2 =	seq.s32 @!p0 s5, $0x0  }
0x1f: {  	s9 =	smul.u32 $0xF7A, s1;
	s8 =	simm.s32 @!p0 $0x1BF5;
	p2 =	por !p2, p0  }
0x20: {  	[sflag:s8] =	ssyncset.s32 @!p0 $0xFFFFF086;
	s6 =	sadd.s32 @!p0 s3, s7;
	s7 =	simm.s32 @!p0 $0x108  }
0x21: {  	s3 =	sadd.s32 s3, s9;
	s6 =	sadd.s32 @!p0 $0x88, s6;
	s7 =	simm.s32 @p2 $0x1082  }
0x22: {  	[simem:s7], [sflag:s8] =	dma.local @!p0 [hbm:s6], $0xF7A  }
0x23: {  	s9 =	sor.u32 $0xD0000000, s2;
	s6 =	simm.s32 $0x108;
	_ =	swait.ge @!p0 [sflag:s8], $0x0  }
0x24: {  	s3 =	sadd.s32 $0x88, s3;
	s6 =	simm.s32 @!p1 $0x1082;
	[sflag:s4] =	ssyncset.s32 $0xFFFFF086  }
0x25: {  	[simem:s6], [sflag:s4] =	dma.local [hbm:s3], $0xF7A  }
0x26: {  	[smem:$0x3F24] =	sst s1;
	(tag) =	ssettag s2;
	_ =	strace s9  }
0x27: {  	s1 =	sld [smem:$0x3F34]  }
0x28: {  	s2 =	sld [smem:$0x3F35]  }
0x29: {  	s4 =	sld [smem:$0x3F37]  }
0x2a: {  	p0 =	seq.s32 s5, $0x0;
	s5 =	sld [smem:$0x3F38]  }
0x2b: {  	s6 =	sld [smem:$0x3F39]  }
0x2c: {  	s7 =	sld [smem:$0x3F3A]  }
0x2d: {  	s3 =	simm.s32 $0x108;
	s8 =	sld [smem:$0x3F3B]  }
0x2e: {  	s3 =	simm.s32 @!p0 $0x1082;
	s9 =	sld [smem:$0x3F3C]  }
0x2f: {  	lr =	sadd.s32 s0, s3;
	s0 =	sld [smem:$0x3F33]  }
0x30: {  	s3 =	sld [smem:$0x3F36]  }
0x31: {  	[smem:$0x3F3F] =	sst s10  }
0x32: {  	s10 =	sld [smem:$0x3F3D];
	_ =	sdelay $0x3  }
0x33: {  	p0 =	seq.s32 s10, $0x1;
	s10 =	sld [smem:$0x3F3F];
	_ =	sdelay $0x3  }
0x34: {  	[smem:$0x3F3F] =	sst s10  }
0x35: {  	s10 =	sld [smem:$0x3F3E];
	_ =	sdelay $0x3  }
0x36: {  	p1 =	seq.s32 s10, $0x1;
	s10 =	sld [smem:$0x3F3F];
	_ =	sdelay $0x3  }
0x37: {  	[smem:$0x3F3F] =	sst s10  }
0x38: {  	s10 =	sld [smem:$0x3F40]  }
0x39: {  	_ = 	snop;
	(pc) =	sbr.ind lr, $3  }
0x3a: {  	_ = 	snop  }
0x3b: {  	_ = 	snop  }
0x3c: {  	p2 =	seq.s32 s10, $0x1;
	s10 =	sld [smem:$0x3F3F]  }
0x3d: {  	_ =	shalt  }
0x3e: {  	_ =	shalt  }
0x3f: {  	_ =	shalt  }
0x40: {  	_ =	shalt  }
0x41: {  	_ =	shalt  }
0x42: {  	_ =	shalt  }
0x43: {  	_ =	shalt  }
0x44: {  	_ =	shalt  }
0x45: {  	_ =	shalt  }
0x46: {  	_ =	shalt  }
0x47: {  	_ =	shalt  }
0x48: {  	_ =	shalt  }
0x49: {  	_ =	shalt  }
0x4a: {  	_ =	shalt  }
0x4b: {  	_ =	shalt  }
0x4c: {  	_ =	shalt  }
0x4d: {  	_ =	shalt  }
0x4e: {  	_ =	shalt  }
0x4f: {  	_ =	shalt  }
0x50: {  	_ =	shalt  }
0x51: {  	_ =	shalt  }
0x52: {  	_ =	shalt  }
0x53: {  	_ =	shalt  }
0x54: {  	_ =	shalt  }
0x55: {  	_ =	shalt  }
0x56: {  	_ =	shalt  }
0x57: {  	_ =	shalt  }
0x58: {  	_ =	shalt  }
0x59: {  	_ =	shalt  }
0x5a: {  	_ =	shalt  }
0x5b: {  	_ =	shalt  }
0x5c: {  	_ =	shalt  }
0x5d: {  	_ =	shalt  }
0x5e: {  	_ =	shalt  }
0x5f: {  	_ =	shalt  }
0x60: {  	_ =	shalt  }
0x61: {  	_ =	shalt  }
0x62: {  	_ =	shalt  }
0x63: {  	_ =	shalt  }
0x64: {  	_ =	shalt  }
0x65: {  	_ =	shalt  }
0x66: {  	_ =	shalt  }
0x67: {  	_ =	shalt  }
0x68: {  	_ =	shalt  }
0x69: {  	_ =	shalt  }
0x6a: {  	_ =	shalt  }
0x6b: {  	_ =	shalt  }
0x6c: {  	_ =	shalt  }
0x6d: {  	_ =	shalt  }
0x6e: {  	_ =	shalt  }
0x6f: {  	_ =	shalt  }
0x70: {  	_ =	shalt  }
0x71: {  	_ =	shalt  }
0x72: {  	_ =	shalt  }
0x73: {  	_ =	shalt  }
0x74: {  	_ =	shalt  }
0x75: {  	_ =	shalt  }
0x76: {  	_ =	shalt  }
0x77: {  	_ =	shalt  }
0x78: {  	_ =	shalt  }
0x79: {  	_ =	shalt  }
0x7a: {  	_ =	shalt  }
0x7b: {  	_ =	shalt  }
0x7c: {  	_ =	shalt  }
0x7d: {  	_ =	shalt  }
0x7e: {  	_ =	shalt  }
0x7f: {  	_ =	shalt  }
0x80: {  	_ =	shalt  }
0x81: {  	_ =	shalt  }
0x82: {  	_ =	shalt  }
0x83: {  	_ =	shalt  }
0x84: {  	_ =	shalt  }
0x85: {  	_ =	shalt  }
0x86: {  	_ =	shalt  }
0x87: {  	_ =	shalt  }
.Lfunc_end0:
.L_simem_size_0:
called_computation.2_lowered:
.L_overlay_start_0:
0x88: {  	s2 =	sld [smem:$0x3FD9]  }
0x89: {  	s3 =	sld [smem:$0x3FFE];
	_ =	sdelay $0x1  }
0x8a: {  	s1 =	srdreg.scid  }
0x8b: {  	s0 =	sand.u32 $0x1, s1  }
0x8c: {  	s17 =	sshll.u32 s0, $0xA;
	s2 =	sadd.s32 s3, s2  }
0x8d: {  	s2 =	sadd.s32 s2, s17  }
0x8e: {  	[smem:$0x3F4B] =	sst s2  }
0x8f: {  	_ = 	snop  }
0x90: {  	(tm) =	ssettm $0x1  }
0x91: {  	s18 =	sld [smem:$0x3FFB];
	_ =	sdelay $0x3  }
0x92: {  	_ =	strace s18  }
0x93: {  	s2 =	sld [smem:$0x3FFC];
	_ =	sdelay $0x3  }
0x94: {  	_ =	strace s2  }
0x95: {  	s2 =	sld [smem:$0x3FFD];
	_ =	sdelay $0x3  }
0x96: {  	_ =	strace s2  }
0x97: {  	_ =	strace $0x8FFFFFFF  }
0x98: {  	s19 =	sld [smem:$0x3FDB];
	_ =	sdelay $0x1  }
0x99: {  	s20 =	simm.s32 $_scs_section_size  }
0x9a: {  	s4 =	simm.s32 $_size__tile_overlayer_lowered;
	s5 =	simm.s32 $_tile_overlayer_lowered  }
0x9b: {  	s6 =	simm.s32 $0x1BFF;
	s21 =	sshll.u32 s5, $0x1;
	s3 =	sadd.s32 s20, s19  }
0x9c: {  	s22 =	simm.s32 $0x0;
	s4 =	sshll.u32 s4, $0x1;
	s5 =	sadd.s32 s21, s3  }
0x9d: {  	[timem:s22], [sflag:s6] =	dma.local [hbm:s5], s4  }
0x9e: {  	_ =	swait.ge [sflag:s6], s4  }
0x9f: {  	s4 =	ssub.s32 $0x0, s4;
	[sflag:s6] =	ssyncset.done $0x0  }
0xa0: {  	[sflag:s6] =	ssyncadd.s32 s4;
	_ =	sdelay $0x1  }
0xa1: {  	s23 =	simm.s32 $0x1B8B  }
0xa2: {  	_ =	swait.ge [sflag:s23], $0x1  }
0xa3: {  	[sflag:s23] =	ssyncset.done $0x0  }
0xa4: {  	[sflag:s23] =	ssyncadd.s32 $0xFFFFFFFF  }
0xa5: {  	s4 =	sld [smem:$0x0]  }
0xa6: {  	s5 =	sand.u32 $0xFFFFFFFE, s1  }
0xa7: {  	p0 =	sne.s32 s1, s5  }
0xa8: {  	s5 =	sshll.u32 @p0 s5, $0xE  }
0xa9: {  	s5 =	sadd.s32 @p0 $0x11B8D, s5;
	s6 =	sshll.u32 @p0 s4, $0x11  }
0xaa: {  	s5 =	sor.u32 @p0 s6, s5  }
0xab: {  	[sflag:s5] =	ssyncadd.remote.s32 @p0 $0x1;
	_ =	sdelay $0x1  }
0xac: {  	s5 =	simm.s32 @p0 $0x1B8D  }
0xad: {  	_ =	swait.eq @p0 [sflag:s5], $0x1  }
0xae: {  	[sflag:s5] =	ssyncadd.s32 @p0 $0xFFFFFFFF  }
0xaf: {  	s6 =	sshll.u32 @!p0 s1, $0xE  }
0xb0: {  	s6 =	sor.u32 @!p0 $0x4000, s6;
	s5 =	simm.s32 @!p0 $0x1B8D  }
0xb1: {  	s4 =	sshll.u32 @!p0 s4, $0x11;
	s6 =	sadd.s32 @!p0 $0x11B8D, s6;
	_ =	swait.eq @!p0 [sflag:s5], $0x1  }
0xb2: {  	s4 =	sor.u32 @!p0 s4, s6;
	[sflag:s5] =	ssyncadd.s32 @!p0 $0xFFFFFFFF  }
0xb3: {  	s25 =	simm.s32 $0x1B8E;
	s24 =	sld [smem:$0x3FFE];
	[sflag:s4] =	ssyncadd.remote.s32 @!p0 $0x1  }
0xb4: {  	s26 =	simm.s32 $execute0_lowered;
	[smem:$0x3FD2] =	sst s25  }
0xb5: {  	s5 =	sshll.u32 s26, $0x1;
	_ =	strace $0x8000004C;
	[dreg:$0x1] =	wrdreg $0xFFFFFFFF  }
0xb6: {  	s28 =	simm.s32 $_size_execute0_lowered;
	s3 =	sadd.s32 s3, s5;
	[dreg:$0x0] =	wrdreg $0x0  }
0xb7: {  	s5 =	sshll.u32 s28, $0x1;
	[dreg:$0x2] =	wrdreg s3  }
0xb8: {  	[dreg:$0x3] =	wrdreg s5  }
0xb9: {  	[dreg:$0x4] =	wrdreg $0xC0  }
0xba: {  	_ =	task [dreg:s22], $0x5FFFF  }
0xbb: {  	[dreg:$0x1] =	wrdreg $0xFFFFFFFF  }
0xbc: {  	[dreg:$0x0] =	wrdreg $0x60  }
0xbd: {  	[dreg:$0x2] =	wrdreg s24  }
0xbe: {  	[dreg:$0x3] =	wrdreg $0x90000  }
0xbf: {  	[dreg:$0x4] =	wrdreg $0xA  }
0xc0: {  	_ =	task.clear_ibuf [dreg:s22], $0x5FFFF;
	_ =	strace $0x9000004C  }
0xc1: {  	s29 =	simm.s32 $0xA;
	_ =	strace $0x8000004E  }
0xc2: {  	_ =	swait.ge [sflag:s29], $0x1  }
0xc3: {  	[sflag:s29] =	ssyncadd.s32 $0xFFFFFFFF  }
0xc4: {  	_ =	strace $0x9000004E  }
0xc5: {  	_ =	sfence  }
0xc6: {  	s30 =	sld [smem:$0x0];
	_ =	sdelay $0x2  }
0xc7: {  	s31 =	sshll.u32 s1, $0xD;
	s1 =	sshrl.u32 s1, $0x2  }
0xc8: {  	s4 =	sand.u32 $0x4000, s31;
	s1 =	sadd.s32 s1, s30  }
0xc9: {  	s0 =	sor.u32 s4, s0;
	s1 =	sshll.u32 s1, $0x11  }
0xca: {  	s0 =	sor.u32 s1, s0  }
0xcb: {  	s0 =	sadd.s32 $0x8F2B, s0  }
0xcc: {  	[sflag:s0] =	ssyncadd.remote.s32 $0x1  }
0xcd: {  	_ =	sfence.sel $0xFFFF  }
0xce: {  	[dreg:$0x0] =	wrdreg $0xFFFFFFFF;
	(pc) =	sbr.abs _section_cstart, $3  }
0xcf: {  	[dreg:$0x1] =	wrdreg $0xFFFFFFFF  }
0xd0: {  	_ =	task.clear_ibuf [dreg:s22], $0x2FFFF;
	_ =	strace $0x9FFFFFFF  }
0xd1: {  	(tm) =	ssettm $0x7FFFFFFF  }
tec
execute0_lowered:
.L_overlay_start_1:
0x0: {  	(tag) =	ssettag $0x1  }
0x1: {  	s4 =	rddreg [dreg:$0x0]  }
0x2: {  	s1 =	rddreg [dreg:$0x1]  }
0x3: {  	s0 =	rddreg [dreg:$0x2];
	s2 =	simm.s32 $0x0;
	s3 =	srdreg.scid  }
0x4: {  	s8 =	stileid.u32;
	s14 =	simm.s32 $0x3E00;
	s15 =	simm.s32 $0x4  }
0x5: {  	s16 =	simm.s32 $0x0;
	[smem:$0x7FF] =	sst s2;
	s3 =	sand.u32 $0x1, s3  }
0x6: {  	s5 =	sshll.u32 s8, $0x1;
	s7 =	sadd.s32 $0x60800, s4;
	s12 =	smul.u32 $0x4E200, s8  }
0x7: {  	p0 =	sne.s32 s8, $0x0;
	_ =	strace $0x8000004D;
	s5 =	sor.u32 s3, s5  }
0x8: {  	s9 =	smul.u32 $0x27100, s3;
	s10 =	ssub.s32 $0x2, s3;
	s3 =	sadd.s32 $0xF7BA00, s4  }
0x9: {  	s6 =	sshll.u32 s5, $0xB;
	s5 =	smul.u32 $0x27100, s5;
	s11 =	sshrl.u32 s10, $0x1  }
0xa: {  	s31 =	sadd.s32 s12, s7;
	s12 =	simm.s32 $0x1;
	s6 =	sadd.s32 s6, s4  }
0xb: {  	s13 =	sadd.s32 s9, s4;
	s10 =	ssub.s32 s10, s11;
	s9 =	sadd.s32 s9, s31  }
0xc: {  	s11 =	simm.s32 $0x4000;
	s4 =	sadd.s32 $0x19400, s6;
	s5 =	sadd.s32 s7, s5  }
0xd: {  	s6 =	sadd.s32 $0xFF0E00, s13;
	s7 =	smax.u32 s10, $0x1;
	s8 =	sadd.s32 $0x500, s9  }
0xe: {  	s9 =	sshrl.u32 @!p0 s1, $0x3;
	s10 =	simm.s32 $0x3;
	s13 =	simm.s32 $0x50  }
.LBB2_1:
0xf: {  	s17 =	simm.s32 @!p0 $0x1C03  }
0x10: {  	[spmem:s9], [sflag:s17] =	dma.local @!p0 [hbm:s3], $0x27100  }
0x11: {  	s17 =	simm.s32 @!p0 $0x3  }
0x12: {  	_ =	swait.ge @!p0 [sflag:s17], $0x27100  }
0x13: {  	[sflag:s17] =	ssyncset.done @!p0 $0x0  }
0x14: {  	[sflag:s17] =	ssyncadd.s32 @!p0 $0xFFFD8F00  }
0x15: {  	[bflag:$0x0] =	sbarrier.arrive $0xFFFF  }
0x16: {  	[tilespmem:s2], [sflag:$0x3] =	stream.linear.gather [hbm4b:s4+s2], $0x3E80, $0x38;
	[tilespmem:$0x1C880] =	vst v63  }
0x17: {  	_ =	swait.ge [sflag:s10], $0x3E80  }
0x18: {  	s30 =	sand.u32 $0x1, s2;
	[sflag:s10] =	ssyncset.done $0x0  }
0x19: {  	p1 =	seq.s32 s30, $0x1;
	[sflag:s10] =	ssyncadd.s32 $0xFFFFC180  }
0x1a: {  	[tilespmem:s11], [sflag:$0x1] =	stream.linear.gather [hbm4b:s5+s2], $0x2800, $0x38;
	[tilespmem:$0x1C880] =	vst v63  }
0x1b: {  	s18 =	simm.s32 @p1 $0x4000;
	s19 =	simm.s32 @p1 $0x2;
	s17 =	simm.s32 @p1 $0x0  }
0x1c: {  	[tilespmem:s18], [sflag:$0x1] =	stream.linear.gather @p1 [hbm4b:s8+s17], $0x2800, $0x38;
	[tilespmem:$0x1C880] =	vst v63  }
0x1d: {  	_ =	swait.ge @p1 [sflag:s19], $0x2800  }
0x1e: {  	[sflag:s19] =	ssyncset.done @p1 $0x0  }
0x1f: {  	s17 =	simm.s32 @p1 $0x50;
	s18 =	simm.s32 @p1 $0x6800;
	[sflag:s19] =	ssyncadd.s32 @p1 $0xFFFFD800  }
0x20: {  	[spmem:s1] =	stream.indirect.scatter.add.f32 @p1 [tilespmem:s18], [sflag:$0x3], $0x80, s2, s17, $0xb8;
	[tilespmem:$0x1C880] =	vst v63  }
0x21: {  	s21 =	simm.s32 @!p1 $0x1;
	s17 =	simm.s32 @!p1 $0x0;
	s18 =	simm.s32 @!p1 $0x6800  }
0x22: {  	[tilespmem:s18], [sflag:$0x2] =	stream.linear.gather @!p1 [hbm4b:s8+s17], $0x2800, $0x38;
	[tilespmem:$0x1C880] =	vst v63  }
0x23: {  	s20 =	simm.s32 @!p1 $0x4;
	_ =	swait.ge @!p1 [sflag:s21], $0x2800  }
0x24: {  	s31 =	simm.s32 $0x1;
	s20 =	simm.s32 @p1 $0x3;
	[sflag:s21] =	ssyncset.done @!p1 $0x0  }
0x25: {  	s18 =	simm.s32 @!p1 $0x4000;
	[sflag:s21] =	ssyncadd.s32 @!p1 $0xFFFFD800;
	s21 =	simm.s32 @!p1 $0x50  }
0x26: {  	[spmem:s1] =	stream.indirect.scatter.add.f32 @!p1 [tilespmem:s18], [sflag:$0x4], $0x80, s2, s21, $0xb8;
	[tilespmem:$0x1C880] =	vst v63  }
0x27: {  	s19 =	simm.s32 $0x2;
	s17 =	sand.u32 $0x1, s31;
	s18 =	sadd.s32 $0x500, s8  }
0x28: {  	p1 =	seq.s32 s17, $0x1;
	s17 =	simm.s32 $0x80;
	_ =	swait.ge [sflag:s20], $0x2800  }
.LBB2_2:
0x29: {  	s21 =	simm.s32 @p1 $0x0;
	s22 =	simm.s32 @p1 $0x4000  }
0x2a: {  	[sflag:s20] =	ssyncset.done $0x0;
	s23 =	smov.u32 s19;
	s24 =	smov.u32 s18  }
0x2b: {  	s19 =	sadd.s32 $0x1, s19;
	s25 =	simm.s32 @p1 $0x2;
	[sflag:s20] =	ssyncadd.s32 $0xFFFFD800  }
0x2c: {  	[tilespmem:s22], [sflag:$0x1] =	stream.linear.gather @p1 [hbm4b:s18+s21], $0x2800, $0x38;
	[tilespmem:$0x1C880] =	vst v63  }
0x2d: {  	p2 =	sne.s32 s19, $0x7C;
	_ =	swait.ge @p1 [sflag:s25], $0x2800  }
0x2e: {  	s18 =	sadd.s32 $0x500, s18;
	[sflag:s25] =	ssyncset.done @p1 $0x0  }
0x2f: {  	s20 =	simm.s32 @p1 $0x50;
	s21 =	simm.s32 @p1 $0x6800;
	[sflag:s25] =	ssyncadd.s32 @p1 $0xFFFFD800  }
0x30: {  	[spmem:s1] =	stream.indirect.scatter.add.f32 @p1 [tilespmem:s21], [sflag:$0x3], $0x80, s17, s20, $0xb8;
	[tilespmem:$0x1C880] =	vst v63  }
0x31: {  	s22 =	simm.s32 @!p1 $0x1;
	s20 =	simm.s32 @!p1 $0x0;
	s21 =	simm.s32 @!p1 $0x6800  }
0x32: {  	[tilespmem:s21], [sflag:$0x2] =	stream.linear.gather @!p1 [hbm4b:s24+s20], $0x2800, $0x38;
	[tilespmem:$0x1C880] =	vst v63  }
.Ltmp0:
0x33: {  	s21 =	sand.u32 $0x1, s23;
	_ =	swait.ge @!p1 [sflag:s22], $0x2800;
	(pc) =	sbr.rel @p2 .LBB2_2-.Ltmp0, $4  }
0x34: {  	s23 =	simm.s32 @!p1 $0x4000;
	s20 =	simm.s32 @!p1 $0x4;
	[sflag:s22] =	ssyncset.done @!p1 $0x0  }
0x35: {  	s20 =	simm.s32 @p1 $0x3;
	[sflag:s22] =	ssyncadd.s32 @!p1 $0xFFFFD800;
	s22 =	simm.s32 @!p1 $0x50  }
0x36: {  	[spmem:s1] =	stream.indirect.scatter.add.f32 @!p1 [tilespmem:s23], [sflag:$0x4], $0x80, s17, s22, $0xb8;
	[tilespmem:$0x1C880] =	vst v63  }
0x37: {  	p1 =	seq.s32 s21, $0x1;
	s17 =	sadd.s32 $0x80, s17;
	_ =	swait.ge [sflag:s20], $0x2800  }
0x38: {  	s19 =	simm.s32 @p1 $0x0;
	[sflag:s20] =	ssyncset.done $0x0  }
0x39: {  	s21 =	simm.s32 @p1 $0x4000;
	s22 =	simm.s32 @p1 $0x2;
	[sflag:s20] =	ssyncadd.s32 $0xFFFFD800  }
0x3a: {  	[tilespmem:s21], [sflag:$0x1] =	stream.linear.gather @p1 [hbm4b:s18+s19], $0x2800, $0x38;
	[tilespmem:$0x1C880] =	vst v63  }
0x3b: {  	_ =	swait.ge @p1 [sflag:s22], $0x2800  }
0x3c: {  	[sflag:s22] =	ssyncset.done @p1 $0x0  }
0x3d: {  	s20 =	simm.s32 @p1 $0x6800;
	s19 =	simm.s32 @p1 $0x50;
	[sflag:s22] =	ssyncadd.s32 @p1 $0xFFFFD800  }
0x3e: {  	[spmem:s1] =	stream.indirect.scatter.add.f32 @p1 [tilespmem:s20], [sflag:$0x3], $0x80, s17, s19, $0xb8;
	[tilespmem:$0x1C880] =	vst v63  }
0x3f: {  	s21 =	simm.s32 @!p1 $0x1;
	s19 =	simm.s32 @!p1 $0x0;
	s20 =	simm.s32 @!p1 $0x6800  }
0x40: {  	[tilespmem:s20], [sflag:$0x2] =	stream.linear.gather @!p1 [hbm4b:s18+s19], $0x2800, $0x38;
	[tilespmem:$0x1C880] =	vst v63  }
0x41: {  	_ =	swait.ge @!p1 [sflag:s21], $0x2800  }
0x42: {  	s18 =	simm.s32 @!p1 $0x4000;
	s19 =	simm.s32 @!p1 $0x4;
	[sflag:s21] =	ssyncset.done @!p1 $0x0  }
0x43: {  	s20 =	simm.s32 @!p1 $0x50;
	s19 =	simm.s32 @p1 $0x3;
	[sflag:s21] =	ssyncadd.s32 @!p1 $0xFFFFD800  }
0x44: {  	[spmem:s1] =	stream.indirect.scatter.add.f32 @!p1 [tilespmem:s18], [sflag:$0x4], $0x80, s17, s20, $0xb8;
	[tilespmem:$0x1C880] =	vst v63  }
0x45: {  	_ =	swait.ge [sflag:s19], $0x2800  }
0x46: {  	[sflag:s19] =	ssyncset.done $0x0  }
0x47: {  	[sflag:s19] =	ssyncadd.s32 $0xFFFFD800  }
0x48: {  	_ =	swait.ge [sflag:s12], $0x2800  }
0x49: {  	[sflag:s12] =	ssyncset.done $0x0  }
0x4a: {  	[sflag:s12] =	ssyncadd.s32 $0xFFFFD800  }
0x4b: {  	[spmem:s1] =	stream.indirect.scatter.add.f32 [tilespmem:s11], [sflag:$0x4], $0x80, s14, s13, $0xb8;
	[tilespmem:$0x1C880] =	vst v63  }
0x4c: {  	_ =	swait.ge [sflag:s15], $0x2800  }
0x4d: {  	[sflag:s15] =	ssyncset.done $0x0  }
0x4e: {  	s16 =	sadd.s32 $0x1, s16;
	[sflag:s15] =	ssyncadd.s32 $0xFFFFD800  }
0x4f: {  	s17 =	simm.s32 @!p0 $0x1C03;
	p1 =	sne.s32 s16, s7;
	[bflag:$0x0] =	sbarrier.arrive $0xFFFF  }
0x50: {  	[hbm:s6], [sflag:s17] =	dma.local @!p0 [spmem:s9], $0x27100  }
.Ltmp1:
0x51: {  	_ = 	snop;
	(pc) =	sbr.rel @p1 .LBB2_1-.Ltmp1, $4  }
0x52: {  	s17 =	simm.s32 @!p0 $0x3  }
0x53: {  	_ =	swait.ge @!p0 [sflag:s17], $0x27100  }
0x54: {  	[sflag:s17] =	ssyncset.done @!p0 $0x0  }
0x55: {  	[sflag:s17] =	ssyncadd.s32 @!p0 $0xFFFD8F00  }
0x56: {  	_ =	sfence.sel $0x180000  }
0x57: {  	[bflag:$0x0] =	sbarrier.arrive $0xFFFF  }
0x58: {  	_ =	strace $0x9000004D  }
0x59: {  	s0 =	sadd.s32 @!p0 $0x100000, s0;
	[bflag:$0x2] =	sbarrier.arrive $0xFFFF  }
0x5a: {  	[sflag:s0] =	ssyncadd.tile.s32 @!p0 $0x1;
	_ =	shalt  }
.Lfunc_end2:
_tile_overlayer_lowered:
.L_overlay_start_2:
0x5b: {  	(tag) =	ssettag $0x2  }
0x5c: {  	s0 =	rddreg [dreg:$0x0];
	s2 =	stileid.u32  }
0x5d: {  	s1 =	rddreg [dreg:$0x1];
	p0 =	sne.s32 s2, $0x0  }
0x5e: {  	s3 =	rddreg [dreg:$0x2];
	[bflag:$0x3] =	sbarrier.arrive $0xFFFF;
	s2 =	simm.s32 @!p0 $0x1C03  }
0x5f: {  	[timem:s3], [sflag:s2] =	dma.local @!p0 [hbm:s0], s1  }
0x60: {  	s0 =	simm.s32 @!p0 $0x3  }
0x61: {  	_ =	swait.ge @!p0 [sflag:s0], s1  }
0x62: {  	s1 =	ssub.s32 @!p0 $0x0, s1;
	[sflag:s0] =	ssyncset.done @!p0 $0x0  }
0x63: {  	[sflag:s0] =	ssyncadd.s32 @!p0 s1  }
0x64: {  	[bflag:$0x3] =	sbarrier.arrive $0xFFFF  }
0x65: {  	_ =	shalt  }

// kernel: kernel.39.cloned.1.call-start
scs
__scs_entry_jumppad:
0x0: {  	(pc) =	sbr.rel $0x88, $3  }
0x1: {  	(tag) =	ssettag $0x0;
	lr =	simm.s32 $0x1  }
0x2: {  	[smem:$0x3F24] =	sst lr;
	_ =	strace $0xD0000000  }
0x3: {  	_ = 	snop  }
0x4: {  	_ = 	snop  }
0x5: {  	_ = 	snop  }
0x6: {  	_ = 	snop  }
0x7: {  	_ = 	snop  }
__scs_overlays_trampoline_lowered:
0x8: {  	[smem:$0x3F33] =	sst s0  }
0x9: {  	[smem:$0x3F34] =	sst s1  }
0xa: {  	[smem:$0x3F35] =	sst s2  }
0xb: {  	[smem:$0x3F36] =	sst s3  }
0xc: {  	[smem:$0x3F37] =	sst s4  }
0xd: {  	[smem:$0x3F38] =	sst s5  }
0xe: {  	[smem:$0x3F39] =	sst s6  }
0xf: {  	[smem:$0x3F3A] =	sst s7  }
0x10: {  	[smem:$0x3F3B] =	sst s8  }
0x11: {  	[smem:$0x3F3C] =	sst s9;
	s0 =	simm.s32 @!p0 $0x0  }
0x12: {  	s1 =	sld [smem:$0x3F22];
	s0 =	simm.s32 @p0 $0x1  }
0x13: {  	[smem:$0x3F3D] =	sst s0;
	s0 =	simm.s32 @!p1 $0x0  }
0x14: {  	s2 =	sld [smem:$0x3F21];
	s0 =	simm.s32 @p1 $0x1  }
0x15: {  	[smem:$0x3F3E] =	sst s0;
	s0 =	simm.s32 @!p2 $0x0  }
0x16: {  	s3 =	sld [smem:$0x3FDB];
	s0 =	simm.s32 @p2 $0x1  }
0x17: {  	s4 =	simm.s32 $0x1BF5;
	[smem:$0x3F40] =	sst s0  }
0x18: {  	s0 =	sld [smem:$0x3F23];
	_ =	swait.ge [sflag:s4], $0x0  }
0x19: {  	s7 =	sld [smem:$0x3F24]  }
0x1a: {  	s8 =	sadd.s32 $0xFFFFE003, lr  }
0x1b: {  	s9 =	sadd.s32 $0xFFFFFEF7, lr;
	s5 =	simm.s32 $0xFFFFFFFF;
	p2 =	slt.u32 s8, $0xFFFFF086  }
0x1c: {  	p1 =	slt.u32 s9, $0xF7A;
	s5 =	simm.s32 @!p2 $0x0  }
0x1d: {  	s5 =	simm.s32 @p1 $0x1;
	p0 =	seq.s32 s7, s2  }
0x1e: {  	s7 =	smul.u32 @!p0 $0xF7A, s2;
	p2 =	seq.s32 @!p0 s5, $0x0  }
0x1f: {  	s9 =	smul.u32 $0xF7A, s1;
	s8 =	simm.s32 @!p0 $0x1BF5;
	p2 =	por !p2, p0  }
0x20: {  	[sflag:s8] =	ssyncset.s32 @!p0 $0xFFFFF086;
	s6 =	sadd.s32 @!p0 s3, s7;
	s7 =	simm.s32 @!p0 $0x108  }
0x21: {  	s3 =	sadd.s32 s3, s9;
	s6 =	sadd.s32 @!p0 $0x88, s6;
	s7 =	simm.s32 @p2 $0x1082  }
0x22: {  	[simem:s7], [sflag:s8] =	dma.local @!p0 [hbm:s6], $0xF7A  }
0x23: {  	s9 =	sor.u32 $0xD0000000, s2;
	s6 =	simm.s32 $0x108;
	_ =	swait.ge @!p0 [sflag:s8], $0x0  }
0x24: {  	s3 =	sadd.s32 $0x88, s3;
	s6 =	simm.s32 @!p1 $0x1082;
	[sflag:s4] =	ssyncset.s32 $0xFFFFF086  }
0x25: {  	[simem:s6], [sflag:s4] =	dma.local [hbm:s3], $0xF7A  }
0x26: {  	[smem:$0x3F24] =	sst s1;
	(tag) =	ssettag s2;
	_ =	strace s9  }
0x27: {  	s1 =	sld [smem:$0x3F34]  }
0x28: {  	s2 =	sld [smem:$0x3F35]  }
0x29: {  	s4 =	sld [smem:$0x3F37]  }
0x2a: {  	p0 =	seq.s32 s5, $0x0;
	s5 =	sld [smem:$0x3F38]  }
0x2b: {  	s6 =	sld [smem:$0x3F39]  }
0x2c: {  	s7 =	sld [smem:$0x3F3A]  }
0x2d: {  	s3 =	simm.s32 $0x108;
	s8 =	sld [smem:$0x3F3B]  }
0x2e: {  	s3 =	simm.s32 @!p0 $0x1082;
	s9 =	sld [smem:$0x3F3C]  }
0x2f: {  	lr =	sadd.s32 s0, s3;
	s0 =	sld [smem:$0x3F33]  }
0x30: {  	s3 =	sld [smem:$0x3F36]  }
0x31: {  	[smem:$0x3F3F] =	sst s10  }
0x32: {  	s10 =	sld [smem:$0x3F3D];
	_ =	sdelay $0x3  }
0x33: {  	p0 =	seq.s32 s10, $0x1;
	s10 =	sld [smem:$0x3F3F];
	_ =	sdelay $0x3  }
0x34: {  	[smem:$0x3F3F] =	sst s10  }
0x35: {  	s10 =	sld [smem:$0x3F3E];
	_ =	sdelay $0x3  }
0x36: {  	p1 =	seq.s32 s10, $0x1;
	s10 =	sld [smem:$0x3F3F];
	_ =	sdelay $0x3  }
0x37: {  	[smem:$0x3F3F] =	sst s10  }
0x38: {  	s10 =	sld [smem:$0x3F40]  }
0x39: {  	_ = 	snop;
	(pc) =	sbr.ind lr, $3  }
0x3a: {  	_ = 	snop  }
0x3b: {  	_ = 	snop  }
0x3c: {  	p2 =	seq.s32 s10, $0x1;
	s10 =	sld [smem:$0x3F3F]  }
0x3d: {  	_ =	shalt  }
0x3e: {  	_ =	shalt  }
0x3f: {  	_ =	shalt  }
0x40: {  	_ =	shalt  }
0x41: {  	_ =	shalt  }
0x42: {  	_ =	shalt  }
0x43: {  	_ =	shalt  }
0x44: {  	_ =	shalt  }
0x45: {  	_ =	shalt  }
0x46: {  	_ =	shalt  }
0x47: {  	_ =	shalt  }
0x48: {  	_ =	shalt  }
0x49: {  	_ =	shalt  }
0x4a: {  	_ =	shalt  }
0x4b: {  	_ =	shalt  }
0x4c: {  	_ =	shalt  }
0x4d: {  	_ =	shalt  }
0x4e: {  	_ =	shalt  }
0x4f: {  	_ =	shalt  }
0x50: {  	_ =	shalt  }
0x51: {  	_ =	shalt  }
0x52: {  	_ =	shalt  }
0x53: {  	_ =	shalt  }
0x54: {  	_ =	shalt  }
0x55: {  	_ =	shalt  }
0x56: {  	_ =	shalt  }
0x57: {  	_ =	shalt  }
0x58: {  	_ =	shalt  }
0x59: {  	_ =	shalt  }
0x5a: {  	_ =	shalt  }
0x5b: {  	_ =	shalt  }
0x5c: {  	_ =	shalt  }
0x5d: {  	_ =	shalt  }
0x5e: {  	_ =	shalt  }
0x5f: {  	_ =	shalt  }
0x60: {  	_ =	shalt  }
0x61: {  	_ =	shalt  }
0x62: {  	_ =	shalt  }
0x63: {  	_ =	shalt  }
0x64: {  	_ =	shalt  }
0x65: {  	_ =	shalt  }
0x66: {  	_ =	shalt  }
0x67: {  	_ =	shalt  }
0x68: {  	_ =	shalt  }
0x69: {  	_ =	shalt  }
0x6a: {  	_ =	shalt  }
0x6b: {  	_ =	shalt  }
0x6c: {  	_ =	shalt  }
0x6d: {  	_ =	shalt  }
0x6e: {  	_ =	shalt  }
0x6f: {  	_ =	shalt  }
0x70: {  	_ =	shalt  }
0x71: {  	_ =	shalt  }
0x72: {  	_ =	shalt  }
0x73: {  	_ =	shalt  }
0x74: {  	_ =	shalt  }
0x75: {  	_ =	shalt  }
0x76: {  	_ =	shalt  }
0x77: {  	_ =	shalt  }
0x78: {  	_ =	shalt  }
0x79: {  	_ =	shalt  }
0x7a: {  	_ =	shalt  }
0x7b: {  	_ =	shalt  }
0x7c: {  	_ =	shalt  }
0x7d: {  	_ =	shalt  }
0x7e: {  	_ =	shalt  }
0x7f: {  	_ =	shalt  }
0x80: {  	_ =	shalt  }
0x81: {  	_ =	shalt  }
0x82: {  	_ =	shalt  }
0x83: {  	_ =	shalt  }
0x84: {  	_ =	shalt  }
0x85: {  	_ =	shalt  }
0x86: {  	_ =	shalt  }
0x87: {  	_ =	shalt  }
.Lfunc_end0:
.L_simem_size_0:
called_computation.3_lowered:
.L_overlay_start_0:
0x88: {  	s2 =	sld [smem:$0x3FD9]  }
0x89: {  	s3 =	sld [smem:$0x3FFE];
	_ =	sdelay $0x1  }
0x8a: {  	s1 =	srdreg.scid  }
0x8b: {  	s0 =	sand.u32 $0x1, s1  }
0x8c: {  	s16 =	sshll.u32 s0, $0xA;
	s2 =	sadd.s32 s3, s2  }
0x8d: {  	s2 =	sadd.s32 s2, s16  }
0x8e: {  	[smem:$0x3F4B] =	sst s2  }
0x8f: {  	_ = 	snop  }
0x90: {  	(tm) =	ssettm $0x1  }
0x91: {  	s17 =	sld [smem:$0x3FFB];
	_ =	sdelay $0x3  }
0x92: {  	_ =	strace s17  }
0x93: {  	s2 =	sld [smem:$0x3FFC];
	_ =	sdelay $0x3  }
0x94: {  	_ =	strace s2  }
0x95: {  	s2 =	sld [smem:$0x3FFD];
	_ =	sdelay $0x3  }
0x96: {  	_ =	strace s2  }
0x97: {  	_ =	strace $0x8FFFFFFF  }
0x98: {  	s18 =	sld [smem:$0x3FDB];
	_ =	sdelay $0x1  }
0x99: {  	s19 =	simm.s32 $_scs_section_size  }
0x9a: {  	s4 =	simm.s32 $_size__tile_overlayer_lowered;
	s5 =	simm.s32 $_tile_overlayer_lowered  }
0x9b: {  	s22 =	simm.s32 $0x1BFF;
	s21 =	sshll.u32 s5, $0x1;
	s2 =	sadd.s32 s19, s18  }
0x9c: {  	s6 =	simm.s32 $0x0;
	s20 =	sshll.u32 s4, $0x1;
	s4 =	sadd.s32 s21, s2  }
0x9d: {  	[timem:s6], [sflag:s22] =	dma.local [hbm:s4], s20  }
0x9e: {  	_ =	swait.ge [sflag:s22], s20  }
0x9f: {  	s3 =	ssub.s32 $0x0, s20;
	[sflag:s22] =	ssyncset.done $0x0  }
0xa0: {  	[sflag:s22] =	ssyncadd.s32 s3;
	_ =	sdelay $0x1  }
0xa1: {  	s23 =	simm.s32 $0x1B8B  }
0xa2: {  	_ =	swait.ge [sflag:s23], $0x1  }
0xa3: {  	[sflag:s23] =	ssyncset.done $0x0  }
0xa4: {  	s25 =	simm.s32 $0x1B8E;
	s24 =	sld [smem:$0x3FFE];
	[sflag:s23] =	ssyncadd.s32 $0xFFFFFFFF  }
0xa5: {  	s26 =	simm.s32 $execute0_lowered;
	[smem:$0x3FD2] =	sst s25  }
0xa6: {  	s4 =	sshll.u32 s26, $0x1;
	_ =	strace $0x8000004F;
	[dreg:$0x1] =	wrdreg $0xFFFFFFFF  }
0xa7: {  	s28 =	simm.s32 $_size_execute0_lowered;
	s2 =	sadd.s32 s2, s4;
	[dreg:$0x0] =	wrdreg $0x0  }
0xa8: {  	s4 =	sshll.u32 s28, $0x1;
	[dreg:$0x2] =	wrdreg s2  }
0xa9: {  	[dreg:$0x3] =	wrdreg s4  }
0xaa: {  	[dreg:$0x4] =	wrdreg $0xC0  }
0xab: {  	_ =	task [dreg:s6], $0x5FFFF  }
0xac: {  	[dreg:$0x1] =	wrdreg $0xFFFFFFFF  }
0xad: {  	[dreg:$0x0] =	wrdreg $0x60  }
0xae: {  	[dreg:$0x2] =	wrdreg s24  }
0xaf: {  	[dreg:$0x3] =	wrdreg $0x9  }
0xb0: {  	_ =	task.clear_ibuf [dreg:s6], $0x4FFFF;
	_ =	strace $0x9000004F  }
0xb1: {  	s29 =	simm.s32 $0x9;
	_ =	strace $0x80000051  }
0xb2: {  	_ =	swait.ge [sflag:s29], $0x1  }
0xb3: {  	[sflag:s29] =	ssyncadd.s32 $0xFFFFFFFF  }
0xb4: {  	_ =	strace $0x90000051  }
0xb5: {  	_ =	sfence  }
0xb6: {  	s30 =	sld [smem:$0x0];
	_ =	sdelay $0x2  }
0xb7: {  	s31 =	sshll.u32 s1, $0xD;
	s1 =	sshrl.u32 s1, $0x2  }
0xb8: {  	s3 =	sand.u32 $0x4000, s31;
	s1 =	sadd.s32 s1, s30  }
0xb9: {  	s0 =	sor.u32 s3, s0;
	s1 =	sshll.u32 s1, $0x11  }
0xba: {  	s0 =	sor.u32 s1, s0  }
0xbb: {  	s0 =	sadd.s32 $0x8F2B, s0  }
0xbc: {  	[sflag:s0] =	ssyncadd.remote.s32 $0x1  }
0xbd: {  	_ =	sfence.sel $0xFFFF  }
0xbe: {  	[dreg:$0x0] =	wrdreg $0xFFFFFFFF;
	(pc) =	sbr.abs _section_cstart, $3  }
0xbf: {  	[dreg:$0x1] =	wrdreg $0xFFFFFFFF  }
0xc0: {  	_ =	task.clear_ibuf [dreg:s6], $0x2FFFF;
	_ =	strace $0x9FFFFFFF  }
0xc1: {  	(tm) =	ssettm $0x7FFFFFFF  }
tec
execute0_lowered:
.L_overlay_start_1:
0x0: {  	(tag) =	ssettag $0x1  }
0x1: {  	s0 =	rddreg [dreg:$0x0];
	s1 =	simm.s32 $0x0  }
0x2: {  	s2 =	srdreg.scid;
	s8 =	stileid.u32;
	s12 =	simm.s32 $0x8000  }
0x3: {  	s13 =	simm.s32 $0x8800;
	s14 =	simm.s32 $0x9000;
	s15 =	simm.s32 $0x9800  }
0x4: {  	s16 =	simm.s32 $0xA000;
	s17 =	simm.s32 $0xA800;
	s18 =	simm.s32 $0xB000  }
0x5: {  	s19 =	simm.s32 $0xB800;
	s20 =	simm.s32 $0xC000;
	s21 =	simm.s32 $0xC800  }
0x6: {  	s28 =	simm.s32 $0x3;
	s29 =	simm.s32 $0x4;
	[smem:$0x7FF] =	sst s1  }
0x7: {  	s3 =	sadd.s32 $0xFF1000, s0;
	s2 =	sand.u32 $0x1, s2;
	s7 =	smul.u32 $0x9C400, s8  }
0x8: {  	s5 =	sshll.u32 s8, $0xC;
	s4 =	sadd.s32 $0x103F200, s0;
	s22 =	smul.u32 $0x4E200, s8  }
0x9: {  	s8 =	simm.s32 $0x11800;
	_ =	strace $0x80000050;
	s9 =	smul.u32 $0x4E200, s2  }
0xa: {  	s6 =	sshll.u32 s2, $0xB;
	s23 =	ssub.s32 $0x2, s2;
	s2 =	smul.u32 $0x27100, s2  }
0xb: {  	s5 =	sor.u32 s6, s5;
	s7 =	sadd.s32 s7, s0;
	s10 =	sshrl.u32 s23, $0x1  }
0xc: {  	s5 =	sadd.s32 s5, s0;
	s0 =	sadd.s32 s22, s0;
	s24 =	ssub.s32 s23, s10  }
0xd: {  	s26 =	sadd.s32 s9, s7;
	s22 =	simm.s32 $0x50;
	s23 =	simm.s32 $0x12000  }
0xe: {  	s7 =	simm.s32 $0x11000;
	s9 =	simm.s32 $0x1;
	s25 =	sadd.s32 $0x29400, s5  }
.Ltmp0:
0xf: {  	s5 =	sadd.s32 $0x19400, s5;
	[dreg:$0x2] =	wrdreg s25;
	(pc) =	sbr.rel .LBB2_1-.Ltmp0, $4  }
0x10: {  	s10 =	simm.s32 $0x0;
	s30 =	smax.u32 s24, $0x1;
	[dreg:$0x3] =	wrdreg s5  }
0x11: {  	v2 =	vlaneseq.u32;
	s0 =	sadd.s32 s2, s0;
	s31 =	sadd.s32 $0x542800, s26;
	[dreg:$0x4] =	wrdreg s30  }
0x12: {  	vm0 =	vmmov $0xffff;
	v1 =	vshrl.u32 v2, $0x3;
	s24 =	simm.s32 $0x2;
	[dreg:$0x5] =	wrdreg s31;
	s0 =	sadd.s32 $0x60800, s0  }
0x13: {  	v0 =	vand.u32 $0x7, v2;
	v2 =	vor.u32 $0x8, v2;
	v1 =	vmul.u32 $0x8, v1;
	s26 =	simm.s32 $0x14800;
	s25 =	simm.s32 $0xD000;
	[dreg:$0x6] =	wrdreg s0  }
.LBB2_12:
0x14: {  	_ =	swait.ge [sflag:s28], $0x5000  }
0x15: {  	[sflag:s28] =	ssyncset.done $0x0  }
0x16: {  	[sflag:s28] =	ssyncadd.s32 $0xFFFFB000  }
0x17: {  	_ =	swait.ge [sflag:s28], $0x2800  }
0x18: {  	[sflag:s28] =	ssyncset.done $0x0  }
0x19: {  	[sflag:s28] =	ssyncadd.s32 $0xFFFFD800  }
0x1a: {  	_ =	swait.ge [sflag:s29], $0x5000  }
0x1b: {  	[sflag:s29] =	ssyncset.done $0x0  }
0x1c: {  	[sflag:s29] =	ssyncadd.s32 $0xFFFFB000  }
0x1d: {  	_ =	swait.ge [sflag:s29], $0x2800  }
0x1e: {  	s10 =	sadd.s32 $0x1, s10;
	s0 =	rddreg [dreg:$0x4]  }
0x1f: {  	p0 =	sne.s32 s10, s0  }
.Ltmp1:
0x20: {  	_ = 	snop;
	(pc) =	sbr.rel @!p0 .LBB2_13-.Ltmp1, $3  }
0x21: {  	_ =	sdelay $0x1  }
0x22: {  	[sflag:s29] =	ssyncset.done $0x0  }
0x23: {  	[sflag:s29] =	ssyncadd.s32 $0xFFFFD800  }
.LBB2_1:
0x24: {  	s0 =	rddreg [dreg:$0x2];
	s2 =	simm.s32 $0x5  }
0x25: {  	[tilespmem:s1], [sflag:$0x5] =	stream.linear.gather [hbm4b:s0+s1], $0x3E80, $0x38;
	[tilespmem:$0x17000] =	vst v63  }
0x26: {  	_ =	swait.ge [sflag:s2], $0x3E80  }
0x27: {  	[sflag:s2] =	ssyncset.done $0x0  }
0x28: {  	s5 =	simm.s32 $0x4000;
	s11 =	rddreg [dreg:$0x3];
	[sflag:s2] =	ssyncadd.s32 $0xFFFFC180  }
0x29: {  	[tilespmem:s5], [sflag:$0x5] =	stream.linear.gather [hbm4b:s11+s1], $0x3E80, $0x38;
	[tilespmem:$0x17000] =	vst v63  }
0x2a: {  	_ =	swait.ge [sflag:s2], $0x3E80  }
0x2b: {  	[sflag:s2] =	ssyncset.done $0x0  }
0x2c: {  	[sflag:s2] =	ssyncadd.s32 $0xFFFFC180  }
0x2d: {  	v3 =	vld [tilespmem:$0x0];
	_ =	sdelay $0x4  }
0x2e: {  	v4 =	vshll.u32 v3, $0x1  }
0x2f: {  	v3 =	vand.u32 $0x7, v3;
	v4 =	vand.u32 $0xFFFFFFF0, v4  }
0x30: {  	v3 =	vor.u32 v3, v4  }
0x31: {  	v4 =	vperm.xlane v3, v0;
	_ =	sdelay $0x1  }
0x32: {  	v3 =	vperm.xlane v3, v2;
	v4 =	vadd.s32 v1, v4;
	_ =	sdelay $0x1  }
0x33: {  	v3 =	vadd.s32 v1, v3;
	_ =	sdelay $0x2  }
0x34: {  	[tilespmem:s12], [sflag:$0x1] =	stream.indirect_vreg.gather [hbm4b:s3+s1], $0x80, v4, vm0, $0xb8;
	[tilespmem:$0x17000] =	vst v63  }
0x35: {  	_ = 	snop  }
0x36: {  	[tilespmem:s13], [sflag:$0x1] =	stream.indirect_vreg.gather [hbm4b:s3+s1], $0x80, v3, vm0, $0xb8;
	[tilespmem:$0x17000] =	vst v63  }
0x37: {  	v3 =	vld [tilespmem:$0x10];
	_ =	sdelay $0x4  }
0x38: {  	v60 =	vshll.u32 v3, $0x1  }
0x39: {  	v3 =	vand.u32 $0x7, v3;
	v4 =	vand.u32 $0xFFFFFFF0, v60  }
0x3a: {  	v3 =	vor.u32 v3, v4  }
0x3b: {  	v4 =	vperm.xlane v3, v0;
	_ =	sdelay $0x1  }
0x3c: {  	v3 =	vperm.xlane v3, v2;
	v4 =	vadd.s32 v1, v4;
	_ =	sdelay $0x1  }
0x3d: {  	v3 =	vadd.s32 v1, v3;
	_ =	sdelay $0x2  }
0x3e: {  	[tilespmem:s14], [sflag:$0x1] =	stream.indirect_vreg.gather [hbm4b:s3+s1], $0x80, v4, vm0, $0xb8;
	[tilespmem:$0x17000] =	vst v63  }
0x3f: {  	_ = 	snop  }
0x40: {  	[tilespmem:s15], [sflag:$0x1] =	stream.indirect_vreg.gather [hbm4b:s3+s1], $0x80, v3, vm0, $0xb8;
	[tilespmem:$0x17000] =	vst v63  }
0x41: {  	v3 =	vld [tilespmem:$0x20];
	_ =	sdelay $0x4  }
0x42: {  	v61 =	vshll.u32 v3, $0x1  }
0x43: {  	v3 =	vand.u32 $0x7, v3;
	v4 =	vand.u32 $0xFFFFFFF0, v61  }
0x44: {  	v3 =	vor.u32 v3, v4  }
0x45: {  	v4 =	vperm.xlane v3, v0;
	_ =	sdelay $0x1  }
0x46: {  	v3 =	vperm.xlane v3, v2;
	v4 =	vadd.s32 v1, v4;
	_ =	sdelay $0x1  }
0x47: {  	v3 =	vadd.s32 v1, v3;
	_ =	sdelay $0x2  }
0x48: {  	[tilespmem:s16], [sflag:$0x1] =	stream.indirect_vreg.gather [hbm4b:s3+s1], $0x80, v4, vm0, $0xb8;
	[tilespmem:$0x17000] =	vst v63  }
0x49: {  	_ = 	snop  }
0x4a: {  	[tilespmem:s17], [sflag:$0x1] =	stream.indirect_vreg.gather [hbm4b:s3+s1], $0x80, v3, vm0, $0xb8;
	[tilespmem:$0x17000] =	vst v63  }
0x4b: {  	v3 =	vld [tilespmem:$0x30];
	_ =	sdelay $0x4  }
0x4c: {  	v62 =	vshll.u32 v3, $0x1  }
0x4d: {  	v3 =	vand.u32 $0x7, v3;
	v4 =	vand.u32 $0xFFFFFFF0, v62  }
0x4e: {  	v3 =	vor.u32 v3, v4  }
0x4f: {  	v4 =	vperm.xlane v3, v0;
	_ =	sdelay $0x1  }
0x50: {  	v3 =	vperm.xlane v3, v2;
	v4 =	vadd.s32 v1, v4;
	_ =	sdelay $0x1  }
0x51: {  	v3 =	vadd.s32 v1, v3;
	_ =	sdelay $0x2  }
0x52: {  	[tilespmem:s18], [sflag:$0x1] =	stream.indirect_vreg.gather [hbm4b:s3+s1], $0x80, v4, vm0, $0xb8;
	[tilespmem:$0x17000] =	vst v63  }
0x53: {  	_ = 	snop  }
0x54: {  	[tilespmem:s19], [sflag:$0x1] =	stream.indirect_vreg.gather [hbm4b:s3+s1], $0x80, v3, vm0, $0xb8;
	[tilespmem:$0x17000] =	vst v63  }
0x55: {  	v3 =	vld [tilespmem:$0x40];
	_ =	sdelay $0x4  }
0x56: {  	v63 =	vshll.u32 v3, $0x1  }
0x57: {  	v3 =	vand.u32 $0x7, v3;
	v4 =	vand.u32 $0xFFFFFFF0, v63  }
0x58: {  	v3 =	vor.u32 v3, v4  }
0x59: {  	v4 =	vperm.xlane v3, v0;
	_ =	sdelay $0x1  }
0x5a: {  	v4 =	vadd.s32 v1, v4  }
0x5b: {  	v3 =	vperm.xlane v3, v2;
	_ =	sdelay $0x1  }
0x5c: {  	v3 =	vadd.s32 v1, v3;
	_ =	sdelay $0x1  }
0x5d: {  	[tilespmem:s20], [sflag:$0x1] =	stream.indirect_vreg.gather [hbm4b:s3+s1], $0x80, v4, vm0, $0xb8;
	[tilespmem:$0x17000] =	vst v63  }
.Ltmp2:
0x5e: {  	_ = 	snop;
	(pc) =	sbr.rel .LBB2_2-.Ltmp2, $4  }
0x5f: {  	s30 =	rddreg [dreg:$0x6]  }
0x60: {  	[tilespmem:s21], [sflag:$0x1] =	stream.indirect_vreg.gather [hbm4b:s3+s1], $0x80, v3, vm0, $0xb8;
	[tilespmem:$0x17000] =	vst v63  }
0x61: {  	s0 =	simm.s32 $0x0;
	s31 =	rddreg [dreg:$0x5];
	s2 =	simm.s32 $0x0  }
0x62: {  	[tilespmem:s23], [sflag:$0x1] =	stream.indirect.gather [hbm4b:s4+s22], $0x80, s5, s22, $0xb8;
	[tilespmem:$0x17000] =	vst v63  }
.LBB2_10:
0x63: {  	_ =	swait.ge [sflag:s24], $0x5000  }
0x64: {  	[sflag:s24] =	ssyncset.done $0x0  }
0x65: {  	[sflag:s24] =	ssyncadd.s32 $0xFFFFB000  }
0x66: {  	_ =	swait.ge [sflag:s24], $0x2800  }
0x67: {  	[sflag:s24] =	ssyncset.done $0x0  }
0x68: {  	[sflag:s24] =	ssyncadd.s32 $0xFFFFD800  }
0x69: {  	[hbm4b:s31+s1] =	stream.linear.scatter [tilespmem:s25], [sflag:$0x4], $0x5000, $0x38;
	[tilespmem:$0x17000] =	vst v63  }
0x6a: {  	_ = 	snop  }
0x6b: {  	[hbm4b:s30+s1] =	stream.linear.scatter [tilespmem:s26], [sflag:$0x4], $0x2800, $0x38;
	[tilespmem:$0x17000] =	vst v63  }
.LBB2_11:
0x6c: {  	s0 =	sadd.s32 $0x200, s0  }
0x6d: {  	p0 =	sne.s32 s0, $0xFA00  }
.Ltmp3:
0x6e: {  	_ = 	snop;
	(pc) =	sbr.rel @!p0 .LBB2_12-.Ltmp3, $2  }
0x6f: {  	_ =	sdelay $0x2  }
0x70: {  	s2 =	sadd.s32 $0x1, s2;
	s31 =	sadd.s32 $0xA00, s31;
	s30 =	sadd.s32 $0x500, s30  }
.LBB2_2:
0x71: {  	s5 =	sand.u32 $0x1, s2  }
0x72: {  	p0 =	seq.s32 s5, $0x1  }
.Ltmp4:
0x73: {  	_ = 	snop;
	(pc) =	sbr.rel @p0 .LBB2_8-.Ltmp4, $1  }
0x74: {  	_ =	sdelay $0x3  }
0x75: {  	p0 =	seq.s32 s2, $0x0  }
.Ltmp5:
0x76: {  	_ = 	snop;
	(pc) =	sbr.rel @p0 .LBB2_6-.Ltmp5, $1  }
0x77: {  	_ =	sdelay $0x3  }
0x78: {  	p0 =	seq.s32 s2, $0x7C  }
.Ltmp6:
0x79: {  	_ = 	snop;
	(pc) =	sbr.rel @p0 .LBB2_7-.Ltmp6, $1  }
0x7a: {  	_ =	sdelay $0x3  }
0x7b: {  	_ =	swait.ge [sflag:s29], $0x5000  }
0x7c: {  	[sflag:s29] =	ssyncset.done $0x0  }
0x7d: {  	[sflag:s29] =	ssyncadd.s32 $0xFFFFB000  }
0x7e: {  	_ =	swait.ge [sflag:s29], $0x2800  }
0x7f: {  	[sflag:s29] =	ssyncset.done $0x0  }
0x80: {  	[sflag:s29] =	ssyncadd.s32 $0xFFFFD800  }
.LBB2_6:
0x81: {  	s6 =	sshra.s32 s0, $0x2  }
0x82: {  	v3 =	vld [tilespmem:s6+$0x80];
	_ =	sdelay $0x4  }
0x83: {  	v4 =	vshll.u32 v3, $0x1  }
0x84: {  	v3 =	vand.u32 $0x7, v3;
	v4 =	vand.u32 $0xFFFFFFF0, v4  }
0x85: {  	v3 =	vor.u32 v3, v4  }
0x86: {  	v4 =	vperm.xlane v3, v0;
	_ =	sdelay $0x1  }
0x87: {  	v3 =	vperm.xlane v3, v2;
	v4 =	vadd.s32 v1, v4;
	_ =	sdelay $0x1  }
0x88: {  	v3 =	vadd.s32 v1, v3;
	_ =	sdelay $0x2  }
0x89: {  	[tilespmem:s25], [sflag:$0x2] =	stream.indirect_vreg.gather [hbm4b:s3+s1], $0x80, v4, vm0, $0xb8;
	[tilespmem:$0x17000] =	vst v63  }
0x8a: {  	s11 =	simm.s32 $0xD800  }
0x8b: {  	[tilespmem:s11], [sflag:$0x2] =	stream.indirect_vreg.gather [hbm4b:s3+s1], $0x80, v3, vm0, $0xb8;
	[tilespmem:$0x17000] =	vst v63  }
0x8c: {  	v3 =	vld [tilespmem:s6+$0x90];
	_ =	sdelay $0x4  }
0x8d: {  	v60 =	vshll.u32 v3, $0x1  }
0x8e: {  	v3 =	vand.u32 $0x7, v3;
	v4 =	vand.u32 $0xFFFFFFF0, v60  }
0x8f: {  	v3 =	vor.u32 v3, v4  }
0x90: {  	v4 =	vperm.xlane v3, v0;
	_ =	sdelay $0x1  }
0x91: {  	v3 =	vperm.xlane v3, v2;
	v4 =	vadd.s32 v1, v4;
	_ =	sdelay $0x1  }
0x92: {  	v3 =	vadd.s32 v1, v3;
	_ =	sdelay $0x1  }
0x93: {  	s11 =	simm.s32 $0xE000  }
0x94: {  	[tilespmem:s11], [sflag:$0x2] =	stream.indirect_vreg.gather [hbm4b:s3+s1], $0x80, v4, vm0, $0xb8;
	[tilespmem:$0x17000] =	vst v63  }
0x95: {  	s11 =	simm.s32 $0xE800  }
0x96: {  	[tilespmem:s11], [sflag:$0x2] =	stream.indirect_vreg.gather [hbm4b:s3+s1], $0x80, v3, vm0, $0xb8;
	[tilespmem:$0x17000] =	vst v63  }
0x97: {  	v3 =	vld [tilespmem:s6+$0xA0];
	_ =	sdelay $0x4  }
0x98: {  	v61 =	vshll.u32 v3, $0x1  }
0x99: {  	v3 =	vand.u32 $0x7, v3;
	v4 =	vand.u32 $0xFFFFFFF0, v61  }
0x9a: {  	v3 =	vor.u32 v3, v4  }
0x9b: {  	v4 =	vperm.xlane v3, v0;
	_ =	sdelay $0x1  }
0x9c: {  	v3 =	vperm.xlane v3, v2;
	v4 =	vadd.s32 v1, v4;
	_ =	sdelay $0x1  }
0x9d: {  	v3 =	vadd.s32 v1, v3;
	_ =	sdelay $0x1  }
0x9e: {  	s11 =	simm.s32 $0xF000  }
0x9f: {  	[tilespmem:s11], [sflag:$0x2] =	stream.indirect_vreg.gather [hbm4b:s3+s1], $0x80, v4, vm0, $0xb8;
	[tilespmem:$0x17000] =	vst v63  }
0xa0: {  	s11 =	simm.s32 $0xF800  }
0xa1: {  	[tilespmem:s11], [sflag:$0x2] =	stream.indirect_vreg.gather [hbm4b:s3+s1], $0x80, v3, vm0, $0xb8;
	[tilespmem:$0x17000] =	vst v63  }
0xa2: {  	v3 =	vld [tilespmem:s6+$0xB0];
	_ =	sdelay $0x4  }
0xa3: {  	v62 =	vshll.u32 v3, $0x1  }
0xa4: {  	v3 =	vand.u32 $0x7, v3;
	v4 =	vand.u32 $0xFFFFFFF0, v62  }
0xa5: {  	v3 =	vor.u32 v3, v4  }
0xa6: {  	v4 =	vperm.xlane v3, v0;
	_ =	sdelay $0x1  }
0xa7: {  	v3 =	vperm.xlane v3, v2;
	v4 =	vadd.s32 v1, v4;
	_ =	sdelay $0x1  }
0xa8: {  	v3 =	vadd.s32 v1, v3;
	_ =	sdelay $0x1  }
0xa9: {  	s11 =	simm.s32 $0x10000  }
0xaa: {  	[tilespmem:s11], [sflag:$0x2] =	stream.indirect_vreg.gather [hbm4b:s3+s1], $0x80, v4, vm0, $0xb8;
	[tilespmem:$0x17000] =	vst v63  }
0xab: {  	s11 =	simm.s32 $0x10800  }
0xac: {  	[tilespmem:s11], [sflag:$0x2] =	stream.indirect_vreg.gather [hbm4b:s3+s1], $0x80, v3, vm0, $0xb8;
	[tilespmem:$0x17000] =	vst v63  }
0xad: {  	v3 =	vld [tilespmem:s6+$0xC0];
	_ =	sdelay $0x4  }
0xae: {  	v63 =	vshll.u32 v3, $0x1  }
0xaf: {  	v3 =	vand.u32 $0x7, v3;
	v4 =	vand.u32 $0xFFFFFFF0, v63  }
0xb0: {  	v3 =	vor.u32 v3, v4  }
0xb1: {  	v4 =	vperm.xlane v3, v0;
	_ =	sdelay $0x1  }
0xb2: {  	v3 =	vperm.xlane v3, v2;
	v4 =	vadd.s32 v1, v4;
	_ =	sdelay $0x1  }
0xb3: {  	v3 =	vadd.s32 v1, v3;
	_ =	sdelay $0x2  }
0xb4: {  	[tilespmem:s7], [sflag:$0x2] =	stream.indirect_vreg.gather [hbm4b:s3+s1], $0x80, v4, vm0, $0xb8;
	[tilespmem:$0x17000] =	vst v63  }
0xb5: {  	_ = 	snop  }
0xb6: {  	[tilespmem:s8], [sflag:$0x2] =	stream.indirect_vreg.gather [hbm4b:s3+s1], $0x80, v3, vm0, $0xb8;
	[tilespmem:$0x17000] =	vst v63  }
0xb7: {  	s6 =	sadd.s32 $0x4080, s6  }
0xb8: {  	[tilespmem:s26], [sflag:$0x2] =	stream.indirect.gather [hbm4b:s4+s22], $0x80, s6, s22, $0xb8;
	[tilespmem:$0x17000] =	vst v63  }
.LBB2_7:
0xb9: {  	_ =	swait.ge [sflag:s9], $0x5000  }
0xba: {  	[sflag:s9] =	ssyncset.done $0x0  }
0xbb: {  	[sflag:s9] =	ssyncadd.s32 $0xFFFFB000  }
0xbc: {  	p0 =	seq.s32 s5, $0x0;
	_ =	swait.ge [sflag:s9], $0x2800  }
.Ltmp7:
0xbd: {  	[sflag:s9] =	ssyncset.done $0x0;
	(pc) =	sbr.rel @p0 .LBB2_11-.Ltmp7, $4  }
0xbe: {  	[sflag:s9] =	ssyncadd.s32 $0xFFFFD800  }
0xbf: {  	[hbm4b:s31+s1] =	stream.linear.scatter [tilespmem:s12], [sflag:$0x3], $0x5000, $0x38;
	[tilespmem:$0x17000] =	vst v63  }
0xc0: {  	_ = 	snop  }
0xc1: {  	[hbm4b:s30+s1] =	stream.linear.scatter [tilespmem:s23], [sflag:$0x3], $0x2800, $0x38;
	[tilespmem:$0x17000] =	vst v63  }
.LBB2_8:
0xc2: {  	p0 =	seq.s32 s0, $0xF800  }
.Ltmp8:
0xc3: {  	_ = 	snop;
	(pc) =	sbr.rel @p0 .LBB2_10-.Ltmp8, $1  }
0xc4: {  	_ =	sdelay $0x3  }
0xc5: {  	_ =	swait.ge [sflag:s28], $0x5000  }
0xc6: {  	[sflag:s28] =	ssyncset.done $0x0  }
0xc7: {  	[sflag:s28] =	ssyncadd.s32 $0xFFFFB000  }
0xc8: {  	_ =	swait.ge [sflag:s28], $0x2800  }
0xc9: {  	[sflag:s28] =	ssyncset.done $0x0  }
0xca: {  	s5 =	sshra.s32 s0, $0x2;
	[sflag:s28] =	ssyncadd.s32 $0xFFFFD800  }
0xcb: {  	v3 =	vld [tilespmem:s5+$0x80];
	_ =	sdelay $0x4  }
0xcc: {  	v4 =	vshll.u32 v3, $0x1  }
0xcd: {  	v3 =	vand.u32 $0x7, v3;
	v4 =	vand.u32 $0xFFFFFFF0, v4  }
0xce: {  	v3 =	vor.u32 v3, v4  }
0xcf: {  	v4 =	vperm.xlane v3, v0;
	_ =	sdelay $0x1  }
0xd0: {  	v3 =	vperm.xlane v3, v2;
	v4 =	vadd.s32 v1, v4;
	_ =	sdelay $0x1  }
0xd1: {  	v3 =	vadd.s32 v1, v3;
	_ =	sdelay $0x2  }
0xd2: {  	[tilespmem:s12], [sflag:$0x1] =	stream.indirect_vreg.gather [hbm4b:s3+s1], $0x80, v4, vm0, $0xb8;
	[tilespmem:$0x17000] =	vst v63  }
0xd3: {  	_ = 	snop  }
0xd4: {  	[tilespmem:s13], [sflag:$0x1] =	stream.indirect_vreg.gather [hbm4b:s3+s1], $0x80, v3, vm0, $0xb8;
	[tilespmem:$0x17000] =	vst v63  }
0xd5: {  	v3 =	vld [tilespmem:s5+$0x90];
	_ =	sdelay $0x4  }
0xd6: {  	v60 =	vshll.u32 v3, $0x1  }
0xd7: {  	v3 =	vand.u32 $0x7, v3;
	v4 =	vand.u32 $0xFFFFFFF0, v60  }
0xd8: {  	v3 =	vor.u32 v3, v4  }
0xd9: {  	v4 =	vperm.xlane v3, v0;
	_ =	sdelay $0x1  }
0xda: {  	v3 =	vperm.xlane v3, v2;
	v4 =	vadd.s32 v1, v4;
	_ =	sdelay $0x1  }
0xdb: {  	v3 =	vadd.s32 v1, v3;
	_ =	sdelay $0x2  }
0xdc: {  	[tilespmem:s14], [sflag:$0x1] =	stream.indirect_vreg.gather [hbm4b:s3+s1], $0x80, v4, vm0, $0xb8;
	[tilespmem:$0x17000] =	vst v63  }
0xdd: {  	_ = 	snop  }
0xde: {  	[tilespmem:s15], [sflag:$0x1] =	stream.indirect_vreg.gather [hbm4b:s3+s1], $0x80, v3, vm0, $0xb8;
	[tilespmem:$0x17000] =	vst v63  }
0xdf: {  	v3 =	vld [tilespmem:s5+$0xA0];
	_ =	sdelay $0x4  }
0xe0: {  	v61 =	vshll.u32 v3, $0x1  }
0xe1: {  	v3 =	vand.u32 $0x7, v3;
	v4 =	vand.u32 $0xFFFFFFF0, v61  }
0xe2: {  	v3 =	vor.u32 v3, v4  }
0xe3: {  	v4 =	vperm.xlane v3, v0;
	_ =	sdelay $0x1  }
0xe4: {  	v3 =	vperm.xlane v3, v2;
	v4 =	vadd.s32 v1, v4;
	_ =	sdelay $0x1  }
0xe5: {  	v3 =	vadd.s32 v1, v3;
	_ =	sdelay $0x2  }
0xe6: {  	[tilespmem:s16], [sflag:$0x1] =	stream.indirect_vreg.gather [hbm4b:s3+s1], $0x80, v4, vm0, $0xb8;
	[tilespmem:$0x17000] =	vst v63  }
0xe7: {  	_ = 	snop  }
0xe8: {  	[tilespmem:s17], [sflag:$0x1] =	stream.indirect_vreg.gather [hbm4b:s3+s1], $0x80, v3, vm0, $0xb8;
	[tilespmem:$0x17000] =	vst v63  }
0xe9: {  	v3 =	vld [tilespmem:s5+$0xB0];
	_ =	sdelay $0x4  }
0xea: {  	v62 =	vshll.u32 v3, $0x1  }
0xeb: {  	v3 =	vand.u32 $0x7, v3;
	v4 =	vand.u32 $0xFFFFFFF0, v62  }
0xec: {  	v3 =	vor.u32 v3, v4  }
0xed: {  	v4 =	vperm.xlane v3, v0;
	_ =	sdelay $0x1  }
0xee: {  	v3 =	vperm.xlane v3, v2;
	v4 =	vadd.s32 v1, v4;
	_ =	sdelay $0x1  }
0xef: {  	v3 =	vadd.s32 v1, v3;
	_ =	sdelay $0x2  }
0xf0: {  	[tilespmem:s18], [sflag:$0x1] =	stream.indirect_vreg.gather [hbm4b:s3+s1], $0x80, v4, vm0, $0xb8;
	[tilespmem:$0x17000] =	vst v63  }
0xf1: {  	_ = 	snop  }
0xf2: {  	[tilespmem:s19], [sflag:$0x1] =	stream.indirect_vreg.gather [hbm4b:s3+s1], $0x80, v3, vm0, $0xb8;
	[tilespmem:$0x17000] =	vst v63  }
0xf3: {  	v3 =	vld [tilespmem:s5+$0xC0];
	_ =	sdelay $0x4  }
0xf4: {  	v63 =	vshll.u32 v3, $0x1  }
0xf5: {  	v3 =	vand.u32 $0x7, v3;
	v4 =	vand.u32 $0xFFFFFFF0, v63  }
0xf6: {  	v3 =	vor.u32 v3, v4  }
0xf7: {  	v4 =	vperm.xlane v3, v0;
	_ =	sdelay $0x1  }
0xf8: {  	v4 =	vadd.s32 v1, v4  }
0xf9: {  	v3 =	vperm.xlane v3, v2;
	_ =	sdelay $0x1  }
0xfa: {  	v3 =	vadd.s32 v1, v3;
	_ =	sdelay $0x1  }
0xfb: {  	[tilespmem:s20], [sflag:$0x1] =	stream.indirect_vreg.gather [hbm4b:s3+s1], $0x80, v4, vm0, $0xb8;
	[tilespmem:$0x17000] =	vst v63  }
.Ltmp9:
0xfc: {  	_ = 	snop;
	(pc) =	sbr.rel .LBB2_10-.Ltmp9, $4  }
0xfd: {  	_ = 	snop  }
0xfe: {  	[tilespmem:s21], [sflag:$0x1] =	stream.indirect_vreg.gather [hbm4b:s3+s1], $0x80, v3, vm0, $0xb8;
	[tilespmem:$0x17000] =	vst v63  }
0xff: {  	s5 =	sadd.s32 $0x4080, s5  }
0x100: {  	[tilespmem:s23], [sflag:$0x1] =	stream.indirect.gather [hbm4b:s4+s22], $0x80, s5, s22, $0xb8;
	[tilespmem:$0x17000] =	vst v63  }
.LBB2_13:
0x101: {  	_ =	sfence.sel $0x180000  }
0x102: {  	[bflag:$0x0] =	sbarrier.arrive $0xFFFF  }
0x103: {  	_ =	strace $0x90000050  }
0x104: {  	s0 =	stileid.u32;
	[bflag:$0x2] =	sbarrier.arrive $0xFFFF  }
0x105: {  	p0 =	sne.s32 s0, $0x0;
	s0 =	rddreg [dreg:$0x1]  }
0x106: {  	s0 =	sadd.s32 @!p0 $0x100000, s0  }
0x107: {  	[sflag:s0] =	ssyncadd.tile.s32 @!p0 $0x1;
	_ =	shalt  }
.Lfunc_end2:
_tile_overlayer_lowered:
.L_overlay_start_2:
0x108: {  	(tag) =	ssettag $0x2  }
0x109: {  	s0 =	rddreg [dreg:$0x0];
	s2 =	stileid.u32  }
0x10a: {  	s1 =	rddreg [dreg:$0x1];
	p0 =	sne.s32 s2, $0x0  }
0x10b: {  	s3 =	rddreg [dreg:$0x2];
	[bflag:$0x3] =	sbarrier.arrive $0xFFFF;
	s2 =	simm.s32 @!p0 $0x1C05  }
0x10c: {  	[timem:s3], [sflag:s2] =	dma.local @!p0 [hbm:s0], s1  }
0x10d: {  	s0 =	simm.s32 @!p0 $0x5  }
0x10e: {  	_ =	swait.ge @!p0 [sflag:s0], s1  }
0x10f: {  	s1 =	ssub.s32 @!p0 $0x0, s1;
	[sflag:s0] =	ssyncset.done @!p0 $0x0  }
0x110: {  	[sflag:s0] =	ssyncadd.s32 @!p0 s1  }
0x111: {  	[bflag:$0x3] =	sbarrier.arrive $0xFFFF  }
0x112: {  	_ =	shalt  }

// kernel: kernel.42.cloned.1.call-start
scs
__scs_entry_jumppad:
0x0: {  	(pc) =	sbr.rel $0x88, $3  }
0x1: {  	(tag) =	ssettag $0x0;
	lr =	simm.s32 $0x1  }
0x2: {  	[smem:$0x3F24] =	sst lr;
	_ =	strace $0xD0000000  }
0x3: {  	_ = 	snop  }
0x4: {  	_ = 	snop  }
0x5: {  	_ = 	snop  }
0x6: {  	_ = 	snop  }
0x7: {  	_ = 	snop  }
__scs_overlays_trampoline_lowered:
0x8: {  	[smem:$0x3F33] =	sst s0  }
0x9: {  	[smem:$0x3F34] =	sst s1  }
0xa: {  	[smem:$0x3F35] =	sst s2  }
0xb: {  	[smem:$0x3F36] =	sst s3  }
0xc: {  	[smem:$0x3F37] =	sst s4  }
0xd: {  	[smem:$0x3F38] =	sst s5  }
0xe: {  	[smem:$0x3F39] =	sst s6  }
0xf: {  	[smem:$0x3F3A] =	sst s7  }
0x10: {  	[smem:$0x3F3B] =	sst s8  }
0x11: {  	[smem:$0x3F3C] =	sst s9;
	s0 =	simm.s32 @!p0 $0x0  }
0x12: {  	s1 =	sld [smem:$0x3F22];
	s0 =	simm.s32 @p0 $0x1  }
0x13: {  	[smem:$0x3F3D] =	sst s0;
	s0 =	simm.s32 @!p1 $0x0  }
0x14: {  	s2 =	sld [smem:$0x3F21];
	s0 =	simm.s32 @p1 $0x1  }
0x15: {  	[smem:$0x3F3E] =	sst s0;
	s0 =	simm.s32 @!p2 $0x0  }
0x16: {  	s3 =	sld [smem:$0x3FDB];
	s0 =	simm.s32 @p2 $0x1  }
0x17: {  	s4 =	simm.s32 $0x1BF5;
	[smem:$0x3F40] =	sst s0  }
0x18: {  	s0 =	sld [smem:$0x3F23];
	_ =	swait.ge [sflag:s4], $0x0  }
0x19: {  	s7 =	sld [smem:$0x3F24]  }
0x1a: {  	s8 =	sadd.s32 $0xFFFFE003, lr  }
0x1b: {  	s9 =	sadd.s32 $0xFFFFFEF7, lr;
	s5 =	simm.s32 $0xFFFFFFFF;
	p2 =	slt.u32 s8, $0xFFFFF086  }
0x1c: {  	p1 =	slt.u32 s9, $0xF7A;
	s5 =	simm.s32 @!p2 $0x0  }
0x1d: {  	s5 =	simm.s32 @p1 $0x1;
	p0 =	seq.s32 s7, s2  }
0x1e: {  	s7 =	smul.u32 @!p0 $0xF7A, s2;
	p2 =	seq.s32 @!p0 s5, $0x0  }
0x1f: {  	s9 =	smul.u32 $0xF7A, s1;
	s8 =	simm.s32 @!p0 $0x1BF5;
	p2 =	por !p2, p0  }
0x20: {  	[sflag:s8] =	ssyncset.s32 @!p0 $0xFFFFF086;
	s6 =	sadd.s32 @!p0 s3, s7;
	s7 =	simm.s32 @!p0 $0x108  }
0x21: {  	s3 =	sadd.s32 s3, s9;
	s6 =	sadd.s32 @!p0 $0x88, s6;
	s7 =	simm.s32 @p2 $0x1082  }
0x22: {  	[simem:s7], [sflag:s8] =	dma.local @!p0 [hbm:s6], $0xF7A  }
0x23: {  	s9 =	sor.u32 $0xD0000000, s2;
	s6 =	simm.s32 $0x108;
	_ =	swait.ge @!p0 [sflag:s8], $0x0  }
0x24: {  	s3 =	sadd.s32 $0x88, s3;
	s6 =	simm.s32 @!p1 $0x1082;
	[sflag:s4] =	ssyncset.s32 $0xFFFFF086  }
0x25: {  	[simem:s6], [sflag:s4] =	dma.local [hbm:s3], $0xF7A  }
0x26: {  	[smem:$0x3F24] =	sst s1;
	(tag) =	ssettag s2;
	_ =	strace s9  }
0x27: {  	s1 =	sld [smem:$0x3F34]  }
0x28: {  	s2 =	sld [smem:$0x3F35]  }
0x29: {  	s4 =	sld [smem:$0x3F37]  }
0x2a: {  	p0 =	seq.s32 s5, $0x0;
	s5 =	sld [smem:$0x3F38]  }
0x2b: {  	s6 =	sld [smem:$0x3F39]  }
0x2c: {  	s7 =	sld [smem:$0x3F3A]  }
0x2d: {  	s3 =	simm.s32 $0x108;
	s8 =	sld [smem:$0x3F3B]  }
0x2e: {  	s3 =	simm.s32 @!p0 $0x1082;
	s9 =	sld [smem:$0x3F3C]  }
0x2f: {  	lr =	sadd.s32 s0, s3;
	s0 =	sld [smem:$0x3F33]  }
0x30: {  	s3 =	sld [smem:$0x3F36]  }
0x31: {  	[smem:$0x3F3F] =	sst s10  }
0x32: {  	s10 =	sld [smem:$0x3F3D];
	_ =	sdelay $0x3  }
0x33: {  	p0 =	seq.s32 s10, $0x1;
	s10 =	sld [smem:$0x3F3F];
	_ =	sdelay $0x3  }
0x34: {  	[smem:$0x3F3F] =	sst s10  }
0x35: {  	s10 =	sld [smem:$0x3F3E];
	_ =	sdelay $0x3  }
0x36: {  	p1 =	seq.s32 s10, $0x1;
	s10 =	sld [smem:$0x3F3F];
	_ =	sdelay $0x3  }
0x37: {  	[smem:$0x3F3F] =	sst s10  }
0x38: {  	s10 =	sld [smem:$0x3F40]  }
0x39: {  	_ = 	snop;
	(pc) =	sbr.ind lr, $3  }
0x3a: {  	_ = 	snop  }
0x3b: {  	_ = 	snop  }
0x3c: {  	p2 =	seq.s32 s10, $0x1;
	s10 =	sld [smem:$0x3F3F]  }
0x3d: {  	_ =	shalt  }
0x3e: {  	_ =	shalt  }
0x3f: {  	_ =	shalt  }
0x40: {  	_ =	shalt  }
0x41: {  	_ =	shalt  }
0x42: {  	_ =	shalt  }
0x43: {  	_ =	shalt  }
0x44: {  	_ =	shalt  }
0x45: {  	_ =	shalt  }
0x46: {  	_ =	shalt  }
0x47: {  	_ =	shalt  }
0x48: {  	_ =	shalt  }
0x49: {  	_ =	shalt  }
0x4a: {  	_ =	shalt  }
0x4b: {  	_ =	shalt  }
0x4c: {  	_ =	shalt  }
0x4d: {  	_ =	shalt  }
0x4e: {  	_ =	shalt  }
0x4f: {  	_ =	shalt  }
0x50: {  	_ =	shalt  }
0x51: {  	_ =	shalt  }
0x52: {  	_ =	shalt  }
0x53: {  	_ =	shalt  }
0x54: {  	_ =	shalt  }
0x55: {  	_ =	shalt  }
0x56: {  	_ =	shalt  }
0x57: {  	_ =	shalt  }
0x58: {  	_ =	shalt  }
0x59: {  	_ =	shalt  }
0x5a: {  	_ =	shalt  }
0x5b: {  	_ =	shalt  }
0x5c: {  	_ =	shalt  }
0x5d: {  	_ =	shalt  }
0x5e: {  	_ =	shalt  }
0x5f: {  	_ =	shalt  }
0x60: {  	_ =	shalt  }
0x61: {  	_ =	shalt  }
0x62: {  	_ =	shalt  }
0x63: {  	_ =	shalt  }
0x64: {  	_ =	shalt  }
0x65: {  	_ =	shalt  }
0x66: {  	_ =	shalt  }
0x67: {  	_ =	shalt  }
0x68: {  	_ =	shalt  }
0x69: {  	_ =	shalt  }
0x6a: {  	_ =	shalt  }
0x6b: {  	_ =	shalt  }
0x6c: {  	_ =	shalt  }
0x6d: {  	_ =	shalt  }
0x6e: {  	_ =	shalt  }
0x6f: {  	_ =	shalt  }
0x70: {  	_ =	shalt  }
0x71: {  	_ =	shalt  }
0x72: {  	_ =	shalt  }
0x73: {  	_ =	shalt  }
0x74: {  	_ =	shalt  }
0x75: {  	_ =	shalt  }
0x76: {  	_ =	shalt  }
0x77: {  	_ =	shalt  }
0x78: {  	_ =	shalt  }
0x79: {  	_ =	shalt  }
0x7a: {  	_ =	shalt  }
0x7b: {  	_ =	shalt  }
0x7c: {  	_ =	shalt  }
0x7d: {  	_ =	shalt  }
0x7e: {  	_ =	shalt  }
0x7f: {  	_ =	shalt  }
0x80: {  	_ =	shalt  }
0x81: {  	_ =	shalt  }
0x82: {  	_ =	shalt  }
0x83: {  	_ =	shalt  }
0x84: {  	_ =	shalt  }
0x85: {  	_ =	shalt  }
0x86: {  	_ =	shalt  }
0x87: {  	_ =	shalt  }
.Lfunc_end0:
.L_simem_size_0:
called_computation.4_lowered:
.L_overlay_start_0:
0x88: {  	s2 =	sld [smem:$0x3FD9]  }
0x89: {  	s3 =	sld [smem:$0x3FFE];
	_ =	sdelay $0x1  }
0x8a: {  	s1 =	srdreg.scid  }
0x8b: {  	s0 =	sand.u32 $0x1, s1  }
0x8c: {  	s16 =	sshll.u32 s0, $0xA;
	s2 =	sadd.s32 s3, s2  }
0x8d: {  	s2 =	sadd.s32 s2, s16  }
0x8e: {  	[smem:$0x3F4B] =	sst s2  }
0x8f: {  	_ = 	snop  }
0x90: {  	(tm) =	ssettm $0x1  }
0x91: {  	s17 =	sld [smem:$0x3FFB];
	_ =	sdelay $0x3  }
0x92: {  	_ =	strace s17  }
0x93: {  	s2 =	sld [smem:$0x3FFC];
	_ =	sdelay $0x3  }
0x94: {  	_ =	strace s2  }
0x95: {  	s2 =	sld [smem:$0x3FFD];
	_ =	sdelay $0x3  }
0x96: {  	_ =	strace s2  }
0x97: {  	_ =	strace $0x8FFFFFFF  }
0x98: {  	s18 =	sld [smem:$0x3FDB];
	_ =	sdelay $0x1  }
0x99: {  	s19 =	simm.s32 $_scs_section_size  }
0x9a: {  	s4 =	simm.s32 $_size__tile_overlayer_lowered;
	s5 =	simm.s32 $_tile_overlayer_lowered  }
0x9b: {  	s22 =	simm.s32 $0x1BFF;
	s21 =	sshll.u32 s5, $0x1;
	s2 =	sadd.s32 s19, s18  }
0x9c: {  	s6 =	simm.s32 $0x0;
	s20 =	sshll.u32 s4, $0x1;
	s4 =	sadd.s32 s21, s2  }
0x9d: {  	[timem:s6], [sflag:s22] =	dma.local [hbm:s4], s20  }
0x9e: {  	_ =	swait.ge [sflag:s22], s20  }
0x9f: {  	s3 =	ssub.s32 $0x0, s20;
	[sflag:s22] =	ssyncset.done $0x0  }
0xa0: {  	[sflag:s22] =	ssyncadd.s32 s3;
	_ =	sdelay $0x1  }
0xa1: {  	s23 =	simm.s32 $0x1B8B  }
0xa2: {  	_ =	swait.ge [sflag:s23], $0x1  }
0xa3: {  	[sflag:s23] =	ssyncset.done $0x0  }
0xa4: {  	s25 =	simm.s32 $0x1B8E;
	s24 =	sld [smem:$0x3FFE];
	[sflag:s23] =	ssyncadd.s32 $0xFFFFFFFF  }
0xa5: {  	s26 =	simm.s32 $execute0_lowered;
	[smem:$0x3FD2] =	sst s25  }
0xa6: {  	s4 =	sshll.u32 s26, $0x1;
	_ =	strace $0x80000052;
	[dreg:$0x1] =	wrdreg $0xFFFFFFFF  }
0xa7: {  	s28 =	simm.s32 $_size_execute0_lowered;
	s2 =	sadd.s32 s2, s4;
	[dreg:$0x0] =	wrdreg $0x0  }
0xa8: {  	s4 =	sshll.u32 s28, $0x1;
	[dreg:$0x2] =	wrdreg s2  }
0xa9: {  	[dreg:$0x3] =	wrdreg s4  }
0xaa: {  	[dreg:$0x4] =	wrdreg $0xC0  }
0xab: {  	_ =	task [dreg:s6], $0x5FFFF  }
0xac: {  	[dreg:$0x1] =	wrdreg $0xFFFFFFFF  }
0xad: {  	[dreg:$0x0] =	wrdreg $0x60  }
0xae: {  	[dreg:$0x2] =	wrdreg s24  }
0xaf: {  	[dreg:$0x3] =	wrdreg $0x90000  }
0xb0: {  	[dreg:$0x4] =	wrdreg $0x9  }
0xb1: {  	_ =	task.clear_ibuf [dreg:s6], $0x5FFFF;
	_ =	strace $0x90000052  }
0xb2: {  	s29 =	simm.s32 $0x9;
	_ =	strace $0x80000054  }
0xb3: {  	_ =	swait.ge [sflag:s29], $0x1  }
0xb4: {  	[sflag:s29] =	ssyncadd.s32 $0xFFFFFFFF  }
0xb5: {  	_ =	strace $0x90000054  }
0xb6: {  	_ =	sfence  }
0xb7: {  	s30 =	sld [smem:$0x0];
	_ =	sdelay $0x2  }
0xb8: {  	s31 =	sshll.u32 s1, $0xD;
	s1 =	sshrl.u32 s1, $0x2  }
0xb9: {  	s3 =	sand.u32 $0x4000, s31;
	s1 =	sadd.s32 s1, s30  }
0xba: {  	s0 =	sor.u32 s3, s0;
	s1 =	sshll.u32 s1, $0x11  }
0xbb: {  	s0 =	sor.u32 s1, s0  }
0xbc: {  	s0 =	sadd.s32 $0x8F2B, s0  }
0xbd: {  	[sflag:s0] =	ssyncadd.remote.s32 $0x1  }
0xbe: {  	_ =	sfence.sel $0xFFFF  }
0xbf: {  	[dreg:$0x0] =	wrdreg $0xFFFFFFFF;
	(pc) =	sbr.abs _section_cstart, $3  }
0xc0: {  	[dreg:$0x1] =	wrdreg $0xFFFFFFFF  }
0xc1: {  	_ =	task.clear_ibuf [dreg:s6], $0x2FFFF;
	_ =	strace $0x9FFFFFFF  }
0xc2: {  	(tm) =	ssettm $0x7FFFFFFF  }
0xc3: {  	_ =	shalt  }
tec
execute0_lowered:
.L_overlay_start_1:
0x0: {  	(tag) =	ssettag $0x1  }
0x1: {  	s4 =	rddreg [dreg:$0x0]  }
0x2: {  	s1 =	rddreg [dreg:$0x1]  }
0x3: {  	s0 =	rddreg [dreg:$0x2];
	s2 =	simm.s32 $0x0;
	s3 =	srdreg.scid  }
0x4: {  	s8 =	stileid.u32;
	s14 =	simm.s32 $0x3E00;
	s15 =	simm.s32 $0x4  }
0x5: {  	s16 =	simm.s32 $0x0;
	[smem:$0x7FF] =	sst s2;
	s3 =	sand.u32 $0x1, s3  }
0x6: {  	s5 =	sshll.u32 s8, $0x1;
	s7 =	sadd.s32 $0xFF1000, s4;
	s12 =	smul.u32 $0x4E200, s8  }
0x7: {  	p0 =	sne.s32 s8, $0x0;
	_ =	strace $0x80000053;
	s5 =	sor.u32 s3, s5  }
0x8: {  	s9 =	smul.u32 $0x27100, s3;
	s10 =	ssub.s32 $0x2, s3;
	s3 =	sadd.s32 $0xF7BA00, s4  }
0x9: {  	s6 =	sshll.u32 s5, $0xB;
	s5 =	smul.u32 $0x27100, s5;
	s11 =	sshrl.u32 s10, $0x1  }
0xa: {  	s31 =	sadd.s32 s12, s7;
	s12 =	simm.s32 $0x1;
	s6 =	sadd.s32 s6, s4  }
0xb: {  	s13 =	sadd.s32 s9, s4;
	s10 =	ssub.s32 s10, s11;
	s9 =	sadd.s32 s9, s31  }
0xc: {  	s11 =	simm.s32 $0x4000;
	s4 =	sadd.s32 $0x19400, s6;
	s5 =	sadd.s32 s7, s5  }
0xd: {  	s6 =	sadd.s32 $0x60800, s13;
	s7 =	smax.u32 s10, $0x1;
	s8 =	sadd.s32 $0x500, s9  }
0xe: {  	s9 =	sshrl.u32 @!p0 s1, $0x3;
	s10 =	simm.s32 $0x3;
	s13 =	simm.s32 $0x50  }
.LBB2_1:
0xf: {  	s17 =	simm.s32 @!p0 $0x1C03  }
0x10: {  	[spmem:s9], [sflag:s17] =	dma.local @!p0 [hbm:s3], $0x27100  }
0x11: {  	s17 =	simm.s32 @!p0 $0x3  }
0x12: {  	_ =	swait.ge @!p0 [sflag:s17], $0x27100  }
0x13: {  	[sflag:s17] =	ssyncset.done @!p0 $0x0  }
0x14: {  	[sflag:s17] =	ssyncadd.s32 @!p0 $0xFFFD8F00  }
0x15: {  	[bflag:$0x0] =	sbarrier.arrive $0xFFFF  }
0x16: {  	[tilespmem:s2], [sflag:$0x3] =	stream.linear.gather [hbm4b:s4+s2], $0x3E80, $0x38;
	[tilespmem:$0x1C880] =	vst v63  }
0x17: {  	_ =	swait.ge [sflag:s10], $0x3E80  }
0x18: {  	s30 =	sand.u32 $0x1, s2;
	[sflag:s10] =	ssyncset.done $0x0  }
0x19: {  	p1 =	seq.s32 s30, $0x1;
	[sflag:s10] =	ssyncadd.s32 $0xFFFFC180  }
0x1a: {  	[tilespmem:s11], [sflag:$0x1] =	stream.linear.gather [hbm4b:s5+s2], $0x2800, $0x38;
	[tilespmem:$0x1C880] =	vst v63  }
0x1b: {  	s18 =	simm.s32 @p1 $0x4000;
	s19 =	simm.s32 @p1 $0x2;
	s17 =	simm.s32 @p1 $0x0  }
0x1c: {  	[tilespmem:s18], [sflag:$0x1] =	stream.linear.gather @p1 [hbm4b:s8+s17], $0x2800, $0x38;
	[tilespmem:$0x1C880] =	vst v63  }
0x1d: {  	_ =	swait.ge @p1 [sflag:s19], $0x2800  }
0x1e: {  	[sflag:s19] =	ssyncset.done @p1 $0x0  }
0x1f: {  	s17 =	simm.s32 @p1 $0x50;
	s18 =	simm.s32 @p1 $0x6800;
	[sflag:s19] =	ssyncadd.s32 @p1 $0xFFFFD800  }
0x20: {  	[spmem:s1] =	stream.indirect.scatter.add.f32 @p1 [tilespmem:s18], [sflag:$0x3], $0x80, s2, s17, $0xb8;
	[tilespmem:$0x1C880] =	vst v63  }
0x21: {  	s21 =	simm.s32 @!p1 $0x1;
	s17 =	simm.s32 @!p1 $0x0;
	s18 =	simm.s32 @!p1 $0x6800  }
0x22: {  	[tilespmem:s18], [sflag:$0x2] =	stream.linear.gather @!p1 [hbm4b:s8+s17], $0x2800, $0x38;
	[tilespmem:$0x1C880] =	vst v63  }
0x23: {  	s20 =	simm.s32 @!p1 $0x4;
	_ =	swait.ge @!p1 [sflag:s21], $0x2800  }
0x24: {  	s31 =	simm.s32 $0x1;
	s20 =	simm.s32 @p1 $0x3;
	[sflag:s21] =	ssyncset.done @!p1 $0x0  }
0x25: {  	s18 =	simm.s32 @!p1 $0x4000;
	[sflag:s21] =	ssyncadd.s32 @!p1 $0xFFFFD800;
	s21 =	simm.s32 @!p1 $0x50  }
0x26: {  	[spmem:s1] =	stream.indirect.scatter.add.f32 @!p1 [tilespmem:s18], [sflag:$0x4], $0x80, s2, s21, $0xb8;
	[tilespmem:$0x1C880] =	vst v63  }
0x27: {  	s19 =	simm.s32 $0x2;
	s17 =	sand.u32 $0x1, s31;
	s18 =	sadd.s32 $0x500, s8  }
0x28: {  	p1 =	seq.s32 s17, $0x1;
	s17 =	simm.s32 $0x80;
	_ =	swait.ge [sflag:s20], $0x2800  }
.LBB2_2:
0x29: {  	s21 =	simm.s32 @p1 $0x0;
	s22 =	simm.s32 @p1 $0x4000  }
0x2a: {  	[sflag:s20] =	ssyncset.done $0x0;
	s23 =	smov.u32 s19;
	s24 =	smov.u32 s18  }
0x2b: {  	s19 =	sadd.s32 $0x1, s19;
	s25 =	simm.s32 @p1 $0x2;
	[sflag:s20] =	ssyncadd.s32 $0xFFFFD800  }
0x2c: {  	[tilespmem:s22], [sflag:$0x1] =	stream.linear.gather @p1 [hbm4b:s18+s21], $0x2800, $0x38;
	[tilespmem:$0x1C880] =	vst v63  }
0x2d: {  	p2 =	sne.s32 s19, $0x7C;
	_ =	swait.ge @p1 [sflag:s25], $0x2800  }
0x2e: {  	s18 =	sadd.s32 $0x500, s18;
	[sflag:s25] =	ssyncset.done @p1 $0x0  }
0x2f: {  	s20 =	simm.s32 @p1 $0x50;
	s21 =	simm.s32 @p1 $0x6800;
	[sflag:s25] =	ssyncadd.s32 @p1 $0xFFFFD800  }
0x30: {  	[spmem:s1] =	stream.indirect.scatter.add.f32 @p1 [tilespmem:s21], [sflag:$0x3], $0x80, s17, s20, $0xb8;
	[tilespmem:$0x1C880] =	vst v63  }
0x31: {  	s22 =	simm.s32 @!p1 $0x1;
	s20 =	simm.s32 @!p1 $0x0;
	s21 =	simm.s32 @!p1 $0x6800  }
0x32: {  	[tilespmem:s21], [sflag:$0x2] =	stream.linear.gather @!p1 [hbm4b:s24+s20], $0x2800, $0x38;
	[tilespmem:$0x1C880] =	vst v63  }
.Ltmp0:
0x33: {  	s21 =	sand.u32 $0x1, s23;
	_ =	swait.ge @!p1 [sflag:s22], $0x2800;
	(pc) =	sbr.rel @p2 .LBB2_2-.Ltmp0, $4  }
0x34: {  	s23 =	simm.s32 @!p1 $0x4000;
	s20 =	simm.s32 @!p1 $0x4;
	[sflag:s22] =	ssyncset.done @!p1 $0x0  }
0x35: {  	s20 =	simm.s32 @p1 $0x3;
	[sflag:s22] =	ssyncadd.s32 @!p1 $0xFFFFD800;
	s22 =	simm.s32 @!p1 $0x50  }
0x36: {  	[spmem:s1] =	stream.indirect.scatter.add.f32 @!p1 [tilespmem:s23], [sflag:$0x4], $0x80, s17, s22, $0xb8;
	[tilespmem:$0x1C880] =	vst v63  }
0x37: {  	p1 =	seq.s32 s21, $0x1;
	s17 =	sadd.s32 $0x80, s17;
	_ =	swait.ge [sflag:s20], $0x2800  }
0x38: {  	s19 =	simm.s32 @p1 $0x0;
	[sflag:s20] =	ssyncset.done $0x0  }
0x39: {  	s21 =	simm.s32 @p1 $0x4000;
	s22 =	simm.s32 @p1 $0x2;
	[sflag:s20] =	ssyncadd.s32 $0xFFFFD800  }
0x3a: {  	[tilespmem:s21], [sflag:$0x1] =	stream.linear.gather @p1 [hbm4b:s18+s19], $0x2800, $0x38;
	[tilespmem:$0x1C880] =	vst v63  }
0x3b: {  	_ =	swait.ge @p1 [sflag:s22], $0x2800  }
0x3c: {  	[sflag:s22] =	ssyncset.done @p1 $0x0  }
0x3d: {  	s20 =	simm.s32 @p1 $0x6800;
	s19 =	simm.s32 @p1 $0x50;
	[sflag:s22] =	ssyncadd.s32 @p1 $0xFFFFD800  }
0x3e: {  	[spmem:s1] =	stream.indirect.scatter.add.f32 @p1 [tilespmem:s20], [sflag:$0x3], $0x80, s17, s19, $0xb8;
	[tilespmem:$0x1C880] =	vst v63  }
0x3f: {  	s21 =	simm.s32 @!p1 $0x1;
	s19 =	simm.s32 @!p1 $0x0;
	s20 =	simm.s32 @!p1 $0x6800  }
0x40: {  	[tilespmem:s20], [sflag:$0x2] =	stream.linear.gather @!p1 [hbm4b:s18+s19], $0x2800, $0x38;
	[tilespmem:$0x1C880] =	vst v63  }
0x41: {  	_ =	swait.ge @!p1 [sflag:s21], $0x2800  }
0x42: {  	s18 =	simm.s32 @!p1 $0x4000;
	s19 =	simm.s32 @!p1 $0x4;
	[sflag:s21] =	ssyncset.done @!p1 $0x0  }
0x43: {  	s20 =	simm.s32 @!p1 $0x50;
	s19 =	simm.s32 @p1 $0x3;
	[sflag:s21] =	ssyncadd.s32 @!p1 $0xFFFFD800  }
0x44: {  	[spmem:s1] =	stream.indirect.scatter.add.f32 @!p1 [tilespmem:s18], [sflag:$0x4], $0x80, s17, s20, $0xb8;
	[tilespmem:$0x1C880] =	vst v63  }
0x45: {  	_ =	swait.ge [sflag:s19], $0x2800  }
0x46: {  	[sflag:s19] =	ssyncset.done $0x0  }
0x47: {  	[sflag:s19] =	ssyncadd.s32 $0xFFFFD800  }
0x48: {  	_ =	swait.ge [sflag:s12], $0x2800  }
0x49: {  	[sflag:s12] =	ssyncset.done $0x0  }
0x4a: {  	[sflag:s12] =	ssyncadd.s32 $0xFFFFD800  }
0x4b: {  	[spmem:s1] =	stream.indirect.scatter.add.f32 [tilespmem:s11], [sflag:$0x4], $0x80, s14, s13, $0xb8;
	[tilespmem:$0x1C880] =	vst v63  }
0x4c: {  	_ =	swait.ge [sflag:s15], $0x2800  }
0x4d: {  	[sflag:s15] =	ssyncset.done $0x0  }
0x4e: {  	s16 =	sadd.s32 $0x1, s16;
	[sflag:s15] =	ssyncadd.s32 $0xFFFFD800  }
0x4f: {  	s17 =	simm.s32 @!p0 $0x1C03;
	p1 =	sne.s32 s16, s7;
	[bflag:$0x0] =	sbarrier.arrive $0xFFFF  }
0x50: {  	[hbm:s6], [sflag:s17] =	dma.local @!p0 [spmem:s9], $0x27100  }
.Ltmp1:
0x51: {  	_ = 	snop;
	(pc) =	sbr.rel @p1 .LBB2_1-.Ltmp1, $4  }
0x52: {  	s17 =	simm.s32 @!p0 $0x3  }
0x53: {  	_ =	swait.ge @!p0 [sflag:s17], $0x27100  }
0x54: {  	[sflag:s17] =	ssyncset.done @!p0 $0x0  }
0x55: {  	[sflag:s17] =	ssyncadd.s32 @!p0 $0xFFFD8F00  }
0x56: {  	_ =	sfence.sel $0x180000  }
0x57: {  	[bflag:$0x0] =	sbarrier.arrive $0xFFFF  }
0x58: {  	_ =	strace $0x90000053  }
0x59: {  	s0 =	sadd.s32 @!p0 $0x100000, s0;
	[bflag:$0x2] =	sbarrier.arrive $0xFFFF  }
0x5a: {  	[sflag:s0] =	ssyncadd.tile.s32 @!p0 $0x1;
	_ =	shalt  }
.Lfunc_end2:
_tile_overlayer_lowered:
.L_overlay_start_2:
0x5b: {  	(tag) =	ssettag $0x2  }
0x5c: {  	s0 =	rddreg [dreg:$0x0];
	s2 =	stileid.u32  }
0x5d: {  	s1 =	rddreg [dreg:$0x1];
	p0 =	sne.s32 s2, $0x0  }
0x5e: {  	s3 =	rddreg [dreg:$0x2];
	[bflag:$0x3] =	sbarrier.arrive $0xFFFF;
	s2 =	simm.s32 @!p0 $0x1C03  }
0x5f: {  	[timem:s3], [sflag:s2] =	dma.local @!p0 [hbm:s0], s1  }
0x60: {  	s0 =	simm.s32 @!p0 $0x3  }
0x61: {  	_ =	swait.ge @!p0 [sflag:s0], s1  }
0x62: {  	s1 =	ssub.s32 @!p0 $0x0, s1;
	[sflag:s0] =	ssyncset.done @!p0 $0x0  }
0x63: {  	[sflag:s0] =	ssyncadd.s32 @!p0 s1  }
0x64: {  	[bflag:$0x3] =	sbarrier.arrive $0xFFFF  }
0x65: {  	_ =	shalt  }

// kernel: kernel.45.cloned.1.call-start
scs
__scs_entry_jumppad:
0x0: {  	(pc) =	sbr.rel $0x88, $3  }
0x1: {  	(tag) =	ssettag $0x0;
	lr =	simm.s32 $0x1  }
0x2: {  	[smem:$0x3F24] =	sst lr;
	_ =	strace $0xD0000000  }
0x3: {  	_ = 	snop  }
0x4: {  	_ = 	snop  }
0x5: {  	_ = 	snop  }
0x6: {  	_ = 	snop  }
0x7: {  	_ = 	snop  }
__scs_overlays_trampoline_lowered:
0x8: {  	[smem:$0x3F33] =	sst s0  }
0x9: {  	[smem:$0x3F34] =	sst s1  }
0xa: {  	[smem:$0x3F35] =	sst s2  }
0xb: {  	[smem:$0x3F36] =	sst s3  }
0xc: {  	[smem:$0x3F37] =	sst s4  }
0xd: {  	[smem:$0x3F38] =	sst s5  }
0xe: {  	[smem:$0x3F39] =	sst s6  }
0xf: {  	[smem:$0x3F3A] =	sst s7  }
0x10: {  	[smem:$0x3F3B] =	sst s8  }
0x11: {  	[smem:$0x3F3C] =	sst s9;
	s0 =	simm.s32 @!p0 $0x0  }
0x12: {  	s1 =	sld [smem:$0x3F22];
	s0 =	simm.s32 @p0 $0x1  }
0x13: {  	[smem:$0x3F3D] =	sst s0;
	s0 =	simm.s32 @!p1 $0x0  }
0x14: {  	s2 =	sld [smem:$0x3F21];
	s0 =	simm.s32 @p1 $0x1  }
0x15: {  	[smem:$0x3F3E] =	sst s0;
	s0 =	simm.s32 @!p2 $0x0  }
0x16: {  	s3 =	sld [smem:$0x3FDB];
	s0 =	simm.s32 @p2 $0x1  }
0x17: {  	s4 =	simm.s32 $0x1BF5;
	[smem:$0x3F40] =	sst s0  }
0x18: {  	s0 =	sld [smem:$0x3F23];
	_ =	swait.ge [sflag:s4], $0x0  }
0x19: {  	s7 =	sld [smem:$0x3F24]  }
0x1a: {  	s8 =	sadd.s32 $0xFFFFE003, lr  }
0x1b: {  	s9 =	sadd.s32 $0xFFFFFEF7, lr;
	s5 =	simm.s32 $0xFFFFFFFF;
	p2 =	slt.u32 s8, $0xFFFFF086  }
0x1c: {  	p1 =	slt.u32 s9, $0xF7A;
	s5 =	simm.s32 @!p2 $0x0  }
0x1d: {  	s5 =	simm.s32 @p1 $0x1;
	p0 =	seq.s32 s7, s2  }
0x1e: {  	s7 =	smul.u32 @!p0 $0xF7A, s2;
	p2 =	seq.s32 @!p0 s5, $0x0  }
0x1f: {  	s9 =	smul.u32 $0xF7A, s1;
	s8 =	simm.s32 @!p0 $0x1BF5;
	p2 =	por !p2, p0  }
0x20: {  	[sflag:s8] =	ssyncset.s32 @!p0 $0xFFFFF086;
	s6 =	sadd.s32 @!p0 s3, s7;
	s7 =	simm.s32 @!p0 $0x108  }
0x21: {  	s3 =	sadd.s32 s3, s9;
	s6 =	sadd.s32 @!p0 $0x88, s6;
	s7 =	simm.s32 @p2 $0x1082  }
0x22: {  	[simem:s7], [sflag:s8] =	dma.local @!p0 [hbm:s6], $0xF7A  }
0x23: {  	s9 =	sor.u32 $0xD0000000, s2;
	s6 =	simm.s32 $0x108;
	_ =	swait.ge @!p0 [sflag:s8], $0x0  }
0x24: {  	s3 =	sadd.s32 $0x88, s3;
	s6 =	simm.s32 @!p1 $0x1082;
	[sflag:s4] =	ssyncset.s32 $0xFFFFF086  }
0x25: {  	[simem:s6], [sflag:s4] =	dma.local [hbm:s3], $0xF7A  }
0x26: {  	[smem:$0x3F24] =	sst s1;
	(tag) =	ssettag s2;
	_ =	strace s9  }
0x27: {  	s1 =	sld [smem:$0x3F34]  }
0x28: {  	s2 =	sld [smem:$0x3F35]  }
0x29: {  	s4 =	sld [smem:$0x3F37]  }
0x2a: {  	p0 =	seq.s32 s5, $0x0;
	s5 =	sld [smem:$0x3F38]  }
0x2b: {  	s6 =	sld [smem:$0x3F39]  }
0x2c: {  	s7 =	sld [smem:$0x3F3A]  }
0x2d: {  	s3 =	simm.s32 $0x108;
	s8 =	sld [smem:$0x3F3B]  }
0x2e: {  	s3 =	simm.s32 @!p0 $0x1082;
	s9 =	sld [smem:$0x3F3C]  }
0x2f: {  	lr =	sadd.s32 s0, s3;
	s0 =	sld [smem:$0x3F33]  }
0x30: {  	s3 =	sld [smem:$0x3F36]  }
0x31: {  	[smem:$0x3F3F] =	sst s10  }
0x32: {  	s10 =	sld [smem:$0x3F3D];
	_ =	sdelay $0x3  }
0x33: {  	p0 =	seq.s32 s10, $0x1;
	s10 =	sld [smem:$0x3F3F];
	_ =	sdelay $0x3  }
0x34: {  	[smem:$0x3F3F] =	sst s10  }
0x35: {  	s10 =	sld [smem:$0x3F3E];
	_ =	sdelay $0x3  }
0x36: {  	p1 =	seq.s32 s10, $0x1;
	s10 =	sld [smem:$0x3F3F];
	_ =	sdelay $0x3  }
0x37: {  	[smem:$0x3F3F] =	sst s10  }
0x38: {  	s10 =	sld [smem:$0x3F40]  }
0x39: {  	_ = 	snop;
	(pc) =	sbr.ind lr, $3  }
0x3a: {  	_ = 	snop  }
0x3b: {  	_ = 	snop  }
0x3c: {  	p2 =	seq.s32 s10, $0x1;
	s10 =	sld [smem:$0x3F3F]  }
0x3d: {  	_ =	shalt  }
0x3e: {  	_ =	shalt  }
0x3f: {  	_ =	shalt  }
0x40: {  	_ =	shalt  }
0x41: {  	_ =	shalt  }
0x42: {  	_ =	shalt  }
0x43: {  	_ =	shalt  }
0x44: {  	_ =	shalt  }
0x45: {  	_ =	shalt  }
0x46: {  	_ =	shalt  }
0x47: {  	_ =	shalt  }
0x48: {  	_ =	shalt  }
0x49: {  	_ =	shalt  }
0x4a: {  	_ =	shalt  }
0x4b: {  	_ =	shalt  }
0x4c: {  	_ =	shalt  }
0x4d: {  	_ =	shalt  }
0x4e: {  	_ =	shalt  }
0x4f: {  	_ =	shalt  }
0x50: {  	_ =	shalt  }
0x51: {  	_ =	shalt  }
0x52: {  	_ =	shalt  }
0x53: {  	_ =	shalt  }
0x54: {  	_ =	shalt  }
0x55: {  	_ =	shalt  }
0x56: {  	_ =	shalt  }
0x57: {  	_ =	shalt  }
0x58: {  	_ =	shalt  }
0x59: {  	_ =	shalt  }
0x5a: {  	_ =	shalt  }
0x5b: {  	_ =	shalt  }
0x5c: {  	_ =	shalt  }
0x5d: {  	_ =	shalt  }
0x5e: {  	_ =	shalt  }
0x5f: {  	_ =	shalt  }
0x60: {  	_ =	shalt  }
0x61: {  	_ =	shalt  }
0x62: {  	_ =	shalt  }
0x63: {  	_ =	shalt  }
0x64: {  	_ =	shalt  }
0x65: {  	_ =	shalt  }
0x66: {  	_ =	shalt  }
0x67: {  	_ =	shalt  }
0x68: {  	_ =	shalt  }
0x69: {  	_ =	shalt  }
0x6a: {  	_ =	shalt  }
0x6b: {  	_ =	shalt  }
0x6c: {  	_ =	shalt  }
0x6d: {  	_ =	shalt  }
0x6e: {  	_ =	shalt  }
0x6f: {  	_ =	shalt  }
0x70: {  	_ =	shalt  }
0x71: {  	_ =	shalt  }
0x72: {  	_ =	shalt  }
0x73: {  	_ =	shalt  }
0x74: {  	_ =	shalt  }
0x75: {  	_ =	shalt  }
0x76: {  	_ =	shalt  }
0x77: {  	_ =	shalt  }
0x78: {  	_ =	shalt  }
0x79: {  	_ =	shalt  }
0x7a: {  	_ =	shalt  }
0x7b: {  	_ =	shalt  }
0x7c: {  	_ =	shalt  }
0x7d: {  	_ =	shalt  }
0x7e: {  	_ =	shalt  }
0x7f: {  	_ =	shalt  }
0x80: {  	_ =	shalt  }
0x81: {  	_ =	shalt  }
0x82: {  	_ =	shalt  }
0x83: {  	_ =	shalt  }
0x84: {  	_ =	shalt  }
0x85: {  	_ =	shalt  }
0x86: {  	_ =	shalt  }
0x87: {  	_ =	shalt  }
.Lfunc_end0:
.L_simem_size_0:
called_computation.5_lowered:
.L_overlay_start_0:
0x88: {  	s2 =	sld [smem:$0x3FD9]  }
0x89: {  	s3 =	sld [smem:$0x3FFE];
	_ =	sdelay $0x1  }
0x8a: {  	s1 =	srdreg.scid  }
0x8b: {  	s0 =	sand.u32 $0x1, s1  }
0x8c: {  	s16 =	sshll.u32 s0, $0xA;
	s2 =	sadd.s32 s3, s2  }
0x8d: {  	s2 =	sadd.s32 s2, s16  }
0x8e: {  	[smem:$0x3F4B] =	sst s2  }
0x8f: {  	_ = 	snop  }
0x90: {  	(tm) =	ssettm $0x1  }
0x91: {  	s17 =	sld [smem:$0x3FFB];
	_ =	sdelay $0x3  }
0x92: {  	_ =	strace s17  }
0x93: {  	s2 =	sld [smem:$0x3FFC];
	_ =	sdelay $0x3  }
0x94: {  	_ =	strace s2  }
0x95: {  	s2 =	sld [smem:$0x3FFD];
	_ =	sdelay $0x3  }
0x96: {  	_ =	strace s2  }
0x97: {  	_ =	strace $0x8FFFFFFF  }
0x98: {  	s18 =	sld [smem:$0x3FDB];
	_ =	sdelay $0x1  }
0x99: {  	s19 =	simm.s32 $_scs_section_size  }
0x9a: {  	s4 =	simm.s32 $_size__tile_overlayer_lowered;
	s5 =	simm.s32 $_tile_overlayer_lowered  }
0x9b: {  	s22 =	simm.s32 $0x1BFF;
	s21 =	sshll.u32 s5, $0x1;
	s2 =	sadd.s32 s19, s18  }
0x9c: {  	s6 =	simm.s32 $0x0;
	s20 =	sshll.u32 s4, $0x1;
	s4 =	sadd.s32 s21, s2  }
0x9d: {  	[timem:s6], [sflag:s22] =	dma.local [hbm:s4], s20  }
0x9e: {  	_ =	swait.ge [sflag:s22], s20  }
0x9f: {  	s3 =	ssub.s32 $0x0, s20;
	[sflag:s22] =	ssyncset.done $0x0  }
0xa0: {  	[sflag:s22] =	ssyncadd.s32 s3;
	_ =	sdelay $0x1  }
0xa1: {  	s23 =	simm.s32 $0x1B8B  }
0xa2: {  	_ =	swait.ge [sflag:s23], $0x1  }
0xa3: {  	[sflag:s23] =	ssyncset.done $0x0  }
0xa4: {  	s25 =	simm.s32 $0x1B8E;
	s24 =	sld [smem:$0x3FFE];
	[sflag:s23] =	ssyncadd.s32 $0xFFFFFFFF  }
0xa5: {  	s26 =	simm.s32 $execute0_lowered;
	[smem:$0x3FD2] =	sst s25  }
0xa6: {  	s4 =	sshll.u32 s26, $0x1;
	_ =	strace $0x80000055;
	[dreg:$0x1] =	wrdreg $0xFFFFFFFF  }
0xa7: {  	s28 =	simm.s32 $_size_execute0_lowered;
	s2 =	sadd.s32 s2, s4;
	[dreg:$0x0] =	wrdreg $0x0  }
0xa8: {  	s4 =	sshll.u32 s28, $0x1;
	[dreg:$0x2] =	wrdreg s2  }
0xa9: {  	[dreg:$0x3] =	wrdreg s4  }
0xaa: {  	[dreg:$0x4] =	wrdreg $0xC0  }
0xab: {  	_ =	task [dreg:s6], $0x5FFFF  }
0xac: {  	[dreg:$0x1] =	wrdreg $0xFFFFFFFF  }
0xad: {  	[dreg:$0x0] =	wrdreg $0x60  }
0xae: {  	[dreg:$0x2] =	wrdreg s24  }
0xaf: {  	[dreg:$0x3] =	wrdreg $0x9  }
0xb0: {  	_ =	task.clear_ibuf [dreg:s6], $0x4FFFF;
	_ =	strace $0x90000055  }
0xb1: {  	s29 =	simm.s32 $0x9;
	_ =	strace $0x80000057  }
0xb2: {  	_ =	swait.ge [sflag:s29], $0x1  }
0xb3: {  	[sflag:s29] =	ssyncadd.s32 $0xFFFFFFFF  }
0xb4: {  	_ =	strace $0x90000057  }
0xb5: {  	_ =	sfence  }
0xb6: {  	s30 =	sld [smem:$0x0];
	_ =	sdelay $0x2  }
0xb7: {  	s31 =	sshll.u32 s1, $0xD;
	s1 =	sshrl.u32 s1, $0x2  }
0xb8: {  	s3 =	sand.u32 $0x4000, s31;
	s1 =	sadd.s32 s1, s30  }
0xb9: {  	s0 =	sor.u32 s3, s0;
	s1 =	sshll.u32 s1, $0x11  }
0xba: {  	s0 =	sor.u32 s1, s0  }
0xbb: {  	s0 =	sadd.s32 $0x8F2B, s0  }
0xbc: {  	[sflag:s0] =	ssyncadd.remote.s32 $0x1  }
0xbd: {  	_ =	sfence.sel $0xFFFF  }
0xbe: {  	[dreg:$0x0] =	wrdreg $0xFFFFFFFF;
	(pc) =	sbr.abs _section_cstart, $3  }
0xbf: {  	[dreg:$0x1] =	wrdreg $0xFFFFFFFF  }
0xc0: {  	_ =	task.clear_ibuf [dreg:s6], $0x2FFFF;
	_ =	strace $0x9FFFFFFF  }
0xc1: {  	(tm) =	ssettm $0x7FFFFFFF  }
tec
execute0_lowered:
.L_overlay_start_1:
0x0: {  	(tag) =	ssettag $0x1  }
0x1: {  	s0 =	rddreg [dreg:$0x0];
	s1 =	simm.s32 $0x0  }
0x2: {  	s2 =	srdreg.scid;
	s8 =	stileid.u32;
	s12 =	simm.s32 $0x8000  }
0x3: {  	s13 =	simm.s32 $0x8800;
	s14 =	simm.s32 $0x9000;
	s15 =	simm.s32 $0x9800  }
0x4: {  	s16 =	simm.s32 $0xA000;
	s17 =	simm.s32 $0xA800;
	s18 =	simm.s32 $0xB000  }
0x5: {  	s19 =	simm.s32 $0xB800;
	s20 =	simm.s32 $0xC000;
	s21 =	simm.s32 $0xC800  }
0x6: {  	s28 =	simm.s32 $0x3;
	s29 =	simm.s32 $0x4;
	[smem:$0x7FF] =	sst s1  }
0x7: {  	s3 =	sadd.s32 $0xFF1000, s0;
	s2 =	sand.u32 $0x1, s2;
	s7 =	smul.u32 $0x9C400, s8  }
0x8: {  	s5 =	sshll.u32 s8, $0xC;
	s4 =	sadd.s32 $0x103F200, s0;
	s22 =	smul.u32 $0x4E200, s8  }
0x9: {  	s8 =	simm.s32 $0x11800;
	_ =	strace $0x80000056;
	s9 =	smul.u32 $0x4E200, s2  }
0xa: {  	s6 =	sshll.u32 s2, $0xB;
	s23 =	ssub.s32 $0x2, s2;
	s2 =	smul.u32 $0x27100, s2  }
0xb: {  	s5 =	sor.u32 s6, s5;
	s7 =	sadd.s32 s7, s0;
	s10 =	sshrl.u32 s23, $0x1  }
0xc: {  	s5 =	sadd.s32 s5, s0;
	s0 =	sadd.s32 s22, s0;
	s24 =	ssub.s32 s23, s10  }
0xd: {  	s26 =	sadd.s32 s9, s7;
	s22 =	simm.s32 $0x50;
	s23 =	simm.s32 $0x12000  }
0xe: {  	s7 =	simm.s32 $0x11000;
	s9 =	simm.s32 $0x1;
	s25 =	sadd.s32 $0x29400, s5  }
.Ltmp0:
0xf: {  	s5 =	sadd.s32 $0x19400, s5;
	[dreg:$0x2] =	wrdreg s25;
	(pc) =	sbr.rel .LBB2_1-.Ltmp0, $4  }
0x10: {  	s10 =	simm.s32 $0x0;
	s30 =	smax.u32 s24, $0x1;
	[dreg:$0x3] =	wrdreg s5  }
0x11: {  	v2 =	vlaneseq.u32;
	s0 =	sadd.s32 s2, s0;
	s31 =	sadd.s32 $0x542800, s26;
	[dreg:$0x4] =	wrdreg s30  }
0x12: {  	vm0 =	vmmov $0xffff;
	v1 =	vshrl.u32 v2, $0x3;
	s24 =	simm.s32 $0x2;
	[dreg:$0x5] =	wrdreg s31;
	s0 =	sadd.s32 $0x60800, s0  }
0x13: {  	v0 =	vand.u32 $0x7, v2;
	v2 =	vor.u32 $0x8, v2;
	v1 =	vmul.u32 $0x8, v1;
	s26 =	simm.s32 $0x14800;
	s25 =	simm.s32 $0xD000;
	[dreg:$0x6] =	wrdreg s0  }
.LBB2_12:
0x14: {  	_ =	swait.ge [sflag:s28], $0x5000  }
0x15: {  	[sflag:s28] =	ssyncset.done $0x0  }
0x16: {  	[sflag:s28] =	ssyncadd.s32 $0xFFFFB000  }
0x17: {  	_ =	swait.ge [sflag:s28], $0x2800  }
0x18: {  	[sflag:s28] =	ssyncset.done $0x0  }
0x19: {  	[sflag:s28] =	ssyncadd.s32 $0xFFFFD800  }
0x1a: {  	_ =	swait.ge [sflag:s29], $0x5000  }
0x1b: {  	[sflag:s29] =	ssyncset.done $0x0  }
0x1c: {  	[sflag:s29] =	ssyncadd.s32 $0xFFFFB000  }
0x1d: {  	_ =	swait.ge [sflag:s29], $0x2800  }
0x1e: {  	s10 =	sadd.s32 $0x1, s10;
	s0 =	rddreg [dreg:$0x4]  }
0x1f: {  	p0 =	sne.s32 s10, s0  }
.Ltmp1:
0x20: {  	_ = 	snop;
	(pc) =	sbr.rel @!p0 .LBB2_13-.Ltmp1, $3  }
0x21: {  	_ =	sdelay $0x1  }
0x22: {  	[sflag:s29] =	ssyncset.done $0x0  }
0x23: {  	[sflag:s29] =	ssyncadd.s32 $0xFFFFD800  }
.LBB2_1:
0x24: {  	s0 =	rddreg [dreg:$0x2];
	s2 =	simm.s32 $0x5  }
0x25: {  	[tilespmem:s1], [sflag:$0x5] =	stream.linear.gather [hbm4b:s0+s1], $0x3E80, $0x38;
	[tilespmem:$0x17000] =	vst v63  }
0x26: {  	_ =	swait.ge [sflag:s2], $0x3E80  }
0x27: {  	[sflag:s2] =	ssyncset.done $0x0  }
0x28: {  	s5 =	simm.s32 $0x4000;
	s11 =	rddreg [dreg:$0x3];
	[sflag:s2] =	ssyncadd.s32 $0xFFFFC180  }
0x29: {  	[tilespmem:s5], [sflag:$0x5] =	stream.linear.gather [hbm4b:s11+s1], $0x3E80, $0x38;
	[tilespmem:$0x17000] =	vst v63  }
0x2a: {  	_ =	swait.ge [sflag:s2], $0x3E80  }
0x2b: {  	[sflag:s2] =	ssyncset.done $0x0  }
0x2c: {  	[sflag:s2] =	ssyncadd.s32 $0xFFFFC180  }
0x2d: {  	v3 =	vld [tilespmem:$0x0];
	_ =	sdelay $0x4  }
0x2e: {  	v4 =	vshll.u32 v3, $0x1  }
0x2f: {  	v3 =	vand.u32 $0x7, v3;
	v4 =	vand.u32 $0xFFFFFFF0, v4  }
0x30: {  	v3 =	vor.u32 v3, v4  }
0x31: {  	v4 =	vperm.xlane v3, v0;
	_ =	sdelay $0x1  }
0x32: {  	v3 =	vperm.xlane v3, v2;
	v4 =	vadd.s32 v1, v4;
	_ =	sdelay $0x1  }
0x33: {  	v3 =	vadd.s32 v1, v3;
	_ =	sdelay $0x2  }
0x34: {  	[tilespmem:s12], [sflag:$0x1] =	stream.indirect_vreg.gather [hbm4b:s3+s1], $0x80, v4, vm0, $0xb8;
	[tilespmem:$0x17000] =	vst v63  }
0x35: {  	_ = 	snop  }
0x36: {  	[tilespmem:s13], [sflag:$0x1] =	stream.indirect_vreg.gather [hbm4b:s3+s1], $0x80, v3, vm0, $0xb8;
	[tilespmem:$0x17000] =	vst v63  }
0x37: {  	v3 =	vld [tilespmem:$0x10];
	_ =	sdelay $0x4  }
0x38: {  	v60 =	vshll.u32 v3, $0x1  }
0x39: {  	v3 =	vand.u32 $0x7, v3;
	v4 =	vand.u32 $0xFFFFFFF0, v60  }
0x3a: {  	v3 =	vor.u32 v3, v4  }
0x3b: {  	v4 =	vperm.xlane v3, v0;
	_ =	sdelay $0x1  }
0x3c: {  	v3 =	vperm.xlane v3, v2;
	v4 =	vadd.s32 v1, v4;
	_ =	sdelay $0x1  }
0x3d: {  	v3 =	vadd.s32 v1, v3;
	_ =	sdelay $0x2  }
0x3e: {  	[tilespmem:s14], [sflag:$0x1] =	stream.indirect_vreg.gather [hbm4b:s3+s1], $0x80, v4, vm0, $0xb8;
	[tilespmem:$0x17000] =	vst v63  }
0x3f: {  	_ = 	snop  }
0x40: {  	[tilespmem:s15], [sflag:$0x1] =	stream.indirect_vreg.gather [hbm4b:s3+s1], $0x80, v3, vm0, $0xb8;
	[tilespmem:$0x17000] =	vst v63  }
0x41: {  	v3 =	vld [tilespmem:$0x20];
	_ =	sdelay $0x4  }
0x42: {  	v61 =	vshll.u32 v3, $0x1  }
0x43: {  	v3 =	vand.u32 $0x7, v3;
	v4 =	vand.u32 $0xFFFFFFF0, v61  }
0x44: {  	v3 =	vor.u32 v3, v4  }
0x45: {  	v4 =	vperm.xlane v3, v0;
	_ =	sdelay $0x1  }
0x46: {  	v3 =	vperm.xlane v3, v2;
	v4 =	vadd.s32 v1, v4;
	_ =	sdelay $0x1  }
0x47: {  	v3 =	vadd.s32 v1, v3;
	_ =	sdelay $0x2  }
0x48: {  	[tilespmem:s16], [sflag:$0x1] =	stream.indirect_vreg.gather [hbm4b:s3+s1], $0x80, v4, vm0, $0xb8;
	[tilespmem:$0x17000] =	vst v63  }
0x49: {  	_ = 	snop  }
0x4a: {  	[tilespmem:s17], [sflag:$0x1] =	stream.indirect_vreg.gather [hbm4b:s3+s1], $0x80, v3, vm0, $0xb8;
	[tilespmem:$0x17000] =	vst v63  }
0x4b: {  	v3 =	vld [tilespmem:$0x30];
	_ =	sdelay $0x4  }
0x4c: {  	v62 =	vshll.u32 v3, $0x1  }
0x4d: {  	v3 =	vand.u32 $0x7, v3;
	v4 =	vand.u32 $0xFFFFFFF0, v62  }
0x4e: {  	v3 =	vor.u32 v3, v4  }
0x4f: {  	v4 =	vperm.xlane v3, v0;
	_ =	sdelay $0x1  }
0x50: {  	v3 =	vperm.xlane v3, v2;
	v4 =	vadd.s32 v1, v4;
	_ =	sdelay $0x1  }
0x51: {  	v3 =	vadd.s32 v1, v3;
	_ =	sdelay $0x2  }
0x52: {  	[tilespmem:s18], [sflag:$0x1] =	stream.indirect_vreg.gather [hbm4b:s3+s1], $0x80, v4, vm0, $0xb8;
	[tilespmem:$0x17000] =	vst v63  }
0x53: {  	_ = 	snop  }
0x54: {  	[tilespmem:s19], [sflag:$0x1] =	stream.indirect_vreg.gather [hbm4b:s3+s1], $0x80, v3, vm0, $0xb8;
	[tilespmem:$0x17000] =	vst v63  }
0x55: {  	v3 =	vld [tilespmem:$0x40];
	_ =	sdelay $0x4  }
0x56: {  	v63 =	vshll.u32 v3, $0x1  }
0x57: {  	v3 =	vand.u32 $0x7, v3;
	v4 =	vand.u32 $0xFFFFFFF0, v63  }
0x58: {  	v3 =	vor.u32 v3, v4  }
0x59: {  	v4 =	vperm.xlane v3, v0;
	_ =	sdelay $0x1  }
0x5a: {  	v4 =	vadd.s32 v1, v4  }
0x5b: {  	v3 =	vperm.xlane v3, v2;
	_ =	sdelay $0x1  }
0x5c: {  	v3 =	vadd.s32 v1, v3;
	_ =	sdelay $0x1  }
0x5d: {  	[tilespmem:s20], [sflag:$0x1] =	stream.indirect_vreg.gather [hbm4b:s3+s1], $0x80, v4, vm0, $0xb8;
	[tilespmem:$0x17000] =	vst v63  }
.Ltmp2:
0x5e: {  	_ = 	snop;
	(pc) =	sbr.rel .LBB2_2-.Ltmp2, $4  }
0x5f: {  	s30 =	rddreg [dreg:$0x6]  }
0x60: {  	[tilespmem:s21], [sflag:$0x1] =	stream.indirect_vreg.gather [hbm4b:s3+s1], $0x80, v3, vm0, $0xb8;
	[tilespmem:$0x17000] =	vst v63  }
0x61: {  	s0 =	simm.s32 $0x0;
	s31 =	rddreg [dreg:$0x5];
	s2 =	simm.s32 $0x0  }
0x62: {  	[tilespmem:s23], [sflag:$0x1] =	stream.indirect.gather [hbm4b:s4+s22], $0x80, s5, s22, $0xb8;
	[tilespmem:$0x17000] =	vst v63  }
.LBB2_10:
0x63: {  	_ =	swait.ge [sflag:s24], $0x5000  }
0x64: {  	[sflag:s24] =	ssyncset.done $0x0  }
0x65: {  	[sflag:s24] =	ssyncadd.s32 $0xFFFFB000  }
0x66: {  	_ =	swait.ge [sflag:s24], $0x2800  }
0x67: {  	[sflag:s24] =	ssyncset.done $0x0  }
0x68: {  	[sflag:s24] =	ssyncadd.s32 $0xFFFFD800  }
0x69: {  	[hbm4b:s31+s1] =	stream.linear.scatter [tilespmem:s25], [sflag:$0x4], $0x5000, $0x38;
	[tilespmem:$0x17000] =	vst v63  }
0x6a: {  	_ = 	snop  }
0x6b: {  	[hbm4b:s30+s1] =	stream.linear.scatter [tilespmem:s26], [sflag:$0x4], $0x2800, $0x38;
	[tilespmem:$0x17000] =	vst v63  }
.LBB2_11:
0x6c: {  	s0 =	sadd.s32 $0x200, s0  }
0x6d: {  	p0 =	sne.s32 s0, $0xFA00  }
.Ltmp3:
0x6e: {  	_ = 	snop;
	(pc) =	sbr.rel @!p0 .LBB2_12-.Ltmp3, $2  }
0x6f: {  	_ =	sdelay $0x2  }
0x70: {  	s2 =	sadd.s32 $0x1, s2;
	s31 =	sadd.s32 $0xA00, s31;
	s30 =	sadd.s32 $0x500, s30  }
.LBB2_2:
0x71: {  	s5 =	sand.u32 $0x1, s2  }
0x72: {  	p0 =	seq.s32 s5, $0x1  }
.Ltmp4:
0x73: {  	_ = 	snop;
	(pc) =	sbr.rel @p0 .LBB2_8-.Ltmp4, $1  }
0x74: {  	_ =	sdelay $0x3  }
0x75: {  	p0 =	seq.s32 s2, $0x0  }
.Ltmp5:
0x76: {  	_ = 	snop;
	(pc) =	sbr.rel @p0 .LBB2_6-.Ltmp5, $1  }
0x77: {  	_ =	sdelay $0x3  }
0x78: {  	p0 =	seq.s32 s2, $0x7C  }
.Ltmp6:
0x79: {  	_ = 	snop;
	(pc) =	sbr.rel @p0 .LBB2_7-.Ltmp6, $1  }
0x7a: {  	_ =	sdelay $0x3  }
0x7b: {  	_ =	swait.ge [sflag:s29], $0x5000  }
0x7c: {  	[sflag:s29] =	ssyncset.done $0x0  }
0x7d: {  	[sflag:s29] =	ssyncadd.s32 $0xFFFFB000  }
0x7e: {  	_ =	swait.ge [sflag:s29], $0x2800  }
0x7f: {  	[sflag:s29] =	ssyncset.done $0x0  }
0x80: {  	[sflag:s29] =	ssyncadd.s32 $0xFFFFD800  }
.LBB2_6:
0x81: {  	s6 =	sshra.s32 s0, $0x2  }
0x82: {  	v3 =	vld [tilespmem:s6+$0x80];
	_ =	sdelay $0x4  }
0x83: {  	v4 =	vshll.u32 v3, $0x1  }
0x84: {  	v3 =	vand.u32 $0x7, v3;
	v4 =	vand.u32 $0xFFFFFFF0, v4  }
0x85: {  	v3 =	vor.u32 v3, v4  }
0x86: {  	v4 =	vperm.xlane v3, v0;
	_ =	sdelay $0x1  }
0x87: {  	v3 =	vperm.xlane v3, v2;
	v4 =	vadd.s32 v1, v4;
	_ =	sdelay $0x1  }
0x88: {  	v3 =	vadd.s32 v1, v3;
	_ =	sdelay $0x2  }
0x89: {  	[tilespmem:s25], [sflag:$0x2] =	stream.indirect_vreg.gather [hbm4b:s3+s1], $0x80, v4, vm0, $0xb8;
	[tilespmem:$0x17000] =	vst v63  }
0x8a: {  	s11 =	simm.s32 $0xD800  }
0x8b: {  	[tilespmem:s11], [sflag:$0x2] =	stream.indirect_vreg.gather [hbm4b:s3+s1], $0x80, v3, vm0, $0xb8;
	[tilespmem:$0x17000] =	vst v63  }
0x8c: {  	v3 =	vld [tilespmem:s6+$0x90];
	_ =	sdelay $0x4  }
0x8d: {  	v60 =	vshll.u32 v3, $0x1  }
0x8e: {  	v3 =	vand.u32 $0x7, v3;
	v4 =	vand.u32 $0xFFFFFFF0, v60  }
0x8f: {  	v3 =	vor.u32 v3, v4  }
0x90: {  	v4 =	vperm.xlane v3, v0;
	_ =	sdelay $0x1  }
0x91: {  	v3 =	vperm.xlane v3, v2;
	v4 =	vadd.s32 v1, v4;
	_ =	sdelay $0x1  }
0x92: {  	v3 =	vadd.s32 v1, v3;
	_ =	sdelay $0x1  }
0x93: {  	s11 =	simm.s32 $0xE000  }
0x94: {  	[tilespmem:s11], [sflag:$0x2] =	stream.indirect_vreg.gather [hbm4b:s3+s1], $0x80, v4, vm0, $0xb8;
	[tilespmem:$0x17000] =	vst v63  }
0x95: {  	s11 =	simm.s32 $0xE800  }
0x96: {  	[tilespmem:s11], [sflag:$0x2] =	stream.indirect_vreg.gather [hbm4b:s3+s1], $0x80, v3, vm0, $0xb8;
	[tilespmem:$0x17000] =	vst v63  }
0x97: {  	v3 =	vld [tilespmem:s6+$0xA0];
	_ =	sdelay $0x4  }
0x98: {  	v61 =	vshll.u32 v3, $0x1  }
0x99: {  	v3 =	vand.u32 $0x7, v3;
	v4 =	vand.u32 $0xFFFFFFF0, v61  }
0x9a: {  	v3 =	vor.u32 v3, v4  }
0x9b: {  	v4 =	vperm.xlane v3, v0;
	_ =	sdelay $0x1  }
0x9c: {  	v3 =	vperm.xlane v3, v2;
	v4 =	vadd.s32 v1, v4;
	_ =	sdelay $0x1  }
0x9d: {  	v3 =	vadd.s32 v1, v3;
	_ =	sdelay $0x1  }
0x9e: {  	s11 =	simm.s32 $0xF000  }
0x9f: {  	[tilespmem:s11], [sflag:$0x2] =	stream.indirect_vreg.gather [hbm4b:s3+s1], $0x80, v4, vm0, $0xb8;
	[tilespmem:$0x17000] =	vst v63  }
0xa0: {  	s11 =	simm.s32 $0xF800  }
0xa1: {  	[tilespmem:s11], [sflag:$0x2] =	stream.indirect_vreg.gather [hbm4b:s3+s1], $0x80, v3, vm0, $0xb8;
	[tilespmem:$0x17000] =	vst v63  }
0xa2: {  	v3 =	vld [tilespmem:s6+$0xB0];
	_ =	sdelay $0x4  }
0xa3: {  	v62 =	vshll.u32 v3, $0x1  }
0xa4: {  	v3 =	vand.u32 $0x7, v3;
	v4 =	vand.u32 $0xFFFFFFF0, v62  }
0xa5: {  	v3 =	vor.u32 v3, v4  }
0xa6: {  	v4 =	vperm.xlane v3, v0;
	_ =	sdelay $0x1  }
0xa7: {  	v3 =	vperm.xlane v3, v2;
	v4 =	vadd.s32 v1, v4;
	_ =	sdelay $0x1  }
0xa8: {  	v3 =	vadd.s32 v1, v3;
	_ =	sdelay $0x1  }
0xa9: {  	s11 =	simm.s32 $0x10000  }
0xaa: {  	[tilespmem:s11], [sflag:$0x2] =	stream.indirect_vreg.gather [hbm4b:s3+s1], $0x80, v4, vm0, $0xb8;
	[tilespmem:$0x17000] =	vst v63  }
0xab: {  	s11 =	simm.s32 $0x10800  }
0xac: {  	[tilespmem:s11], [sflag:$0x2] =	stream.indirect_vreg.gather [hbm4b:s3+s1], $0x80, v3, vm0, $0xb8;
	[tilespmem:$0x17000] =	vst v63  }
0xad: {  	v3 =	vld [tilespmem:s6+$0xC0];
	_ =	sdelay $0x4  }
0xae: {  	v63 =	vshll.u32 v3, $0x1  }
0xaf: {  	v3 =	vand.u32 $0x7, v3;
	v4 =	vand.u32 $0xFFFFFFF0, v63  }
0xb0: {  	v3 =	vor.u32 v3, v4  }
0xb1: {  	v4 =	vperm.xlane v3, v0;
	_ =	sdelay $0x1  }
0xb2: {  	v3 =	vperm.xlane v3, v2;
	v4 =	vadd.s32 v1, v4;
	_ =	sdelay $0x1  }
0xb3: {  	v3 =	vadd.s32 v1, v3;
	_ =	sdelay $0x2  }
0xb4: {  	[tilespmem:s7], [sflag:$0x2] =	stream.indirect_vreg.gather [hbm4b:s3+s1], $0x80, v4, vm0, $0xb8;
	[tilespmem:$0x17000] =	vst v63  }
0xb5: {  	_ = 	snop  }
0xb6: {  	[tilespmem:s8], [sflag:$0x2] =	stream.indirect_vreg.gather [hbm4b:s3+s1], $0x80, v3, vm0, $0xb8;
	[tilespmem:$0x17000] =	vst v63  }
0xb7: {  	s6 =	sadd.s32 $0x4080, s6  }
0xb8: {  	[tilespmem:s26], [sflag:$0x2] =	stream.indirect.gather [hbm4b:s4+s22], $0x80, s6, s22, $0xb8;
	[tilespmem:$0x17000] =	vst v63  }
.LBB2_7:
0xb9: {  	_ =	swait.ge [sflag:s9], $0x5000  }
0xba: {  	[sflag:s9] =	ssyncset.done $0x0  }
0xbb: {  	[sflag:s9] =	ssyncadd.s32 $0xFFFFB000  }
0xbc: {  	p0 =	seq.s32 s5, $0x0;
	_ =	swait.ge [sflag:s9], $0x2800  }
.Ltmp7:
0xbd: {  	[sflag:s9] =	ssyncset.done $0x0;
	(pc) =	sbr.rel @p0 .LBB2_11-.Ltmp7, $4  }
0xbe: {  	[sflag:s9] =	ssyncadd.s32 $0xFFFFD800  }
0xbf: {  	[hbm4b:s31+s1] =	stream.linear.scatter [tilespmem:s12], [sflag:$0x3], $0x5000, $0x38;
	[tilespmem:$0x17000] =	vst v63  }
0xc0: {  	_ = 	snop  }
0xc1: {  	[hbm4b:s30+s1] =	stream.linear.scatter [tilespmem:s23], [sflag:$0x3], $0x2800, $0x38;
	[tilespmem:$0x17000] =	vst v63  }
.LBB2_8:
0xc2: {  	p0 =	seq.s32 s0, $0xF800  }
.Ltmp8:
0xc3: {  	_ = 	snop;
	(pc) =	sbr.rel @p0 .LBB2_10-.Ltmp8, $1  }
0xc4: {  	_ =	sdelay $0x3  }
0xc5: {  	_ =	swait.ge [sflag:s28], $0x5000  }
0xc6: {  	[sflag:s28] =	ssyncset.done $0x0  }
0xc7: {  	[sflag:s28] =	ssyncadd.s32 $0xFFFFB000  }
0xc8: {  	_ =	swait.ge [sflag:s28], $0x2800  }
0xc9: {  	[sflag:s28] =	ssyncset.done $0x0  }
0xca: {  	s5 =	sshra.s32 s0, $0x2;
	[sflag:s28] =	ssyncadd.s32 $0xFFFFD800  }
0xcb: {  	v3 =	vld [tilespmem:s5+$0x80];
	_ =	sdelay $0x4  }
0xcc: {  	v4 =	vshll.u32 v3, $0x1  }
0xcd: {  	v3 =	vand.u32 $0x7, v3;
	v4 =	vand.u32 $0xFFFFFFF0, v4  }
0xce: {  	v3 =	vor.u32 v3, v4  }
0xcf: {  	v4 =	vperm.xlane v3, v0;
	_ =	sdelay $0x1  }
0xd0: {  	v3 =	vperm.xlane v3, v2;
	v4 =	vadd.s32 v1, v4;
	_ =	sdelay $0x1  }
0xd1: {  	v3 =	vadd.s32 v1, v3;
	_ =	sdelay $0x2  }
0xd2: {  	[tilespmem:s12], [sflag:$0x1] =	stream.indirect_vreg.gather [hbm4b:s3+s1], $0x80, v4, vm0, $0xb8;
	[tilespmem:$0x17000] =	vst v63  }
0xd3: {  	_ = 	snop  }
0xd4: {  	[tilespmem:s13], [sflag:$0x1] =	stream.indirect_vreg.gather [hbm4b:s3+s1], $0x80, v3, vm0, $0xb8;
	[tilespmem:$0x17000] =	vst v63  }
0xd5: {  	v3 =	vld [tilespmem:s5+$0x90];
	_ =	sdelay $0x4  }
0xd6: {  	v60 =	vshll.u32 v3, $0x1  }
0xd7: {  	v3 =	vand.u32 $0x7, v3;
	v4 =	vand.u32 $0xFFFFFFF0, v60  }
0xd8: {  	v3 =	vor.u32 v3, v4  }
0xd9: {  	v4 =	vperm.xlane v3, v0;
	_ =	sdelay $0x1  }
0xda: {  	v3 =	vperm.xlane v3, v2;
	v4 =	vadd.s32 v1, v4;
	_ =	sdelay $0x1  }
0xdb: {  	v3 =	vadd.s32 v1, v3;
	_ =	sdelay $0x2  }
0xdc: {  	[tilespmem:s14], [sflag:$0x1] =	stream.indirect_vreg.gather [hbm4b:s3+s1], $0x80, v4, vm0, $0xb8;
	[tilespmem:$0x17000] =	vst v63  }
0xdd: {  	_ = 	snop  }
0xde: {  	[tilespmem:s15], [sflag:$0x1] =	stream.indirect_vreg.gather [hbm4b:s3+s1], $0x80, v3, vm0, $0xb8;
	[tilespmem:$0x17000] =	vst v63  }
0xdf: {  	v3 =	vld [tilespmem:s5+$0xA0];
	_ =	sdelay $0x4  }
0xe0: {  	v61 =	vshll.u32 v3, $0x1  }
0xe1: {  	v3 =	vand.u32 $0x7, v3;
	v4 =	vand.u32 $0xFFFFFFF0, v61  }
0xe2: {  	v3 =	vor.u32 v3, v4  }
0xe3: {  	v4 =	vperm.xlane v3, v0;
	_ =	sdelay $0x1  }
0xe4: {  	v3 =	vperm.xlane v3, v2;
	v4 =	vadd.s32 v1, v4;
	_ =	sdelay $0x1  }
0xe5: {  	v3 =	vadd.s32 v1, v3;
	_ =	sdelay $0x2  }
0xe6: {  	[tilespmem:s16], [sflag:$0x1] =	stream.indirect_vreg.gather [hbm4b:s3+s1], $0x80, v4, vm0, $0xb8;
	[tilespmem:$0x17000] =	vst v63  }
0xe7: {  	_ = 	snop  }
0xe8: {  	[tilespmem:s17], [sflag:$0x1] =	stream.indirect_vreg.gather [hbm4b:s3+s1], $0x80, v3, vm0, $0xb8;
	[tilespmem:$0x17000] =	vst v63  }
0xe9: {  	v3 =	vld [tilespmem:s5+$0xB0];
	_ =	sdelay $0x4  }
0xea: {  	v62 =	vshll.u32 v3, $0x1  }
0xeb: {  	v3 =	vand.u32 $0x7, v3;
	v4 =	vand.u32 $0xFFFFFFF0, v62  }
0xec: {  	v3 =	vor.u32 v3, v4  }
0xed: {  	v4 =	vperm.xlane v3, v0;
	_ =	sdelay $0x1  }
0xee: {  	v3 =	vperm.xlane v3, v2;
	v4 =	vadd.s32 v1, v4;
	_ =	sdelay $0x1  }
0xef: {  	v3 =	vadd.s32 v1, v3;
	_ =	sdelay $0x2  }
0xf0: {  	[tilespmem:s18], [sflag:$0x1] =	stream.indirect_vreg.gather [hbm4b:s3+s1], $0x80, v4, vm0, $0xb8;
	[tilespmem:$0x17000] =	vst v63  }
0xf1: {  	_ = 	snop  }
0xf2: {  	[tilespmem:s19], [sflag:$0x1] =	stream.indirect_vreg.gather [hbm4b:s3+s1], $0x80, v3, vm0, $0xb8;
	[tilespmem:$0x17000] =	vst v63  }
0xf3: {  	v3 =	vld [tilespmem:s5+$0xC0];
	_ =	sdelay $0x4  }
0xf4: {  	v63 =	vshll.u32 v3, $0x1  }
0xf5: {  	v3 =	vand.u32 $0x7, v3;
	v4 =	vand.u32 $0xFFFFFFF0, v63  }
0xf6: {  	v3 =	vor.u32 v3, v4  }
0xf7: {  	v4 =	vperm.xlane v3, v0;
	_ =	sdelay $0x1  }
0xf8: {  	v4 =	vadd.s32 v1, v4  }
0xf9: {  	v3 =	vperm.xlane v3, v2;
	_ =	sdelay $0x1  }
0xfa: {  	v3 =	vadd.s32 v1, v3;
	_ =	sdelay $0x1  }
0xfb: {  	[tilespmem:s20], [sflag:$0x1] =	stream.indirect_vreg.gather [hbm4b:s3+s1], $0x80, v4, vm0, $0xb8;
	[tilespmem:$0x17000] =	vst v63  }
.Ltmp9:
0xfc: {  	_ = 	snop;
	(pc) =	sbr.rel .LBB2_10-.Ltmp9, $4  }
0xfd: {  	_ = 	snop  }
0xfe: {  	[tilespmem:s21], [sflag:$0x1] =	stream.indirect_vreg.gather [hbm4b:s3+s1], $0x80, v3, vm0, $0xb8;
	[tilespmem:$0x17000] =	vst v63  }
0xff: {  	s5 =	sadd.s32 $0x4080, s5  }
0x100: {  	[tilespmem:s23], [sflag:$0x1] =	stream.indirect.gather [hbm4b:s4+s22], $0x80, s5, s22, $0xb8;
	[tilespmem:$0x17000] =	vst v63  }
.LBB2_13:
0x101: {  	_ =	sfence.sel $0x180000  }
0x102: {  	[bflag:$0x0] =	sbarrier.arrive $0xFFFF  }
0x103: {  	_ =	strace $0x90000056  }
0x104: {  	s0 =	stileid.u32;
	[bflag:$0x2] =	sbarrier.arrive $0xFFFF  }
0x105: {  	p0 =	sne.s32 s0, $0x0;
	s0 =	rddreg [dreg:$0x1]  }
0x106: {  	s0 =	sadd.s32 @!p0 $0x100000, s0  }
0x107: {  	[sflag:s0] =	ssyncadd.tile.s32 @!p0 $0x1;
	_ =	shalt  }
.Lfunc_end2:
_tile_overlayer_lowered:
.L_overlay_start_2:
0x108: {  	(tag) =	ssettag $0x2  }
0x109: {  	s0 =	rddreg [dreg:$0x0];
	s2 =	stileid.u32  }
0x10a: {  	s1 =	rddreg [dreg:$0x1];
	p0 =	sne.s32 s2, $0x0  }
0x10b: {  	s3 =	rddreg [dreg:$0x2];
	[bflag:$0x3] =	sbarrier.arrive $0xFFFF;
	s2 =	simm.s32 @!p0 $0x1C05  }
0x10c: {  	[timem:s3], [sflag:s2] =	dma.local @!p0 [hbm:s0], s1  }
0x10d: {  	s0 =	simm.s32 @!p0 $0x5  }
0x10e: {  	_ =	swait.ge @!p0 [sflag:s0], s1  }
0x10f: {  	s1 =	ssub.s32 @!p0 $0x0, s1;
	[sflag:s0] =	ssyncset.done @!p0 $0x0  }
0x110: {  	[sflag:s0] =	ssyncadd.s32 @!p0 s1  }
0x111: {  	[bflag:$0x3] =	sbarrier.arrive $0xFFFF  }
0x112: {  	_ =	shalt  }

// kernel: kernel.48.cloned.1.call-start
scs
__scs_entry_jumppad:
0x0: {  	(pc) =	sbr.rel $0x88, $3  }
0x1: {  	(tag) =	ssettag $0x0;
	lr =	simm.s32 $0x1  }
0x2: {  	[smem:$0x3F24] =	sst lr;
	_ =	strace $0xD0000000  }
0x3: {  	_ = 	snop  }
0x4: {  	_ = 	snop  }
0x5: {  	_ = 	snop  }
0x6: {  	_ = 	snop  }
0x7: {  	_ = 	snop  }
__scs_overlays_trampoline_lowered:
0x8: {  	[smem:$0x3F33] =	sst s0  }
0x9: {  	[smem:$0x3F34] =	sst s1  }
0xa: {  	[smem:$0x3F35] =	sst s2  }
0xb: {  	[smem:$0x3F36] =	sst s3  }
0xc: {  	[smem:$0x3F37] =	sst s4  }
0xd: {  	[smem:$0x3F38] =	sst s5  }
0xe: {  	[smem:$0x3F39] =	sst s6  }
0xf: {  	[smem:$0x3F3A] =	sst s7  }
0x10: {  	[smem:$0x3F3B] =	sst s8  }
0x11: {  	[smem:$0x3F3C] =	sst s9;
	s0 =	simm.s32 @!p0 $0x0  }
0x12: {  	s1 =	sld [smem:$0x3F22];
	s0 =	simm.s32 @p0 $0x1  }
0x13: {  	[smem:$0x3F3D] =	sst s0;
	s0 =	simm.s32 @!p1 $0x0  }
0x14: {  	s2 =	sld [smem:$0x3F21];
	s0 =	simm.s32 @p1 $0x1  }
0x15: {  	[smem:$0x3F3E] =	sst s0;
	s0 =	simm.s32 @!p2 $0x0  }
0x16: {  	s3 =	sld [smem:$0x3FDB];
	s0 =	simm.s32 @p2 $0x1  }
0x17: {  	s4 =	simm.s32 $0x1BF5;
	[smem:$0x3F40] =	sst s0  }
0x18: {  	s0 =	sld [smem:$0x3F23];
	_ =	swait.ge [sflag:s4], $0x0  }
0x19: {  	s7 =	sld [smem:$0x3F24]  }
0x1a: {  	s8 =	sadd.s32 $0xFFFFE003, lr  }
0x1b: {  	s9 =	sadd.s32 $0xFFFFFEF7, lr;
	s5 =	simm.s32 $0xFFFFFFFF;
	p2 =	slt.u32 s8, $0xFFFFF086  }
0x1c: {  	p1 =	slt.u32 s9, $0xF7A;
	s5 =	simm.s32 @!p2 $0x0  }
0x1d: {  	s5 =	simm.s32 @p1 $0x1;
	p0 =	seq.s32 s7, s2  }
0x1e: {  	s7 =	smul.u32 @!p0 $0xF7A, s2;
	p2 =	seq.s32 @!p0 s5, $0x0  }
0x1f: {  	s9 =	smul.u32 $0xF7A, s1;
	s8 =	simm.s32 @!p0 $0x1BF5;
	p2 =	por !p2, p0  }
0x20: {  	[sflag:s8] =	ssyncset.s32 @!p0 $0xFFFFF086;
	s6 =	sadd.s32 @!p0 s3, s7;
	s7 =	simm.s32 @!p0 $0x108  }
0x21: {  	s3 =	sadd.s32 s3, s9;
	s6 =	sadd.s32 @!p0 $0x88, s6;
	s7 =	simm.s32 @p2 $0x1082  }
0x22: {  	[simem:s7], [sflag:s8] =	dma.local @!p0 [hbm:s6], $0xF7A  }
0x23: {  	s9 =	sor.u32 $0xD0000000, s2;
	s6 =	simm.s32 $0x108;
	_ =	swait.ge @!p0 [sflag:s8], $0x0  }
0x24: {  	s3 =	sadd.s32 $0x88, s3;
	s6 =	simm.s32 @!p1 $0x1082;
	[sflag:s4] =	ssyncset.s32 $0xFFFFF086  }
0x25: {  	[simem:s6], [sflag:s4] =	dma.local [hbm:s3], $0xF7A  }
0x26: {  	[smem:$0x3F24] =	sst s1;
	(tag) =	ssettag s2;
	_ =	strace s9  }
0x27: {  	s1 =	sld [smem:$0x3F34]  }
0x28: {  	s2 =	sld [smem:$0x3F35]  }
0x29: {  	s4 =	sld [smem:$0x3F37]  }
0x2a: {  	p0 =	seq.s32 s5, $0x0;
	s5 =	sld [smem:$0x3F38]  }
0x2b: {  	s6 =	sld [smem:$0x3F39]  }
0x2c: {  	s7 =	sld [smem:$0x3F3A]  }
0x2d: {  	s3 =	simm.s32 $0x108;
	s8 =	sld [smem:$0x3F3B]  }
0x2e: {  	s3 =	simm.s32 @!p0 $0x1082;
	s9 =	sld [smem:$0x3F3C]  }
0x2f: {  	lr =	sadd.s32 s0, s3;
	s0 =	sld [smem:$0x3F33]  }
0x30: {  	s3 =	sld [smem:$0x3F36]  }
0x31: {  	[smem:$0x3F3F] =	sst s10  }
0x32: {  	s10 =	sld [smem:$0x3F3D];
	_ =	sdelay $0x3  }
0x33: {  	p0 =	seq.s32 s10, $0x1;
	s10 =	sld [smem:$0x3F3F];
	_ =	sdelay $0x3  }
0x34: {  	[smem:$0x3F3F] =	sst s10  }
0x35: {  	s10 =	sld [smem:$0x3F3E];
	_ =	sdelay $0x3  }
0x36: {  	p1 =	seq.s32 s10, $0x1;
	s10 =	sld [smem:$0x3F3F];
	_ =	sdelay $0x3  }
0x37: {  	[smem:$0x3F3F] =	sst s10  }
0x38: {  	s10 =	sld [smem:$0x3F40]  }
0x39: {  	_ = 	snop;
	(pc) =	sbr.ind lr, $3  }
0x3a: {  	_ = 	snop  }
0x3b: {  	_ = 	snop  }
0x3c: {  	p2 =	seq.s32 s10, $0x1;
	s10 =	sld [smem:$0x3F3F]  }
0x3d: {  	_ =	shalt  }
0x3e: {  	_ =	shalt  }
0x3f: {  	_ =	shalt  }
0x40: {  	_ =	shalt  }
0x41: {  	_ =	shalt  }
0x42: {  	_ =	shalt  }
0x43: {  	_ =	shalt  }
0x44: {  	_ =	shalt  }
0x45: {  	_ =	shalt  }
0x46: {  	_ =	shalt  }
0x47: {  	_ =	shalt  }
0x48: {  	_ =	shalt  }
0x49: {  	_ =	shalt  }
0x4a: {  	_ =	shalt  }
0x4b: {  	_ =	shalt  }
0x4c: {  	_ =	shalt  }
0x4d: {  	_ =	shalt  }
0x4e: {  	_ =	shalt  }
0x4f: {  	_ =	shalt  }
0x50: {  	_ =	shalt  }
0x51: {  	_ =	shalt  }
0x52: {  	_ =	shalt  }
0x53: {  	_ =	shalt  }
0x54: {  	_ =	shalt  }
0x55: {  	_ =	shalt  }
0x56: {  	_ =	shalt  }
0x57: {  	_ =	shalt  }
0x58: {  	_ =	shalt  }
0x59: {  	_ =	shalt  }
0x5a: {  	_ =	shalt  }
0x5b: {  	_ =	shalt  }
0x5c: {  	_ =	shalt  }
0x5d: {  	_ =	shalt  }
0x5e: {  	_ =	shalt  }
0x5f: {  	_ =	shalt  }
0x60: {  	_ =	shalt  }
0x61: {  	_ =	shalt  }
0x62: {  	_ =	shalt  }
0x63: {  	_ =	shalt  }
0x64: {  	_ =	shalt  }
0x65: {  	_ =	shalt  }
0x66: {  	_ =	shalt  }
0x67: {  	_ =	shalt  }
0x68: {  	_ =	shalt  }
0x69: {  	_ =	shalt  }
0x6a: {  	_ =	shalt  }
0x6b: {  	_ =	shalt  }
0x6c: {  	_ =	shalt  }
0x6d: {  	_ =	shalt  }
0x6e: {  	_ =	shalt  }
0x6f: {  	_ =	shalt  }
0x70: {  	_ =	shalt  }
0x71: {  	_ =	shalt  }
0x72: {  	_ =	shalt  }
0x73: {  	_ =	shalt  }
0x74: {  	_ =	shalt  }
0x75: {  	_ =	shalt  }
0x76: {  	_ =	shalt  }
0x77: {  	_ =	shalt  }
0x78: {  	_ =	shalt  }
0x79: {  	_ =	shalt  }
0x7a: {  	_ =	shalt  }
0x7b: {  	_ =	shalt  }
0x7c: {  	_ =	shalt  }
0x7d: {  	_ =	shalt  }
0x7e: {  	_ =	shalt  }
0x7f: {  	_ =	shalt  }
0x80: {  	_ =	shalt  }
0x81: {  	_ =	shalt  }
0x82: {  	_ =	shalt  }
0x83: {  	_ =	shalt  }
0x84: {  	_ =	shalt  }
0x85: {  	_ =	shalt  }
0x86: {  	_ =	shalt  }
0x87: {  	_ =	shalt  }
.Lfunc_end0:
.L_simem_size_0:
called_computation.6_lowered:
.L_overlay_start_0:
0x88: {  	s2 =	sld [smem:$0x3FD9]  }
0x89: {  	s3 =	sld [smem:$0x3FFE];
	_ =	sdelay $0x1  }
0x8a: {  	s1 =	srdreg.scid  }
0x8b: {  	s0 =	sand.u32 $0x1, s1  }
0x8c: {  	s16 =	sshll.u32 s0, $0xA;
	s2 =	sadd.s32 s3, s2  }
0x8d: {  	s2 =	sadd.s32 s2, s16  }
0x8e: {  	[smem:$0x3F4B] =	sst s2  }
0x8f: {  	_ = 	snop  }
0x90: {  	(tm) =	ssettm $0x1  }
0x91: {  	s17 =	sld [smem:$0x3FFB];
	_ =	sdelay $0x3  }
0x92: {  	_ =	strace s17  }
0x93: {  	s2 =	sld [smem:$0x3FFC];
	_ =	sdelay $0x3  }
0x94: {  	_ =	strace s2  }
0x95: {  	s2 =	sld [smem:$0x3FFD];
	_ =	sdelay $0x3  }
0x96: {  	_ =	strace s2  }
0x97: {  	_ =	strace $0x8FFFFFFF  }
0x98: {  	s18 =	sld [smem:$0x3FDB];
	_ =	sdelay $0x1  }
0x99: {  	s19 =	simm.s32 $_scs_section_size  }
0x9a: {  	s4 =	simm.s32 $_size__tile_overlayer_lowered;
	s5 =	simm.s32 $_tile_overlayer_lowered  }
0x9b: {  	s22 =	simm.s32 $0x1BFF;
	s21 =	sshll.u32 s5, $0x1;
	s2 =	sadd.s32 s19, s18  }
0x9c: {  	s6 =	simm.s32 $0x0;
	s20 =	sshll.u32 s4, $0x1;
	s4 =	sadd.s32 s21, s2  }
0x9d: {  	[timem:s6], [sflag:s22] =	dma.local [hbm:s4], s20  }
0x9e: {  	_ =	swait.ge [sflag:s22], s20  }
0x9f: {  	s3 =	ssub.s32 $0x0, s20;
	[sflag:s22] =	ssyncset.done $0x0  }
0xa0: {  	[sflag:s22] =	ssyncadd.s32 s3;
	_ =	sdelay $0x1  }
0xa1: {  	s23 =	simm.s32 $0x1B8B  }
0xa2: {  	_ =	swait.ge [sflag:s23], $0x1  }
0xa3: {  	[sflag:s23] =	ssyncset.done $0x0  }
0xa4: {  	s25 =	simm.s32 $0x1B8E;
	s24 =	sld [smem:$0x3FFE];
	[sflag:s23] =	ssyncadd.s32 $0xFFFFFFFF  }
0xa5: {  	s26 =	simm.s32 $execute0_lowered;
	[smem:$0x3FD2] =	sst s25  }
0xa6: {  	s4 =	sshll.u32 s26, $0x1;
	_ =	strace $0x80000058;
	[dreg:$0x1] =	wrdreg $0xFFFFFFFF  }
0xa7: {  	s28 =	simm.s32 $_size_execute0_lowered;
	s2 =	sadd.s32 s2, s4;
	[dreg:$0x0] =	wrdreg $0x0  }
0xa8: {  	s4 =	sshll.u32 s28, $0x1;
	[dreg:$0x2] =	wrdreg s2  }
0xa9: {  	[dreg:$0x3] =	wrdreg s4  }
0xaa: {  	[dreg:$0x4] =	wrdreg $0xC0  }
0xab: {  	_ =	task [dreg:s6], $0x5FFFF  }
0xac: {  	[dreg:$0x1] =	wrdreg $0xFFFFFFFF  }
0xad: {  	[dreg:$0x0] =	wrdreg $0x60  }
0xae: {  	[dreg:$0x2] =	wrdreg s24  }
0xaf: {  	[dreg:$0x3] =	wrdreg $0x90000  }
0xb0: {  	[dreg:$0x4] =	wrdreg $0x9  }
0xb1: {  	_ =	task.clear_ibuf [dreg:s6], $0x5FFFF;
	_ =	strace $0x90000058  }
0xb2: {  	s29 =	simm.s32 $0x9;
	_ =	strace $0x8000005A  }
0xb3: {  	_ =	swait.ge [sflag:s29], $0x1  }
0xb4: {  	[sflag:s29] =	ssyncadd.s32 $0xFFFFFFFF  }
0xb5: {  	_ =	strace $0x9000005A  }
0xb6: {  	_ =	sfence  }
0xb7: {  	s30 =	sld [smem:$0x0];
	_ =	sdelay $0x2  }
0xb8: {  	s31 =	sshll.u32 s1, $0xD;
	s1 =	sshrl.u32 s1, $0x2  }
0xb9: {  	s3 =	sand.u32 $0x4000, s31;
	s1 =	sadd.s32 s1, s30  }
0xba: {  	s0 =	sor.u32 s3, s0;
	s1 =	sshll.u32 s1, $0x11  }
0xbb: {  	s0 =	sor.u32 s1, s0  }
0xbc: {  	s0 =	sadd.s32 $0x8F2B, s0  }
0xbd: {  	[sflag:s0] =	ssyncadd.remote.s32 $0x1  }
0xbe: {  	_ =	sfence.sel $0xFFFF  }
0xbf: {  	[dreg:$0x0] =	wrdreg $0xFFFFFFFF;
	(pc) =	sbr.abs _section_cstart, $3  }
0xc0: {  	[dreg:$0x1] =	wrdreg $0xFFFFFFFF  }
0xc1: {  	_ =	task.clear_ibuf [dreg:s6], $0x2FFFF;
	_ =	strace $0x9FFFFFFF  }
0xc2: {  	(tm) =	ssettm $0x7FFFFFFF  }
0xc3: {  	_ =	shalt  }
tec
execute0_lowered:
.L_overlay_start_1:
0x0: {  	(tag) =	ssettag $0x1  }
0x1: {  	s4 =	rddreg [dreg:$0x0]  }
0x2: {  	s1 =	rddreg [dreg:$0x1]  }
0x3: {  	s0 =	rddreg [dreg:$0x2];
	s2 =	simm.s32 $0x0;
	s3 =	srdreg.scid  }
0x4: {  	s8 =	stileid.u32;
	s14 =	simm.s32 $0x3E00;
	s15 =	simm.s32 $0x4  }
0x5: {  	s16 =	simm.s32 $0x0;
	[smem:$0x7FF] =	sst s2;
	s3 =	sand.u32 $0x1, s3  }
0x6: {  	s5 =	sshll.u32 s8, $0x1;
	s7 =	sadd.s32 $0x60600, s4;
	s12 =	smul.u32 $0x4E200, s8  }
0x7: {  	p0 =	sne.s32 s8, $0x0;
	_ =	strace $0x80000059;
	s5 =	sor.u32 s3, s5  }
0x8: {  	s9 =	smul.u32 $0x27100, s3;
	s10 =	ssub.s32 $0x2, s3;
	s3 =	sadd.s32 $0xF7BA00, s4  }
0x9: {  	s6 =	sshll.u32 s5, $0xB;
	s5 =	smul.u32 $0x27100, s5;
	s11 =	sshrl.u32 s10, $0x1  }
0xa: {  	s31 =	sadd.s32 s12, s7;
	s12 =	simm.s32 $0x1;
	s6 =	sadd.s32 s6, s4  }
0xb: {  	s13 =	sadd.s32 s9, s4;
	s10 =	ssub.s32 s10, s11;
	s9 =	sadd.s32 s9, s31  }
0xc: {  	s11 =	simm.s32 $0x4000;
	s4 =	sadd.s32 $0x19400, s6;
	s5 =	sadd.s32 s7, s5  }
0xd: {  	s6 =	sadd.s32 $0x542600, s13;
	s7 =	smax.u32 s10, $0x1;
	s8 =	sadd.s32 $0x500, s9  }
0xe: {  	s9 =	sshrl.u32 @!p0 s1, $0x3;
	s10 =	simm.s32 $0x3;
	s13 =	simm.s32 $0x50  }
.LBB2_1:
0xf: {  	s17 =	simm.s32 @!p0 $0x1C03  }
0x10: {  	[spmem:s9], [sflag:s17] =	dma.local @!p0 [hbm:s3], $0x27100  }
0x11: {  	s17 =	simm.s32 @!p0 $0x3  }
0x12: {  	_ =	swait.ge @!p0 [sflag:s17], $0x27100  }
0x13: {  	[sflag:s17] =	ssyncset.done @!p0 $0x0  }
0x14: {  	[sflag:s17] =	ssyncadd.s32 @!p0 $0xFFFD8F00  }
0x15: {  	[bflag:$0x0] =	sbarrier.arrive $0xFFFF  }
0x16: {  	[tilespmem:s2], [sflag:$0x3] =	stream.linear.gather [hbm4b:s4+s2], $0x3E80, $0x38;
	[tilespmem:$0x1C880] =	vst v63  }
0x17: {  	_ =	swait.ge [sflag:s10], $0x3E80  }
0x18: {  	s30 =	sand.u32 $0x1, s2;
	[sflag:s10] =	ssyncset.done $0x0  }
0x19: {  	p1 =	seq.s32 s30, $0x1;
	[sflag:s10] =	ssyncadd.s32 $0xFFFFC180  }
0x1a: {  	[tilespmem:s11], [sflag:$0x1] =	stream.linear.gather [hbm4b:s5+s2], $0x2800, $0x38;
	[tilespmem:$0x1C880] =	vst v63  }
0x1b: {  	s18 =	simm.s32 @p1 $0x4000;
	s19 =	simm.s32 @p1 $0x2;
	s17 =	simm.s32 @p1 $0x0  }
0x1c: {  	[tilespmem:s18], [sflag:$0x1] =	stream.linear.gather @p1 [hbm4b:s8+s17], $0x2800, $0x38;
	[tilespmem:$0x1C880] =	vst v63  }
0x1d: {  	_ =	swait.ge @p1 [sflag:s19], $0x2800  }
0x1e: {  	[sflag:s19] =	ssyncset.done @p1 $0x0  }
0x1f: {  	s17 =	simm.s32 @p1 $0x50;
	s18 =	simm.s32 @p1 $0x6800;
	[sflag:s19] =	ssyncadd.s32 @p1 $0xFFFFD800  }
0x20: {  	[spmem:s1] =	stream.indirect.scatter.add.f32 @p1 [tilespmem:s18], [sflag:$0x3], $0x80, s2, s17, $0xb8;
	[tilespmem:$0x1C880] =	vst v63  }
0x21: {  	s21 =	simm.s32 @!p1 $0x1;
	s17 =	simm.s32 @!p1 $0x0;
	s18 =	simm.s32 @!p1 $0x6800  }
0x22: {  	[tilespmem:s18], [sflag:$0x2] =	stream.linear.gather @!p1 [hbm4b:s8+s17], $0x2800, $0x38;
	[tilespmem:$0x1C880] =	vst v63  }
0x23: {  	s20 =	simm.s32 @!p1 $0x4;
	_ =	swait.ge @!p1 [sflag:s21], $0x2800  }
0x24: {  	s31 =	simm.s32 $0x1;
	s20 =	simm.s32 @p1 $0x3;
	[sflag:s21] =	ssyncset.done @!p1 $0x0  }
0x25: {  	s18 =	simm.s32 @!p1 $0x4000;
	[sflag:s21] =	ssyncadd.s32 @!p1 $0xFFFFD800;
	s21 =	simm.s32 @!p1 $0x50  }
0x26: {  	[spmem:s1] =	stream.indirect.scatter.add.f32 @!p1 [tilespmem:s18], [sflag:$0x4], $0x80, s2, s21, $0xb8;
	[tilespmem:$0x1C880] =	vst v63  }
0x27: {  	s19 =	simm.s32 $0x2;
	s17 =	sand.u32 $0x1, s31;
	s18 =	sadd.s32 $0x500, s8  }
0x28: {  	p1 =	seq.s32 s17, $0x1;
	s17 =	simm.s32 $0x80;
	_ =	swait.ge [sflag:s20], $0x2800  }
.LBB2_2:
0x29: {  	s21 =	simm.s32 @p1 $0x0;
	s22 =	simm.s32 @p1 $0x4000  }
0x2a: {  	[sflag:s20] =	ssyncset.done $0x0;
	s23 =	smov.u32 s19;
	s24 =	smov.u32 s18  }
0x2b: {  	s19 =	sadd.s32 $0x1, s19;
	s25 =	simm.s32 @p1 $0x2;
	[sflag:s20] =	ssyncadd.s32 $0xFFFFD800  }
0x2c: {  	[tilespmem:s22], [sflag:$0x1] =	stream.linear.gather @p1 [hbm4b:s18+s21], $0x2800, $0x38;
	[tilespmem:$0x1C880] =	vst v63  }
0x2d: {  	p2 =	sne.s32 s19, $0x7C;
	_ =	swait.ge @p1 [sflag:s25], $0x2800  }
0x2e: {  	s18 =	sadd.s32 $0x500, s18;
	[sflag:s25] =	ssyncset.done @p1 $0x0  }
0x2f: {  	s20 =	simm.s32 @p1 $0x50;
	s21 =	simm.s32 @p1 $0x6800;
	[sflag:s25] =	ssyncadd.s32 @p1 $0xFFFFD800  }
0x30: {  	[spmem:s1] =	stream.indirect.scatter.add.f32 @p1 [tilespmem:s21], [sflag:$0x3], $0x80, s17, s20, $0xb8;
	[tilespmem:$0x1C880] =	vst v63  }
0x31: {  	s22 =	simm.s32 @!p1 $0x1;
	s20 =	simm.s32 @!p1 $0x0;
	s21 =	simm.s32 @!p1 $0x6800  }
0x32: {  	[tilespmem:s21], [sflag:$0x2] =	stream.linear.gather @!p1 [hbm4b:s24+s20], $0x2800, $0x38;
	[tilespmem:$0x1C880] =	vst v63  }
.Ltmp0:
0x33: {  	s21 =	sand.u32 $0x1, s23;
	_ =	swait.ge @!p1 [sflag:s22], $0x2800;
	(pc) =	sbr.rel @p2 .LBB2_2-.Ltmp0, $4  }
0x34: {  	s23 =	simm.s32 @!p1 $0x4000;
	s20 =	simm.s32 @!p1 $0x4;
	[sflag:s22] =	ssyncset.done @!p1 $0x0  }
0x35: {  	s20 =	simm.s32 @p1 $0x3;
	[sflag:s22] =	ssyncadd.s32 @!p1 $0xFFFFD800;
	s22 =	simm.s32 @!p1 $0x50  }
0x36: {  	[spmem:s1] =	stream.indirect.scatter.add.f32 @!p1 [tilespmem:s23], [sflag:$0x4], $0x80, s17, s22, $0xb8;
	[tilespmem:$0x1C880] =	vst v63  }
0x37: {  	p1 =	seq.s32 s21, $0x1;
	s17 =	sadd.s32 $0x80, s17;
	_ =	swait.ge [sflag:s20], $0x2800  }
0x38: {  	s19 =	simm.s32 @p1 $0x0;
	[sflag:s20] =	ssyncset.done $0x0  }
0x39: {  	s21 =	simm.s32 @p1 $0x4000;
	s22 =	simm.s32 @p1 $0x2;
	[sflag:s20] =	ssyncadd.s32 $0xFFFFD800  }
0x3a: {  	[tilespmem:s21], [sflag:$0x1] =	stream.linear.gather @p1 [hbm4b:s18+s19], $0x2800, $0x38;
	[tilespmem:$0x1C880] =	vst v63  }
0x3b: {  	_ =	swait.ge @p1 [sflag:s22], $0x2800  }
0x3c: {  	[sflag:s22] =	ssyncset.done @p1 $0x0  }
0x3d: {  	s20 =	simm.s32 @p1 $0x6800;
	s19 =	simm.s32 @p1 $0x50;
	[sflag:s22] =	ssyncadd.s32 @p1 $0xFFFFD800  }
0x3e: {  	[spmem:s1] =	stream.indirect.scatter.add.f32 @p1 [tilespmem:s20], [sflag:$0x3], $0x80, s17, s19, $0xb8;
	[tilespmem:$0x1C880] =	vst v63  }
0x3f: {  	s21 =	simm.s32 @!p1 $0x1;
	s19 =	simm.s32 @!p1 $0x0;
	s20 =	simm.s32 @!p1 $0x6800  }
0x40: {  	[tilespmem:s20], [sflag:$0x2] =	stream.linear.gather @!p1 [hbm4b:s18+s19], $0x2800, $0x38;
	[tilespmem:$0x1C880] =	vst v63  }
0x41: {  	_ =	swait.ge @!p1 [sflag:s21], $0x2800  }
0x42: {  	s18 =	simm.s32 @!p1 $0x4000;
	s19 =	simm.s32 @!p1 $0x4;
	[sflag:s21] =	ssyncset.done @!p1 $0x0  }
0x43: {  	s20 =	simm.s32 @!p1 $0x50;
	s19 =	simm.s32 @p1 $0x3;
	[sflag:s21] =	ssyncadd.s32 @!p1 $0xFFFFD800  }
0x44: {  	[spmem:s1] =	stream.indirect.scatter.add.f32 @!p1 [tilespmem:s18], [sflag:$0x4], $0x80, s17, s20, $0xb8;
	[tilespmem:$0x1C880] =	vst v63  }
0x45: {  	_ =	swait.ge [sflag:s19], $0x2800  }
0x46: {  	[sflag:s19] =	ssyncset.done $0x0  }
0x47: {  	[sflag:s19] =	ssyncadd.s32 $0xFFFFD800  }
0x48: {  	_ =	swait.ge [sflag:s12], $0x2800  }
0x49: {  	[sflag:s12] =	ssyncset.done $0x0  }
0x4a: {  	[sflag:s12] =	ssyncadd.s32 $0xFFFFD800  }
0x4b: {  	[spmem:s1] =	stream.indirect.scatter.add.f32 [tilespmem:s11], [sflag:$0x4], $0x80, s14, s13, $0xb8;
	[tilespmem:$0x1C880] =	vst v63  }
0x4c: {  	_ =	swait.ge [sflag:s15], $0x2800  }
0x4d: {  	[sflag:s15] =	ssyncset.done $0x0  }
0x4e: {  	s16 =	sadd.s32 $0x1, s16;
	[sflag:s15] =	ssyncadd.s32 $0xFFFFD800  }
0x4f: {  	s17 =	simm.s32 @!p0 $0x1C03;
	p1 =	sne.s32 s16, s7;
	[bflag:$0x0] =	sbarrier.arrive $0xFFFF  }
0x50: {  	[hbm:s6], [sflag:s17] =	dma.local @!p0 [spmem:s9], $0x27100  }
.Ltmp1:
0x51: {  	_ = 	snop;
	(pc) =	sbr.rel @p1 .LBB2_1-.Ltmp1, $4  }
0x52: {  	s17 =	simm.s32 @!p0 $0x3  }
0x53: {  	_ =	swait.ge @!p0 [sflag:s17], $0x27100  }
0x54: {  	[sflag:s17] =	ssyncset.done @!p0 $0x0  }
0x55: {  	[sflag:s17] =	ssyncadd.s32 @!p0 $0xFFFD8F00  }
0x56: {  	_ =	sfence.sel $0x180000  }
0x57: {  	[bflag:$0x0] =	sbarrier.arrive $0xFFFF  }
0x58: {  	_ =	strace $0x90000059  }
0x59: {  	s0 =	sadd.s32 @!p0 $0x100000, s0;
	[bflag:$0x2] =	sbarrier.arrive $0xFFFF  }
0x5a: {  	[sflag:s0] =	ssyncadd.tile.s32 @!p0 $0x1;
	_ =	shalt  }
.Lfunc_end2:
_tile_overlayer_lowered:
.L_overlay_start_2:
0x5b: {  	(tag) =	ssettag $0x2  }
0x5c: {  	s0 =	rddreg [dreg:$0x0];
	s2 =	stileid.u32  }
0x5d: {  	s1 =	rddreg [dreg:$0x1];
	p0 =	sne.s32 s2, $0x0  }
0x5e: {  	s3 =	rddreg [dreg:$0x2];
	[bflag:$0x3] =	sbarrier.arrive $0xFFFF;
	s2 =	simm.s32 @!p0 $0x1C03  }
0x5f: {  	[timem:s3], [sflag:s2] =	dma.local @!p0 [hbm:s0], s1  }
0x60: {  	s0 =	simm.s32 @!p0 $0x3  }
0x61: {  	_ =	swait.ge @!p0 [sflag:s0], s1  }
0x62: {  	s1 =	ssub.s32 @!p0 $0x0, s1;
	[sflag:s0] =	ssyncset.done @!p0 $0x0  }
0x63: {  	[sflag:s0] =	ssyncadd.s32 @!p0 s1  }
0x64: {  	[bflag:$0x3] =	sbarrier.arrive $0xFFFF  }
0x65: {  	_ =	shalt  }

</sc_bundles>
